<compile_context>
chip_gen: v7x
topology: tpu7x:2x2x1
jax: 0.10.2.dev20260603
libtpu: 0.0.44.dev20260713+nightly
codegen_flags: <defaults>
</compile_context>

<pallas_src>
import jax
import jax.numpy as jnp
from jax import lax
from jax.experimental import pallas as pl
from jax.experimental.pallas import tpu as pltpu
from jax.experimental.pallas import tpu_sc as plsc

B = 16384
H = 128
C_POS = 20
C_NEG = 200
C_TOT = C_POS + C_NEG
C_PAD = 224
HALF = C_PAD // 2

NW = 32
SPW = B // NW
BLK = 64
NBLK = SPW // BLK
NCHUNK = H // 16


def _sc_dots(labels2, input_labels, in_embedding, out_embedding):
    mesh = plsc.VectorSubcoreMesh(core_axis_name="c", subcore_axis_name="s")

    def body(labels_hbm, inlab_hbm, in_emb_hbm, out_emb_hbm, dots_hbm,
             lab_v, inlab_v, u_v, rows0_v, rows1_v, dots_v,
             sem_u, sem0, sem1):
        wid = lax.axis_index("s") * 2 + lax.axis_index("c")
        base = wid * SPW
        lane = lax.iota(jnp.int32, 16)

        def start_gather(s_local, buf, sem):
            pltpu.async_copy(
                out_emb_hbm.at[lab_v.at[2 * s_local]],
                buf.at[pl.ds(0, HALF)], sem)
            pltpu.async_copy(
                out_emb_hbm.at[lab_v.at[2 * s_local + 1]],
                buf.at[pl.ds(HALF, HALF)], sem)

        def wait_gather(buf, sem):
            pltpu.make_async_copy(
                out_emb_hbm.at[lab_v.at[0]], buf.at[pl.ds(0, HALF)], sem
            ).wait()
            pltpu.make_async_copy(
                out_emb_hbm.at[lab_v.at[0]], buf.at[pl.ds(HALF, HALF)], sem
            ).wait()

        def compute(s_local, buf):
            ucs = [u_v[s_local, pl.ds(16 * c, 16)] for c in range(NCHUNK)]

            @plsc.parallel_loop(0, C_PAD // 16)
            def row_group(rg):
                dvec = jnp.zeros((16,), jnp.float32)
                for r16 in range(16):
                    r = rg * 16 + r16
                    ps = [buf[r, pl.ds(16 * c, 16)] * ucs[c]
                          for c in range(NCHUNK)]
                    while len(ps) > 1:
                        ps = [ps[i] + ps[i + 1] for i in range(0, len(ps), 2)]
                    dvec = jnp.where(lane == r16, jnp.sum(ps[0]), dvec)
                dots_v[s_local, pl.ds(rg * 16, 16)] = dvec

        def block(blk, carry):
            b0 = base + blk * BLK
            pltpu.sync_copy(labels_hbm.at[pl.ds(2 * b0, 2 * BLK)], lab_v)
            pltpu.sync_copy(inlab_hbm.at[pl.ds(b0, BLK)], inlab_v)
            pltpu.async_copy(in_emb_hbm.at[inlab_v], u_v, sem_u).wait()

            start_gather(0, rows0_v, sem0)

            def pair(s2, inner):
                s = 2 * s2
                start_gather(s + 1, rows1_v, sem1)
                wait_gather(rows0_v, sem0)
                compute(s, rows0_v)

                @pl.when(s2 + 1 < BLK // 2)
                def _prefetch():
                    start_gather(s + 2, rows0_v, sem0)

                wait_gather(rows1_v, sem1)
                compute(s + 1, rows1_v)
                return inner

            lax.fori_loop(0, BLK // 2, pair, 0)
            pltpu.sync_copy(dots_v, dots_hbm.at[pl.ds(b0, BLK)])
            return carry

        lax.fori_loop(0, NBLK, block, 0)

    run = pl.kernel(
        body,
        out_type=jax.ShapeDtypeStruct((B, C_PAD), jnp.float32),
        mesh=mesh,
        compiler_params=pltpu.CompilerParams(needs_layout_passes=False),
        scratch_types=[
            pltpu.VMEM((2 * BLK, HALF), jnp.int32),
            pltpu.VMEM((BLK,), jnp.int32),
            pltpu.VMEM((BLK, H), jnp.float32),
            pltpu.VMEM((C_PAD, H), jnp.float32),
            pltpu.VMEM((C_PAD, H), jnp.float32),
            pltpu.VMEM((BLK, C_PAD), jnp.float32),
            pltpu.SemaphoreType.DMA,
            pltpu.SemaphoreType.DMA,
            pltpu.SemaphoreType.DMA,
        ],
    )
    return run(labels2, input_labels, in_embedding, out_embedding)


def _tc_loss(dots):
    ROWS = 1024

    def body(d_ref, o_ref):
        x = d_ref[...]
        col = lax.broadcasted_iota(jnp.int32, x.shape, 1)
        y = jnp.where(col < C_POS, x, -x)
        ls = jnp.minimum(y, 0.0) - jnp.log1p(jnp.exp(-jnp.abs(y)))
        ls = jnp.where(col < C_TOT, ls, 0.0)
        o_ref[...] = -jnp.sum(ls, axis=1)

    return pl.pallas_call(
        body,
        grid=(B // ROWS,),
        in_specs=[pl.BlockSpec((ROWS, C_PAD), lambda i: (i, 0))],
        out_specs=pl.BlockSpec((ROWS,), lambda i: (i,)),
        out_shape=jax.ShapeDtypeStruct((B,), jnp.float32),
    )(dots)


@jax.jit
def kernel(input_labels, pos_labels, neg_labels, in_embedding, out_embedding):
    labels = jnp.concatenate(
        [pos_labels.astype(jnp.int32),
         neg_labels.astype(jnp.int32),
         jnp.zeros((B, C_PAD - C_TOT), jnp.int32)], axis=1)
    labels2 = labels.reshape(2 * B, HALF)
    dots = _sc_dots(labels2, input_labels.astype(jnp.int32),
                    in_embedding, out_embedding)
    return _tc_loss(dots)

# --- scband reference (transcript-rebuilt; emitter-appended) ---
"""Pipeline reference for scband-word2-vec-42580305772887 (READ-ONLY COPY).

The authoritative reference and input builder live on the scoring server;
editing this copy changes nothing except your own understanding.
"""

import jax, jax.numpy as jnp
import numpy as np

VOCAB = 100000
HIDDEN = 128
B = 16384
C_POS = 20
C_NEG = 200


def setup_inputs(seed: int = 0) -> dict:
    key = jax.random.key(seed)
    k1, k2, k3, k4, k5 = jax.random.split(key, 5)
    input_labels = jax.random.randint(k1, (B,), 0, VOCAB, dtype=jnp.int64 if jax.config.jax_enable_x64 else jnp.int32)
    pos_labels = jax.random.randint(k2, (B, C_POS), 0, VOCAB, dtype=jnp.int64 if jax.config.jax_enable_x64 else jnp.int32)
    neg_labels = jax.random.randint(k3, (B, C_NEG), 0, VOCAB, dtype=jnp.int64 if jax.config.jax_enable_x64 else jnp.int32)
    in_embedding = jax.random.normal(k4, (VOCAB, HIDDEN), dtype=jnp.float32)
    out_embedding = jax.random.normal(k5, (VOCAB, HIDDEN), dtype=jnp.float32)
    return {
        'input_labels': input_labels,
        'pos_labels': pos_labels,
        'neg_labels': neg_labels,
        'in_embedding': in_embedding,
        'out_embedding': out_embedding,
    }


def reference(input_labels, pos_labels, neg_labels, in_embedding, out_embedding):
    # Embedding lookups (gather)
    input_emb = jnp.take(in_embedding, input_labels, axis=0)      # [B, H]
    pos_emb = jnp.take(out_embedding, pos_labels, axis=0)          # [B, C_pos, H]
    neg_emb = jnp.take(out_embedding, neg_labels, axis=0)          # [B, C_neg, H]
    # bmm(pos_emb, input_emb.unsqueeze(2)).squeeze(2)
    pos_dot = jnp.einsum('bch,bh->bc', pos_emb, input_emb)         # [B, C_pos]
    neg_dot = jnp.einsum('bch,bh->bc', neg_emb, -input_emb)        # [B, C_neg]
    pos_loss = jnp.sum(jax.nn.log_sigmoid(pos_dot), axis=1)        # [B]
    neg_loss = jnp.sum(jax.nn.log_sigmoid(neg_dot), axis=1)        # [B]
    loss = neg_loss + pos_loss
    return -loss

if __name__ == "__main__":
    import jax
    _d = setup_inputs()
    print(jax.jit(kernel)(*tuple(_d.values())))

</pallas_src>

<mosaic_0001>
#map = affine_map<(d0, d1) -> (0, 0)>
#map1 = affine_map<(d0, d1) -> (0)>
module attributes {stable_mosaic.version = 14 : i64} {
  func.func @body(%arg0: i32, %arg1: i32, %arg2: memref<32768x112xi32, #tpu.memory_space<hbm>>, %arg3: memref<16384xi32, #tpu.memory_space<hbm>>, %arg4: memref<100000x128xf32, #tpu.memory_space<hbm>>, %arg5: memref<100000x128xf32, #tpu.memory_space<hbm>>, %arg6: memref<16384x224xf32, #tpu.memory_space<hbm>>, %arg7: memref<128x112xi32, #tpu.memory_space<vmem>>, %arg8: memref<64xi32, #tpu.memory_space<vmem>>, %arg9: memref<64x128xf32, #tpu.memory_space<vmem>>, %arg10: memref<224x128xf32, #tpu.memory_space<vmem>>, %arg11: memref<224x128xf32, #tpu.memory_space<vmem>>, %arg12: memref<64x224xf32, #tpu.memory_space<vmem>>, %arg13: memref<!tpu.dma_semaphore, #tpu.memory_space<semaphore_mem>>, %arg14: memref<!tpu.dma_semaphore, #tpu.memory_space<semaphore_mem>>, %arg15: memref<!tpu.dma_semaphore, #tpu.memory_space<semaphore_mem>>) attributes {dimension_semantics = [#tpu.dimension_semantics<core_parallel>, #tpu.dimension_semantics<subcore_parallel>], iteration_bounds = array<i64: 2, 16>, scalar_prefetch = 0 : i64, scratch_operands = 9 : i64, tpu.core_type = #tpu.core_type<sc_vector_subcore>, window_params = [{transform_indices = #map}, {transform_indices = #map1}, {transform_indices = #map}, {transform_indices = #map}, {transform_indices = #map}]} {
    %mul3A = arith.constant 2 : i32
    %mul3A_0 = arith.muli %arg1, %mul3A : i32
    %add3A = arith.addi %mul3A_0, %arg0 : i32
    %mul3A_1 = arith.constant 512 : i32
    %mul3A_2 = arith.muli %add3A, %mul3A_1 : i32
    %iota3A = tpu.iota {dimensions = array<i32: 0>} : vector<16xi32>
    %scan3A = arith.constant 0 : i32
    %scan3A_3 = arith.constant 0 : i32
    %scan3A_4 = arith.constant 8 : i32
    %scan3A_5 = arith.addi %scan3A_3, %scan3A_4 : i32
    %scan3A_6 = arith.constant 1 : i32
    scf.for %scan3A_8 = %scan3A_3 to %scan3A_5 step %scan3A_6  : i32 {
      %mul3A_9 = arith.constant 64 : i32
      %mul3A_10 = arith.muli %scan3A_8, %mul3A_9 : i32
      %add3A_11 = arith.addi %mul3A_2, %mul3A_10 : i32
      %mul3A_12 = arith.constant 2 : i32
      %mul3A_13 = arith.muli %mul3A_12, %add3A_11 : i32
      "tpu.region"() ({
        %run_scoped3A = tpu.sem_alloc : memref<!tpu.dma_semaphore, #tpu.memory_space<semaphore_mem>>
        %dma_start3A_44 = arith.constant 0 : i32
        %dma_start3A_45 = tpu.memref_slice %arg2[%mul3A_13, %dma_start3A_44] : memref<32768x112xi32, #tpu.memory_space<hbm>> -> memref<128x112xi32, #tpu.memory_space<hbm>>
        %dma_start3A_46 = arith.constant 0 : i32
        %dma_start3A_47 = tpu.memref_slice %arg2[%mul3A_13, %dma_start3A_46] : memref<32768x112xi32, #tpu.memory_space<hbm>> -> memref<128x112xi32, #tpu.memory_space<hbm>>
        tpu.enqueue_dma source(%dma_start3A_47 : memref<128x112xi32, #tpu.memory_space<hbm>>) target(%arg7 : memref<128x112xi32, #tpu.memory_space<vmem>>) target_semaphore(%run_scoped3A : memref<!tpu.dma_semaphore, #tpu.memory_space<semaphore_mem>>)
        %dma_wait3A_48 = arith.constant 0 : i32
        %dma_wait3A_49 = tpu.memref_slice %arg2[%mul3A_13, %dma_wait3A_48] : memref<32768x112xi32, #tpu.memory_space<hbm>> -> memref<128x112xi32, #tpu.memory_space<hbm>>
        %dma_wait3A_50 = arith.constant 0 : i32
        %dma_wait3A_51 = tpu.memref_slice %arg2[%mul3A_13, %dma_wait3A_50] : memref<32768x112xi32, #tpu.memory_space<hbm>> -> memref<128x112xi32, #tpu.memory_space<hbm>>
        tpu.wait_dma2 semaphore(%run_scoped3A : memref<!tpu.dma_semaphore, #tpu.memory_space<semaphore_mem>>) src(%dma_wait3A_51 : memref<128x112xi32, #tpu.memory_space<hbm>>) dst(%arg7 : memref<128x112xi32, #tpu.memory_space<vmem>>)
        tpu.yield
      }) : () -> ()
      "tpu.region"() ({
        %run_scoped3A = tpu.sem_alloc : memref<!tpu.dma_semaphore, #tpu.memory_space<semaphore_mem>>
        %dma_start3A_44 = tpu.memref_slice %arg3[%add3A_11] : memref<16384xi32, #tpu.memory_space<hbm>> -> memref<64xi32, #tpu.memory_space<hbm>>
        %dma_start3A_45 = tpu.memref_slice %arg3[%add3A_11] : memref<16384xi32, #tpu.memory_space<hbm>> -> memref<64xi32, #tpu.memory_space<hbm>>
        tpu.enqueue_dma source(%dma_start3A_45 : memref<64xi32, #tpu.memory_space<hbm>>) target(%arg8 : memref<64xi32, #tpu.memory_space<vmem>>) target_semaphore(%run_scoped3A : memref<!tpu.dma_semaphore, #tpu.memory_space<semaphore_mem>>)
        %dma_wait3A_46 = tpu.memref_slice %arg3[%add3A_11] : memref<16384xi32, #tpu.memory_space<hbm>> -> memref<64xi32, #tpu.memory_space<hbm>>
        %dma_wait3A_47 = tpu.memref_slice %arg3[%add3A_11] : memref<16384xi32, #tpu.memory_space<hbm>> -> memref<64xi32, #tpu.memory_space<hbm>>
        tpu.wait_dma2 semaphore(%run_scoped3A : memref<!tpu.dma_semaphore, #tpu.memory_space<semaphore_mem>>) src(%dma_wait3A_47 : memref<64xi32, #tpu.memory_space<hbm>>) dst(%arg8 : memref<64xi32, #tpu.memory_space<vmem>>)
        tpu.yield
      }) : () -> ()
      %dma_start3A = arith.constant 0 : i32
      %dma_start3A_14 = arith.constant 0 : i32
      %dma_start3A_15 = tpu.memref_slice %arg4[%dma_start3A, %dma_start3A_14] : memref<100000x128xf32, #tpu.memory_space<hbm>> -> memref<100000x128xf32, #tpu.memory_space<hbm>>
      tpu.enqueue_indirect_dma source(%dma_start3A_15 : memref<100000x128xf32, #tpu.memory_space<hbm>>) target(%arg9 : memref<64x128xf32, #tpu.memory_space<vmem>>) offsets(%arg8 : memref<64xi32, #tpu.memory_space<vmem>>) semaphore(%arg13 : memref<!tpu.dma_semaphore, #tpu.memory_space<semaphore_mem>>)
      %dma_wait3A = arith.constant 0 : i32
      %dma_wait3A_16 = arith.constant 0 : i32
      %dma_wait3A_17 = tpu.memref_slice %arg4[%dma_wait3A, %dma_wait3A_16] : memref<100000x128xf32, #tpu.memory_space<hbm>> -> memref<100000x128xf32, #tpu.memory_space<hbm>>
      tpu.wait_indirect_dma semaphore(%arg13 : memref<!tpu.dma_semaphore, #tpu.memory_space<semaphore_mem>>) src(%dma_wait3A_17 : memref<100000x128xf32, #tpu.memory_space<hbm>>) dst(%arg9 : memref<64x128xf32, #tpu.memory_space<vmem>>)
      %dma_start3A_18 = arith.constant 0 : i32
      %dma_start3A_19 = arith.constant 0 : i32
      %dma_start3A_20 = arith.constant 0 : i32
      %dma_start3A_21 = tpu.memref_slice %arg10[%dma_start3A_19, %dma_start3A_20] : memref<224x128xf32, #tpu.memory_space<vmem>> -> memref<112x128xf32, #tpu.memory_space<vmem>>
      %dma_start3A_22 = arith.constant 0 : i32
      %dma_start3A_23 = tpu.memref_slice %arg7[%dma_start3A_18, %dma_start3A_22] : memref<128x112xi32, #tpu.memory_space<vmem>> -> memref<1x112xi32, #tpu.memory_space<vmem>>
      %dma_start3A_24 = tpu.memref_squeeze %dma_start3A_23 : memref<1x112xi32, #tpu.memory_space<vmem>> -> memref<112xi32, #tpu.memory_space<vmem>>
      %dma_start3A_25 = arith.constant 0 : i32
      %dma_start3A_26 = arith.constant 0 : i32
      %dma_start3A_27 = tpu.memref_slice %arg5[%dma_start3A_25, %dma_start3A_26] : memref<100000x128xf32, #tpu.memory_space<hbm>> -> memref<100000x128xf32, #tpu.memory_space<hbm>>
      tpu.enqueue_indirect_dma source(%dma_start3A_27 : memref<100000x128xf32, #tpu.memory_space<hbm>>) target(%dma_start3A_21 : memref<112x128xf32, #tpu.memory_space<vmem>>) offsets(%dma_start3A_24 : memref<112xi32, #tpu.memory_space<vmem>>) semaphore(%arg14 : memref<!tpu.dma_semaphore, #tpu.memory_space<semaphore_mem>>)
      %dma_start3A_28 = arith.constant 1 : i32
      %dma_start3A_29 = arith.constant 112 : i32
      %dma_start3A_30 = arith.constant 0 : i32
      %dma_start3A_31 = tpu.memref_slice %arg10[%dma_start3A_29, %dma_start3A_30] : memref<224x128xf32, #tpu.memory_space<vmem>> -> memref<112x128xf32, #tpu.memory_space<vmem>>
      %dma_start3A_32 = arith.constant 0 : i32
      %dma_start3A_33 = tpu.memref_slice %arg7[%dma_start3A_28, %dma_start3A_32] : memref<128x112xi32, #tpu.memory_space<vmem>> -> memref<1x112xi32, #tpu.memory_space<vmem>>
      %dma_start3A_34 = tpu.memref_squeeze %dma_start3A_33 : memref<1x112xi32, #tpu.memory_space<vmem>> -> memref<112xi32, #tpu.memory_space<vmem>>
      %dma_start3A_35 = arith.constant 0 : i32
      %dma_start3A_36 = arith.constant 0 : i32
      %dma_start3A_37 = tpu.memref_slice %arg5[%dma_start3A_35, %dma_start3A_36] : memref<100000x128xf32, #tpu.memory_space<hbm>> -> memref<100000x128xf32, #tpu.memory_space<hbm>>
      tpu.enqueue_indirect_dma source(%dma_start3A_37 : memref<100000x128xf32, #tpu.memory_space<hbm>>) target(%dma_start3A_31 : memref<112x128xf32, #tpu.memory_space<vmem>>) offsets(%dma_start3A_34 : memref<112xi32, #tpu.memory_space<vmem>>) semaphore(%arg14 : memref<!tpu.dma_semaphore, #tpu.memory_space<semaphore_mem>>)
      %scan3A_38 = arith.constant 0 : i32
      %scan3A_39 = arith.constant 0 : i32
      %scan3A_40 = arith.constant 32 : i32
      %scan3A_41 = arith.addi %scan3A_39, %scan3A_40 : i32
      %scan3A_42 = arith.constant 1 : i32
      scf.for %scan3A_44 = %scan3A_39 to %scan3A_41 step %scan3A_42  : i32 {
        %mul3A_45 = arith.constant 2 : i32
        %mul3A_46 = arith.muli %mul3A_45, %scan3A_44 : i32
        %add3A_47 = arith.constant 1 : i32
        %add3A_48 = arith.addi %mul3A_46, %add3A_47 : i32
        %mul3A_49 = arith.constant 2 : i32
        %mul3A_50 = arith.muli %mul3A_49, %add3A_48 : i32
        %dma_start3A_51 = arith.constant 0 : i32
        %dma_start3A_52 = arith.constant 0 : i32
        %dma_start3A_53 = tpu.memref_slice %arg11[%dma_start3A_51, %dma_start3A_52] : memref<224x128xf32, #tpu.memory_space<vmem>> -> memref<112x128xf32, #tpu.memory_space<vmem>>
        %dma_start3A_54 = arith.constant 0 : i32
        %dma_start3A_55 = tpu.memref_slice %arg7[%mul3A_50, %dma_start3A_54] : memref<128x112xi32, #tpu.memory_space<vmem>> -> memref<1x112xi32, #tpu.memory_space<vmem>>
        %dma_start3A_56 = tpu.memref_squeeze %dma_start3A_55 : memref<1x112xi32, #tpu.memory_space<vmem>> -> memref<112xi32, #tpu.memory_space<vmem>>
        %dma_start3A_57 = arith.constant 0 : i32
        %dma_start3A_58 = arith.constant 0 : i32
        %dma_start3A_59 = tpu.memref_slice %arg5[%dma_start3A_57, %dma_start3A_58] : memref<100000x128xf32, #tpu.memory_space<hbm>> -> memref<100000x128xf32, #tpu.memory_space<hbm>>
        tpu.enqueue_indirect_dma source(%dma_start3A_59 : memref<100000x128xf32, #tpu.memory_space<hbm>>) target(%dma_start3A_53 : memref<112x128xf32, #tpu.memory_space<vmem>>) offsets(%dma_start3A_56 : memref<112xi32, #tpu.memory_space<vmem>>) semaphore(%arg15 : memref<!tpu.dma_semaphore, #tpu.memory_space<semaphore_mem>>)
        %mul3A_60 = arith.constant 2 : i32
        %mul3A_61 = arith.muli %mul3A_60, %add3A_48 : i32
        %add3A_62 = arith.constant 1 : i32
        %add3A_63 = arith.addi %mul3A_61, %add3A_62 : i32
        %dma_start3A_64 = arith.constant 112 : i32
        %dma_start3A_65 = arith.constant 0 : i32
        %dma_start3A_66 = tpu.memref_slice %arg11[%dma_start3A_64, %dma_start3A_65] : memref<224x128xf32, #tpu.memory_space<vmem>> -> memref<112x128xf32, #tpu.memory_space<vmem>>
        %dma_start3A_67 = arith.constant 0 : i32
        %dma_start3A_68 = tpu.memref_slice %arg7[%add3A_63, %dma_start3A_67] : memref<128x112xi32, #tpu.memory_space<vmem>> -> memref<1x112xi32, #tpu.memory_space<vmem>>
        %dma_start3A_69 = tpu.memref_squeeze %dma_start3A_68 : memref<1x112xi32, #tpu.memory_space<vmem>> -> memref<112xi32, #tpu.memory_space<vmem>>
        %dma_start3A_70 = arith.constant 0 : i32
        %dma_start3A_71 = arith.constant 0 : i32
        %dma_start3A_72 = tpu.memref_slice %arg5[%dma_start3A_70, %dma_start3A_71] : memref<100000x128xf32, #tpu.memory_space<hbm>> -> memref<100000x128xf32, #tpu.memory_space<hbm>>
        tpu.enqueue_indirect_dma source(%dma_start3A_72 : memref<100000x128xf32, #tpu.memory_space<hbm>>) target(%dma_start3A_66 : memref<112x128xf32, #tpu.memory_space<vmem>>) offsets(%dma_start3A_69 : memref<112xi32, #tpu.memory_space<vmem>>) semaphore(%arg15 : memref<!tpu.dma_semaphore, #tpu.memory_space<semaphore_mem>>)
        %dma_wait3A_73 = arith.constant 0 : i32
        %dma_wait3A_74 = arith.constant 0 : i32
        %dma_wait3A_75 = arith.constant 0 : i32
        %dma_wait3A_76 = tpu.memref_slice %arg10[%dma_wait3A_74, %dma_wait3A_75] : memref<224x128xf32, #tpu.memory_space<vmem>> -> memref<112x128xf32, #tpu.memory_space<vmem>>
        %dma_wait3A_77 = arith.constant 0 : i32
        %dma_wait3A_78 = tpu.memref_slice %arg7[%dma_wait3A_73, %dma_wait3A_77] : memref<128x112xi32, #tpu.memory_space<vmem>> -> memref<1x112xi32, #tpu.memory_space<vmem>>
        %dma_wait3A_79 = tpu.memref_squeeze %dma_wait3A_78 : memref<1x112xi32, #tpu.memory_space<vmem>> -> memref<112xi32, #tpu.memory_space<vmem>>
        %dma_wait3A_80 = arith.constant 0 : i32
        %dma_wait3A_81 = arith.constant 0 : i32
        %dma_wait3A_82 = tpu.memref_slice %arg5[%dma_wait3A_80, %dma_wait3A_81] : memref<100000x128xf32, #tpu.memory_space<hbm>> -> memref<100000x128xf32, #tpu.memory_space<hbm>>
        tpu.wait_indirect_dma semaphore(%arg14 : memref<!tpu.dma_semaphore, #tpu.memory_space<semaphore_mem>>) src(%dma_wait3A_82 : memref<100000x128xf32, #tpu.memory_space<hbm>>) dst(%dma_wait3A_76 : memref<112x128xf32, #tpu.memory_space<vmem>>)
        %dma_wait3A_83 = arith.constant 0 : i32
        %dma_wait3A_84 = arith.constant 112 : i32
        %dma_wait3A_85 = arith.constant 0 : i32
        %dma_wait3A_86 = tpu.memref_slice %arg10[%dma_wait3A_84, %dma_wait3A_85] : memref<224x128xf32, #tpu.memory_space<vmem>> -> memref<112x128xf32, #tpu.memory_space<vmem>>
        %dma_wait3A_87 = arith.constant 0 : i32
        %dma_wait3A_88 = tpu.memref_slice %arg7[%dma_wait3A_83, %dma_wait3A_87] : memref<128x112xi32, #tpu.memory_space<vmem>> -> memref<1x112xi32, #tpu.memory_space<vmem>>
        %dma_wait3A_89 = tpu.memref_squeeze %dma_wait3A_88 : memref<1x112xi32, #tpu.memory_space<vmem>> -> memref<112xi32, #tpu.memory_space<vmem>>
        %dma_wait3A_90 = arith.constant 0 : i32
        %dma_wait3A_91 = arith.constant 0 : i32
        %dma_wait3A_92 = tpu.memref_slice %arg5[%dma_wait3A_90, %dma_wait3A_91] : memref<100000x128xf32, #tpu.memory_space<hbm>> -> memref<100000x128xf32, #tpu.memory_space<hbm>>
        tpu.wait_indirect_dma semaphore(%arg14 : memref<!tpu.dma_semaphore, #tpu.memory_space<semaphore_mem>>) src(%dma_wait3A_92 : memref<100000x128xf32, #tpu.memory_space<hbm>>) dst(%dma_wait3A_86 : memref<112x128xf32, #tpu.memory_space<vmem>>)
        %get3A = arith.index_cast %mul3A_46 : i32 to index
        %get3A_93 = arith.constant 0 : index
        %get3A_94 = tpu.vector_load %arg9[%get3A, %get3A_93] {strides = array<i32>} : memref<64x128xf32, #tpu.memory_space<vmem>>, vector<16xf32>,
        %get3A_95 = arith.index_cast %mul3A_46 : i32 to index
        %get3A_96 = arith.constant 16 : index
        %get3A_97 = tpu.vector_load %arg9[%get3A_95, %get3A_96] {strides = array<i32>} : memref<64x128xf32, #tpu.memory_space<vmem>>, vector<16xf32>,
        %get3A_98 = arith.index_cast %mul3A_46 : i32 to index
        %get3A_99 = arith.constant 32 : index
        %get3A_100 = tpu.vector_load %arg9[%get3A_98, %get3A_99] {strides = array<i32>} : memref<64x128xf32, #tpu.memory_space<vmem>>, vector<16xf32>,
        %get3A_101 = arith.index_cast %mul3A_46 : i32 to index
        %get3A_102 = arith.constant 48 : index
        %get3A_103 = tpu.vector_load %arg9[%get3A_101, %get3A_102] {strides = array<i32>} : memref<64x128xf32, #tpu.memory_space<vmem>>, vector<16xf32>,
        %get3A_104 = arith.index_cast %mul3A_46 : i32 to index
        %get3A_105 = arith.constant 64 : index
        %get3A_106 = tpu.vector_load %arg9[%get3A_104, %get3A_105] {strides = array<i32>} : memref<64x128xf32, #tpu.memory_space<vmem>>, vector<16xf32>,
        %get3A_107 = arith.index_cast %mul3A_46 : i32 to index
        %get3A_108 = arith.constant 80 : index
        %get3A_109 = tpu.vector_load %arg9[%get3A_107, %get3A_108] {strides = array<i32>} : memref<64x128xf32, #tpu.memory_space<vmem>>, vector<16xf32>,
        %get3A_110 = arith.index_cast %mul3A_46 : i32 to index
        %get3A_111 = arith.constant 96 : index
        %get3A_112 = tpu.vector_load %arg9[%get3A_110, %get3A_111] {strides = array<i32>} : memref<64x128xf32, #tpu.memory_space<vmem>>, vector<16xf32>,
        %get3A_113 = arith.index_cast %mul3A_46 : i32 to index
        %get3A_114 = arith.constant 112 : index
        %get3A_115 = tpu.vector_load %arg9[%get3A_113, %get3A_114] {strides = array<i32>} : memref<64x128xf32, #tpu.memory_space<vmem>>, vector<16xf32>,
        %parallel_loop3A = arith.constant 0 : i32
        %parallel_loop3A_116 = arith.constant 14 : i32
        %parallel_loop3A_117 = arith.constant 1 : i32
        scf.for %parallel_loop3A_171 = %parallel_loop3A to %parallel_loop3A_116 step %parallel_loop3A_117  : i32 {
          %parallel_loop3A_172 = arith.constant 0.000000e+00 : f32
          %parallel_loop3A_173 = vector.broadcast %parallel_loop3A_172 : f32 to vector<16xf32>
          %parallel_loop3A_174 = arith.constant 16 : i32
          %parallel_loop3A_175 = arith.muli %parallel_loop3A_171, %parallel_loop3A_174 : i32
          %parallel_loop3A_176 = arith.constant 0 : i32
          %parallel_loop3A_177 = arith.addi %parallel_loop3A_175, %parallel_loop3A_176 : i32
          %parallel_loop3A_178 = arith.index_cast %parallel_loop3A_177 : i32 to index
          %parallel_loop3A_179 = arith.constant 0 : index
          %parallel_loop3A_180 = tpu.vector_load %arg10[%parallel_loop3A_178, %parallel_loop3A_179] {strides = array<i32>} : memref<224x128xf32, #tpu.memory_space<vmem>>, vector<16xf32>,
          %parallel_loop3A_181 = arith.mulf %parallel_loop3A_180, %get3A_94 : vector<16xf32>
          %parallel_loop3A_182 = arith.index_cast %parallel_loop3A_177 : i32 to index
          %parallel_loop3A_183 = arith.constant 16 : index
          %parallel_loop3A_184 = tpu.vector_load %arg10[%parallel_loop3A_182, %parallel_loop3A_183] {strides = array<i32>} : memref<224x128xf32, #tpu.memory_space<vmem>>, vector<16xf32>,
          %parallel_loop3A_185 = arith.mulf %parallel_loop3A_184, %get3A_97 : vector<16xf32>
          %parallel_loop3A_186 = arith.index_cast %parallel_loop3A_177 : i32 to index
          %parallel_loop3A_187 = arith.constant 32 : index
          %parallel_loop3A_188 = tpu.vector_load %arg10[%parallel_loop3A_186, %parallel_loop3A_187] {strides = array<i32>} : memref<224x128xf32, #tpu.memory_space<vmem>>, vector<16xf32>,
          %parallel_loop3A_189 = arith.mulf %parallel_loop3A_188, %get3A_100 : vector<16xf32>
          %parallel_loop3A_190 = arith.index_cast %parallel_loop3A_177 : i32 to index
          %parallel_loop3A_191 = arith.constant 48 : index
          %parallel_loop3A_192 = tpu.vector_load %arg10[%parallel_loop3A_190, %parallel_loop3A_191] {strides = array<i32>} : memref<224x128xf32, #tpu.memory_space<vmem>>, vector<16xf32>,
          %parallel_loop3A_193 = arith.mulf %parallel_loop3A_192, %get3A_103 : vector<16xf32>
          %parallel_loop3A_194 = arith.index_cast %parallel_loop3A_177 : i32 to index
          %parallel_loop3A_195 = arith.constant 64 : index
          %parallel_loop3A_196 = tpu.vector_load %arg10[%parallel_loop3A_194, %parallel_loop3A_195] {strides = array<i32>} : memref<224x128xf32, #tpu.memory_space<vmem>>, vector<16xf32>,
          %parallel_loop3A_197 = arith.mulf %parallel_loop3A_196, %get3A_106 : vector<16xf32>
          %parallel_loop3A_198 = arith.index_cast %parallel_loop3A_177 : i32 to index
          %parallel_loop3A_199 = arith.constant 80 : index
          %parallel_loop3A_200 = tpu.vector_load %arg10[%parallel_loop3A_198, %parallel_loop3A_199] {strides = array<i32>} : memref<224x128xf32, #tpu.memory_space<vmem>>, vector<16xf32>,
          %parallel_loop3A_201 = arith.mulf %parallel_loop3A_200, %get3A_109 : vector<16xf32>
          %parallel_loop3A_202 = arith.index_cast %parallel_loop3A_177 : i32 to index
          %parallel_loop3A_203 = arith.constant 96 : index
          %parallel_loop3A_204 = tpu.vector_load %arg10[%parallel_loop3A_202, %parallel_loop3A_203] {strides = array<i32>} : memref<224x128xf32, #tpu.memory_space<vmem>>, vector<16xf32>,
          %parallel_loop3A_205 = arith.mulf %parallel_loop3A_204, %get3A_112 : vector<16xf32>
          %parallel_loop3A_206 = arith.index_cast %parallel_loop3A_177 : i32 to index
          %parallel_loop3A_207 = arith.constant 112 : index
          %parallel_loop3A_208 = tpu.vector_load %arg10[%parallel_loop3A_206, %parallel_loop3A_207] {strides = array<i32>} : memref<224x128xf32, #tpu.memory_space<vmem>>, vector<16xf32>,
          %parallel_loop3A_209 = arith.mulf %parallel_loop3A_208, %get3A_115 : vector<16xf32>
          %parallel_loop3A_210 = arith.addf %parallel_loop3A_181, %parallel_loop3A_185 : vector<16xf32>
          %parallel_loop3A_211 = arith.addf %parallel_loop3A_189, %parallel_loop3A_193 : vector<16xf32>
          %parallel_loop3A_212 = arith.addf %parallel_loop3A_197, %parallel_loop3A_201 : vector<16xf32>
          %parallel_loop3A_213 = arith.addf %parallel_loop3A_205, %parallel_loop3A_209 : vector<16xf32>
          %parallel_loop3A_214 = arith.addf %parallel_loop3A_210, %parallel_loop3A_211 : vector<16xf32>
          %parallel_loop3A_215 = arith.addf %parallel_loop3A_212, %parallel_loop3A_213 : vector<16xf32>
          %parallel_loop3A_216 = arith.addf %parallel_loop3A_214, %parallel_loop3A_215 : vector<16xf32>
          %parallel_loop3A_217 = arith.constant 0 : i32
          %parallel_loop3A_218 = vector.broadcast %parallel_loop3A_217 : i32 to vector<16xi32>
          %parallel_loop3A_219 = arith.cmpi eq, %iota3A, %parallel_loop3A_218 : vector<16xi32>
          %parallel_loop3A_220 = arith.constant true
          %parallel_loop3A_221 = vector.broadcast %parallel_loop3A_220 : i1 to vector<16xi1>
          %parallel_loop3A_222 = tpu.scan <sum>, %parallel_loop3A_216 masked %parallel_loop3A_221 : vector<16xf32>, vector<16xi1> -> vector<16xf32>
          %parallel_loop3A_223 = vector.extract %parallel_loop3A_222[15] : f32 from vector<16xf32>
          %parallel_loop3A_224 = vector.broadcast %parallel_loop3A_223 : f32 to vector<16xf32>
          %parallel_loop3A_225 = arith.select %parallel_loop3A_219, %parallel_loop3A_224, %parallel_loop3A_173 : vector<16xi1>, vector<16xf32>
          %parallel_loop3A_226 = arith.constant 16 : i32
          %parallel_loop3A_227 = arith.muli %parallel_loop3A_171, %parallel_loop3A_226 : i32
          %parallel_loop3A_228 = arith.constant 1 : i32
          %parallel_loop3A_229 = arith.addi %parallel_loop3A_227, %parallel_loop3A_228 : i32
          %parallel_loop3A_230 = arith.index_cast %parallel_loop3A_229 : i32 to index
          %parallel_loop3A_231 = arith.constant 0 : index
          %parallel_loop3A_232 = tpu.vector_load %arg10[%parallel_loop3A_230, %parallel_loop3A_231] {strides = array<i32>} : memref<224x128xf32, #tpu.memory_space<vmem>>, vector<16xf32>,
          %parallel_loop3A_233 = arith.mulf %parallel_loop3A_232, %get3A_94 : vector<16xf32>
          %parallel_loop3A_234 = arith.index_cast %parallel_loop3A_229 : i32 to index
          %parallel_loop3A_235 = arith.constant 16 : index
          %parallel_loop3A_236 = tpu.vector_load %arg10[%parallel_loop3A_234, %parallel_loop3A_235] {strides = array<i32>} : memref<224x128xf32, #tpu.memory_space<vmem>>, vector<16xf32>,
          %parallel_loop3A_237 = arith.mulf %parallel_loop3A_236, %get3A_97 : vector<16xf32>
          %parallel_loop3A_238 = arith.index_cast %parallel_loop3A_229 : i32 to index
          %parallel_loop3A_239 = arith.constant 32 : index
          %parallel_loop3A_240 = tpu.vector_load %arg10[%parallel_loop3A_238, %parallel_loop3A_239] {strides = array<i32>} : memref<224x128xf32, #tpu.memory_space<vmem>>, vector<16xf32>,
          %parallel_loop3A_241 = arith.mulf %parallel_loop3A_240, %get3A_100 : vector<16xf32>
          %parallel_loop3A_242 = arith.index_cast %parallel_loop3A_229 : i32 to index
          %parallel_loop3A_243 = arith.constant 48 : index
          %parallel_loop3A_244 = tpu.vector_load %arg10[%parallel_loop3A_242, %parallel_loop3A_243] {strides = array<i32>} : memref<224x128xf32, #tpu.memory_space<vmem>>, vector<16xf32>,
          %parallel_loop3A_245 = arith.mulf %parallel_loop3A_244, %get3A_103 : vector<16xf32>
          %parallel_loop3A_246 = arith.index_cast %parallel_loop3A_229 : i32 to index
          %parallel_loop3A_247 = arith.constant 64 : index
          %parallel_loop3A_248 = tpu.vector_load %arg10[%parallel_loop3A_246, %parallel_loop3A_247] {strides = array<i32>} : memref<224x128xf32, #tpu.memory_space<vmem>>, vector<16xf32>,
          %parallel_loop3A_249 = arith.mulf %parallel_loop3A_248, %get3A_106 : vector<16xf32>
          %parallel_loop3A_250 = arith.index_cast %parallel_loop3A_229 : i32 to index
          %parallel_loop3A_251 = arith.constant 80 : index
          %parallel_loop3A_252 = tpu.vector_load %arg10[%parallel_loop3A_250, %parallel_loop3A_251] {strides = array<i32>} : memref<224x128xf32, #tpu.memory_space<vmem>>, vector<16xf32>,
          %parallel_loop3A_253 = arith.mulf %parallel_loop3A_252, %get3A_109 : vector<16xf32>
          %parallel_loop3A_254 = arith.index_cast %parallel_loop3A_229 : i32 to index
          %parallel_loop3A_255 = arith.constant 96 : index
          %parallel_loop3A_256 = tpu.vector_load %arg10[%parallel_loop3A_254, %parallel_loop3A_255] {strides = array<i32>} : memref<224x128xf32, #tpu.memory_space<vmem>>, vector<16xf32>,
          %parallel_loop3A_257 = arith.mulf %parallel_loop3A_256, %get3A_112 : vector<16xf32>
          %parallel_loop3A_258 = arith.index_cast %parallel_loop3A_229 : i32 to index
          %parallel_loop3A_259 = arith.constant 112 : index
          %parallel_loop3A_260 = tpu.vector_load %arg10[%parallel_loop3A_258, %parallel_loop3A_259] {strides = array<i32>} : memref<224x128xf32, #tpu.memory_space<vmem>>, vector<16xf32>,
          %parallel_loop3A_261 = arith.mulf %parallel_loop3A_260, %get3A_115 : vector<16xf32>
          %parallel_loop3A_262 = arith.addf %parallel_loop3A_233, %parallel_loop3A_237 : vector<16xf32>
          %parallel_loop3A_263 = arith.addf %parallel_loop3A_241, %parallel_loop3A_245 : vector<16xf32>
          %parallel_loop3A_264 = arith.addf %parallel_loop3A_249, %parallel_loop3A_253 : vector<16xf32>
          %parallel_loop3A_265 = arith.addf %parallel_loop3A_257, %parallel_loop3A_261 : vector<16xf32>
          %parallel_loop3A_266 = arith.addf %parallel_loop3A_262, %parallel_loop3A_263 : vector<16xf32>
          %parallel_loop3A_267 = arith.addf %parallel_loop3A_264, %parallel_loop3A_265 : vector<16xf32>
          %parallel_loop3A_268 = arith.addf %parallel_loop3A_266, %parallel_loop3A_267 : vector<16xf32>
          %parallel_loop3A_269 = arith.constant 1 : i32
          %parallel_loop3A_270 = vector.broadcast %parallel_loop3A_269 : i32 to vector<16xi32>
          %parallel_loop3A_271 = arith.cmpi eq, %iota3A, %parallel_loop3A_270 : vector<16xi32>
          %parallel_loop3A_272 = arith.constant true
          %parallel_loop3A_273 = vector.broadcast %parallel_loop3A_272 : i1 to vector<16xi1>
          %parallel_loop3A_274 = tpu.scan <sum>, %parallel_loop3A_268 masked %parallel_loop3A_273 : vector<16xf32>, vector<16xi1> -> vector<16xf32>
          %parallel_loop3A_275 = vector.extract %parallel_loop3A_274[15] : f32 from vector<16xf32>
          %parallel_loop3A_276 = vector.broadcast %parallel_loop3A_275 : f32 to vector<16xf32>
          %parallel_loop3A_277 = arith.select %parallel_loop3A_271, %parallel_loop3A_276, %parallel_loop3A_225 : vector<16xi1>, vector<16xf32>
          %parallel_loop3A_278 = arith.constant 16 : i32
          %parallel_loop3A_279 = arith.muli %parallel_loop3A_171, %parallel_loop3A_278 : i32
          %parallel_loop3A_280 = arith.constant 2 : i32
          %parallel_loop3A_281 = arith.addi %parallel_loop3A_279, %parallel_loop3A_280 : i32
          %parallel_loop3A_282 = arith.index_cast %parallel_loop3A_281 : i32 to index
          %parallel_loop3A_283 = arith.constant 0 : index
          %parallel_loop3A_284 = tpu.vector_load %arg10[%parallel_loop3A_282, %parallel_loop3A_283] {strides = array<i32>} : memref<224x128xf32, #tpu.memory_space<vmem>>, vector<16xf32>,
          %parallel_loop3A_285 = arith.mulf %parallel_loop3A_284, %get3A_94 : vector<16xf32>
          %parallel_loop3A_286 = arith.index_cast %parallel_loop3A_281 : i32 to index
          %parallel_loop3A_287 = arith.constant 16 : index
          %parallel_loop3A_288 = tpu.vector_load %arg10[%parallel_loop3A_286, %parallel_loop3A_287] {strides = array<i32>} : memref<224x128xf32, #tpu.memory_space<vmem>>, vector<16xf32>,
          %parallel_loop3A_289 = arith.mulf %parallel_loop3A_288, %get3A_97 : vector<16xf32>
          %parallel_loop3A_290 = arith.index_cast %parallel_loop3A_281 : i32 to index
          %parallel_loop3A_291 = arith.constant 32 : index
          %parallel_loop3A_292 = tpu.vector_load %arg10[%parallel_loop3A_290, %parallel_loop3A_291] {strides = array<i32>} : memref<224x128xf32, #tpu.memory_space<vmem>>, vector<16xf32>,
          %parallel_loop3A_293 = arith.mulf %parallel_loop3A_292, %get3A_100 : vector<16xf32>
          %parallel_loop3A_294 = arith.index_cast %parallel_loop3A_281 : i32 to index
          %parallel_loop3A_295 = arith.constant 48 : index
          %parallel_loop3A_296 = tpu.vector_load %arg10[%parallel_loop3A_294, %parallel_loop3A_295] {strides = array<i32>} : memref<224x128xf32, #tpu.memory_space<vmem>>, vector<16xf32>,
          %parallel_loop3A_297 = arith.mulf %parallel_loop3A_296, %get3A_103 : vector<16xf32>
          %parallel_loop3A_298 = arith.index_cast %parallel_loop3A_281 : i32 to index
          %parallel_loop3A_299 = arith.constant 64 : index
          %parallel_loop3A_300 = tpu.vector_load %arg10[%parallel_loop3A_298, %parallel_loop3A_299] {strides = array<i32>} : memref<224x128xf32, #tpu.memory_space<vmem>>, vector<16xf32>,
          %parallel_loop3A_301 = arith.mulf %parallel_loop3A_300, %get3A_106 : vector<16xf32>
          %parallel_loop3A_302 = arith.index_cast %parallel_loop3A_281 : i32 to index
          %parallel_loop3A_303 = arith.constant 80 : index
          %parallel_loop3A_304 = tpu.vector_load %arg10[%parallel_loop3A_302, %parallel_loop3A_303] {strides = array<i32>} : memref<224x128xf32, #tpu.memory_space<vmem>>, vector<16xf32>,
          %parallel_loop3A_305 = arith.mulf %parallel_loop3A_304, %get3A_109 : vector<16xf32>
          %parallel_loop3A_306 = arith.index_cast %parallel_loop3A_281 : i32 to index
          %parallel_loop3A_307 = arith.constant 96 : index
          %parallel_loop3A_308 = tpu.vector_load %arg10[%parallel_loop3A_306, %parallel_loop3A_307] {strides = array<i32>} : memref<224x128xf32, #tpu.memory_space<vmem>>, vector<16xf32>,
          %parallel_loop3A_309 = arith.mulf %parallel_loop3A_308, %get3A_112 : vector<16xf32>
          %parallel_loop3A_310 = arith.index_cast %parallel_loop3A_281 : i32 to index
          %parallel_loop3A_311 = arith.constant 112 : index
          %parallel_loop3A_312 = tpu.vector_load %arg10[%parallel_loop3A_310, %parallel_loop3A_311] {strides = array<i32>} : memref<224x128xf32, #tpu.memory_space<vmem>>, vector<16xf32>,
          %parallel_loop3A_313 = arith.mulf %parallel_loop3A_312, %get3A_115 : vector<16xf32>
          %parallel_loop3A_314 = arith.addf %parallel_loop3A_285, %parallel_loop3A_289 : vector<16xf32>
          %parallel_loop3A_315 = arith.addf %parallel_loop3A_293, %parallel_loop3A_297 : vector<16xf32>
          %parallel_loop3A_316 = arith.addf %parallel_loop3A_301, %parallel_loop3A_305 : vector<16xf32>
          %parallel_loop3A_317 = arith.addf %parallel_loop3A_309, %parallel_loop3A_313 : vector<16xf32>
          %parallel_loop3A_318 = arith.addf %parallel_loop3A_314, %parallel_loop3A_315 : vector<16xf32>
          %parallel_loop3A_319 = arith.addf %parallel_loop3A_316, %parallel_loop3A_317 : vector<16xf32>
          %parallel_loop3A_320 = arith.addf %parallel_loop3A_318, %parallel_loop3A_319 : vector<16xf32>
          %parallel_loop3A_321 = arith.constant 2 : i32
          %parallel_loop3A_322 = vector.broadcast %parallel_loop3A_321 : i32 to vector<16xi32>
          %parallel_loop3A_323 = arith.cmpi eq, %iota3A, %parallel_loop3A_322 : vector<16xi32>
          %parallel_loop3A_324 = arith.constant true
          %parallel_loop3A_325 = vector.broadcast %parallel_loop3A_324 : i1 to vector<16xi1>
          %parallel_loop3A_326 = tpu.scan <sum>, %parallel_loop3A_320 masked %parallel_loop3A_325 : vector<16xf32>, vector<16xi1> -> vector<16xf32>
          %parallel_loop3A_327 = vector.extract %parallel_loop3A_326[15] : f32 from vector<16xf32>
          %parallel_loop3A_328 = vector.broadcast %parallel_loop3A_327 : f32 to vector<16xf32>
          %parallel_loop3A_329 = arith.select %parallel_loop3A_323, %parallel_loop3A_328, %parallel_loop3A_277 : vector<16xi1>, vector<16xf32>
          %parallel_loop3A_330 = arith.constant 16 : i32
          %parallel_loop3A_331 = arith.muli %parallel_loop3A_171, %parallel_loop3A_330 : i32
          %parallel_loop3A_332 = arith.constant 3 : i32
          %parallel_loop3A_333 = arith.addi %parallel_loop3A_331, %parallel_loop3A_332 : i32
          %parallel_loop3A_334 = arith.index_cast %parallel_loop3A_333 : i32 to index
          %parallel_loop3A_335 = arith.constant 0 : index
          %parallel_loop3A_336 = tpu.vector_load %arg10[%parallel_loop3A_334, %parallel_loop3A_335] {strides = array<i32>} : memref<224x128xf32, #tpu.memory_space<vmem>>, vector<16xf32>,
          %parallel_loop3A_337 = arith.mulf %parallel_loop3A_336, %get3A_94 : vector<16xf32>
          %parallel_loop3A_338 = arith.index_cast %parallel_loop3A_333 : i32 to index
          %parallel_loop3A_339 = arith.constant 16 : index
          %parallel_loop3A_340 = tpu.vector_load %arg10[%parallel_loop3A_338, %parallel_loop3A_339] {strides = array<i32>} : memref<224x128xf32, #tpu.memory_space<vmem>>, vector<16xf32>,
          %parallel_loop3A_341 = arith.mulf %parallel_loop3A_340, %get3A_97 : vector<16xf32>
          %parallel_loop3A_342 = arith.index_cast %parallel_loop3A_333 : i32 to index
          %parallel_loop3A_343 = arith.constant 32 : index
          %parallel_loop3A_344 = tpu.vector_load %arg10[%parallel_loop3A_342, %parallel_loop3A_343] {strides = array<i32>} : memref<224x128xf32, #tpu.memory_space<vmem>>, vector<16xf32>,
          %parallel_loop3A_345 = arith.mulf %parallel_loop3A_344, %get3A_100 : vector<16xf32>
          %parallel_loop3A_346 = arith.index_cast %parallel_loop3A_333 : i32 to index
          %parallel_loop3A_347 = arith.constant 48 : index
          %parallel_loop3A_348 = tpu.vector_load %arg10[%parallel_loop3A_346, %parallel_loop3A_347] {strides = array<i32>} : memref<224x128xf32, #tpu.memory_space<vmem>>, vector<16xf32>,
          %parallel_loop3A_349 = arith.mulf %parallel_loop3A_348, %get3A_103 : vector<16xf32>
          %parallel_loop3A_350 = arith.index_cast %parallel_loop3A_333 : i32 to index
          %parallel_loop3A_351 = arith.constant 64 : index
          %parallel_loop3A_352 = tpu.vector_load %arg10[%parallel_loop3A_350, %parallel_loop3A_351] {strides = array<i32>} : memref<224x128xf32, #tpu.memory_space<vmem>>, vector<16xf32>,
          %parallel_loop3A_353 = arith.mulf %parallel_loop3A_352, %get3A_106 : vector<16xf32>
          %parallel_loop3A_354 = arith.index_cast %parallel_loop3A_333 : i32 to index
          %parallel_loop3A_355 = arith.constant 80 : index
          %parallel_loop3A_356 = tpu.vector_load %arg10[%parallel_loop3A_354, %parallel_loop3A_355] {strides = array<i32>} : memref<224x128xf32, #tpu.memory_space<vmem>>, vector<16xf32>,
          %parallel_loop3A_357 = arith.mulf %parallel_loop3A_356, %get3A_109 : vector<16xf32>
          %parallel_loop3A_358 = arith.index_cast %parallel_loop3A_333 : i32 to index
          %parallel_loop3A_359 = arith.constant 96 : index
          %parallel_loop3A_360 = tpu.vector_load %arg10[%parallel_loop3A_358, %parallel_loop3A_359] {strides = array<i32>} : memref<224x128xf32, #tpu.memory_space<vmem>>, vector<16xf32>,
          %parallel_loop3A_361 = arith.mulf %parallel_loop3A_360, %get3A_112 : vector<16xf32>
          %parallel_loop3A_362 = arith.index_cast %parallel_loop3A_333 : i32 to index
          %parallel_loop3A_363 = arith.constant 112 : index
          %parallel_loop3A_364 = tpu.vector_load %arg10[%parallel_loop3A_362, %parallel_loop3A_363] {strides = array<i32>} : memref<224x128xf32, #tpu.memory_space<vmem>>, vector<16xf32>,
          %parallel_loop3A_365 = arith.mulf %parallel_loop3A_364, %get3A_115 : vector<16xf32>
          %parallel_loop3A_366 = arith.addf %parallel_loop3A_337, %parallel_loop3A_341 : vector<16xf32>
          %parallel_loop3A_367 = arith.addf %parallel_loop3A_345, %parallel_loop3A_349 : vector<16xf32>
          %parallel_loop3A_368 = arith.addf %parallel_loop3A_353, %parallel_loop3A_357 : vector<16xf32>
          %parallel_loop3A_369 = arith.addf %parallel_loop3A_361, %parallel_loop3A_365 : vector<16xf32>
          %parallel_loop3A_370 = arith.addf %parallel_loop3A_366, %parallel_loop3A_367 : vector<16xf32>
          %parallel_loop3A_371 = arith.addf %parallel_loop3A_368, %parallel_loop3A_369 : vector<16xf32>
          %parallel_loop3A_372 = arith.addf %parallel_loop3A_370, %parallel_loop3A_371 : vector<16xf32>
          %parallel_loop3A_373 = arith.constant 3 : i32
          %parallel_loop3A_374 = vector.broadcast %parallel_loop3A_373 : i32 to vector<16xi32>
          %parallel_loop3A_375 = arith.cmpi eq, %iota3A, %parallel_loop3A_374 : vector<16xi32>
          %parallel_loop3A_376 = arith.constant true
          %parallel_loop3A_377 = vector.broadcast %parallel_loop3A_376 : i1 to vector<16xi1>
          %parallel_loop3A_378 = tpu.scan <sum>, %parallel_loop3A_372 masked %parallel_loop3A_377 : vector<16xf32>, vector<16xi1> -> vector<16xf32>
          %parallel_loop3A_379 = vector.extract %parallel_loop3A_378[15] : f32 from vector<16xf32>
          %parallel_loop3A_380 = vector.broadcast %parallel_loop3A_379 : f32 to vector<16xf32>
          %parallel_loop3A_381 = arith.select %parallel_loop3A_375, %parallel_loop3A_380, %parallel_loop3A_329 : vector<16xi1>, vector<16xf32>
          %parallel_loop3A_382 = arith.constant 16 : i32
          %parallel_loop3A_383 = arith.muli %parallel_loop3A_171, %parallel_loop3A_382 : i32
          %parallel_loop3A_384 = arith.constant 4 : i32
          %parallel_loop3A_385 = arith.addi %parallel_loop3A_383, %parallel_loop3A_384 : i32
          %parallel_loop3A_386 = arith.index_cast %parallel_loop3A_385 : i32 to index
          %parallel_loop3A_387 = arith.constant 0 : index
          %parallel_loop3A_388 = tpu.vector_load %arg10[%parallel_loop3A_386, %parallel_loop3A_387] {strides = array<i32>} : memref<224x128xf32, #tpu.memory_space<vmem>>, vector<16xf32>,
          %parallel_loop3A_389 = arith.mulf %parallel_loop3A_388, %get3A_94 : vector<16xf32>
          %parallel_loop3A_390 = arith.index_cast %parallel_loop3A_385 : i32 to index
          %parallel_loop3A_391 = arith.constant 16 : index
          %parallel_loop3A_392 = tpu.vector_load %arg10[%parallel_loop3A_390, %parallel_loop3A_391] {strides = array<i32>} : memref<224x128xf32, #tpu.memory_space<vmem>>, vector<16xf32>,
          %parallel_loop3A_393 = arith.mulf %parallel_loop3A_392, %get3A_97 : vector<16xf32>
          %parallel_loop3A_394 = arith.index_cast %parallel_loop3A_385 : i32 to index
          %parallel_loop3A_395 = arith.constant 32 : index
          %parallel_loop3A_396 = tpu.vector_load %arg10[%parallel_loop3A_394, %parallel_loop3A_395] {strides = array<i32>} : memref<224x128xf32, #tpu.memory_space<vmem>>, vector<16xf32>,
          %parallel_loop3A_397 = arith.mulf %parallel_loop3A_396, %get3A_100 : vector<16xf32>
          %parallel_loop3A_398 = arith.index_cast %parallel_loop3A_385 : i32 to index
          %parallel_loop3A_399 = arith.constant 48 : index
          %parallel_loop3A_400 = tpu.vector_load %arg10[%parallel_loop3A_398, %parallel_loop3A_399] {strides = array<i32>} : memref<224x128xf32, #tpu.memory_space<vmem>>, vector<16xf32>,
          %parallel_loop3A_401 = arith.mulf %parallel_loop3A_400, %get3A_103 : vector<16xf32>
          %parallel_loop3A_402 = arith.index_cast %parallel_loop3A_385 : i32 to index
          %parallel_loop3A_403 = arith.constant 64 : index
          %parallel_loop3A_404 = tpu.vector_load %arg10[%parallel_loop3A_402, %parallel_loop3A_403] {strides = array<i32>} : memref<224x128xf32, #tpu.memory_space<vmem>>, vector<16xf32>,
          %parallel_loop3A_405 = arith.mulf %parallel_loop3A_404, %get3A_106 : vector<16xf32>
          %parallel_loop3A_406 = arith.index_cast %parallel_loop3A_385 : i32 to index
          %parallel_loop3A_407 = arith.constant 80 : index
          %parallel_loop3A_408 = tpu.vector_load %arg10[%parallel_loop3A_406, %parallel_loop3A_407] {strides = array<i32>} : memref<224x128xf32, #tpu.memory_space<vmem>>, vector<16xf32>,
          %parallel_loop3A_409 = arith.mulf %parallel_loop3A_408, %get3A_109 : vector<16xf32>
          %parallel_loop3A_410 = arith.index_cast %parallel_loop3A_385 : i32 to index
          %parallel_loop3A_411 = arith.constant 96 : index
          %parallel_loop3A_412 = tpu.vector_load %arg10[%parallel_loop3A_410, %parallel_loop3A_411] {strides = array<i32>} : memref<224x128xf32, #tpu.memory_space<vmem>>, vector<16xf32>,
          %parallel_loop3A_413 = arith.mulf %parallel_loop3A_412, %get3A_112 : vector<16xf32>
          %parallel_loop3A_414 = arith.index_cast %parallel_loop3A_385 : i32 to index
          %parallel_loop3A_415 = arith.constant 112 : index
          %parallel_loop3A_416 = tpu.vector_load %arg10[%parallel_loop3A_414, %parallel_loop3A_415] {strides = array<i32>} : memref<224x128xf32, #tpu.memory_space<vmem>>, vector<16xf32>,
          %parallel_loop3A_417 = arith.mulf %parallel_loop3A_416, %get3A_115 : vector<16xf32>
          %parallel_loop3A_418 = arith.addf %parallel_loop3A_389, %parallel_loop3A_393 : vector<16xf32>
          %parallel_loop3A_419 = arith.addf %parallel_loop3A_397, %parallel_loop3A_401 : vector<16xf32>
          %parallel_loop3A_420 = arith.addf %parallel_loop3A_405, %parallel_loop3A_409 : vector<16xf32>
          %parallel_loop3A_421 = arith.addf %parallel_loop3A_413, %parallel_loop3A_417 : vector<16xf32>
          %parallel_loop3A_422 = arith.addf %parallel_loop3A_418, %parallel_loop3A_419 : vector<16xf32>
          %parallel_loop3A_423 = arith.addf %parallel_loop3A_420, %parallel_loop3A_421 : vector<16xf32>
          %parallel_loop3A_424 = arith.addf %parallel_loop3A_422, %parallel_loop3A_423 : vector<16xf32>
          %parallel_loop3A_425 = arith.constant 4 : i32
          %parallel_loop3A_426 = vector.broadcast %parallel_loop3A_425 : i32 to vector<16xi32>
          %parallel_loop3A_427 = arith.cmpi eq, %iota3A, %parallel_loop3A_426 : vector<16xi32>
          %parallel_loop3A_428 = arith.constant true
          %parallel_loop3A_429 = vector.broadcast %parallel_loop3A_428 : i1 to vector<16xi1>
          %parallel_loop3A_430 = tpu.scan <sum>, %parallel_loop3A_424 masked %parallel_loop3A_429 : vector<16xf32>, vector<16xi1> -> vector<16xf32>
          %parallel_loop3A_431 = vector.extract %parallel_loop3A_430[15] : f32 from vector<16xf32>
          %parallel_loop3A_432 = vector.broadcast %parallel_loop3A_431 : f32 to vector<16xf32>
          %parallel_loop3A_433 = arith.select %parallel_loop3A_427, %parallel_loop3A_432, %parallel_loop3A_381 : vector<16xi1>, vector<16xf32>
          %parallel_loop3A_434 = arith.constant 16 : i32
          %parallel_loop3A_435 = arith.muli %parallel_loop3A_171, %parallel_loop3A_434 : i32
          %parallel_loop3A_436 = arith.constant 5 : i32
          %parallel_loop3A_437 = arith.addi %parallel_loop3A_435, %parallel_loop3A_436 : i32
          %parallel_loop3A_438 = arith.index_cast %parallel_loop3A_437 : i32 to index
          %parallel_loop3A_439 = arith.constant 0 : index
          %parallel_loop3A_440 = tpu.vector_load %arg10[%parallel_loop3A_438, %parallel_loop3A_439] {strides = array<i32>} : memref<224x128xf32, #tpu.memory_space<vmem>>, vector<16xf32>,
          %parallel_loop3A_441 = arith.mulf %parallel_loop3A_440, %get3A_94 : vector<16xf32>
          %parallel_loop3A_442 = arith.index_cast %parallel_loop3A_437 : i32 to index
          %parallel_loop3A_443 = arith.constant 16 : index
          %parallel_loop3A_444 = tpu.vector_load %arg10[%parallel_loop3A_442, %parallel_loop3A_443] {strides = array<i32>} : memref<224x128xf32, #tpu.memory_space<vmem>>, vector<16xf32>,
          %parallel_loop3A_445 = arith.mulf %parallel_loop3A_444, %get3A_97 : vector<16xf32>
          %parallel_loop3A_446 = arith.index_cast %parallel_loop3A_437 : i32 to index
          %parallel_loop3A_447 = arith.constant 32 : index
          %parallel_loop3A_448 = tpu.vector_load %arg10[%parallel_loop3A_446, %parallel_loop3A_447] {strides = array<i32>} : memref<224x128xf32, #tpu.memory_space<vmem>>, vector<16xf32>,
          %parallel_loop3A_449 = arith.mulf %parallel_loop3A_448, %get3A_100 : vector<16xf32>
          %parallel_loop3A_450 = arith.index_cast %parallel_loop3A_437 : i32 to index
          %parallel_loop3A_451 = arith.constant 48 : index
          %parallel_loop3A_452 = tpu.vector_load %arg10[%parallel_loop3A_450, %parallel_loop3A_451] {strides = array<i32>} : memref<224x128xf32, #tpu.memory_space<vmem>>, vector<16xf32>,
          %parallel_loop3A_453 = arith.mulf %parallel_loop3A_452, %get3A_103 : vector<16xf32>
          %parallel_loop3A_454 = arith.index_cast %parallel_loop3A_437 : i32 to index
          %parallel_loop3A_455 = arith.constant 64 : index
          %parallel_loop3A_456 = tpu.vector_load %arg10[%parallel_loop3A_454, %parallel_loop3A_455] {strides = array<i32>} : memref<224x128xf32, #tpu.memory_space<vmem>>, vector<16xf32>,
          %parallel_loop3A_457 = arith.mulf %parallel_loop3A_456, %get3A_106 : vector<16xf32>
          %parallel_loop3A_458 = arith.index_cast %parallel_loop3A_437 : i32 to index
          %parallel_loop3A_459 = arith.constant 80 : index
          %parallel_loop3A_460 = tpu.vector_load %arg10[%parallel_loop3A_458, %parallel_loop3A_459] {strides = array<i32>} : memref<224x128xf32, #tpu.memory_space<vmem>>, vector<16xf32>,
          %parallel_loop3A_461 = arith.mulf %parallel_loop3A_460, %get3A_109 : vector<16xf32>
          %parallel_loop3A_462 = arith.index_cast %parallel_loop3A_437 : i32 to index
          %parallel_loop3A_463 = arith.constant 96 : index
          %parallel_loop3A_464 = tpu.vector_load %arg10[%parallel_loop3A_462, %parallel_loop3A_463] {strides = array<i32>} : memref<224x128xf32, #tpu.memory_space<vmem>>, vector<16xf32>,
          %parallel_loop3A_465 = arith.mulf %parallel_loop3A_464, %get3A_112 : vector<16xf32>
          %parallel_loop3A_466 = arith.index_cast %parallel_loop3A_437 : i32 to index
          %parallel_loop3A_467 = arith.constant 112 : index
          %parallel_loop3A_468 = tpu.vector_load %arg10[%parallel_loop3A_466, %parallel_loop3A_467] {strides = array<i32>} : memref<224x128xf32, #tpu.memory_space<vmem>>, vector<16xf32>,
          %parallel_loop3A_469 = arith.mulf %parallel_loop3A_468, %get3A_115 : vector<16xf32>
          %parallel_loop3A_470 = arith.addf %parallel_loop3A_441, %parallel_loop3A_445 : vector<16xf32>
          %parallel_loop3A_471 = arith.addf %parallel_loop3A_449, %parallel_loop3A_453 : vector<16xf32>
          %parallel_loop3A_472 = arith.addf %parallel_loop3A_457, %parallel_loop3A_461 : vector<16xf32>
          %parallel_loop3A_473 = arith.addf %parallel_loop3A_465, %parallel_loop3A_469 : vector<16xf32>
          %parallel_loop3A_474 = arith.addf %parallel_loop3A_470, %parallel_loop3A_471 : vector<16xf32>
          %parallel_loop3A_475 = arith.addf %parallel_loop3A_472, %parallel_loop3A_473 : vector<16xf32>
          %parallel_loop3A_476 = arith.addf %parallel_loop3A_474, %parallel_loop3A_475 : vector<16xf32>
          %parallel_loop3A_477 = arith.constant 5 : i32
          %parallel_loop3A_478 = vector.broadcast %parallel_loop3A_477 : i32 to vector<16xi32>
          %parallel_loop3A_479 = arith.cmpi eq, %iota3A, %parallel_loop3A_478 : vector<16xi32>
          %parallel_loop3A_480 = arith.constant true
          %parallel_loop3A_481 = vector.broadcast %parallel_loop3A_480 : i1 to vector<16xi1>
          %parallel_loop3A_482 = tpu.scan <sum>, %parallel_loop3A_476 masked %parallel_loop3A_481 : vector<16xf32>, vector<16xi1> -> vector<16xf32>
          %parallel_loop3A_483 = vector.extract %parallel_loop3A_482[15] : f32 from vector<16xf32>
          %parallel_loop3A_484 = vector.broadcast %parallel_loop3A_483 : f32 to vector<16xf32>
          %parallel_loop3A_485 = arith.select %parallel_loop3A_479, %parallel_loop3A_484, %parallel_loop3A_433 : vector<16xi1>, vector<16xf32>
          %parallel_loop3A_486 = arith.constant 16 : i32
          %parallel_loop3A_487 = arith.muli %parallel_loop3A_171, %parallel_loop3A_486 : i32
          %parallel_loop3A_488 = arith.constant 6 : i32
          %parallel_loop3A_489 = arith.addi %parallel_loop3A_487, %parallel_loop3A_488 : i32
          %parallel_loop3A_490 = arith.index_cast %parallel_loop3A_489 : i32 to index
          %parallel_loop3A_491 = arith.constant 0 : index
          %parallel_loop3A_492 = tpu.vector_load %arg10[%parallel_loop3A_490, %parallel_loop3A_491] {strides = array<i32>} : memref<224x128xf32, #tpu.memory_space<vmem>>, vector<16xf32>,
          %parallel_loop3A_493 = arith.mulf %parallel_loop3A_492, %get3A_94 : vector<16xf32>
          %parallel_loop3A_494 = arith.index_cast %parallel_loop3A_489 : i32 to index
          %parallel_loop3A_495 = arith.constant 16 : index
          %parallel_loop3A_496 = tpu.vector_load %arg10[%parallel_loop3A_494, %parallel_loop3A_495] {strides = array<i32>} : memref<224x128xf32, #tpu.memory_space<vmem>>, vector<16xf32>,
          %parallel_loop3A_497 = arith.mulf %parallel_loop3A_496, %get3A_97 : vector<16xf32>
          %parallel_loop3A_498 = arith.index_cast %parallel_loop3A_489 : i32 to index
          %parallel_loop3A_499 = arith.constant 32 : index
          %parallel_loop3A_500 = tpu.vector_load %arg10[%parallel_loop3A_498, %parallel_loop3A_499] {strides = array<i32>} : memref<224x128xf32, #tpu.memory_space<vmem>>, vector<16xf32>,
          %parallel_loop3A_501 = arith.mulf %parallel_loop3A_500, %get3A_100 : vector<16xf32>
          %parallel_loop3A_502 = arith.index_cast %parallel_loop3A_489 : i32 to index
          %parallel_loop3A_503 = arith.constant 48 : index
          %parallel_loop3A_504 = tpu.vector_load %arg10[%parallel_loop3A_502, %parallel_loop3A_503] {strides = array<i32>} : memref<224x128xf32, #tpu.memory_space<vmem>>, vector<16xf32>,
          %parallel_loop3A_505 = arith.mulf %parallel_loop3A_504, %get3A_103 : vector<16xf32>
          %parallel_loop3A_506 = arith.index_cast %parallel_loop3A_489 : i32 to index
          %parallel_loop3A_507 = arith.constant 64 : index
          %parallel_loop3A_508 = tpu.vector_load %arg10[%parallel_loop3A_506, %parallel_loop3A_507] {strides = array<i32>} : memref<224x128xf32, #tpu.memory_space<vmem>>, vector<16xf32>,
          %parallel_loop3A_509 = arith.mulf %parallel_loop3A_508, %get3A_106 : vector<16xf32>
          %parallel_loop3A_510 = arith.index_cast %parallel_loop3A_489 : i32 to index
          %parallel_loop3A_511 = arith.constant 80 : index
          %parallel_loop3A_512 = tpu.vector_load %arg10[%parallel_loop3A_510, %parallel_loop3A_511] {strides = array<i32>} : memref<224x128xf32, #tpu.memory_space<vmem>>, vector<16xf32>,
          %parallel_loop3A_513 = arith.mulf %parallel_loop3A_512, %get3A_109 : vector<16xf32>
          %parallel_loop3A_514 = arith.index_cast %parallel_loop3A_489 : i32 to index
          %parallel_loop3A_515 = arith.constant 96 : index
          %parallel_loop3A_516 = tpu.vector_load %arg10[%parallel_loop3A_514, %parallel_loop3A_515] {strides = array<i32>} : memref<224x128xf32, #tpu.memory_space<vmem>>, vector<16xf32>,
          %parallel_loop3A_517 = arith.mulf %parallel_loop3A_516, %get3A_112 : vector<16xf32>
          %parallel_loop3A_518 = arith.index_cast %parallel_loop3A_489 : i32 to index
          %parallel_loop3A_519 = arith.constant 112 : index
          %parallel_loop3A_520 = tpu.vector_load %arg10[%parallel_loop3A_518, %parallel_loop3A_519] {strides = array<i32>} : memref<224x128xf32, #tpu.memory_space<vmem>>, vector<16xf32>,
          %parallel_loop3A_521 = arith.mulf %parallel_loop3A_520, %get3A_115 : vector<16xf32>
          %parallel_loop3A_522 = arith.addf %parallel_loop3A_493, %parallel_loop3A_497 : vector<16xf32>
          %parallel_loop3A_523 = arith.addf %parallel_loop3A_501, %parallel_loop3A_505 : vector<16xf32>
          %parallel_loop3A_524 = arith.addf %parallel_loop3A_509, %parallel_loop3A_513 : vector<16xf32>
          %parallel_loop3A_525 = arith.addf %parallel_loop3A_517, %parallel_loop3A_521 : vector<16xf32>
          %parallel_loop3A_526 = arith.addf %parallel_loop3A_522, %parallel_loop3A_523 : vector<16xf32>
          %parallel_loop3A_527 = arith.addf %parallel_loop3A_524, %parallel_loop3A_525 : vector<16xf32>
          %parallel_loop3A_528 = arith.addf %parallel_loop3A_526, %parallel_loop3A_527 : vector<16xf32>
          %parallel_loop3A_529 = arith.constant 6 : i32
          %parallel_loop3A_530 = vector.broadcast %parallel_loop3A_529 : i32 to vector<16xi32>
          %parallel_loop3A_531 = arith.cmpi eq, %iota3A, %parallel_loop3A_530 : vector<16xi32>
          %parallel_loop3A_532 = arith.constant true
          %parallel_loop3A_533 = vector.broadcast %parallel_loop3A_532 : i1 to vector<16xi1>
          %parallel_loop3A_534 = tpu.scan <sum>, %parallel_loop3A_528 masked %parallel_loop3A_533 : vector<16xf32>, vector<16xi1> -> vector<16xf32>
          %parallel_loop3A_535 = vector.extract %parallel_loop3A_534[15] : f32 from vector<16xf32>
          %parallel_loop3A_536 = vector.broadcast %parallel_loop3A_535 : f32 to vector<16xf32>
          %parallel_loop3A_537 = arith.select %parallel_loop3A_531, %parallel_loop3A_536, %parallel_loop3A_485 : vector<16xi1>, vector<16xf32>
          %parallel_loop3A_538 = arith.constant 16 : i32
          %parallel_loop3A_539 = arith.muli %parallel_loop3A_171, %parallel_loop3A_538 : i32
          %parallel_loop3A_540 = arith.constant 7 : i32
          %parallel_loop3A_541 = arith.addi %parallel_loop3A_539, %parallel_loop3A_540 : i32
          %parallel_loop3A_542 = arith.index_cast %parallel_loop3A_541 : i32 to index
          %parallel_loop3A_543 = arith.constant 0 : index
          %parallel_loop3A_544 = tpu.vector_load %arg10[%parallel_loop3A_542, %parallel_loop3A_543] {strides = array<i32>} : memref<224x128xf32, #tpu.memory_space<vmem>>, vector<16xf32>,
          %parallel_loop3A_545 = arith.mulf %parallel_loop3A_544, %get3A_94 : vector<16xf32>
          %parallel_loop3A_546 = arith.index_cast %parallel_loop3A_541 : i32 to index
          %parallel_loop3A_547 = arith.constant 16 : index
          %parallel_loop3A_548 = tpu.vector_load %arg10[%parallel_loop3A_546, %parallel_loop3A_547] {strides = array<i32>} : memref<224x128xf32, #tpu.memory_space<vmem>>, vector<16xf32>,
          %parallel_loop3A_549 = arith.mulf %parallel_loop3A_548, %get3A_97 : vector<16xf32>
          %parallel_loop3A_550 = arith.index_cast %parallel_loop3A_541 : i32 to index
          %parallel_loop3A_551 = arith.constant 32 : index
          %parallel_loop3A_552 = tpu.vector_load %arg10[%parallel_loop3A_550, %parallel_loop3A_551] {strides = array<i32>} : memref<224x128xf32, #tpu.memory_space<vmem>>, vector<16xf32>,
          %parallel_loop3A_553 = arith.mulf %parallel_loop3A_552, %get3A_100 : vector<16xf32>
          %parallel_loop3A_554 = arith.index_cast %parallel_loop3A_541 : i32 to index
          %parallel_loop3A_555 = arith.constant 48 : index
          %parallel_loop3A_556 = tpu.vector_load %arg10[%parallel_loop3A_554, %parallel_loop3A_555] {strides = array<i32>} : memref<224x128xf32, #tpu.memory_space<vmem>>, vector<16xf32>,
          %parallel_loop3A_557 = arith.mulf %parallel_loop3A_556, %get3A_103 : vector<16xf32>
          %parallel_loop3A_558 = arith.index_cast %parallel_loop3A_541 : i32 to index
          %parallel_loop3A_559 = arith.constant 64 : index
          %parallel_loop3A_560 = tpu.vector_load %arg10[%parallel_loop3A_558, %parallel_loop3A_559] {strides = array<i32>} : memref<224x128xf32, #tpu.memory_space<vmem>>, vector<16xf32>,
          %parallel_loop3A_561 = arith.mulf %parallel_loop3A_560, %get3A_106 : vector<16xf32>
          %parallel_loop3A_562 = arith.index_cast %parallel_loop3A_541 : i32 to index
          %parallel_loop3A_563 = arith.constant 80 : index
          %parallel_loop3A_564 = tpu.vector_load %arg10[%parallel_loop3A_562, %parallel_loop3A_563] {strides = array<i32>} : memref<224x128xf32, #tpu.memory_space<vmem>>, vector<16xf32>,
          %parallel_loop3A_565 = arith.mulf %parallel_loop3A_564, %get3A_109 : vector<16xf32>
          %parallel_loop3A_566 = arith.index_cast %parallel_loop3A_541 : i32 to index
          %parallel_loop3A_567 = arith.constant 96 : index
          %parallel_loop3A_568 = tpu.vector_load %arg10[%parallel_loop3A_566, %parallel_loop3A_567] {strides = array<i32>} : memref<224x128xf32, #tpu.memory_space<vmem>>, vector<16xf32>,
          %parallel_loop3A_569 = arith.mulf %parallel_loop3A_568, %get3A_112 : vector<16xf32>
          %parallel_loop3A_570 = arith.index_cast %parallel_loop3A_541 : i32 to index
          %parallel_loop3A_571 = arith.constant 112 : index
          %parallel_loop3A_572 = tpu.vector_load %arg10[%parallel_loop3A_570, %parallel_loop3A_571] {strides = array<i32>} : memref<224x128xf32, #tpu.memory_space<vmem>>, vector<16xf32>,
          %parallel_loop3A_573 = arith.mulf %parallel_loop3A_572, %get3A_115 : vector<16xf32>
          %parallel_loop3A_574 = arith.addf %parallel_loop3A_545, %parallel_loop3A_549 : vector<16xf32>
          %parallel_loop3A_575 = arith.addf %parallel_loop3A_553, %parallel_loop3A_557 : vector<16xf32>
          %parallel_loop3A_576 = arith.addf %parallel_loop3A_561, %parallel_loop3A_565 : vector<16xf32>
          %parallel_loop3A_577 = arith.addf %parallel_loop3A_569, %parallel_loop3A_573 : vector<16xf32>
          %parallel_loop3A_578 = arith.addf %parallel_loop3A_574, %parallel_loop3A_575 : vector<16xf32>
          %parallel_loop3A_579 = arith.addf %parallel_loop3A_576, %parallel_loop3A_577 : vector<16xf32>
          %parallel_loop3A_580 = arith.addf %parallel_loop3A_578, %parallel_loop3A_579 : vector<16xf32>
          %parallel_loop3A_581 = arith.constant 7 : i32
          %parallel_loop3A_582 = vector.broadcast %parallel_loop3A_581 : i32 to vector<16xi32>
          %parallel_loop3A_583 = arith.cmpi eq, %iota3A, %parallel_loop3A_582 : vector<16xi32>
          %parallel_loop3A_584 = arith.constant true
          %parallel_loop3A_585 = vector.broadcast %parallel_loop3A_584 : i1 to vector<16xi1>
          %parallel_loop3A_586 = tpu.scan <sum>, %parallel_loop3A_580 masked %parallel_loop3A_585 : vector<16xf32>, vector<16xi1> -> vector<16xf32>
          %parallel_loop3A_587 = vector.extract %parallel_loop3A_586[15] : f32 from vector<16xf32>
          %parallel_loop3A_588 = vector.broadcast %parallel_loop3A_587 : f32 to vector<16xf32>
          %parallel_loop3A_589 = arith.select %parallel_loop3A_583, %parallel_loop3A_588, %parallel_loop3A_537 : vector<16xi1>, vector<16xf32>
          %parallel_loop3A_590 = arith.constant 16 : i32
          %parallel_loop3A_591 = arith.muli %parallel_loop3A_171, %parallel_loop3A_590 : i32
          %parallel_loop3A_592 = arith.constant 8 : i32
          %parallel_loop3A_593 = arith.addi %parallel_loop3A_591, %parallel_loop3A_592 : i32
          %parallel_loop3A_594 = arith.index_cast %parallel_loop3A_593 : i32 to index
          %parallel_loop3A_595 = arith.constant 0 : index
          %parallel_loop3A_596 = tpu.vector_load %arg10[%parallel_loop3A_594, %parallel_loop3A_595] {strides = array<i32>} : memref<224x128xf32, #tpu.memory_space<vmem>>, vector<16xf32>,
          %parallel_loop3A_597 = arith.mulf %parallel_loop3A_596, %get3A_94 : vector<16xf32>
          %parallel_loop3A_598 = arith.index_cast %parallel_loop3A_593 : i32 to index
          %parallel_loop3A_599 = arith.constant 16 : index
          %parallel_loop3A_600 = tpu.vector_load %arg10[%parallel_loop3A_598, %parallel_loop3A_599] {strides = array<i32>} : memref<224x128xf32, #tpu.memory_space<vmem>>, vector<16xf32>,
          %parallel_loop3A_601 = arith.mulf %parallel_loop3A_600, %get3A_97 : vector<16xf32>
          %parallel_loop3A_602 = arith.index_cast %parallel_loop3A_593 : i32 to index
          %parallel_loop3A_603 = arith.constant 32 : index
          %parallel_loop3A_604 = tpu.vector_load %arg10[%parallel_loop3A_602, %parallel_loop3A_603] {strides = array<i32>} : memref<224x128xf32, #tpu.memory_space<vmem>>, vector<16xf32>,
          %parallel_loop3A_605 = arith.mulf %parallel_loop3A_604, %get3A_100 : vector<16xf32>
          %parallel_loop3A_606 = arith.index_cast %parallel_loop3A_593 : i32 to index
          %parallel_loop3A_607 = arith.constant 48 : index
          %parallel_loop3A_608 = tpu.vector_load %arg10[%parallel_loop3A_606, %parallel_loop3A_607] {strides = array<i32>} : memref<224x128xf32, #tpu.memory_space<vmem>>, vector<16xf32>,
          %parallel_loop3A_609 = arith.mulf %parallel_loop3A_608, %get3A_103 : vector<16xf32>
          %parallel_loop3A_610 = arith.index_cast %parallel_loop3A_593 : i32 to index
          %parallel_loop3A_611 = arith.constant 64 : index
          %parallel_loop3A_612 = tpu.vector_load %arg10[%parallel_loop3A_610, %parallel_loop3A_611] {strides = array<i32>} : memref<224x128xf32, #tpu.memory_space<vmem>>, vector<16xf32>,
          %parallel_loop3A_613 = arith.mulf %parallel_loop3A_612, %get3A_106 : vector<16xf32>
          %parallel_loop3A_614 = arith.index_cast %parallel_loop3A_593 : i32 to index
          %parallel_loop3A_615 = arith.constant 80 : index
          %parallel_loop3A_616 = tpu.vector_load %arg10[%parallel_loop3A_614, %parallel_loop3A_615] {strides = array<i32>} : memref<224x128xf32, #tpu.memory_space<vmem>>, vector<16xf32>,
          %parallel_loop3A_617 = arith.mulf %parallel_loop3A_616, %get3A_109 : vector<16xf32>
          %parallel_loop3A_618 = arith.index_cast %parallel_loop3A_593 : i32 to index
          %parallel_loop3A_619 = arith.constant 96 : index
          %parallel_loop3A_620 = tpu.vector_load %arg10[%parallel_loop3A_618, %parallel_loop3A_619] {strides = array<i32>} : memref<224x128xf32, #tpu.memory_space<vmem>>, vector<16xf32>,
          %parallel_loop3A_621 = arith.mulf %parallel_loop3A_620, %get3A_112 : vector<16xf32>
          %parallel_loop3A_622 = arith.index_cast %parallel_loop3A_593 : i32 to index
          %parallel_loop3A_623 = arith.constant 112 : index
          %parallel_loop3A_624 = tpu.vector_load %arg10[%parallel_loop3A_622, %parallel_loop3A_623] {strides = array<i32>} : memref<224x128xf32, #tpu.memory_space<vmem>>, vector<16xf32>,
          %parallel_loop3A_625 = arith.mulf %parallel_loop3A_624, %get3A_115 : vector<16xf32>
          %parallel_loop3A_626 = arith.addf %parallel_loop3A_597, %parallel_loop3A_601 : vector<16xf32>
          %parallel_loop3A_627 = arith.addf %parallel_loop3A_605, %parallel_loop3A_609 : vector<16xf32>
          %parallel_loop3A_628 = arith.addf %parallel_loop3A_613, %parallel_loop3A_617 : vector<16xf32>
          %parallel_loop3A_629 = arith.addf %parallel_loop3A_621, %parallel_loop3A_625 : vector<16xf32>
          %parallel_loop3A_630 = arith.addf %parallel_loop3A_626, %parallel_loop3A_627 : vector<16xf32>
          %parallel_loop3A_631 = arith.addf %parallel_loop3A_628, %parallel_loop3A_629 : vector<16xf32>
          %parallel_loop3A_632 = arith.addf %parallel_loop3A_630, %parallel_loop3A_631 : vector<16xf32>
          %parallel_loop3A_633 = arith.constant 8 : i32
          %parallel_loop3A_634 = vector.broadcast %parallel_loop3A_633 : i32 to vector<16xi32>
          %parallel_loop3A_635 = arith.cmpi eq, %iota3A, %parallel_loop3A_634 : vector<16xi32>
          %parallel_loop3A_636 = arith.constant true
          %parallel_loop3A_637 = vector.broadcast %parallel_loop3A_636 : i1 to vector<16xi1>
          %parallel_loop3A_638 = tpu.scan <sum>, %parallel_loop3A_632 masked %parallel_loop3A_637 : vector<16xf32>, vector<16xi1> -> vector<16xf32>
          %parallel_loop3A_639 = vector.extract %parallel_loop3A_638[15] : f32 from vector<16xf32>
          %parallel_loop3A_640 = vector.broadcast %parallel_loop3A_639 : f32 to vector<16xf32>
          %parallel_loop3A_641 = arith.select %parallel_loop3A_635, %parallel_loop3A_640, %parallel_loop3A_589 : vector<16xi1>, vector<16xf32>
          %parallel_loop3A_642 = arith.constant 16 : i32
          %parallel_loop3A_643 = arith.muli %parallel_loop3A_171, %parallel_loop3A_642 : i32
          %parallel_loop3A_644 = arith.constant 9 : i32
          %parallel_loop3A_645 = arith.addi %parallel_loop3A_643, %parallel_loop3A_644 : i32
          %parallel_loop3A_646 = arith.index_cast %parallel_loop3A_645 : i32 to index
          %parallel_loop3A_647 = arith.constant 0 : index
          %parallel_loop3A_648 = tpu.vector_load %arg10[%parallel_loop3A_646, %parallel_loop3A_647] {strides = array<i32>} : memref<224x128xf32, #tpu.memory_space<vmem>>, vector<16xf32>,
          %parallel_loop3A_649 = arith.mulf %parallel_loop3A_648, %get3A_94 : vector<16xf32>
          %parallel_loop3A_650 = arith.index_cast %parallel_loop3A_645 : i32 to index
          %parallel_loop3A_651 = arith.constant 16 : index
          %parallel_loop3A_652 = tpu.vector_load %arg10[%parallel_loop3A_650, %parallel_loop3A_651] {strides = array<i32>} : memref<224x128xf32, #tpu.memory_space<vmem>>, vector<16xf32>,
          %parallel_loop3A_653 = arith.mulf %parallel_loop3A_652, %get3A_97 : vector<16xf32>
          %parallel_loop3A_654 = arith.index_cast %parallel_loop3A_645 : i32 to index
          %parallel_loop3A_655 = arith.constant 32 : index
          %parallel_loop3A_656 = tpu.vector_load %arg10[%parallel_loop3A_654, %parallel_loop3A_655] {strides = array<i32>} : memref<224x128xf32, #tpu.memory_space<vmem>>, vector<16xf32>,
          %parallel_loop3A_657 = arith.mulf %parallel_loop3A_656, %get3A_100 : vector<16xf32>
          %parallel_loop3A_658 = arith.index_cast %parallel_loop3A_645 : i32 to index
          %parallel_loop3A_659 = arith.constant 48 : index
          %parallel_loop3A_660 = tpu.vector_load %arg10[%parallel_loop3A_658, %parallel_loop3A_659] {strides = array<i32>} : memref<224x128xf32, #tpu.memory_space<vmem>>, vector<16xf32>,
          %parallel_loop3A_661 = arith.mulf %parallel_loop3A_660, %get3A_103 : vector<16xf32>
          %parallel_loop3A_662 = arith.index_cast %parallel_loop3A_645 : i32 to index
          %parallel_loop3A_663 = arith.constant 64 : index
          %parallel_loop3A_664 = tpu.vector_load %arg10[%parallel_loop3A_662, %parallel_loop3A_663] {strides = array<i32>} : memref<224x128xf32, #tpu.memory_space<vmem>>, vector<16xf32>,
          %parallel_loop3A_665 = arith.mulf %parallel_loop3A_664, %get3A_106 : vector<16xf32>
          %parallel_loop3A_666 = arith.index_cast %parallel_loop3A_645 : i32 to index
          %parallel_loop3A_667 = arith.constant 80 : index
          %parallel_loop3A_668 = tpu.vector_load %arg10[%parallel_loop3A_666, %parallel_loop3A_667] {strides = array<i32>} : memref<224x128xf32, #tpu.memory_space<vmem>>, vector<16xf32>,
          %parallel_loop3A_669 = arith.mulf %parallel_loop3A_668, %get3A_109 : vector<16xf32>
          %parallel_loop3A_670 = arith.index_cast %parallel_loop3A_645 : i32 to index
          %parallel_loop3A_671 = arith.constant 96 : index
          %parallel_loop3A_672 = tpu.vector_load %arg10[%parallel_loop3A_670, %parallel_loop3A_671] {strides = array<i32>} : memref<224x128xf32, #tpu.memory_space<vmem>>, vector<16xf32>,
          %parallel_loop3A_673 = arith.mulf %parallel_loop3A_672, %get3A_112 : vector<16xf32>
          %parallel_loop3A_674 = arith.index_cast %parallel_loop3A_645 : i32 to index
          %parallel_loop3A_675 = arith.constant 112 : index
          %parallel_loop3A_676 = tpu.vector_load %arg10[%parallel_loop3A_674, %parallel_loop3A_675] {strides = array<i32>} : memref<224x128xf32, #tpu.memory_space<vmem>>, vector<16xf32>,
          %parallel_loop3A_677 = arith.mulf %parallel_loop3A_676, %get3A_115 : vector<16xf32>
          %parallel_loop3A_678 = arith.addf %parallel_loop3A_649, %parallel_loop3A_653 : vector<16xf32>
          %parallel_loop3A_679 = arith.addf %parallel_loop3A_657, %parallel_loop3A_661 : vector<16xf32>
          %parallel_loop3A_680 = arith.addf %parallel_loop3A_665, %parallel_loop3A_669 : vector<16xf32>
          %parallel_loop3A_681 = arith.addf %parallel_loop3A_673, %parallel_loop3A_677 : vector<16xf32>
          %parallel_loop3A_682 = arith.addf %parallel_loop3A_678, %parallel_loop3A_679 : vector<16xf32>
          %parallel_loop3A_683 = arith.addf %parallel_loop3A_680, %parallel_loop3A_681 : vector<16xf32>
          %parallel_loop3A_684 = arith.addf %parallel_loop3A_682, %parallel_loop3A_683 : vector<16xf32>
          %parallel_loop3A_685 = arith.constant 9 : i32
          %parallel_loop3A_686 = vector.broadcast %parallel_loop3A_685 : i32 to vector<16xi32>
          %parallel_loop3A_687 = arith.cmpi eq, %iota3A, %parallel_loop3A_686 : vector<16xi32>
          %parallel_loop3A_688 = arith.constant true
          %parallel_loop3A_689 = vector.broadcast %parallel_loop3A_688 : i1 to vector<16xi1>
          %parallel_loop3A_690 = tpu.scan <sum>, %parallel_loop3A_684 masked %parallel_loop3A_689 : vector<16xf32>, vector<16xi1> -> vector<16xf32>
          %parallel_loop3A_691 = vector.extract %parallel_loop3A_690[15] : f32 from vector<16xf32>
          %parallel_loop3A_692 = vector.broadcast %parallel_loop3A_691 : f32 to vector<16xf32>
          %parallel_loop3A_693 = arith.select %parallel_loop3A_687, %parallel_loop3A_692, %parallel_loop3A_641 : vector<16xi1>, vector<16xf32>
          %parallel_loop3A_694 = arith.constant 16 : i32
          %parallel_loop3A_695 = arith.muli %parallel_loop3A_171, %parallel_loop3A_694 : i32
          %parallel_loop3A_696 = arith.constant 10 : i32
          %parallel_loop3A_697 = arith.addi %parallel_loop3A_695, %parallel_loop3A_696 : i32
          %parallel_loop3A_698 = arith.index_cast %parallel_loop3A_697 : i32 to index
          %parallel_loop3A_699 = arith.constant 0 : index
          %parallel_loop3A_700 = tpu.vector_load %arg10[%parallel_loop3A_698, %parallel_loop3A_699] {strides = array<i32>} : memref<224x128xf32, #tpu.memory_space<vmem>>, vector<16xf32>,
          %parallel_loop3A_701 = arith.mulf %parallel_loop3A_700, %get3A_94 : vector<16xf32>
          %parallel_loop3A_702 = arith.index_cast %parallel_loop3A_697 : i32 to index
          %parallel_loop3A_703 = arith.constant 16 : index
          %parallel_loop3A_704 = tpu.vector_load %arg10[%parallel_loop3A_702, %parallel_loop3A_703] {strides = array<i32>} : memref<224x128xf32, #tpu.memory_space<vmem>>, vector<16xf32>,
          %parallel_loop3A_705 = arith.mulf %parallel_loop3A_704, %get3A_97 : vector<16xf32>
          %parallel_loop3A_706 = arith.index_cast %parallel_loop3A_697 : i32 to index
          %parallel_loop3A_707 = arith.constant 32 : index
          %parallel_loop3A_708 = tpu.vector_load %arg10[%parallel_loop3A_706, %parallel_loop3A_707] {strides = array<i32>} : memref<224x128xf32, #tpu.memory_space<vmem>>, vector<16xf32>,
          %parallel_loop3A_709 = arith.mulf %parallel_loop3A_708, %get3A_100 : vector<16xf32>
          %parallel_loop3A_710 = arith.index_cast %parallel_loop3A_697 : i32 to index
          %parallel_loop3A_711 = arith.constant 48 : index
          %parallel_loop3A_712 = tpu.vector_load %arg10[%parallel_loop3A_710, %parallel_loop3A_711] {strides = array<i32>} : memref<224x128xf32, #tpu.memory_space<vmem>>, vector<16xf32>,
          %parallel_loop3A_713 = arith.mulf %parallel_loop3A_712, %get3A_103 : vector<16xf32>
          %parallel_loop3A_714 = arith.index_cast %parallel_loop3A_697 : i32 to index
          %parallel_loop3A_715 = arith.constant 64 : index
          %parallel_loop3A_716 = tpu.vector_load %arg10[%parallel_loop3A_714, %parallel_loop3A_715] {strides = array<i32>} : memref<224x128xf32, #tpu.memory_space<vmem>>, vector<16xf32>,
          %parallel_loop3A_717 = arith.mulf %parallel_loop3A_716, %get3A_106 : vector<16xf32>
          %parallel_loop3A_718 = arith.index_cast %parallel_loop3A_697 : i32 to index
          %parallel_loop3A_719 = arith.constant 80 : index
          %parallel_loop3A_720 = tpu.vector_load %arg10[%parallel_loop3A_718, %parallel_loop3A_719] {strides = array<i32>} : memref<224x128xf32, #tpu.memory_space<vmem>>, vector<16xf32>,
          %parallel_loop3A_721 = arith.mulf %parallel_loop3A_720, %get3A_109 : vector<16xf32>
          %parallel_loop3A_722 = arith.index_cast %parallel_loop3A_697 : i32 to index
          %parallel_loop3A_723 = arith.constant 96 : index
          %parallel_loop3A_724 = tpu.vector_load %arg10[%parallel_loop3A_722, %parallel_loop3A_723] {strides = array<i32>} : memref<224x128xf32, #tpu.memory_space<vmem>>, vector<16xf32>,
          %parallel_loop3A_725 = arith.mulf %parallel_loop3A_724, %get3A_112 : vector<16xf32>
          %parallel_loop3A_726 = arith.index_cast %parallel_loop3A_697 : i32 to index
          %parallel_loop3A_727 = arith.constant 112 : index
          %parallel_loop3A_728 = tpu.vector_load %arg10[%parallel_loop3A_726, %parallel_loop3A_727] {strides = array<i32>} : memref<224x128xf32, #tpu.memory_space<vmem>>, vector<16xf32>,
          %parallel_loop3A_729 = arith.mulf %parallel_loop3A_728, %get3A_115 : vector<16xf32>
          %parallel_loop3A_730 = arith.addf %parallel_loop3A_701, %parallel_loop3A_705 : vector<16xf32>
          %parallel_loop3A_731 = arith.addf %parallel_loop3A_709, %parallel_loop3A_713 : vector<16xf32>
          %parallel_loop3A_732 = arith.addf %parallel_loop3A_717, %parallel_loop3A_721 : vector<16xf32>
          %parallel_loop3A_733 = arith.addf %parallel_loop3A_725, %parallel_loop3A_729 : vector<16xf32>
          %parallel_loop3A_734 = arith.addf %parallel_loop3A_730, %parallel_loop3A_731 : vector<16xf32>
          %parallel_loop3A_735 = arith.addf %parallel_loop3A_732, %parallel_loop3A_733 : vector<16xf32>
          %parallel_loop3A_736 = arith.addf %parallel_loop3A_734, %parallel_loop3A_735 : vector<16xf32>
          %parallel_loop3A_737 = arith.constant 10 : i32
          %parallel_loop3A_738 = vector.broadcast %parallel_loop3A_737 : i32 to vector<16xi32>
          %parallel_loop3A_739 = arith.cmpi eq, %iota3A, %parallel_loop3A_738 : vector<16xi32>
          %parallel_loop3A_740 = arith.constant true
          %parallel_loop3A_741 = vector.broadcast %parallel_loop3A_740 : i1 to vector<16xi1>
          %parallel_loop3A_742 = tpu.scan <sum>, %parallel_loop3A_736 masked %parallel_loop3A_741 : vector<16xf32>, vector<16xi1> -> vector<16xf32>
          %parallel_loop3A_743 = vector.extract %parallel_loop3A_742[15] : f32 from vector<16xf32>
          %parallel_loop3A_744 = vector.broadcast %parallel_loop3A_743 : f32 to vector<16xf32>
          %parallel_loop3A_745 = arith.select %parallel_loop3A_739, %parallel_loop3A_744, %parallel_loop3A_693 : vector<16xi1>, vector<16xf32>
          %parallel_loop3A_746 = arith.constant 16 : i32
          %parallel_loop3A_747 = arith.muli %parallel_loop3A_171, %parallel_loop3A_746 : i32
          %parallel_loop3A_748 = arith.constant 11 : i32
          %parallel_loop3A_749 = arith.addi %parallel_loop3A_747, %parallel_loop3A_748 : i32
          %parallel_loop3A_750 = arith.index_cast %parallel_loop3A_749 : i32 to index
          %parallel_loop3A_751 = arith.constant 0 : index
          %parallel_loop3A_752 = tpu.vector_load %arg10[%parallel_loop3A_750, %parallel_loop3A_751] {strides = array<i32>} : memref<224x128xf32, #tpu.memory_space<vmem>>, vector<16xf32>,
          %parallel_loop3A_753 = arith.mulf %parallel_loop3A_752, %get3A_94 : vector<16xf32>
          %parallel_loop3A_754 = arith.index_cast %parallel_loop3A_749 : i32 to index
          %parallel_loop3A_755 = arith.constant 16 : index
          %parallel_loop3A_756 = tpu.vector_load %arg10[%parallel_loop3A_754, %parallel_loop3A_755] {strides = array<i32>} : memref<224x128xf32, #tpu.memory_space<vmem>>, vector<16xf32>,
          %parallel_loop3A_757 = arith.mulf %parallel_loop3A_756, %get3A_97 : vector<16xf32>
          %parallel_loop3A_758 = arith.index_cast %parallel_loop3A_749 : i32 to index
          %parallel_loop3A_759 = arith.constant 32 : index
          %parallel_loop3A_760 = tpu.vector_load %arg10[%parallel_loop3A_758, %parallel_loop3A_759] {strides = array<i32>} : memref<224x128xf32, #tpu.memory_space<vmem>>, vector<16xf32>,
          %parallel_loop3A_761 = arith.mulf %parallel_loop3A_760, %get3A_100 : vector<16xf32>
          %parallel_loop3A_762 = arith.index_cast %parallel_loop3A_749 : i32 to index
          %parallel_loop3A_763 = arith.constant 48 : index
          %parallel_loop3A_764 = tpu.vector_load %arg10[%parallel_loop3A_762, %parallel_loop3A_763] {strides = array<i32>} : memref<224x128xf32, #tpu.memory_space<vmem>>, vector<16xf32>,
          %parallel_loop3A_765 = arith.mulf %parallel_loop3A_764, %get3A_103 : vector<16xf32>
          %parallel_loop3A_766 = arith.index_cast %parallel_loop3A_749 : i32 to index
          %parallel_loop3A_767 = arith.constant 64 : index
          %parallel_loop3A_768 = tpu.vector_load %arg10[%parallel_loop3A_766, %parallel_loop3A_767] {strides = array<i32>} : memref<224x128xf32, #tpu.memory_space<vmem>>, vector<16xf32>,
          %parallel_loop3A_769 = arith.mulf %parallel_loop3A_768, %get3A_106 : vector<16xf32>
          %parallel_loop3A_770 = arith.index_cast %parallel_loop3A_749 : i32 to index
          %parallel_loop3A_771 = arith.constant 80 : index
          %parallel_loop3A_772 = tpu.vector_load %arg10[%parallel_loop3A_770, %parallel_loop3A_771] {strides = array<i32>} : memref<224x128xf32, #tpu.memory_space<vmem>>, vector<16xf32>,
          %parallel_loop3A_773 = arith.mulf %parallel_loop3A_772, %get3A_109 : vector<16xf32>
          %parallel_loop3A_774 = arith.index_cast %parallel_loop3A_749 : i32 to index
          %parallel_loop3A_775 = arith.constant 96 : index
          %parallel_loop3A_776 = tpu.vector_load %arg10[%parallel_loop3A_774, %parallel_loop3A_775] {strides = array<i32>} : memref<224x128xf32, #tpu.memory_space<vmem>>, vector<16xf32>,
          %parallel_loop3A_777 = arith.mulf %parallel_loop3A_776, %get3A_112 : vector<16xf32>
          %parallel_loop3A_778 = arith.index_cast %parallel_loop3A_749 : i32 to index
          %parallel_loop3A_779 = arith.constant 112 : index
          %parallel_loop3A_780 = tpu.vector_load %arg10[%parallel_loop3A_778, %parallel_loop3A_779] {strides = array<i32>} : memref<224x128xf32, #tpu.memory_space<vmem>>, vector<16xf32>,
          %parallel_loop3A_781 = arith.mulf %parallel_loop3A_780, %get3A_115 : vector<16xf32>
          %parallel_loop3A_782 = arith.addf %parallel_loop3A_753, %parallel_loop3A_757 : vector<16xf32>
          %parallel_loop3A_783 = arith.addf %parallel_loop3A_761, %parallel_loop3A_765 : vector<16xf32>
          %parallel_loop3A_784 = arith.addf %parallel_loop3A_769, %parallel_loop3A_773 : vector<16xf32>
          %parallel_loop3A_785 = arith.addf %parallel_loop3A_777, %parallel_loop3A_781 : vector<16xf32>
          %parallel_loop3A_786 = arith.addf %parallel_loop3A_782, %parallel_loop3A_783 : vector<16xf32>
          %parallel_loop3A_787 = arith.addf %parallel_loop3A_784, %parallel_loop3A_785 : vector<16xf32>
          %parallel_loop3A_788 = arith.addf %parallel_loop3A_786, %parallel_loop3A_787 : vector<16xf32>
          %parallel_loop3A_789 = arith.constant 11 : i32
          %parallel_loop3A_790 = vector.broadcast %parallel_loop3A_789 : i32 to vector<16xi32>
          %parallel_loop3A_791 = arith.cmpi eq, %iota3A, %parallel_loop3A_790 : vector<16xi32>
          %parallel_loop3A_792 = arith.constant true
          %parallel_loop3A_793 = vector.broadcast %parallel_loop3A_792 : i1 to vector<16xi1>
          %parallel_loop3A_794 = tpu.scan <sum>, %parallel_loop3A_788 masked %parallel_loop3A_793 : vector<16xf32>, vector<16xi1> -> vector<16xf32>
          %parallel_loop3A_795 = vector.extract %parallel_loop3A_794[15] : f32 from vector<16xf32>
          %parallel_loop3A_796 = vector.broadcast %parallel_loop3A_795 : f32 to vector<16xf32>
          %parallel_loop3A_797 = arith.select %parallel_loop3A_791, %parallel_loop3A_796, %parallel_loop3A_745 : vector<16xi1>, vector<16xf32>
          %parallel_loop3A_798 = arith.constant 16 : i32
          %parallel_loop3A_799 = arith.muli %parallel_loop3A_171, %parallel_loop3A_798 : i32
          %parallel_loop3A_800 = arith.constant 12 : i32
          %parallel_loop3A_801 = arith.addi %parallel_loop3A_799, %parallel_loop3A_800 : i32
          %parallel_loop3A_802 = arith.index_cast %parallel_loop3A_801 : i32 to index
          %parallel_loop3A_803 = arith.constant 0 : index
          %parallel_loop3A_804 = tpu.vector_load %arg10[%parallel_loop3A_802, %parallel_loop3A_803] {strides = array<i32>} : memref<224x128xf32, #tpu.memory_space<vmem>>, vector<16xf32>,
          %parallel_loop3A_805 = arith.mulf %parallel_loop3A_804, %get3A_94 : vector<16xf32>
          %parallel_loop3A_806 = arith.index_cast %parallel_loop3A_801 : i32 to index
          %parallel_loop3A_807 = arith.constant 16 : index
          %parallel_loop3A_808 = tpu.vector_load %arg10[%parallel_loop3A_806, %parallel_loop3A_807] {strides = array<i32>} : memref<224x128xf32, #tpu.memory_space<vmem>>, vector<16xf32>,
          %parallel_loop3A_809 = arith.mulf %parallel_loop3A_808, %get3A_97 : vector<16xf32>
          %parallel_loop3A_810 = arith.index_cast %parallel_loop3A_801 : i32 to index
          %parallel_loop3A_811 = arith.constant 32 : index
          %parallel_loop3A_812 = tpu.vector_load %arg10[%parallel_loop3A_810, %parallel_loop3A_811] {strides = array<i32>} : memref<224x128xf32, #tpu.memory_space<vmem>>, vector<16xf32>,
          %parallel_loop3A_813 = arith.mulf %parallel_loop3A_812, %get3A_100 : vector<16xf32>
          %parallel_loop3A_814 = arith.index_cast %parallel_loop3A_801 : i32 to index
          %parallel_loop3A_815 = arith.constant 48 : index
          %parallel_loop3A_816 = tpu.vector_load %arg10[%parallel_loop3A_814, %parallel_loop3A_815] {strides = array<i32>} : memref<224x128xf32, #tpu.memory_space<vmem>>, vector<16xf32>,
          %parallel_loop3A_817 = arith.mulf %parallel_loop3A_816, %get3A_103 : vector<16xf32>
          %parallel_loop3A_818 = arith.index_cast %parallel_loop3A_801 : i32 to index
          %parallel_loop3A_819 = arith.constant 64 : index
          %parallel_loop3A_820 = tpu.vector_load %arg10[%parallel_loop3A_818, %parallel_loop3A_819] {strides = array<i32>} : memref<224x128xf32, #tpu.memory_space<vmem>>, vector<16xf32>,
          %parallel_loop3A_821 = arith.mulf %parallel_loop3A_820, %get3A_106 : vector<16xf32>
          %parallel_loop3A_822 = arith.index_cast %parallel_loop3A_801 : i32 to index
          %parallel_loop3A_823 = arith.constant 80 : index
          %parallel_loop3A_824 = tpu.vector_load %arg10[%parallel_loop3A_822, %parallel_loop3A_823] {strides = array<i32>} : memref<224x128xf32, #tpu.memory_space<vmem>>, vector<16xf32>,
          %parallel_loop3A_825 = arith.mulf %parallel_loop3A_824, %get3A_109 : vector<16xf32>
          %parallel_loop3A_826 = arith.index_cast %parallel_loop3A_801 : i32 to index
          %parallel_loop3A_827 = arith.constant 96 : index
          %parallel_loop3A_828 = tpu.vector_load %arg10[%parallel_loop3A_826, %parallel_loop3A_827] {strides = array<i32>} : memref<224x128xf32, #tpu.memory_space<vmem>>, vector<16xf32>,
          %parallel_loop3A_829 = arith.mulf %parallel_loop3A_828, %get3A_112 : vector<16xf32>
          %parallel_loop3A_830 = arith.index_cast %parallel_loop3A_801 : i32 to index
          %parallel_loop3A_831 = arith.constant 112 : index
          %parallel_loop3A_832 = tpu.vector_load %arg10[%parallel_loop3A_830, %parallel_loop3A_831] {strides = array<i32>} : memref<224x128xf32, #tpu.memory_space<vmem>>, vector<16xf32>,
          %parallel_loop3A_833 = arith.mulf %parallel_loop3A_832, %get3A_115 : vector<16xf32>
          %parallel_loop3A_834 = arith.addf %parallel_loop3A_805, %parallel_loop3A_809 : vector<16xf32>
          %parallel_loop3A_835 = arith.addf %parallel_loop3A_813, %parallel_loop3A_817 : vector<16xf32>
          %parallel_loop3A_836 = arith.addf %parallel_loop3A_821, %parallel_loop3A_825 : vector<16xf32>
          %parallel_loop3A_837 = arith.addf %parallel_loop3A_829, %parallel_loop3A_833 : vector<16xf32>
          %parallel_loop3A_838 = arith.addf %parallel_loop3A_834, %parallel_loop3A_835 : vector<16xf32>
          %parallel_loop3A_839 = arith.addf %parallel_loop3A_836, %parallel_loop3A_837 : vector<16xf32>
          %parallel_loop3A_840 = arith.addf %parallel_loop3A_838, %parallel_loop3A_839 : vector<16xf32>
          %parallel_loop3A_841 = arith.constant 12 : i32
          %parallel_loop3A_842 = vector.broadcast %parallel_loop3A_841 : i32 to vector<16xi32>
          %parallel_loop3A_843 = arith.cmpi eq, %iota3A, %parallel_loop3A_842 : vector<16xi32>
          %parallel_loop3A_844 = arith.constant true
          %parallel_loop3A_845 = vector.broadcast %parallel_loop3A_844 : i1 to vector<16xi1>
          %parallel_loop3A_846 = tpu.scan <sum>, %parallel_loop3A_840 masked %parallel_loop3A_845 : vector<16xf32>, vector<16xi1> -> vector<16xf32>
          %parallel_loop3A_847 = vector.extract %parallel_loop3A_846[15] : f32 from vector<16xf32>
          %parallel_loop3A_848 = vector.broadcast %parallel_loop3A_847 : f32 to vector<16xf32>
          %parallel_loop3A_849 = arith.select %parallel_loop3A_843, %parallel_loop3A_848, %parallel_loop3A_797 : vector<16xi1>, vector<16xf32>
          %parallel_loop3A_850 = arith.constant 16 : i32
          %parallel_loop3A_851 = arith.muli %parallel_loop3A_171, %parallel_loop3A_850 : i32
          %parallel_loop3A_852 = arith.constant 13 : i32
          %parallel_loop3A_853 = arith.addi %parallel_loop3A_851, %parallel_loop3A_852 : i32
          %parallel_loop3A_854 = arith.index_cast %parallel_loop3A_853 : i32 to index
          %parallel_loop3A_855 = arith.constant 0 : index
          %parallel_loop3A_856 = tpu.vector_load %arg10[%parallel_loop3A_854, %parallel_loop3A_855] {strides = array<i32>} : memref<224x128xf32, #tpu.memory_space<vmem>>, vector<16xf32>,
          %parallel_loop3A_857 = arith.mulf %parallel_loop3A_856, %get3A_94 : vector<16xf32>
          %parallel_loop3A_858 = arith.index_cast %parallel_loop3A_853 : i32 to index
          %parallel_loop3A_859 = arith.constant 16 : index
          %parallel_loop3A_860 = tpu.vector_load %arg10[%parallel_loop3A_858, %parallel_loop3A_859] {strides = array<i32>} : memref<224x128xf32, #tpu.memory_space<vmem>>, vector<16xf32>,
          %parallel_loop3A_861 = arith.mulf %parallel_loop3A_860, %get3A_97 : vector<16xf32>
          %parallel_loop3A_862 = arith.index_cast %parallel_loop3A_853 : i32 to index
          %parallel_loop3A_863 = arith.constant 32 : index
          %parallel_loop3A_864 = tpu.vector_load %arg10[%parallel_loop3A_862, %parallel_loop3A_863] {strides = array<i32>} : memref<224x128xf32, #tpu.memory_space<vmem>>, vector<16xf32>,
          %parallel_loop3A_865 = arith.mulf %parallel_loop3A_864, %get3A_100 : vector<16xf32>
          %parallel_loop3A_866 = arith.index_cast %parallel_loop3A_853 : i32 to index
          %parallel_loop3A_867 = arith.constant 48 : index
          %parallel_loop3A_868 = tpu.vector_load %arg10[%parallel_loop3A_866, %parallel_loop3A_867] {strides = array<i32>} : memref<224x128xf32, #tpu.memory_space<vmem>>, vector<16xf32>,
          %parallel_loop3A_869 = arith.mulf %parallel_loop3A_868, %get3A_103 : vector<16xf32>
          %parallel_loop3A_870 = arith.index_cast %parallel_loop3A_853 : i32 to index
          %parallel_loop3A_871 = arith.constant 64 : index
          %parallel_loop3A_872 = tpu.vector_load %arg10[%parallel_loop3A_870, %parallel_loop3A_871] {strides = array<i32>} : memref<224x128xf32, #tpu.memory_space<vmem>>, vector<16xf32>,
          %parallel_loop3A_873 = arith.mulf %parallel_loop3A_872, %get3A_106 : vector<16xf32>
          %parallel_loop3A_874 = arith.index_cast %parallel_loop3A_853 : i32 to index
          %parallel_loop3A_875 = arith.constant 80 : index
          %parallel_loop3A_876 = tpu.vector_load %arg10[%parallel_loop3A_874, %parallel_loop3A_875] {strides = array<i32>} : memref<224x128xf32, #tpu.memory_space<vmem>>, vector<16xf32>,
          %parallel_loop3A_877 = arith.mulf %parallel_loop3A_876, %get3A_109 : vector<16xf32>
          %parallel_loop3A_878 = arith.index_cast %parallel_loop3A_853 : i32 to index
          %parallel_loop3A_879 = arith.constant 96 : index
          %parallel_loop3A_880 = tpu.vector_load %arg10[%parallel_loop3A_878, %parallel_loop3A_879] {strides = array<i32>} : memref<224x128xf32, #tpu.memory_space<vmem>>, vector<16xf32>,
          %parallel_loop3A_881 = arith.mulf %parallel_loop3A_880, %get3A_112 : vector<16xf32>
          %parallel_loop3A_882 = arith.index_cast %parallel_loop3A_853 : i32 to index
          %parallel_loop3A_883 = arith.constant 112 : index
          %parallel_loop3A_884 = tpu.vector_load %arg10[%parallel_loop3A_882, %parallel_loop3A_883] {strides = array<i32>} : memref<224x128xf32, #tpu.memory_space<vmem>>, vector<16xf32>,
          %parallel_loop3A_885 = arith.mulf %parallel_loop3A_884, %get3A_115 : vector<16xf32>
          %parallel_loop3A_886 = arith.addf %parallel_loop3A_857, %parallel_loop3A_861 : vector<16xf32>
          %parallel_loop3A_887 = arith.addf %parallel_loop3A_865, %parallel_loop3A_869 : vector<16xf32>
          %parallel_loop3A_888 = arith.addf %parallel_loop3A_873, %parallel_loop3A_877 : vector<16xf32>
          %parallel_loop3A_889 = arith.addf %parallel_loop3A_881, %parallel_loop3A_885 : vector<16xf32>
          %parallel_loop3A_890 = arith.addf %parallel_loop3A_886, %parallel_loop3A_887 : vector<16xf32>
          %parallel_loop3A_891 = arith.addf %parallel_loop3A_888, %parallel_loop3A_889 : vector<16xf32>
          %parallel_loop3A_892 = arith.addf %parallel_loop3A_890, %parallel_loop3A_891 : vector<16xf32>
          %parallel_loop3A_893 = arith.constant 13 : i32
          %parallel_loop3A_894 = vector.broadcast %parallel_loop3A_893 : i32 to vector<16xi32>
          %parallel_loop3A_895 = arith.cmpi eq, %iota3A, %parallel_loop3A_894 : vector<16xi32>
          %parallel_loop3A_896 = arith.constant true
          %parallel_loop3A_897 = vector.broadcast %parallel_loop3A_896 : i1 to vector<16xi1>
          %parallel_loop3A_898 = tpu.scan <sum>, %parallel_loop3A_892 masked %parallel_loop3A_897 : vector<16xf32>, vector<16xi1> -> vector<16xf32>
          %parallel_loop3A_899 = vector.extract %parallel_loop3A_898[15] : f32 from vector<16xf32>
          %parallel_loop3A_900 = vector.broadcast %parallel_loop3A_899 : f32 to vector<16xf32>
          %parallel_loop3A_901 = arith.select %parallel_loop3A_895, %parallel_loop3A_900, %parallel_loop3A_849 : vector<16xi1>, vector<16xf32>
          %parallel_loop3A_902 = arith.constant 16 : i32
          %parallel_loop3A_903 = arith.muli %parallel_loop3A_171, %parallel_loop3A_902 : i32
          %parallel_loop3A_904 = arith.constant 14 : i32
          %parallel_loop3A_905 = arith.addi %parallel_loop3A_903, %parallel_loop3A_904 : i32
          %parallel_loop3A_906 = arith.index_cast %parallel_loop3A_905 : i32 to index
          %parallel_loop3A_907 = arith.constant 0 : index
          %parallel_loop3A_908 = tpu.vector_load %arg10[%parallel_loop3A_906, %parallel_loop3A_907] {strides = array<i32>} : memref<224x128xf32, #tpu.memory_space<vmem>>, vector<16xf32>,
          %parallel_loop3A_909 = arith.mulf %parallel_loop3A_908, %get3A_94 : vector<16xf32>
          %parallel_loop3A_910 = arith.index_cast %parallel_loop3A_905 : i32 to index
          %parallel_loop3A_911 = arith.constant 16 : index
          %parallel_loop3A_912 = tpu.vector_load %arg10[%parallel_loop3A_910, %parallel_loop3A_911] {strides = array<i32>} : memref<224x128xf32, #tpu.memory_space<vmem>>, vector<16xf32>,
          %parallel_loop3A_913 = arith.mulf %parallel_loop3A_912, %get3A_97 : vector<16xf32>
          %parallel_loop3A_914 = arith.index_cast %parallel_loop3A_905 : i32 to index
          %parallel_loop3A_915 = arith.constant 32 : index
          %parallel_loop3A_916 = tpu.vector_load %arg10[%parallel_loop3A_914, %parallel_loop3A_915] {strides = array<i32>} : memref<224x128xf32, #tpu.memory_space<vmem>>, vector<16xf32>,
          %parallel_loop3A_917 = arith.mulf %parallel_loop3A_916, %get3A_100 : vector<16xf32>
          %parallel_loop3A_918 = arith.index_cast %parallel_loop3A_905 : i32 to index
          %parallel_loop3A_919 = arith.constant 48 : index
          %parallel_loop3A_920 = tpu.vector_load %arg10[%parallel_loop3A_918, %parallel_loop3A_919] {strides = array<i32>} : memref<224x128xf32, #tpu.memory_space<vmem>>, vector<16xf32>,
          %parallel_loop3A_921 = arith.mulf %parallel_loop3A_920, %get3A_103 : vector<16xf32>
          %parallel_loop3A_922 = arith.index_cast %parallel_loop3A_905 : i32 to index
          %parallel_loop3A_923 = arith.constant 64 : index
          %parallel_loop3A_924 = tpu.vector_load %arg10[%parallel_loop3A_922, %parallel_loop3A_923] {strides = array<i32>} : memref<224x128xf32, #tpu.memory_space<vmem>>, vector<16xf32>,
          %parallel_loop3A_925 = arith.mulf %parallel_loop3A_924, %get3A_106 : vector<16xf32>
          %parallel_loop3A_926 = arith.index_cast %parallel_loop3A_905 : i32 to index
          %parallel_loop3A_927 = arith.constant 80 : index
          %parallel_loop3A_928 = tpu.vector_load %arg10[%parallel_loop3A_926, %parallel_loop3A_927] {strides = array<i32>} : memref<224x128xf32, #tpu.memory_space<vmem>>, vector<16xf32>,
          %parallel_loop3A_929 = arith.mulf %parallel_loop3A_928, %get3A_109 : vector<16xf32>
          %parallel_loop3A_930 = arith.index_cast %parallel_loop3A_905 : i32 to index
          %parallel_loop3A_931 = arith.constant 96 : index
          %parallel_loop3A_932 = tpu.vector_load %arg10[%parallel_loop3A_930, %parallel_loop3A_931] {strides = array<i32>} : memref<224x128xf32, #tpu.memory_space<vmem>>, vector<16xf32>,
          %parallel_loop3A_933 = arith.mulf %parallel_loop3A_932, %get3A_112 : vector<16xf32>
          %parallel_loop3A_934 = arith.index_cast %parallel_loop3A_905 : i32 to index
          %parallel_loop3A_935 = arith.constant 112 : index
          %parallel_loop3A_936 = tpu.vector_load %arg10[%parallel_loop3A_934, %parallel_loop3A_935] {strides = array<i32>} : memref<224x128xf32, #tpu.memory_space<vmem>>, vector<16xf32>,
          %parallel_loop3A_937 = arith.mulf %parallel_loop3A_936, %get3A_115 : vector<16xf32>
          %parallel_loop3A_938 = arith.addf %parallel_loop3A_909, %parallel_loop3A_913 : vector<16xf32>
          %parallel_loop3A_939 = arith.addf %parallel_loop3A_917, %parallel_loop3A_921 : vector<16xf32>
          %parallel_loop3A_940 = arith.addf %parallel_loop3A_925, %parallel_loop3A_929 : vector<16xf32>
          %parallel_loop3A_941 = arith.addf %parallel_loop3A_933, %parallel_loop3A_937 : vector<16xf32>
          %parallel_loop3A_942 = arith.addf %parallel_loop3A_938, %parallel_loop3A_939 : vector<16xf32>
          %parallel_loop3A_943 = arith.addf %parallel_loop3A_940, %parallel_loop3A_941 : vector<16xf32>
          %parallel_loop3A_944 = arith.addf %parallel_loop3A_942, %parallel_loop3A_943 : vector<16xf32>
          %parallel_loop3A_945 = arith.constant 14 : i32
          %parallel_loop3A_946 = vector.broadcast %parallel_loop3A_945 : i32 to vector<16xi32>
          %parallel_loop3A_947 = arith.cmpi eq, %iota3A, %parallel_loop3A_946 : vector<16xi32>
          %parallel_loop3A_948 = arith.constant true
          %parallel_loop3A_949 = vector.broadcast %parallel_loop3A_948 : i1 to vector<16xi1>
          %parallel_loop3A_950 = tpu.scan <sum>, %parallel_loop3A_944 masked %parallel_loop3A_949 : vector<16xf32>, vector<16xi1> -> vector<16xf32>
          %parallel_loop3A_951 = vector.extract %parallel_loop3A_950[15] : f32 from vector<16xf32>
          %parallel_loop3A_952 = vector.broadcast %parallel_loop3A_951 : f32 to vector<16xf32>
          %parallel_loop3A_953 = arith.select %parallel_loop3A_947, %parallel_loop3A_952, %parallel_loop3A_901 : vector<16xi1>, vector<16xf32>
          %parallel_loop3A_954 = arith.constant 16 : i32
          %parallel_loop3A_955 = arith.muli %parallel_loop3A_171, %parallel_loop3A_954 : i32
          %parallel_loop3A_956 = arith.constant 15 : i32
          %parallel_loop3A_957 = arith.addi %parallel_loop3A_955, %parallel_loop3A_956 : i32
          %parallel_loop3A_958 = arith.index_cast %parallel_loop3A_957 : i32 to index
          %parallel_loop3A_959 = arith.constant 0 : index
          %parallel_loop3A_960 = tpu.vector_load %arg10[%parallel_loop3A_958, %parallel_loop3A_959] {strides = array<i32>} : memref<224x128xf32, #tpu.memory_space<vmem>>, vector<16xf32>,
          %parallel_loop3A_961 = arith.mulf %parallel_loop3A_960, %get3A_94 : vector<16xf32>
          %parallel_loop3A_962 = arith.index_cast %parallel_loop3A_957 : i32 to index
          %parallel_loop3A_963 = arith.constant 16 : index
          %parallel_loop3A_964 = tpu.vector_load %arg10[%parallel_loop3A_962, %parallel_loop3A_963] {strides = array<i32>} : memref<224x128xf32, #tpu.memory_space<vmem>>, vector<16xf32>,
          %parallel_loop3A_965 = arith.mulf %parallel_loop3A_964, %get3A_97 : vector<16xf32>
          %parallel_loop3A_966 = arith.index_cast %parallel_loop3A_957 : i32 to index
          %parallel_loop3A_967 = arith.constant 32 : index
          %parallel_loop3A_968 = tpu.vector_load %arg10[%parallel_loop3A_966, %parallel_loop3A_967] {strides = array<i32>} : memref<224x128xf32, #tpu.memory_space<vmem>>, vector<16xf32>,
          %parallel_loop3A_969 = arith.mulf %parallel_loop3A_968, %get3A_100 : vector<16xf32>
          %parallel_loop3A_970 = arith.index_cast %parallel_loop3A_957 : i32 to index
          %parallel_loop3A_971 = arith.constant 48 : index
          %parallel_loop3A_972 = tpu.vector_load %arg10[%parallel_loop3A_970, %parallel_loop3A_971] {strides = array<i32>} : memref<224x128xf32, #tpu.memory_space<vmem>>, vector<16xf32>,
          %parallel_loop3A_973 = arith.mulf %parallel_loop3A_972, %get3A_103 : vector<16xf32>
          %parallel_loop3A_974 = arith.index_cast %parallel_loop3A_957 : i32 to index
          %parallel_loop3A_975 = arith.constant 64 : index
          %parallel_loop3A_976 = tpu.vector_load %arg10[%parallel_loop3A_974, %parallel_loop3A_975] {strides = array<i32>} : memref<224x128xf32, #tpu.memory_space<vmem>>, vector<16xf32>,
          %parallel_loop3A_977 = arith.mulf %parallel_loop3A_976, %get3A_106 : vector<16xf32>
          %parallel_loop3A_978 = arith.index_cast %parallel_loop3A_957 : i32 to index
          %parallel_loop3A_979 = arith.constant 80 : index
          %parallel_loop3A_980 = tpu.vector_load %arg10[%parallel_loop3A_978, %parallel_loop3A_979] {strides = array<i32>} : memref<224x128xf32, #tpu.memory_space<vmem>>, vector<16xf32>,
          %parallel_loop3A_981 = arith.mulf %parallel_loop3A_980, %get3A_109 : vector<16xf32>
          %parallel_loop3A_982 = arith.index_cast %parallel_loop3A_957 : i32 to index
          %parallel_loop3A_983 = arith.constant 96 : index
          %parallel_loop3A_984 = tpu.vector_load %arg10[%parallel_loop3A_982, %parallel_loop3A_983] {strides = array<i32>} : memref<224x128xf32, #tpu.memory_space<vmem>>, vector<16xf32>,
          %parallel_loop3A_985 = arith.mulf %parallel_loop3A_984, %get3A_112 : vector<16xf32>
          %parallel_loop3A_986 = arith.index_cast %parallel_loop3A_957 : i32 to index
          %parallel_loop3A_987 = arith.constant 112 : index
          %parallel_loop3A_988 = tpu.vector_load %arg10[%parallel_loop3A_986, %parallel_loop3A_987] {strides = array<i32>} : memref<224x128xf32, #tpu.memory_space<vmem>>, vector<16xf32>,
          %parallel_loop3A_989 = arith.mulf %parallel_loop3A_988, %get3A_115 : vector<16xf32>
          %parallel_loop3A_990 = arith.addf %parallel_loop3A_961, %parallel_loop3A_965 : vector<16xf32>
          %parallel_loop3A_991 = arith.addf %parallel_loop3A_969, %parallel_loop3A_973 : vector<16xf32>
          %parallel_loop3A_992 = arith.addf %parallel_loop3A_977, %parallel_loop3A_981 : vector<16xf32>
          %parallel_loop3A_993 = arith.addf %parallel_loop3A_985, %parallel_loop3A_989 : vector<16xf32>
          %parallel_loop3A_994 = arith.addf %parallel_loop3A_990, %parallel_loop3A_991 : vector<16xf32>
          %parallel_loop3A_995 = arith.addf %parallel_loop3A_992, %parallel_loop3A_993 : vector<16xf32>
          %parallel_loop3A_996 = arith.addf %parallel_loop3A_994, %parallel_loop3A_995 : vector<16xf32>
          %parallel_loop3A_997 = arith.constant 15 : i32
          %parallel_loop3A_998 = vector.broadcast %parallel_loop3A_997 : i32 to vector<16xi32>
          %parallel_loop3A_999 = arith.cmpi eq, %iota3A, %parallel_loop3A_998 : vector<16xi32>
          %parallel_loop3A_1000 = arith.constant true
          %parallel_loop3A_1001 = vector.broadcast %parallel_loop3A_1000 : i1 to vector<16xi1>
          %parallel_loop3A_1002 = tpu.scan <sum>, %parallel_loop3A_996 masked %parallel_loop3A_1001 : vector<16xf32>, vector<16xi1> -> vector<16xf32>
          %parallel_loop3A_1003 = vector.extract %parallel_loop3A_1002[15] : f32 from vector<16xf32>
          %parallel_loop3A_1004 = vector.broadcast %parallel_loop3A_1003 : f32 to vector<16xf32>
          %parallel_loop3A_1005 = arith.select %parallel_loop3A_999, %parallel_loop3A_1004, %parallel_loop3A_953 : vector<16xi1>, vector<16xf32>
          %parallel_loop3A_1006 = arith.constant 16 : i32
          %parallel_loop3A_1007 = arith.muli %parallel_loop3A_171, %parallel_loop3A_1006 : i32
          %parallel_loop3A_1008 = arith.index_cast %mul3A_46 : i32 to index
          %parallel_loop3A_1009 = arith.index_cast %parallel_loop3A_1007 : i32 to index
          %parallel_loop3A_1010 = tpu.vector_load %arg12[%parallel_loop3A_1008, %parallel_loop3A_1009] {strides = array<i32>} : memref<64x224xf32, #tpu.memory_space<vmem>>, vector<16xf32>,
          tpu.vector_store %arg12[%parallel_loop3A_1008, %parallel_loop3A_1009], %parallel_loop3A_1005 {strides = array<i32>} : memref<64x224xf32, #tpu.memory_space<vmem>>, vector<16xf32>,
        } {sc.loop_unroll_factor = 1 : i64, sc.parallel_access}
        %add3A_118 = arith.constant 1 : i32
        %add3A_119 = arith.addi %scan3A_44, %add3A_118 : i32
        %lt3A = arith.constant 32 : i32
        %lt3A_120 = arith.cmpi slt, %add3A_119, %lt3A : i32
        %convert_element_type3A = arith.extui %lt3A_120 : i1 to i32
        %cond3A = arith.constant 0 : i32
        %cond3A_121 = arith.cmpi ne, %convert_element_type3A, %cond3A : i32
        scf.if %cond3A_121 {
          %add3A_171 = arith.constant 2 : i32
          %add3A_172 = arith.addi %mul3A_46, %add3A_171 : i32
          %mul3A_173 = arith.constant 2 : i32
          %mul3A_174 = arith.muli %mul3A_173, %add3A_172 : i32
          %dma_start3A_175 = arith.constant 0 : i32
          %dma_start3A_176 = arith.constant 0 : i32
          %dma_start3A_177 = tpu.memref_slice %arg10[%dma_start3A_175, %dma_start3A_176] : memref<224x128xf32, #tpu.memory_space<vmem>> -> memref<112x128xf32, #tpu.memory_space<vmem>>
          %dma_start3A_178 = arith.constant 0 : i32
          %dma_start3A_179 = tpu.memref_slice %arg7[%mul3A_174, %dma_start3A_178] : memref<128x112xi32, #tpu.memory_space<vmem>> -> memref<1x112xi32, #tpu.memory_space<vmem>>
          %dma_start3A_180 = tpu.memref_squeeze %dma_start3A_179 : memref<1x112xi32, #tpu.memory_space<vmem>> -> memref<112xi32, #tpu.memory_space<vmem>>
          %dma_start3A_181 = arith.constant 0 : i32
          %dma_start3A_182 = arith.constant 0 : i32
          %dma_start3A_183 = tpu.memref_slice %arg5[%dma_start3A_181, %dma_start3A_182] : memref<100000x128xf32, #tpu.memory_space<hbm>> -> memref<100000x128xf32, #tpu.memory_space<hbm>>
          tpu.enqueue_indirect_dma source(%dma_start3A_183 : memref<100000x128xf32, #tpu.memory_space<hbm>>) target(%dma_start3A_177 : memref<112x128xf32, #tpu.memory_space<vmem>>) offsets(%dma_start3A_180 : memref<112xi32, #tpu.memory_space<vmem>>) semaphore(%arg14 : memref<!tpu.dma_semaphore, #tpu.memory_space<semaphore_mem>>)
          %mul3A_184 = arith.constant 2 : i32
          %mul3A_185 = arith.muli %mul3A_184, %add3A_172 : i32
          %add3A_186 = arith.constant 1 : i32
          %add3A_187 = arith.addi %mul3A_185, %add3A_186 : i32
          %dma_start3A_188 = arith.constant 112 : i32
          %dma_start3A_189 = arith.constant 0 : i32
          %dma_start3A_190 = tpu.memref_slice %arg10[%dma_start3A_188, %dma_start3A_189] : memref<224x128xf32, #tpu.memory_space<vmem>> -> memref<112x128xf32, #tpu.memory_space<vmem>>
          %dma_start3A_191 = arith.constant 0 : i32
          %dma_start3A_192 = tpu.memref_slice %arg7[%add3A_187, %dma_start3A_191] : memref<128x112xi32, #tpu.memory_space<vmem>> -> memref<1x112xi32, #tpu.memory_space<vmem>>
          %dma_start3A_193 = tpu.memref_squeeze %dma_start3A_192 : memref<1x112xi32, #tpu.memory_space<vmem>> -> memref<112xi32, #tpu.memory_space<vmem>>
          %dma_start3A_194 = arith.constant 0 : i32
          %dma_start3A_195 = arith.constant 0 : i32
          %dma_start3A_196 = tpu.memref_slice %arg5[%dma_start3A_194, %dma_start3A_195] : memref<100000x128xf32, #tpu.memory_space<hbm>> -> memref<100000x128xf32, #tpu.memory_space<hbm>>
          tpu.enqueue_indirect_dma source(%dma_start3A_196 : memref<100000x128xf32, #tpu.memory_space<hbm>>) target(%dma_start3A_190 : memref<112x128xf32, #tpu.memory_space<vmem>>) offsets(%dma_start3A_193 : memref<112xi32, #tpu.memory_space<vmem>>) semaphore(%arg14 : memref<!tpu.dma_semaphore, #tpu.memory_space<semaphore_mem>>)
        } else {
        }
        %dma_wait3A_122 = arith.constant 0 : i32
        %dma_wait3A_123 = arith.constant 0 : i32
        %dma_wait3A_124 = arith.constant 0 : i32
        %dma_wait3A_125 = tpu.memref_slice %arg11[%dma_wait3A_123, %dma_wait3A_124] : memref<224x128xf32, #tpu.memory_space<vmem>> -> memref<112x128xf32, #tpu.memory_space<vmem>>
        %dma_wait3A_126 = arith.constant 0 : i32
        %dma_wait3A_127 = tpu.memref_slice %arg7[%dma_wait3A_122, %dma_wait3A_126] : memref<128x112xi32, #tpu.memory_space<vmem>> -> memref<1x112xi32, #tpu.memory_space<vmem>>
        %dma_wait3A_128 = tpu.memref_squeeze %dma_wait3A_127 : memref<1x112xi32, #tpu.memory_space<vmem>> -> memref<112xi32, #tpu.memory_space<vmem>>
        %dma_wait3A_129 = arith.constant 0 : i32
        %dma_wait3A_130 = arith.constant 0 : i32
        %dma_wait3A_131 = tpu.memref_slice %arg5[%dma_wait3A_129, %dma_wait3A_130] : memref<100000x128xf32, #tpu.memory_space<hbm>> -> memref<100000x128xf32, #tpu.memory_space<hbm>>
        tpu.wait_indirect_dma semaphore(%arg15 : memref<!tpu.dma_semaphore, #tpu.memory_space<semaphore_mem>>) src(%dma_wait3A_131 : memref<100000x128xf32, #tpu.memory_space<hbm>>) dst(%dma_wait3A_125 : memref<112x128xf32, #tpu.memory_space<vmem>>)
        %dma_wait3A_132 = arith.constant 0 : i32
        %dma_wait3A_133 = arith.constant 112 : i32
        %dma_wait3A_134 = arith.constant 0 : i32
        %dma_wait3A_135 = tpu.memref_slice %arg11[%dma_wait3A_133, %dma_wait3A_134] : memref<224x128xf32, #tpu.memory_space<vmem>> -> memref<112x128xf32, #tpu.memory_space<vmem>>
        %dma_wait3A_136 = arith.constant 0 : i32
        %dma_wait3A_137 = tpu.memref_slice %arg7[%dma_wait3A_132, %dma_wait3A_136] : memref<128x112xi32, #tpu.memory_space<vmem>> -> memref<1x112xi32, #tpu.memory_space<vmem>>
        %dma_wait3A_138 = tpu.memref_squeeze %dma_wait3A_137 : memref<1x112xi32, #tpu.memory_space<vmem>> -> memref<112xi32, #tpu.memory_space<vmem>>
        %dma_wait3A_139 = arith.constant 0 : i32
        %dma_wait3A_140 = arith.constant 0 : i32
        %dma_wait3A_141 = tpu.memref_slice %arg5[%dma_wait3A_139, %dma_wait3A_140] : memref<100000x128xf32, #tpu.memory_space<hbm>> -> memref<100000x128xf32, #tpu.memory_space<hbm>>
        tpu.wait_indirect_dma semaphore(%arg15 : memref<!tpu.dma_semaphore, #tpu.memory_space<semaphore_mem>>) src(%dma_wait3A_141 : memref<100000x128xf32, #tpu.memory_space<hbm>>) dst(%dma_wait3A_135 : memref<112x128xf32, #tpu.memory_space<vmem>>)
        %add3A_142 = arith.constant 1 : i32
        %add3A_143 = arith.addi %mul3A_46, %add3A_142 : i32
        %get3A_144 = arith.index_cast %add3A_143 : i32 to index
        %get3A_145 = arith.constant 0 : index
        %get3A_146 = tpu.vector_load %arg9[%get3A_144, %get3A_145] {strides = array<i32>} : memref<64x128xf32, #tpu.memory_space<vmem>>, vector<16xf32>,
        %get3A_147 = arith.index_cast %add3A_143 : i32 to index
        %get3A_148 = arith.constant 16 : index
        %get3A_149 = tpu.vector_load %arg9[%get3A_147, %get3A_148] {strides = array<i32>} : memref<64x128xf32, #tpu.memory_space<vmem>>, vector<16xf32>,
        %get3A_150 = arith.index_cast %add3A_143 : i32 to index
        %get3A_151 = arith.constant 32 : index
        %get3A_152 = tpu.vector_load %arg9[%get3A_150, %get3A_151] {strides = array<i32>} : memref<64x128xf32, #tpu.memory_space<vmem>>, vector<16xf32>,
        %get3A_153 = arith.index_cast %add3A_143 : i32 to index
        %get3A_154 = arith.constant 48 : index
        %get3A_155 = tpu.vector_load %arg9[%get3A_153, %get3A_154] {strides = array<i32>} : memref<64x128xf32, #tpu.memory_space<vmem>>, vector<16xf32>,
        %get3A_156 = arith.index_cast %add3A_143 : i32 to index
        %get3A_157 = arith.constant 64 : index
        %get3A_158 = tpu.vector_load %arg9[%get3A_156, %get3A_157] {strides = array<i32>} : memref<64x128xf32, #tpu.memory_space<vmem>>, vector<16xf32>,
        %get3A_159 = arith.index_cast %add3A_143 : i32 to index
        %get3A_160 = arith.constant 80 : index
        %get3A_161 = tpu.vector_load %arg9[%get3A_159, %get3A_160] {strides = array<i32>} : memref<64x128xf32, #tpu.memory_space<vmem>>, vector<16xf32>,
        %get3A_162 = arith.index_cast %add3A_143 : i32 to index
        %get3A_163 = arith.constant 96 : index
        %get3A_164 = tpu.vector_load %arg9[%get3A_162, %get3A_163] {strides = array<i32>} : memref<64x128xf32, #tpu.memory_space<vmem>>, vector<16xf32>,
        %get3A_165 = arith.index_cast %add3A_143 : i32 to index
        %get3A_166 = arith.constant 112 : index
        %get3A_167 = tpu.vector_load %arg9[%get3A_165, %get3A_166] {strides = array<i32>} : memref<64x128xf32, #tpu.memory_space<vmem>>, vector<16xf32>,
        %parallel_loop3A_168 = arith.constant 0 : i32
        %parallel_loop3A_169 = arith.constant 14 : i32
        %parallel_loop3A_170 = arith.constant 1 : i32
        scf.for %parallel_loop3A_171 = %parallel_loop3A_168 to %parallel_loop3A_169 step %parallel_loop3A_170  : i32 {
          %parallel_loop3A_172 = arith.constant 0.000000e+00 : f32
          %parallel_loop3A_173 = vector.broadcast %parallel_loop3A_172 : f32 to vector<16xf32>
          %parallel_loop3A_174 = arith.constant 16 : i32
          %parallel_loop3A_175 = arith.muli %parallel_loop3A_171, %parallel_loop3A_174 : i32
          %parallel_loop3A_176 = arith.constant 0 : i32
          %parallel_loop3A_177 = arith.addi %parallel_loop3A_175, %parallel_loop3A_176 : i32
          %parallel_loop3A_178 = arith.index_cast %parallel_loop3A_177 : i32 to index
          %parallel_loop3A_179 = arith.constant 0 : index
          %parallel_loop3A_180 = tpu.vector_load %arg11[%parallel_loop3A_178, %parallel_loop3A_179] {strides = array<i32>} : memref<224x128xf32, #tpu.memory_space<vmem>>, vector<16xf32>,
          %parallel_loop3A_181 = arith.mulf %parallel_loop3A_180, %get3A_146 : vector<16xf32>
          %parallel_loop3A_182 = arith.index_cast %parallel_loop3A_177 : i32 to index
          %parallel_loop3A_183 = arith.constant 16 : index
          %parallel_loop3A_184 = tpu.vector_load %arg11[%parallel_loop3A_182, %parallel_loop3A_183] {strides = array<i32>} : memref<224x128xf32, #tpu.memory_space<vmem>>, vector<16xf32>,
          %parallel_loop3A_185 = arith.mulf %parallel_loop3A_184, %get3A_149 : vector<16xf32>
          %parallel_loop3A_186 = arith.index_cast %parallel_loop3A_177 : i32 to index
          %parallel_loop3A_187 = arith.constant 32 : index
          %parallel_loop3A_188 = tpu.vector_load %arg11[%parallel_loop3A_186, %parallel_loop3A_187] {strides = array<i32>} : memref<224x128xf32, #tpu.memory_space<vmem>>, vector<16xf32>,
          %parallel_loop3A_189 = arith.mulf %parallel_loop3A_188, %get3A_152 : vector<16xf32>
          %parallel_loop3A_190 = arith.index_cast %parallel_loop3A_177 : i32 to index
          %parallel_loop3A_191 = arith.constant 48 : index
          %parallel_loop3A_192 = tpu.vector_load %arg11[%parallel_loop3A_190, %parallel_loop3A_191] {strides = array<i32>} : memref<224x128xf32, #tpu.memory_space<vmem>>, vector<16xf32>,
          %parallel_loop3A_193 = arith.mulf %parallel_loop3A_192, %get3A_155 : vector<16xf32>
          %parallel_loop3A_194 = arith.index_cast %parallel_loop3A_177 : i32 to index
          %parallel_loop3A_195 = arith.constant 64 : index
          %parallel_loop3A_196 = tpu.vector_load %arg11[%parallel_loop3A_194, %parallel_loop3A_195] {strides = array<i32>} : memref<224x128xf32, #tpu.memory_space<vmem>>, vector<16xf32>,
          %parallel_loop3A_197 = arith.mulf %parallel_loop3A_196, %get3A_158 : vector<16xf32>
          %parallel_loop3A_198 = arith.index_cast %parallel_loop3A_177 : i32 to index
          %parallel_loop3A_199 = arith.constant 80 : index
          %parallel_loop3A_200 = tpu.vector_load %arg11[%parallel_loop3A_198, %parallel_loop3A_199] {strides = array<i32>} : memref<224x128xf32, #tpu.memory_space<vmem>>, vector<16xf32>,
          %parallel_loop3A_201 = arith.mulf %parallel_loop3A_200, %get3A_161 : vector<16xf32>
          %parallel_loop3A_202 = arith.index_cast %parallel_loop3A_177 : i32 to index
          %parallel_loop3A_203 = arith.constant 96 : index
          %parallel_loop3A_204 = tpu.vector_load %arg11[%parallel_loop3A_202, %parallel_loop3A_203] {strides = array<i32>} : memref<224x128xf32, #tpu.memory_space<vmem>>, vector<16xf32>,
          %parallel_loop3A_205 = arith.mulf %parallel_loop3A_204, %get3A_164 : vector<16xf32>
          %parallel_loop3A_206 = arith.index_cast %parallel_loop3A_177 : i32 to index
          %parallel_loop3A_207 = arith.constant 112 : index
          %parallel_loop3A_208 = tpu.vector_load %arg11[%parallel_loop3A_206, %parallel_loop3A_207] {strides = array<i32>} : memref<224x128xf32, #tpu.memory_space<vmem>>, vector<16xf32>,
          %parallel_loop3A_209 = arith.mulf %parallel_loop3A_208, %get3A_167 : vector<16xf32>
          %parallel_loop3A_210 = arith.addf %parallel_loop3A_181, %parallel_loop3A_185 : vector<16xf32>
          %parallel_loop3A_211 = arith.addf %parallel_loop3A_189, %parallel_loop3A_193 : vector<16xf32>
          %parallel_loop3A_212 = arith.addf %parallel_loop3A_197, %parallel_loop3A_201 : vector<16xf32>
          %parallel_loop3A_213 = arith.addf %parallel_loop3A_205, %parallel_loop3A_209 : vector<16xf32>
          %parallel_loop3A_214 = arith.addf %parallel_loop3A_210, %parallel_loop3A_211 : vector<16xf32>
          %parallel_loop3A_215 = arith.addf %parallel_loop3A_212, %parallel_loop3A_213 : vector<16xf32>
          %parallel_loop3A_216 = arith.addf %parallel_loop3A_214, %parallel_loop3A_215 : vector<16xf32>
          %parallel_loop3A_217 = arith.constant 0 : i32
          %parallel_loop3A_218 = vector.broadcast %parallel_loop3A_217 : i32 to vector<16xi32>
          %parallel_loop3A_219 = arith.cmpi eq, %iota3A, %parallel_loop3A_218 : vector<16xi32>
          %parallel_loop3A_220 = arith.constant true
          %parallel_loop3A_221 = vector.broadcast %parallel_loop3A_220 : i1 to vector<16xi1>
          %parallel_loop3A_222 = tpu.scan <sum>, %parallel_loop3A_216 masked %parallel_loop3A_221 : vector<16xf32>, vector<16xi1> -> vector<16xf32>
          %parallel_loop3A_223 = vector.extract %parallel_loop3A_222[15] : f32 from vector<16xf32>
          %parallel_loop3A_224 = vector.broadcast %parallel_loop3A_223 : f32 to vector<16xf32>
          %parallel_loop3A_225 = arith.select %parallel_loop3A_219, %parallel_loop3A_224, %parallel_loop3A_173 : vector<16xi1>, vector<16xf32>
          %parallel_loop3A_226 = arith.constant 16 : i32
          %parallel_loop3A_227 = arith.muli %parallel_loop3A_171, %parallel_loop3A_226 : i32
          %parallel_loop3A_228 = arith.constant 1 : i32
          %parallel_loop3A_229 = arith.addi %parallel_loop3A_227, %parallel_loop3A_228 : i32
          %parallel_loop3A_230 = arith.index_cast %parallel_loop3A_229 : i32 to index
          %parallel_loop3A_231 = arith.constant 0 : index
          %parallel_loop3A_232 = tpu.vector_load %arg11[%parallel_loop3A_230, %parallel_loop3A_231] {strides = array<i32>} : memref<224x128xf32, #tpu.memory_space<vmem>>, vector<16xf32>,
          %parallel_loop3A_233 = arith.mulf %parallel_loop3A_232, %get3A_146 : vector<16xf32>
          %parallel_loop3A_234 = arith.index_cast %parallel_loop3A_229 : i32 to index
          %parallel_loop3A_235 = arith.constant 16 : index
          %parallel_loop3A_236 = tpu.vector_load %arg11[%parallel_loop3A_234, %parallel_loop3A_235] {strides = array<i32>} : memref<224x128xf32, #tpu.memory_space<vmem>>, vector<16xf32>,
          %parallel_loop3A_237 = arith.mulf %parallel_loop3A_236, %get3A_149 : vector<16xf32>
          %parallel_loop3A_238 = arith.index_cast %parallel_loop3A_229 : i32 to index
          %parallel_loop3A_239 = arith.constant 32 : index
          %parallel_loop3A_240 = tpu.vector_load %arg11[%parallel_loop3A_238, %parallel_loop3A_239] {strides = array<i32>} : memref<224x128xf32, #tpu.memory_space<vmem>>, vector<16xf32>,
          %parallel_loop3A_241 = arith.mulf %parallel_loop3A_240, %get3A_152 : vector<16xf32>
          %parallel_loop3A_242 = arith.index_cast %parallel_loop3A_229 : i32 to index
          %parallel_loop3A_243 = arith.constant 48 : index
          %parallel_loop3A_244 = tpu.vector_load %arg11[%parallel_loop3A_242, %parallel_loop3A_243] {strides = array<i32>} : memref<224x128xf32, #tpu.memory_space<vmem>>, vector<16xf32>,
          %parallel_loop3A_245 = arith.mulf %parallel_loop3A_244, %get3A_155 : vector<16xf32>
          %parallel_loop3A_246 = arith.index_cast %parallel_loop3A_229 : i32 to index
          %parallel_loop3A_247 = arith.constant 64 : index
          %parallel_loop3A_248 = tpu.vector_load %arg11[%parallel_loop3A_246, %parallel_loop3A_247] {strides = array<i32>} : memref<224x128xf32, #tpu.memory_space<vmem>>, vector<16xf32>,
          %parallel_loop3A_249 = arith.mulf %parallel_loop3A_248, %get3A_158 : vector<16xf32>
          %parallel_loop3A_250 = arith.index_cast %parallel_loop3A_229 : i32 to index
          %parallel_loop3A_251 = arith.constant 80 : index
          %parallel_loop3A_252 = tpu.vector_load %arg11[%parallel_loop3A_250, %parallel_loop3A_251] {strides = array<i32>} : memref<224x128xf32, #tpu.memory_space<vmem>>, vector<16xf32>,
          %parallel_loop3A_253 = arith.mulf %parallel_loop3A_252, %get3A_161 : vector<16xf32>
          %parallel_loop3A_254 = arith.index_cast %parallel_loop3A_229 : i32 to index
          %parallel_loop3A_255 = arith.constant 96 : index
          %parallel_loop3A_256 = tpu.vector_load %arg11[%parallel_loop3A_254, %parallel_loop3A_255] {strides = array<i32>} : memref<224x128xf32, #tpu.memory_space<vmem>>, vector<16xf32>,
          %parallel_loop3A_257 = arith.mulf %parallel_loop3A_256, %get3A_164 : vector<16xf32>
          %parallel_loop3A_258 = arith.index_cast %parallel_loop3A_229 : i32 to index
          %parallel_loop3A_259 = arith.constant 112 : index
          %parallel_loop3A_260 = tpu.vector_load %arg11[%parallel_loop3A_258, %parallel_loop3A_259] {strides = array<i32>} : memref<224x128xf32, #tpu.memory_space<vmem>>, vector<16xf32>,
          %parallel_loop3A_261 = arith.mulf %parallel_loop3A_260, %get3A_167 : vector<16xf32>
          %parallel_loop3A_262 = arith.addf %parallel_loop3A_233, %parallel_loop3A_237 : vector<16xf32>
          %parallel_loop3A_263 = arith.addf %parallel_loop3A_241, %parallel_loop3A_245 : vector<16xf32>
          %parallel_loop3A_264 = arith.addf %parallel_loop3A_249, %parallel_loop3A_253 : vector<16xf32>
          %parallel_loop3A_265 = arith.addf %parallel_loop3A_257, %parallel_loop3A_261 : vector<16xf32>
          %parallel_loop3A_266 = arith.addf %parallel_loop3A_262, %parallel_loop3A_263 : vector<16xf32>
          %parallel_loop3A_267 = arith.addf %parallel_loop3A_264, %parallel_loop3A_265 : vector<16xf32>
          %parallel_loop3A_268 = arith.addf %parallel_loop3A_266, %parallel_loop3A_267 : vector<16xf32>
          %parallel_loop3A_269 = arith.constant 1 : i32
          %parallel_loop3A_270 = vector.broadcast %parallel_loop3A_269 : i32 to vector<16xi32>
          %parallel_loop3A_271 = arith.cmpi eq, %iota3A, %parallel_loop3A_270 : vector<16xi32>
          %parallel_loop3A_272 = arith.constant true
          %parallel_loop3A_273 = vector.broadcast %parallel_loop3A_272 : i1 to vector<16xi1>
          %parallel_loop3A_274 = tpu.scan <sum>, %parallel_loop3A_268 masked %parallel_loop3A_273 : vector<16xf32>, vector<16xi1> -> vector<16xf32>
          %parallel_loop3A_275 = vector.extract %parallel_loop3A_274[15] : f32 from vector<16xf32>
          %parallel_loop3A_276 = vector.broadcast %parallel_loop3A_275 : f32 to vector<16xf32>
          %parallel_loop3A_277 = arith.select %parallel_loop3A_271, %parallel_loop3A_276, %parallel_loop3A_225 : vector<16xi1>, vector<16xf32>
          %parallel_loop3A_278 = arith.constant 16 : i32
          %parallel_loop3A_279 = arith.muli %parallel_loop3A_171, %parallel_loop3A_278 : i32
          %parallel_loop3A_280 = arith.constant 2 : i32
          %parallel_loop3A_281 = arith.addi %parallel_loop3A_279, %parallel_loop3A_280 : i32
          %parallel_loop3A_282 = arith.index_cast %parallel_loop3A_281 : i32 to index
          %parallel_loop3A_283 = arith.constant 0 : index
          %parallel_loop3A_284 = tpu.vector_load %arg11[%parallel_loop3A_282, %parallel_loop3A_283] {strides = array<i32>} : memref<224x128xf32, #tpu.memory_space<vmem>>, vector<16xf32>,
          %parallel_loop3A_285 = arith.mulf %parallel_loop3A_284, %get3A_146 : vector<16xf32>
          %parallel_loop3A_286 = arith.index_cast %parallel_loop3A_281 : i32 to index
          %parallel_loop3A_287 = arith.constant 16 : index
          %parallel_loop3A_288 = tpu.vector_load %arg11[%parallel_loop3A_286, %parallel_loop3A_287] {strides = array<i32>} : memref<224x128xf32, #tpu.memory_space<vmem>>, vector<16xf32>,
          %parallel_loop3A_289 = arith.mulf %parallel_loop3A_288, %get3A_149 : vector<16xf32>
          %parallel_loop3A_290 = arith.index_cast %parallel_loop3A_281 : i32 to index
          %parallel_loop3A_291 = arith.constant 32 : index
          %parallel_loop3A_292 = tpu.vector_load %arg11[%parallel_loop3A_290, %parallel_loop3A_291] {strides = array<i32>} : memref<224x128xf32, #tpu.memory_space<vmem>>, vector<16xf32>,
          %parallel_loop3A_293 = arith.mulf %parallel_loop3A_292, %get3A_152 : vector<16xf32>
          %parallel_loop3A_294 = arith.index_cast %parallel_loop3A_281 : i32 to index
          %parallel_loop3A_295 = arith.constant 48 : index
          %parallel_loop3A_296 = tpu.vector_load %arg11[%parallel_loop3A_294, %parallel_loop3A_295] {strides = array<i32>} : memref<224x128xf32, #tpu.memory_space<vmem>>, vector<16xf32>,
          %parallel_loop3A_297 = arith.mulf %parallel_loop3A_296, %get3A_155 : vector<16xf32>
          %parallel_loop3A_298 = arith.index_cast %parallel_loop3A_281 : i32 to index
          %parallel_loop3A_299 = arith.constant 64 : index
          %parallel_loop3A_300 = tpu.vector_load %arg11[%parallel_loop3A_298, %parallel_loop3A_299] {strides = array<i32>} : memref<224x128xf32, #tpu.memory_space<vmem>>, vector<16xf32>,
          %parallel_loop3A_301 = arith.mulf %parallel_loop3A_300, %get3A_158 : vector<16xf32>
          %parallel_loop3A_302 = arith.index_cast %parallel_loop3A_281 : i32 to index
          %parallel_loop3A_303 = arith.constant 80 : index
          %parallel_loop3A_304 = tpu.vector_load %arg11[%parallel_loop3A_302, %parallel_loop3A_303] {strides = array<i32>} : memref<224x128xf32, #tpu.memory_space<vmem>>, vector<16xf32>,
          %parallel_loop3A_305 = arith.mulf %parallel_loop3A_304, %get3A_161 : vector<16xf32>
          %parallel_loop3A_306 = arith.index_cast %parallel_loop3A_281 : i32 to index
          %parallel_loop3A_307 = arith.constant 96 : index
          %parallel_loop3A_308 = tpu.vector_load %arg11[%parallel_loop3A_306, %parallel_loop3A_307] {strides = array<i32>} : memref<224x128xf32, #tpu.memory_space<vmem>>, vector<16xf32>,
          %parallel_loop3A_309 = arith.mulf %parallel_loop3A_308, %get3A_164 : vector<16xf32>
          %parallel_loop3A_310 = arith.index_cast %parallel_loop3A_281 : i32 to index
          %parallel_loop3A_311 = arith.constant 112 : index
          %parallel_loop3A_312 = tpu.vector_load %arg11[%parallel_loop3A_310, %parallel_loop3A_311] {strides = array<i32>} : memref<224x128xf32, #tpu.memory_space<vmem>>, vector<16xf32>,
          %parallel_loop3A_313 = arith.mulf %parallel_loop3A_312, %get3A_167 : vector<16xf32>
          %parallel_loop3A_314 = arith.addf %parallel_loop3A_285, %parallel_loop3A_289 : vector<16xf32>
          %parallel_loop3A_315 = arith.addf %parallel_loop3A_293, %parallel_loop3A_297 : vector<16xf32>
          %parallel_loop3A_316 = arith.addf %parallel_loop3A_301, %parallel_loop3A_305 : vector<16xf32>
          %parallel_loop3A_317 = arith.addf %parallel_loop3A_309, %parallel_loop3A_313 : vector<16xf32>
          %parallel_loop3A_318 = arith.addf %parallel_loop3A_314, %parallel_loop3A_315 : vector<16xf32>
          %parallel_loop3A_319 = arith.addf %parallel_loop3A_316, %parallel_loop3A_317 : vector<16xf32>
          %parallel_loop3A_320 = arith.addf %parallel_loop3A_318, %parallel_loop3A_319 : vector<16xf32>
          %parallel_loop3A_321 = arith.constant 2 : i32
          %parallel_loop3A_322 = vector.broadcast %parallel_loop3A_321 : i32 to vector<16xi32>
          %parallel_loop3A_323 = arith.cmpi eq, %iota3A, %parallel_loop3A_322 : vector<16xi32>
          %parallel_loop3A_324 = arith.constant true
          %parallel_loop3A_325 = vector.broadcast %parallel_loop3A_324 : i1 to vector<16xi1>
          %parallel_loop3A_326 = tpu.scan <sum>, %parallel_loop3A_320 masked %parallel_loop3A_325 : vector<16xf32>, vector<16xi1> -> vector<16xf32>
          %parallel_loop3A_327 = vector.extract %parallel_loop3A_326[15] : f32 from vector<16xf32>
          %parallel_loop3A_328 = vector.broadcast %parallel_loop3A_327 : f32 to vector<16xf32>
          %parallel_loop3A_329 = arith.select %parallel_loop3A_323, %parallel_loop3A_328, %parallel_loop3A_277 : vector<16xi1>, vector<16xf32>
          %parallel_loop3A_330 = arith.constant 16 : i32
          %parallel_loop3A_331 = arith.muli %parallel_loop3A_171, %parallel_loop3A_330 : i32
          %parallel_loop3A_332 = arith.constant 3 : i32
          %parallel_loop3A_333 = arith.addi %parallel_loop3A_331, %parallel_loop3A_332 : i32
          %parallel_loop3A_334 = arith.index_cast %parallel_loop3A_333 : i32 to index
          %parallel_loop3A_335 = arith.constant 0 : index
          %parallel_loop3A_336 = tpu.vector_load %arg11[%parallel_loop3A_334, %parallel_loop3A_335] {strides = array<i32>} : memref<224x128xf32, #tpu.memory_space<vmem>>, vector<16xf32>,
          %parallel_loop3A_337 = arith.mulf %parallel_loop3A_336, %get3A_146 : vector<16xf32>
          %parallel_loop3A_338 = arith.index_cast %parallel_loop3A_333 : i32 to index
          %parallel_loop3A_339 = arith.constant 16 : index
          %parallel_loop3A_340 = tpu.vector_load %arg11[%parallel_loop3A_338, %parallel_loop3A_339] {strides = array<i32>} : memref<224x128xf32, #tpu.memory_space<vmem>>, vector<16xf32>,
          %parallel_loop3A_341 = arith.mulf %parallel_loop3A_340, %get3A_149 : vector<16xf32>
          %parallel_loop3A_342 = arith.index_cast %parallel_loop3A_333 : i32 to index
          %parallel_loop3A_343 = arith.constant 32 : index
          %parallel_loop3A_344 = tpu.vector_load %arg11[%parallel_loop3A_342, %parallel_loop3A_343] {strides = array<i32>} : memref<224x128xf32, #tpu.memory_space<vmem>>, vector<16xf32>,
          %parallel_loop3A_345 = arith.mulf %parallel_loop3A_344, %get3A_152 : vector<16xf32>
          %parallel_loop3A_346 = arith.index_cast %parallel_loop3A_333 : i32 to index
          %parallel_loop3A_347 = arith.constant 48 : index
          %parallel_loop3A_348 = tpu.vector_load %arg11[%parallel_loop3A_346, %parallel_loop3A_347] {strides = array<i32>} : memref<224x128xf32, #tpu.memory_space<vmem>>, vector<16xf32>,
          %parallel_loop3A_349 = arith.mulf %parallel_loop3A_348, %get3A_155 : vector<16xf32>
          %parallel_loop3A_350 = arith.index_cast %parallel_loop3A_333 : i32 to index
          %parallel_loop3A_351 = arith.constant 64 : index
          %parallel_loop3A_352 = tpu.vector_load %arg11[%parallel_loop3A_350, %parallel_loop3A_351] {strides = array<i32>} : memref<224x128xf32, #tpu.memory_space<vmem>>, vector<16xf32>,
          %parallel_loop3A_353 = arith.mulf %parallel_loop3A_352, %get3A_158 : vector<16xf32>
          %parallel_loop3A_354 = arith.index_cast %parallel_loop3A_333 : i32 to index
          %parallel_loop3A_355 = arith.constant 80 : index
          %parallel_loop3A_356 = tpu.vector_load %arg11[%parallel_loop3A_354, %parallel_loop3A_355] {strides = array<i32>} : memref<224x128xf32, #tpu.memory_space<vmem>>, vector<16xf32>,
          %parallel_loop3A_357 = arith.mulf %parallel_loop3A_356, %get3A_161 : vector<16xf32>
          %parallel_loop3A_358 = arith.index_cast %parallel_loop3A_333 : i32 to index
          %parallel_loop3A_359 = arith.constant 96 : index
          %parallel_loop3A_360 = tpu.vector_load %arg11[%parallel_loop3A_358, %parallel_loop3A_359] {strides = array<i32>} : memref<224x128xf32, #tpu.memory_space<vmem>>, vector<16xf32>,
          %parallel_loop3A_361 = arith.mulf %parallel_loop3A_360, %get3A_164 : vector<16xf32>
          %parallel_loop3A_362 = arith.index_cast %parallel_loop3A_333 : i32 to index
          %parallel_loop3A_363 = arith.constant 112 : index
          %parallel_loop3A_364 = tpu.vector_load %arg11[%parallel_loop3A_362, %parallel_loop3A_363] {strides = array<i32>} : memref<224x128xf32, #tpu.memory_space<vmem>>, vector<16xf32>,
          %parallel_loop3A_365 = arith.mulf %parallel_loop3A_364, %get3A_167 : vector<16xf32>
          %parallel_loop3A_366 = arith.addf %parallel_loop3A_337, %parallel_loop3A_341 : vector<16xf32>
          %parallel_loop3A_367 = arith.addf %parallel_loop3A_345, %parallel_loop3A_349 : vector<16xf32>
          %parallel_loop3A_368 = arith.addf %parallel_loop3A_353, %parallel_loop3A_357 : vector<16xf32>
          %parallel_loop3A_369 = arith.addf %parallel_loop3A_361, %parallel_loop3A_365 : vector<16xf32>
          %parallel_loop3A_370 = arith.addf %parallel_loop3A_366, %parallel_loop3A_367 : vector<16xf32>
          %parallel_loop3A_371 = arith.addf %parallel_loop3A_368, %parallel_loop3A_369 : vector<16xf32>
          %parallel_loop3A_372 = arith.addf %parallel_loop3A_370, %parallel_loop3A_371 : vector<16xf32>
          %parallel_loop3A_373 = arith.constant 3 : i32
          %parallel_loop3A_374 = vector.broadcast %parallel_loop3A_373 : i32 to vector<16xi32>
          %parallel_loop3A_375 = arith.cmpi eq, %iota3A, %parallel_loop3A_374 : vector<16xi32>
          %parallel_loop3A_376 = arith.constant true
          %parallel_loop3A_377 = vector.broadcast %parallel_loop3A_376 : i1 to vector<16xi1>
          %parallel_loop3A_378 = tpu.scan <sum>, %parallel_loop3A_372 masked %parallel_loop3A_377 : vector<16xf32>, vector<16xi1> -> vector<16xf32>
          %parallel_loop3A_379 = vector.extract %parallel_loop3A_378[15] : f32 from vector<16xf32>
          %parallel_loop3A_380 = vector.broadcast %parallel_loop3A_379 : f32 to vector<16xf32>
          %parallel_loop3A_381 = arith.select %parallel_loop3A_375, %parallel_loop3A_380, %parallel_loop3A_329 : vector<16xi1>, vector<16xf32>
          %parallel_loop3A_382 = arith.constant 16 : i32
          %parallel_loop3A_383 = arith.muli %parallel_loop3A_171, %parallel_loop3A_382 : i32
          %parallel_loop3A_384 = arith.constant 4 : i32
          %parallel_loop3A_385 = arith.addi %parallel_loop3A_383, %parallel_loop3A_384 : i32
          %parallel_loop3A_386 = arith.index_cast %parallel_loop3A_385 : i32 to index
          %parallel_loop3A_387 = arith.constant 0 : index
          %parallel_loop3A_388 = tpu.vector_load %arg11[%parallel_loop3A_386, %parallel_loop3A_387] {strides = array<i32>} : memref<224x128xf32, #tpu.memory_space<vmem>>, vector<16xf32>,
          %parallel_loop3A_389 = arith.mulf %parallel_loop3A_388, %get3A_146 : vector<16xf32>
          %parallel_loop3A_390 = arith.index_cast %parallel_loop3A_385 : i32 to index
          %parallel_loop3A_391 = arith.constant 16 : index
          %parallel_loop3A_392 = tpu.vector_load %arg11[%parallel_loop3A_390, %parallel_loop3A_391] {strides = array<i32>} : memref<224x128xf32, #tpu.memory_space<vmem>>, vector<16xf32>,
          %parallel_loop3A_393 = arith.mulf %parallel_loop3A_392, %get3A_149 : vector<16xf32>
          %parallel_loop3A_394 = arith.index_cast %parallel_loop3A_385 : i32 to index
          %parallel_loop3A_395 = arith.constant 32 : index
          %parallel_loop3A_396 = tpu.vector_load %arg11[%parallel_loop3A_394, %parallel_loop3A_395] {strides = array<i32>} : memref<224x128xf32, #tpu.memory_space<vmem>>, vector<16xf32>,
          %parallel_loop3A_397 = arith.mulf %parallel_loop3A_396, %get3A_152 : vector<16xf32>
          %parallel_loop3A_398 = arith.index_cast %parallel_loop3A_385 : i32 to index
          %parallel_loop3A_399 = arith.constant 48 : index
          %parallel_loop3A_400 = tpu.vector_load %arg11[%parallel_loop3A_398, %parallel_loop3A_399] {strides = array<i32>} : memref<224x128xf32, #tpu.memory_space<vmem>>, vector<16xf32>,
          %parallel_loop3A_401 = arith.mulf %parallel_loop3A_400, %get3A_155 : vector<16xf32>
          %parallel_loop3A_402 = arith.index_cast %parallel_loop3A_385 : i32 to index
          %parallel_loop3A_403 = arith.constant 64 : index
          %parallel_loop3A_404 = tpu.vector_load %arg11[%parallel_loop3A_402, %parallel_loop3A_403] {strides = array<i32>} : memref<224x128xf32, #tpu.memory_space<vmem>>, vector<16xf32>,
          %parallel_loop3A_405 = arith.mulf %parallel_loop3A_404, %get3A_158 : vector<16xf32>
          %parallel_loop3A_406 = arith.index_cast %parallel_loop3A_385 : i32 to index
          %parallel_loop3A_407 = arith.constant 80 : index
          %parallel_loop3A_408 = tpu.vector_load %arg11[%parallel_loop3A_406, %parallel_loop3A_407] {strides = array<i32>} : memref<224x128xf32, #tpu.memory_space<vmem>>, vector<16xf32>,
          %parallel_loop3A_409 = arith.mulf %parallel_loop3A_408, %get3A_161 : vector<16xf32>
          %parallel_loop3A_410 = arith.index_cast %parallel_loop3A_385 : i32 to index
          %parallel_loop3A_411 = arith.constant 96 : index
          %parallel_loop3A_412 = tpu.vector_load %arg11[%parallel_loop3A_410, %parallel_loop3A_411] {strides = array<i32>} : memref<224x128xf32, #tpu.memory_space<vmem>>, vector<16xf32>,
          %parallel_loop3A_413 = arith.mulf %parallel_loop3A_412, %get3A_164 : vector<16xf32>
          %parallel_loop3A_414 = arith.index_cast %parallel_loop3A_385 : i32 to index
          %parallel_loop3A_415 = arith.constant 112 : index
          %parallel_loop3A_416 = tpu.vector_load %arg11[%parallel_loop3A_414, %parallel_loop3A_415] {strides = array<i32>} : memref<224x128xf32, #tpu.memory_space<vmem>>, vector<16xf32>,
          %parallel_loop3A_417 = arith.mulf %parallel_loop3A_416, %get3A_167 : vector<16xf32>
          %parallel_loop3A_418 = arith.addf %parallel_loop3A_389, %parallel_loop3A_393 : vector<16xf32>
          %parallel_loop3A_419 = arith.addf %parallel_loop3A_397, %parallel_loop3A_401 : vector<16xf32>
          %parallel_loop3A_420 = arith.addf %parallel_loop3A_405, %parallel_loop3A_409 : vector<16xf32>
          %parallel_loop3A_421 = arith.addf %parallel_loop3A_413, %parallel_loop3A_417 : vector<16xf32>
          %parallel_loop3A_422 = arith.addf %parallel_loop3A_418, %parallel_loop3A_419 : vector<16xf32>
          %parallel_loop3A_423 = arith.addf %parallel_loop3A_420, %parallel_loop3A_421 : vector<16xf32>
          %parallel_loop3A_424 = arith.addf %parallel_loop3A_422, %parallel_loop3A_423 : vector<16xf32>
          %parallel_loop3A_425 = arith.constant 4 : i32
          %parallel_loop3A_426 = vector.broadcast %parallel_loop3A_425 : i32 to vector<16xi32>
          %parallel_loop3A_427 = arith.cmpi eq, %iota3A, %parallel_loop3A_426 : vector<16xi32>
          %parallel_loop3A_428 = arith.constant true
          %parallel_loop3A_429 = vector.broadcast %parallel_loop3A_428 : i1 to vector<16xi1>
          %parallel_loop3A_430 = tpu.scan <sum>, %parallel_loop3A_424 masked %parallel_loop3A_429 : vector<16xf32>, vector<16xi1> -> vector<16xf32>
          %parallel_loop3A_431 = vector.extract %parallel_loop3A_430[15] : f32 from vector<16xf32>
          %parallel_loop3A_432 = vector.broadcast %parallel_loop3A_431 : f32 to vector<16xf32>
          %parallel_loop3A_433 = arith.select %parallel_loop3A_427, %parallel_loop3A_432, %parallel_loop3A_381 : vector<16xi1>, vector<16xf32>
          %parallel_loop3A_434 = arith.constant 16 : i32
          %parallel_loop3A_435 = arith.muli %parallel_loop3A_171, %parallel_loop3A_434 : i32
          %parallel_loop3A_436 = arith.constant 5 : i32
          %parallel_loop3A_437 = arith.addi %parallel_loop3A_435, %parallel_loop3A_436 : i32
          %parallel_loop3A_438 = arith.index_cast %parallel_loop3A_437 : i32 to index
          %parallel_loop3A_439 = arith.constant 0 : index
          %parallel_loop3A_440 = tpu.vector_load %arg11[%parallel_loop3A_438, %parallel_loop3A_439] {strides = array<i32>} : memref<224x128xf32, #tpu.memory_space<vmem>>, vector<16xf32>,
          %parallel_loop3A_441 = arith.mulf %parallel_loop3A_440, %get3A_146 : vector<16xf32>
          %parallel_loop3A_442 = arith.index_cast %parallel_loop3A_437 : i32 to index
          %parallel_loop3A_443 = arith.constant 16 : index
          %parallel_loop3A_444 = tpu.vector_load %arg11[%parallel_loop3A_442, %parallel_loop3A_443] {strides = array<i32>} : memref<224x128xf32, #tpu.memory_space<vmem>>, vector<16xf32>,
          %parallel_loop3A_445 = arith.mulf %parallel_loop3A_444, %get3A_149 : vector<16xf32>
          %parallel_loop3A_446 = arith.index_cast %parallel_loop3A_437 : i32 to index
          %parallel_loop3A_447 = arith.constant 32 : index
          %parallel_loop3A_448 = tpu.vector_load %arg11[%parallel_loop3A_446, %parallel_loop3A_447] {strides = array<i32>} : memref<224x128xf32, #tpu.memory_space<vmem>>, vector<16xf32>,
          %parallel_loop3A_449 = arith.mulf %parallel_loop3A_448, %get3A_152 : vector<16xf32>
          %parallel_loop3A_450 = arith.index_cast %parallel_loop3A_437 : i32 to index
          %parallel_loop3A_451 = arith.constant 48 : index
          %parallel_loop3A_452 = tpu.vector_load %arg11[%parallel_loop3A_450, %parallel_loop3A_451] {strides = array<i32>} : memref<224x128xf32, #tpu.memory_space<vmem>>, vector<16xf32>,
          %parallel_loop3A_453 = arith.mulf %parallel_loop3A_452, %get3A_155 : vector<16xf32>
          %parallel_loop3A_454 = arith.index_cast %parallel_loop3A_437 : i32 to index
          %parallel_loop3A_455 = arith.constant 64 : index
          %parallel_loop3A_456 = tpu.vector_load %arg11[%parallel_loop3A_454, %parallel_loop3A_455] {strides = array<i32>} : memref<224x128xf32, #tpu.memory_space<vmem>>, vector<16xf32>,
          %parallel_loop3A_457 = arith.mulf %parallel_loop3A_456, %get3A_158 : vector<16xf32>
          %parallel_loop3A_458 = arith.index_cast %parallel_loop3A_437 : i32 to index
          %parallel_loop3A_459 = arith.constant 80 : index
          %parallel_loop3A_460 = tpu.vector_load %arg11[%parallel_loop3A_458, %parallel_loop3A_459] {strides = array<i32>} : memref<224x128xf32, #tpu.memory_space<vmem>>, vector<16xf32>,
          %parallel_loop3A_461 = arith.mulf %parallel_loop3A_460, %get3A_161 : vector<16xf32>
          %parallel_loop3A_462 = arith.index_cast %parallel_loop3A_437 : i32 to index
          %parallel_loop3A_463 = arith.constant 96 : index
          %parallel_loop3A_464 = tpu.vector_load %arg11[%parallel_loop3A_462, %parallel_loop3A_463] {strides = array<i32>} : memref<224x128xf32, #tpu.memory_space<vmem>>, vector<16xf32>,
          %parallel_loop3A_465 = arith.mulf %parallel_loop3A_464, %get3A_164 : vector<16xf32>
          %parallel_loop3A_466 = arith.index_cast %parallel_loop3A_437 : i32 to index
          %parallel_loop3A_467 = arith.constant 112 : index
          %parallel_loop3A_468 = tpu.vector_load %arg11[%parallel_loop3A_466, %parallel_loop3A_467] {strides = array<i32>} : memref<224x128xf32, #tpu.memory_space<vmem>>, vector<16xf32>,
          %parallel_loop3A_469 = arith.mulf %parallel_loop3A_468, %get3A_167 : vector<16xf32>
          %parallel_loop3A_470 = arith.addf %parallel_loop3A_441, %parallel_loop3A_445 : vector<16xf32>
          %parallel_loop3A_471 = arith.addf %parallel_loop3A_449, %parallel_loop3A_453 : vector<16xf32>
          %parallel_loop3A_472 = arith.addf %parallel_loop3A_457, %parallel_loop3A_461 : vector<16xf32>
          %parallel_loop3A_473 = arith.addf %parallel_loop3A_465, %parallel_loop3A_469 : vector<16xf32>
          %parallel_loop3A_474 = arith.addf %parallel_loop3A_470, %parallel_loop3A_471 : vector<16xf32>
          %parallel_loop3A_475 = arith.addf %parallel_loop3A_472, %parallel_loop3A_473 : vector<16xf32>
          %parallel_loop3A_476 = arith.addf %parallel_loop3A_474, %parallel_loop3A_475 : vector<16xf32>
          %parallel_loop3A_477 = arith.constant 5 : i32
          %parallel_loop3A_478 = vector.broadcast %parallel_loop3A_477 : i32 to vector<16xi32>
          %parallel_loop3A_479 = arith.cmpi eq, %iota3A, %parallel_loop3A_478 : vector<16xi32>
          %parallel_loop3A_480 = arith.constant true
          %parallel_loop3A_481 = vector.broadcast %parallel_loop3A_480 : i1 to vector<16xi1>
          %parallel_loop3A_482 = tpu.scan <sum>, %parallel_loop3A_476 masked %parallel_loop3A_481 : vector<16xf32>, vector<16xi1> -> vector<16xf32>
          %parallel_loop3A_483 = vector.extract %parallel_loop3A_482[15] : f32 from vector<16xf32>
          %parallel_loop3A_484 = vector.broadcast %parallel_loop3A_483 : f32 to vector<16xf32>
          %parallel_loop3A_485 = arith.select %parallel_loop3A_479, %parallel_loop3A_484, %parallel_loop3A_433 : vector<16xi1>, vector<16xf32>
          %parallel_loop3A_486 = arith.constant 16 : i32
          %parallel_loop3A_487 = arith.muli %parallel_loop3A_171, %parallel_loop3A_486 : i32
          %parallel_loop3A_488 = arith.constant 6 : i32
          %parallel_loop3A_489 = arith.addi %parallel_loop3A_487, %parallel_loop3A_488 : i32
          %parallel_loop3A_490 = arith.index_cast %parallel_loop3A_489 : i32 to index
          %parallel_loop3A_491 = arith.constant 0 : index
          %parallel_loop3A_492 = tpu.vector_load %arg11[%parallel_loop3A_490, %parallel_loop3A_491] {strides = array<i32>} : memref<224x128xf32, #tpu.memory_space<vmem>>, vector<16xf32>,
          %parallel_loop3A_493 = arith.mulf %parallel_loop3A_492, %get3A_146 : vector<16xf32>
          %parallel_loop3A_494 = arith.index_cast %parallel_loop3A_489 : i32 to index
          %parallel_loop3A_495 = arith.constant 16 : index
          %parallel_loop3A_496 = tpu.vector_load %arg11[%parallel_loop3A_494, %parallel_loop3A_495] {strides = array<i32>} : memref<224x128xf32, #tpu.memory_space<vmem>>, vector<16xf32>,
          %parallel_loop3A_497 = arith.mulf %parallel_loop3A_496, %get3A_149 : vector<16xf32>
          %parallel_loop3A_498 = arith.index_cast %parallel_loop3A_489 : i32 to index
          %parallel_loop3A_499 = arith.constant 32 : index
          %parallel_loop3A_500 = tpu.vector_load %arg11[%parallel_loop3A_498, %parallel_loop3A_499] {strides = array<i32>} : memref<224x128xf32, #tpu.memory_space<vmem>>, vector<16xf32>,
          %parallel_loop3A_501 = arith.mulf %parallel_loop3A_500, %get3A_152 : vector<16xf32>
          %parallel_loop3A_502 = arith.index_cast %parallel_loop3A_489 : i32 to index
          %parallel_loop3A_503 = arith.constant 48 : index
          %parallel_loop3A_504 = tpu.vector_load %arg11[%parallel_loop3A_502, %parallel_loop3A_503] {strides = array<i32>} : memref<224x128xf32, #tpu.memory_space<vmem>>, vector<16xf32>,
          %parallel_loop3A_505 = arith.mulf %parallel_loop3A_504, %get3A_155 : vector<16xf32>
          %parallel_loop3A_506 = arith.index_cast %parallel_loop3A_489 : i32 to index
          %parallel_loop3A_507 = arith.constant 64 : index
          %parallel_loop3A_508 = tpu.vector_load %arg11[%parallel_loop3A_506, %parallel_loop3A_507] {strides = array<i32>} : memref<224x128xf32, #tpu.memory_space<vmem>>, vector<16xf32>,
          %parallel_loop3A_509 = arith.mulf %parallel_loop3A_508, %get3A_158 : vector<16xf32>
          %parallel_loop3A_510 = arith.index_cast %parallel_loop3A_489 : i32 to index
          %parallel_loop3A_511 = arith.constant 80 : index
          %parallel_loop3A_512 = tpu.vector_load %arg11[%parallel_loop3A_510, %parallel_loop3A_511] {strides = array<i32>} : memref<224x128xf32, #tpu.memory_space<vmem>>, vector<16xf32>,
          %parallel_loop3A_513 = arith.mulf %parallel_loop3A_512, %get3A_161 : vector<16xf32>
          %parallel_loop3A_514 = arith.index_cast %parallel_loop3A_489 : i32 to index
          %parallel_loop3A_515 = arith.constant 96 : index
          %parallel_loop3A_516 = tpu.vector_load %arg11[%parallel_loop3A_514, %parallel_loop3A_515] {strides = array<i32>} : memref<224x128xf32, #tpu.memory_space<vmem>>, vector<16xf32>,
          %parallel_loop3A_517 = arith.mulf %parallel_loop3A_516, %get3A_164 : vector<16xf32>
          %parallel_loop3A_518 = arith.index_cast %parallel_loop3A_489 : i32 to index
          %parallel_loop3A_519 = arith.constant 112 : index
          %parallel_loop3A_520 = tpu.vector_load %arg11[%parallel_loop3A_518, %parallel_loop3A_519] {strides = array<i32>} : memref<224x128xf32, #tpu.memory_space<vmem>>, vector<16xf32>,
          %parallel_loop3A_521 = arith.mulf %parallel_loop3A_520, %get3A_167 : vector<16xf32>
          %parallel_loop3A_522 = arith.addf %parallel_loop3A_493, %parallel_loop3A_497 : vector<16xf32>
          %parallel_loop3A_523 = arith.addf %parallel_loop3A_501, %parallel_loop3A_505 : vector<16xf32>
          %parallel_loop3A_524 = arith.addf %parallel_loop3A_509, %parallel_loop3A_513 : vector<16xf32>
          %parallel_loop3A_525 = arith.addf %parallel_loop3A_517, %parallel_loop3A_521 : vector<16xf32>
          %parallel_loop3A_526 = arith.addf %parallel_loop3A_522, %parallel_loop3A_523 : vector<16xf32>
          %parallel_loop3A_527 = arith.addf %parallel_loop3A_524, %parallel_loop3A_525 : vector<16xf32>
          %parallel_loop3A_528 = arith.addf %parallel_loop3A_526, %parallel_loop3A_527 : vector<16xf32>
          %parallel_loop3A_529 = arith.constant 6 : i32
          %parallel_loop3A_530 = vector.broadcast %parallel_loop3A_529 : i32 to vector<16xi32>
          %parallel_loop3A_531 = arith.cmpi eq, %iota3A, %parallel_loop3A_530 : vector<16xi32>
          %parallel_loop3A_532 = arith.constant true
          %parallel_loop3A_533 = vector.broadcast %parallel_loop3A_532 : i1 to vector<16xi1>
          %parallel_loop3A_534 = tpu.scan <sum>, %parallel_loop3A_528 masked %parallel_loop3A_533 : vector<16xf32>, vector<16xi1> -> vector<16xf32>
          %parallel_loop3A_535 = vector.extract %parallel_loop3A_534[15] : f32 from vector<16xf32>
          %parallel_loop3A_536 = vector.broadcast %parallel_loop3A_535 : f32 to vector<16xf32>
          %parallel_loop3A_537 = arith.select %parallel_loop3A_531, %parallel_loop3A_536, %parallel_loop3A_485 : vector<16xi1>, vector<16xf32>
          %parallel_loop3A_538 = arith.constant 16 : i32
          %parallel_loop3A_539 = arith.muli %parallel_loop3A_171, %parallel_loop3A_538 : i32
          %parallel_loop3A_540 = arith.constant 7 : i32
          %parallel_loop3A_541 = arith.addi %parallel_loop3A_539, %parallel_loop3A_540 : i32
          %parallel_loop3A_542 = arith.index_cast %parallel_loop3A_541 : i32 to index
          %parallel_loop3A_543 = arith.constant 0 : index
          %parallel_loop3A_544 = tpu.vector_load %arg11[%parallel_loop3A_542, %parallel_loop3A_543] {strides = array<i32>} : memref<224x128xf32, #tpu.memory_space<vmem>>, vector<16xf32>,
          %parallel_loop3A_545 = arith.mulf %parallel_loop3A_544, %get3A_146 : vector<16xf32>
          %parallel_loop3A_546 = arith.index_cast %parallel_loop3A_541 : i32 to index
          %parallel_loop3A_547 = arith.constant 16 : index
          %parallel_loop3A_548 = tpu.vector_load %arg11[%parallel_loop3A_546, %parallel_loop3A_547] {strides = array<i32>} : memref<224x128xf32, #tpu.memory_space<vmem>>, vector<16xf32>,
          %parallel_loop3A_549 = arith.mulf %parallel_loop3A_548, %get3A_149 : vector<16xf32>
          %parallel_loop3A_550 = arith.index_cast %parallel_loop3A_541 : i32 to index
          %parallel_loop3A_551 = arith.constant 32 : index
          %parallel_loop3A_552 = tpu.vector_load %arg11[%parallel_loop3A_550, %parallel_loop3A_551] {strides = array<i32>} : memref<224x128xf32, #tpu.memory_space<vmem>>, vector<16xf32>,
          %parallel_loop3A_553 = arith.mulf %parallel_loop3A_552, %get3A_152 : vector<16xf32>
          %parallel_loop3A_554 = arith.index_cast %parallel_loop3A_541 : i32 to index
          %parallel_loop3A_555 = arith.constant 48 : index
          %parallel_loop3A_556 = tpu.vector_load %arg11[%parallel_loop3A_554, %parallel_loop3A_555] {strides = array<i32>} : memref<224x128xf32, #tpu.memory_space<vmem>>, vector<16xf32>,
          %parallel_loop3A_557 = arith.mulf %parallel_loop3A_556, %get3A_155 : vector<16xf32>
          %parallel_loop3A_558 = arith.index_cast %parallel_loop3A_541 : i32 to index
          %parallel_loop3A_559 = arith.constant 64 : index
          %parallel_loop3A_560 = tpu.vector_load %arg11[%parallel_loop3A_558, %parallel_loop3A_559] {strides = array<i32>} : memref<224x128xf32, #tpu.memory_space<vmem>>, vector<16xf32>,
          %parallel_loop3A_561 = arith.mulf %parallel_loop3A_560, %get3A_158 : vector<16xf32>
          %parallel_loop3A_562 = arith.index_cast %parallel_loop3A_541 : i32 to index
          %parallel_loop3A_563 = arith.constant 80 : index
          %parallel_loop3A_564 = tpu.vector_load %arg11[%parallel_loop3A_562, %parallel_loop3A_563] {strides = array<i32>} : memref<224x128xf32, #tpu.memory_space<vmem>>, vector<16xf32>,
          %parallel_loop3A_565 = arith.mulf %parallel_loop3A_564, %get3A_161 : vector<16xf32>
          %parallel_loop3A_566 = arith.index_cast %parallel_loop3A_541 : i32 to index
          %parallel_loop3A_567 = arith.constant 96 : index
          %parallel_loop3A_568 = tpu.vector_load %arg11[%parallel_loop3A_566, %parallel_loop3A_567] {strides = array<i32>} : memref<224x128xf32, #tpu.memory_space<vmem>>, vector<16xf32>,
          %parallel_loop3A_569 = arith.mulf %parallel_loop3A_568, %get3A_164 : vector<16xf32>
          %parallel_loop3A_570 = arith.index_cast %parallel_loop3A_541 : i32 to index
          %parallel_loop3A_571 = arith.constant 112 : index
          %parallel_loop3A_572 = tpu.vector_load %arg11[%parallel_loop3A_570, %parallel_loop3A_571] {strides = array<i32>} : memref<224x128xf32, #tpu.memory_space<vmem>>, vector<16xf32>,
          %parallel_loop3A_573 = arith.mulf %parallel_loop3A_572, %get3A_167 : vector<16xf32>
          %parallel_loop3A_574 = arith.addf %parallel_loop3A_545, %parallel_loop3A_549 : vector<16xf32>
          %parallel_loop3A_575 = arith.addf %parallel_loop3A_553, %parallel_loop3A_557 : vector<16xf32>
          %parallel_loop3A_576 = arith.addf %parallel_loop3A_561, %parallel_loop3A_565 : vector<16xf32>
          %parallel_loop3A_577 = arith.addf %parallel_loop3A_569, %parallel_loop3A_573 : vector<16xf32>
          %parallel_loop3A_578 = arith.addf %parallel_loop3A_574, %parallel_loop3A_575 : vector<16xf32>
          %parallel_loop3A_579 = arith.addf %parallel_loop3A_576, %parallel_loop3A_577 : vector<16xf32>
          %parallel_loop3A_580 = arith.addf %parallel_loop3A_578, %parallel_loop3A_579 : vector<16xf32>
          %parallel_loop3A_581 = arith.constant 7 : i32
          %parallel_loop3A_582 = vector.broadcast %parallel_loop3A_581 : i32 to vector<16xi32>
          %parallel_loop3A_583 = arith.cmpi eq, %iota3A, %parallel_loop3A_582 : vector<16xi32>
          %parallel_loop3A_584 = arith.constant true
          %parallel_loop3A_585 = vector.broadcast %parallel_loop3A_584 : i1 to vector<16xi1>
          %parallel_loop3A_586 = tpu.scan <sum>, %parallel_loop3A_580 masked %parallel_loop3A_585 : vector<16xf32>, vector<16xi1> -> vector<16xf32>
          %parallel_loop3A_587 = vector.extract %parallel_loop3A_586[15] : f32 from vector<16xf32>
          %parallel_loop3A_588 = vector.broadcast %parallel_loop3A_587 : f32 to vector<16xf32>
          %parallel_loop3A_589 = arith.select %parallel_loop3A_583, %parallel_loop3A_588, %parallel_loop3A_537 : vector<16xi1>, vector<16xf32>
          %parallel_loop3A_590 = arith.constant 16 : i32
          %parallel_loop3A_591 = arith.muli %parallel_loop3A_171, %parallel_loop3A_590 : i32
          %parallel_loop3A_592 = arith.constant 8 : i32
          %parallel_loop3A_593 = arith.addi %parallel_loop3A_591, %parallel_loop3A_592 : i32
          %parallel_loop3A_594 = arith.index_cast %parallel_loop3A_593 : i32 to index
          %parallel_loop3A_595 = arith.constant 0 : index
          %parallel_loop3A_596 = tpu.vector_load %arg11[%parallel_loop3A_594, %parallel_loop3A_595] {strides = array<i32>} : memref<224x128xf32, #tpu.memory_space<vmem>>, vector<16xf32>,
          %parallel_loop3A_597 = arith.mulf %parallel_loop3A_596, %get3A_146 : vector<16xf32>
          %parallel_loop3A_598 = arith.index_cast %parallel_loop3A_593 : i32 to index
          %parallel_loop3A_599 = arith.constant 16 : index
          %parallel_loop3A_600 = tpu.vector_load %arg11[%parallel_loop3A_598, %parallel_loop3A_599] {strides = array<i32>} : memref<224x128xf32, #tpu.memory_space<vmem>>, vector<16xf32>,
          %parallel_loop3A_601 = arith.mulf %parallel_loop3A_600, %get3A_149 : vector<16xf32>
          %parallel_loop3A_602 = arith.index_cast %parallel_loop3A_593 : i32 to index
          %parallel_loop3A_603 = arith.constant 32 : index
          %parallel_loop3A_604 = tpu.vector_load %arg11[%parallel_loop3A_602, %parallel_loop3A_603] {strides = array<i32>} : memref<224x128xf32, #tpu.memory_space<vmem>>, vector<16xf32>,
          %parallel_loop3A_605 = arith.mulf %parallel_loop3A_604, %get3A_152 : vector<16xf32>
          %parallel_loop3A_606 = arith.index_cast %parallel_loop3A_593 : i32 to index
          %parallel_loop3A_607 = arith.constant 48 : index
          %parallel_loop3A_608 = tpu.vector_load %arg11[%parallel_loop3A_606, %parallel_loop3A_607] {strides = array<i32>} : memref<224x128xf32, #tpu.memory_space<vmem>>, vector<16xf32>,
          %parallel_loop3A_609 = arith.mulf %parallel_loop3A_608, %get3A_155 : vector<16xf32>
          %parallel_loop3A_610 = arith.index_cast %parallel_loop3A_593 : i32 to index
          %parallel_loop3A_611 = arith.constant 64 : index
          %parallel_loop3A_612 = tpu.vector_load %arg11[%parallel_loop3A_610, %parallel_loop3A_611] {strides = array<i32>} : memref<224x128xf32, #tpu.memory_space<vmem>>, vector<16xf32>,
          %parallel_loop3A_613 = arith.mulf %parallel_loop3A_612, %get3A_158 : vector<16xf32>
          %parallel_loop3A_614 = arith.index_cast %parallel_loop3A_593 : i32 to index
          %parallel_loop3A_615 = arith.constant 80 : index
          %parallel_loop3A_616 = tpu.vector_load %arg11[%parallel_loop3A_614, %parallel_loop3A_615] {strides = array<i32>} : memref<224x128xf32, #tpu.memory_space<vmem>>, vector<16xf32>,
          %parallel_loop3A_617 = arith.mulf %parallel_loop3A_616, %get3A_161 : vector<16xf32>
          %parallel_loop3A_618 = arith.index_cast %parallel_loop3A_593 : i32 to index
          %parallel_loop3A_619 = arith.constant 96 : index
          %parallel_loop3A_620 = tpu.vector_load %arg11[%parallel_loop3A_618, %parallel_loop3A_619] {strides = array<i32>} : memref<224x128xf32, #tpu.memory_space<vmem>>, vector<16xf32>,
          %parallel_loop3A_621 = arith.mulf %parallel_loop3A_620, %get3A_164 : vector<16xf32>
          %parallel_loop3A_622 = arith.index_cast %parallel_loop3A_593 : i32 to index
          %parallel_loop3A_623 = arith.constant 112 : index
          %parallel_loop3A_624 = tpu.vector_load %arg11[%parallel_loop3A_622, %parallel_loop3A_623] {strides = array<i32>} : memref<224x128xf32, #tpu.memory_space<vmem>>, vector<16xf32>,
          %parallel_loop3A_625 = arith.mulf %parallel_loop3A_624, %get3A_167 : vector<16xf32>
          %parallel_loop3A_626 = arith.addf %parallel_loop3A_597, %parallel_loop3A_601 : vector<16xf32>
          %parallel_loop3A_627 = arith.addf %parallel_loop3A_605, %parallel_loop3A_609 : vector<16xf32>
          %parallel_loop3A_628 = arith.addf %parallel_loop3A_613, %parallel_loop3A_617 : vector<16xf32>
          %parallel_loop3A_629 = arith.addf %parallel_loop3A_621, %parallel_loop3A_625 : vector<16xf32>
          %parallel_loop3A_630 = arith.addf %parallel_loop3A_626, %parallel_loop3A_627 : vector<16xf32>
          %parallel_loop3A_631 = arith.addf %parallel_loop3A_628, %parallel_loop3A_629 : vector<16xf32>
          %parallel_loop3A_632 = arith.addf %parallel_loop3A_630, %parallel_loop3A_631 : vector<16xf32>
          %parallel_loop3A_633 = arith.constant 8 : i32
          %parallel_loop3A_634 = vector.broadcast %parallel_loop3A_633 : i32 to vector<16xi32>
          %parallel_loop3A_635 = arith.cmpi eq, %iota3A, %parallel_loop3A_634 : vector<16xi32>
          %parallel_loop3A_636 = arith.constant true
          %parallel_loop3A_637 = vector.broadcast %parallel_loop3A_636 : i1 to vector<16xi1>
          %parallel_loop3A_638 = tpu.scan <sum>, %parallel_loop3A_632 masked %parallel_loop3A_637 : vector<16xf32>, vector<16xi1> -> vector<16xf32>
          %parallel_loop3A_639 = vector.extract %parallel_loop3A_638[15] : f32 from vector<16xf32>
          %parallel_loop3A_640 = vector.broadcast %parallel_loop3A_639 : f32 to vector<16xf32>
          %parallel_loop3A_641 = arith.select %parallel_loop3A_635, %parallel_loop3A_640, %parallel_loop3A_589 : vector<16xi1>, vector<16xf32>
          %parallel_loop3A_642 = arith.constant 16 : i32
          %parallel_loop3A_643 = arith.muli %parallel_loop3A_171, %parallel_loop3A_642 : i32
          %parallel_loop3A_644 = arith.constant 9 : i32
          %parallel_loop3A_645 = arith.addi %parallel_loop3A_643, %parallel_loop3A_644 : i32
          %parallel_loop3A_646 = arith.index_cast %parallel_loop3A_645 : i32 to index
          %parallel_loop3A_647 = arith.constant 0 : index
          %parallel_loop3A_648 = tpu.vector_load %arg11[%parallel_loop3A_646, %parallel_loop3A_647] {strides = array<i32>} : memref<224x128xf32, #tpu.memory_space<vmem>>, vector<16xf32>,
          %parallel_loop3A_649 = arith.mulf %parallel_loop3A_648, %get3A_146 : vector<16xf32>
          %parallel_loop3A_650 = arith.index_cast %parallel_loop3A_645 : i32 to index
          %parallel_loop3A_651 = arith.constant 16 : index
          %parallel_loop3A_652 = tpu.vector_load %arg11[%parallel_loop3A_650, %parallel_loop3A_651] {strides = array<i32>} : memref<224x128xf32, #tpu.memory_space<vmem>>, vector<16xf32>,
          %parallel_loop3A_653 = arith.mulf %parallel_loop3A_652, %get3A_149 : vector<16xf32>
          %parallel_loop3A_654 = arith.index_cast %parallel_loop3A_645 : i32 to index
          %parallel_loop3A_655 = arith.constant 32 : index
          %parallel_loop3A_656 = tpu.vector_load %arg11[%parallel_loop3A_654, %parallel_loop3A_655] {strides = array<i32>} : memref<224x128xf32, #tpu.memory_space<vmem>>, vector<16xf32>,
          %parallel_loop3A_657 = arith.mulf %parallel_loop3A_656, %get3A_152 : vector<16xf32>
          %parallel_loop3A_658 = arith.index_cast %parallel_loop3A_645 : i32 to index
          %parallel_loop3A_659 = arith.constant 48 : index
          %parallel_loop3A_660 = tpu.vector_load %arg11[%parallel_loop3A_658, %parallel_loop3A_659] {strides = array<i32>} : memref<224x128xf32, #tpu.memory_space<vmem>>, vector<16xf32>,
          %parallel_loop3A_661 = arith.mulf %parallel_loop3A_660, %get3A_155 : vector<16xf32>
          %parallel_loop3A_662 = arith.index_cast %parallel_loop3A_645 : i32 to index
          %parallel_loop3A_663 = arith.constant 64 : index
          %parallel_loop3A_664 = tpu.vector_load %arg11[%parallel_loop3A_662, %parallel_loop3A_663] {strides = array<i32>} : memref<224x128xf32, #tpu.memory_space<vmem>>, vector<16xf32>,
          %parallel_loop3A_665 = arith.mulf %parallel_loop3A_664, %get3A_158 : vector<16xf32>
          %parallel_loop3A_666 = arith.index_cast %parallel_loop3A_645 : i32 to index
          %parallel_loop3A_667 = arith.constant 80 : index
          %parallel_loop3A_668 = tpu.vector_load %arg11[%parallel_loop3A_666, %parallel_loop3A_667] {strides = array<i32>} : memref<224x128xf32, #tpu.memory_space<vmem>>, vector<16xf32>,
          %parallel_loop3A_669 = arith.mulf %parallel_loop3A_668, %get3A_161 : vector<16xf32>
          %parallel_loop3A_670 = arith.index_cast %parallel_loop3A_645 : i32 to index
          %parallel_loop3A_671 = arith.constant 96 : index
          %parallel_loop3A_672 = tpu.vector_load %arg11[%parallel_loop3A_670, %parallel_loop3A_671] {strides = array<i32>} : memref<224x128xf32, #tpu.memory_space<vmem>>, vector<16xf32>,
          %parallel_loop3A_673 = arith.mulf %parallel_loop3A_672, %get3A_164 : vector<16xf32>
          %parallel_loop3A_674 = arith.index_cast %parallel_loop3A_645 : i32 to index
          %parallel_loop3A_675 = arith.constant 112 : index
          %parallel_loop3A_676 = tpu.vector_load %arg11[%parallel_loop3A_674, %parallel_loop3A_675] {strides = array<i32>} : memref<224x128xf32, #tpu.memory_space<vmem>>, vector<16xf32>,
          %parallel_loop3A_677 = arith.mulf %parallel_loop3A_676, %get3A_167 : vector<16xf32>
          %parallel_loop3A_678 = arith.addf %parallel_loop3A_649, %parallel_loop3A_653 : vector<16xf32>
          %parallel_loop3A_679 = arith.addf %parallel_loop3A_657, %parallel_loop3A_661 : vector<16xf32>
          %parallel_loop3A_680 = arith.addf %parallel_loop3A_665, %parallel_loop3A_669 : vector<16xf32>
          %parallel_loop3A_681 = arith.addf %parallel_loop3A_673, %parallel_loop3A_677 : vector<16xf32>
          %parallel_loop3A_682 = arith.addf %parallel_loop3A_678, %parallel_loop3A_679 : vector<16xf32>
          %parallel_loop3A_683 = arith.addf %parallel_loop3A_680, %parallel_loop3A_681 : vector<16xf32>
          %parallel_loop3A_684 = arith.addf %parallel_loop3A_682, %parallel_loop3A_683 : vector<16xf32>
          %parallel_loop3A_685 = arith.constant 9 : i32
          %parallel_loop3A_686 = vector.broadcast %parallel_loop3A_685 : i32 to vector<16xi32>
          %parallel_loop3A_687 = arith.cmpi eq, %iota3A, %parallel_loop3A_686 : vector<16xi32>
          %parallel_loop3A_688 = arith.constant true
          %parallel_loop3A_689 = vector.broadcast %parallel_loop3A_688 : i1 to vector<16xi1>
          %parallel_loop3A_690 = tpu.scan <sum>, %parallel_loop3A_684 masked %parallel_loop3A_689 : vector<16xf32>, vector<16xi1> -> vector<16xf32>
          %parallel_loop3A_691 = vector.extract %parallel_loop3A_690[15] : f32 from vector<16xf32>
          %parallel_loop3A_692 = vector.broadcast %parallel_loop3A_691 : f32 to vector<16xf32>
          %parallel_loop3A_693 = arith.select %parallel_loop3A_687, %parallel_loop3A_692, %parallel_loop3A_641 : vector<16xi1>, vector<16xf32>
          %parallel_loop3A_694 = arith.constant 16 : i32
          %parallel_loop3A_695 = arith.muli %parallel_loop3A_171, %parallel_loop3A_694 : i32
          %parallel_loop3A_696 = arith.constant 10 : i32
          %parallel_loop3A_697 = arith.addi %parallel_loop3A_695, %parallel_loop3A_696 : i32
          %parallel_loop3A_698 = arith.index_cast %parallel_loop3A_697 : i32 to index
          %parallel_loop3A_699 = arith.constant 0 : index
          %parallel_loop3A_700 = tpu.vector_load %arg11[%parallel_loop3A_698, %parallel_loop3A_699] {strides = array<i32>} : memref<224x128xf32, #tpu.memory_space<vmem>>, vector<16xf32>,
          %parallel_loop3A_701 = arith.mulf %parallel_loop3A_700, %get3A_146 : vector<16xf32>
          %parallel_loop3A_702 = arith.index_cast %parallel_loop3A_697 : i32 to index
          %parallel_loop3A_703 = arith.constant 16 : index
          %parallel_loop3A_704 = tpu.vector_load %arg11[%parallel_loop3A_702, %parallel_loop3A_703] {strides = array<i32>} : memref<224x128xf32, #tpu.memory_space<vmem>>, vector<16xf32>,
          %parallel_loop3A_705 = arith.mulf %parallel_loop3A_704, %get3A_149 : vector<16xf32>
          %parallel_loop3A_706 = arith.index_cast %parallel_loop3A_697 : i32 to index
          %parallel_loop3A_707 = arith.constant 32 : index
          %parallel_loop3A_708 = tpu.vector_load %arg11[%parallel_loop3A_706, %parallel_loop3A_707] {strides = array<i32>} : memref<224x128xf32, #tpu.memory_space<vmem>>, vector<16xf32>,
          %parallel_loop3A_709 = arith.mulf %parallel_loop3A_708, %get3A_152 : vector<16xf32>
          %parallel_loop3A_710 = arith.index_cast %parallel_loop3A_697 : i32 to index
          %parallel_loop3A_711 = arith.constant 48 : index
          %parallel_loop3A_712 = tpu.vector_load %arg11[%parallel_loop3A_710, %parallel_loop3A_711] {strides = array<i32>} : memref<224x128xf32, #tpu.memory_space<vmem>>, vector<16xf32>,
          %parallel_loop3A_713 = arith.mulf %parallel_loop3A_712, %get3A_155 : vector<16xf32>
          %parallel_loop3A_714 = arith.index_cast %parallel_loop3A_697 : i32 to index
          %parallel_loop3A_715 = arith.constant 64 : index
          %parallel_loop3A_716 = tpu.vector_load %arg11[%parallel_loop3A_714, %parallel_loop3A_715] {strides = array<i32>} : memref<224x128xf32, #tpu.memory_space<vmem>>, vector<16xf32>,
          %parallel_loop3A_717 = arith.mulf %parallel_loop3A_716, %get3A_158 : vector<16xf32>
          %parallel_loop3A_718 = arith.index_cast %parallel_loop3A_697 : i32 to index
          %parallel_loop3A_719 = arith.constant 80 : index
          %parallel_loop3A_720 = tpu.vector_load %arg11[%parallel_loop3A_718, %parallel_loop3A_719] {strides = array<i32>} : memref<224x128xf32, #tpu.memory_space<vmem>>, vector<16xf32>,
          %parallel_loop3A_721 = arith.mulf %parallel_loop3A_720, %get3A_161 : vector<16xf32>
          %parallel_loop3A_722 = arith.index_cast %parallel_loop3A_697 : i32 to index
          %parallel_loop3A_723 = arith.constant 96 : index
          %parallel_loop3A_724 = tpu.vector_load %arg11[%parallel_loop3A_722, %parallel_loop3A_723] {strides = array<i32>} : memref<224x128xf32, #tpu.memory_space<vmem>>, vector<16xf32>,
          %parallel_loop3A_725 = arith.mulf %parallel_loop3A_724, %get3A_164 : vector<16xf32>
          %parallel_loop3A_726 = arith.index_cast %parallel_loop3A_697 : i32 to index
          %parallel_loop3A_727 = arith.constant 112 : index
          %parallel_loop3A_728 = tpu.vector_load %arg11[%parallel_loop3A_726, %parallel_loop3A_727] {strides = array<i32>} : memref<224x128xf32, #tpu.memory_space<vmem>>, vector<16xf32>,
          %parallel_loop3A_729 = arith.mulf %parallel_loop3A_728, %get3A_167 : vector<16xf32>
          %parallel_loop3A_730 = arith.addf %parallel_loop3A_701, %parallel_loop3A_705 : vector<16xf32>
          %parallel_loop3A_731 = arith.addf %parallel_loop3A_709, %parallel_loop3A_713 : vector<16xf32>
          %parallel_loop3A_732 = arith.addf %parallel_loop3A_717, %parallel_loop3A_721 : vector<16xf32>
          %parallel_loop3A_733 = arith.addf %parallel_loop3A_725, %parallel_loop3A_729 : vector<16xf32>
          %parallel_loop3A_734 = arith.addf %parallel_loop3A_730, %parallel_loop3A_731 : vector<16xf32>
          %parallel_loop3A_735 = arith.addf %parallel_loop3A_732, %parallel_loop3A_733 : vector<16xf32>
          %parallel_loop3A_736 = arith.addf %parallel_loop3A_734, %parallel_loop3A_735 : vector<16xf32>
          %parallel_loop3A_737 = arith.constant 10 : i32
          %parallel_loop3A_738 = vector.broadcast %parallel_loop3A_737 : i32 to vector<16xi32>
          %parallel_loop3A_739 = arith.cmpi eq, %iota3A, %parallel_loop3A_738 : vector<16xi32>
          %parallel_loop3A_740 = arith.constant true
          %parallel_loop3A_741 = vector.broadcast %parallel_loop3A_740 : i1 to vector<16xi1>
          %parallel_loop3A_742 = tpu.scan <sum>, %parallel_loop3A_736 masked %parallel_loop3A_741 : vector<16xf32>, vector<16xi1> -> vector<16xf32>
          %parallel_loop3A_743 = vector.extract %parallel_loop3A_742[15] : f32 from vector<16xf32>
          %parallel_loop3A_744 = vector.broadcast %parallel_loop3A_743 : f32 to vector<16xf32>
          %parallel_loop3A_745 = arith.select %parallel_loop3A_739, %parallel_loop3A_744, %parallel_loop3A_693 : vector<16xi1>, vector<16xf32>
          %parallel_loop3A_746 = arith.constant 16 : i32
          %parallel_loop3A_747 = arith.muli %parallel_loop3A_171, %parallel_loop3A_746 : i32
          %parallel_loop3A_748 = arith.constant 11 : i32
          %parallel_loop3A_749 = arith.addi %parallel_loop3A_747, %parallel_loop3A_748 : i32
          %parallel_loop3A_750 = arith.index_cast %parallel_loop3A_749 : i32 to index
          %parallel_loop3A_751 = arith.constant 0 : index
          %parallel_loop3A_752 = tpu.vector_load %arg11[%parallel_loop3A_750, %parallel_loop3A_751] {strides = array<i32>} : memref<224x128xf32, #tpu.memory_space<vmem>>, vector<16xf32>,
          %parallel_loop3A_753 = arith.mulf %parallel_loop3A_752, %get3A_146 : vector<16xf32>
          %parallel_loop3A_754 = arith.index_cast %parallel_loop3A_749 : i32 to index
          %parallel_loop3A_755 = arith.constant 16 : index
          %parallel_loop3A_756 = tpu.vector_load %arg11[%parallel_loop3A_754, %parallel_loop3A_755] {strides = array<i32>} : memref<224x128xf32, #tpu.memory_space<vmem>>, vector<16xf32>,
          %parallel_loop3A_757 = arith.mulf %parallel_loop3A_756, %get3A_149 : vector<16xf32>
          %parallel_loop3A_758 = arith.index_cast %parallel_loop3A_749 : i32 to index
          %parallel_loop3A_759 = arith.constant 32 : index
          %parallel_loop3A_760 = tpu.vector_load %arg11[%parallel_loop3A_758, %parallel_loop3A_759] {strides = array<i32>} : memref<224x128xf32, #tpu.memory_space<vmem>>, vector<16xf32>,
          %parallel_loop3A_761 = arith.mulf %parallel_loop3A_760, %get3A_152 : vector<16xf32>
          %parallel_loop3A_762 = arith.index_cast %parallel_loop3A_749 : i32 to index
          %parallel_loop3A_763 = arith.constant 48 : index
          %parallel_loop3A_764 = tpu.vector_load %arg11[%parallel_loop3A_762, %parallel_loop3A_763] {strides = array<i32>} : memref<224x128xf32, #tpu.memory_space<vmem>>, vector<16xf32>,
          %parallel_loop3A_765 = arith.mulf %parallel_loop3A_764, %get3A_155 : vector<16xf32>
          %parallel_loop3A_766 = arith.index_cast %parallel_loop3A_749 : i32 to index
          %parallel_loop3A_767 = arith.constant 64 : index
          %parallel_loop3A_768 = tpu.vector_load %arg11[%parallel_loop3A_766, %parallel_loop3A_767] {strides = array<i32>} : memref<224x128xf32, #tpu.memory_space<vmem>>, vector<16xf32>,
          %parallel_loop3A_769 = arith.mulf %parallel_loop3A_768, %get3A_158 : vector<16xf32>
          %parallel_loop3A_770 = arith.index_cast %parallel_loop3A_749 : i32 to index
          %parallel_loop3A_771 = arith.constant 80 : index
          %parallel_loop3A_772 = tpu.vector_load %arg11[%parallel_loop3A_770, %parallel_loop3A_771] {strides = array<i32>} : memref<224x128xf32, #tpu.memory_space<vmem>>, vector<16xf32>,
          %parallel_loop3A_773 = arith.mulf %parallel_loop3A_772, %get3A_161 : vector<16xf32>
          %parallel_loop3A_774 = arith.index_cast %parallel_loop3A_749 : i32 to index
          %parallel_loop3A_775 = arith.constant 96 : index
          %parallel_loop3A_776 = tpu.vector_load %arg11[%parallel_loop3A_774, %parallel_loop3A_775] {strides = array<i32>} : memref<224x128xf32, #tpu.memory_space<vmem>>, vector<16xf32>,
          %parallel_loop3A_777 = arith.mulf %parallel_loop3A_776, %get3A_164 : vector<16xf32>
          %parallel_loop3A_778 = arith.index_cast %parallel_loop3A_749 : i32 to index
          %parallel_loop3A_779 = arith.constant 112 : index
          %parallel_loop3A_780 = tpu.vector_load %arg11[%parallel_loop3A_778, %parallel_loop3A_779] {strides = array<i32>} : memref<224x128xf32, #tpu.memory_space<vmem>>, vector<16xf32>,
          %parallel_loop3A_781 = arith.mulf %parallel_loop3A_780, %get3A_167 : vector<16xf32>
          %parallel_loop3A_782 = arith.addf %parallel_loop3A_753, %parallel_loop3A_757 : vector<16xf32>
          %parallel_loop3A_783 = arith.addf %parallel_loop3A_761, %parallel_loop3A_765 : vector<16xf32>
          %parallel_loop3A_784 = arith.addf %parallel_loop3A_769, %parallel_loop3A_773 : vector<16xf32>
          %parallel_loop3A_785 = arith.addf %parallel_loop3A_777, %parallel_loop3A_781 : vector<16xf32>
          %parallel_loop3A_786 = arith.addf %parallel_loop3A_782, %parallel_loop3A_783 : vector<16xf32>
          %parallel_loop3A_787 = arith.addf %parallel_loop3A_784, %parallel_loop3A_785 : vector<16xf32>
          %parallel_loop3A_788 = arith.addf %parallel_loop3A_786, %parallel_loop3A_787 : vector<16xf32>
          %parallel_loop3A_789 = arith.constant 11 : i32
          %parallel_loop3A_790 = vector.broadcast %parallel_loop3A_789 : i32 to vector<16xi32>
          %parallel_loop3A_791 = arith.cmpi eq, %iota3A, %parallel_loop3A_790 : vector<16xi32>
          %parallel_loop3A_792 = arith.constant true
          %parallel_loop3A_793 = vector.broadcast %parallel_loop3A_792 : i1 to vector<16xi1>
          %parallel_loop3A_794 = tpu.scan <sum>, %parallel_loop3A_788 masked %parallel_loop3A_793 : vector<16xf32>, vector<16xi1> -> vector<16xf32>
          %parallel_loop3A_795 = vector.extract %parallel_loop3A_794[15] : f32 from vector<16xf32>
          %parallel_loop3A_796 = vector.broadcast %parallel_loop3A_795 : f32 to vector<16xf32>
          %parallel_loop3A_797 = arith.select %parallel_loop3A_791, %parallel_loop3A_796, %parallel_loop3A_745 : vector<16xi1>, vector<16xf32>
          %parallel_loop3A_798 = arith.constant 16 : i32
          %parallel_loop3A_799 = arith.muli %parallel_loop3A_171, %parallel_loop3A_798 : i32
          %parallel_loop3A_800 = arith.constant 12 : i32
          %parallel_loop3A_801 = arith.addi %parallel_loop3A_799, %parallel_loop3A_800 : i32
          %parallel_loop3A_802 = arith.index_cast %parallel_loop3A_801 : i32 to index
          %parallel_loop3A_803 = arith.constant 0 : index
          %parallel_loop3A_804 = tpu.vector_load %arg11[%parallel_loop3A_802, %parallel_loop3A_803] {strides = array<i32>} : memref<224x128xf32, #tpu.memory_space<vmem>>, vector<16xf32>,
          %parallel_loop3A_805 = arith.mulf %parallel_loop3A_804, %get3A_146 : vector<16xf32>
          %parallel_loop3A_806 = arith.index_cast %parallel_loop3A_801 : i32 to index
          %parallel_loop3A_807 = arith.constant 16 : index
          %parallel_loop3A_808 = tpu.vector_load %arg11[%parallel_loop3A_806, %parallel_loop3A_807] {strides = array<i32>} : memref<224x128xf32, #tpu.memory_space<vmem>>, vector<16xf32>,
          %parallel_loop3A_809 = arith.mulf %parallel_loop3A_808, %get3A_149 : vector<16xf32>
          %parallel_loop3A_810 = arith.index_cast %parallel_loop3A_801 : i32 to index
          %parallel_loop3A_811 = arith.constant 32 : index
          %parallel_loop3A_812 = tpu.vector_load %arg11[%parallel_loop3A_810, %parallel_loop3A_811] {strides = array<i32>} : memref<224x128xf32, #tpu.memory_space<vmem>>, vector<16xf32>,
          %parallel_loop3A_813 = arith.mulf %parallel_loop3A_812, %get3A_152 : vector<16xf32>
          %parallel_loop3A_814 = arith.index_cast %parallel_loop3A_801 : i32 to index
          %parallel_loop3A_815 = arith.constant 48 : index
          %parallel_loop3A_816 = tpu.vector_load %arg11[%parallel_loop3A_814, %parallel_loop3A_815] {strides = array<i32>} : memref<224x128xf32, #tpu.memory_space<vmem>>, vector<16xf32>,
          %parallel_loop3A_817 = arith.mulf %parallel_loop3A_816, %get3A_155 : vector<16xf32>
          %parallel_loop3A_818 = arith.index_cast %parallel_loop3A_801 : i32 to index
          %parallel_loop3A_819 = arith.constant 64 : index
          %parallel_loop3A_820 = tpu.vector_load %arg11[%parallel_loop3A_818, %parallel_loop3A_819] {strides = array<i32>} : memref<224x128xf32, #tpu.memory_space<vmem>>, vector<16xf32>,
          %parallel_loop3A_821 = arith.mulf %parallel_loop3A_820, %get3A_158 : vector<16xf32>
          %parallel_loop3A_822 = arith.index_cast %parallel_loop3A_801 : i32 to index
          %parallel_loop3A_823 = arith.constant 80 : index
          %parallel_loop3A_824 = tpu.vector_load %arg11[%parallel_loop3A_822, %parallel_loop3A_823] {strides = array<i32>} : memref<224x128xf32, #tpu.memory_space<vmem>>, vector<16xf32>,
          %parallel_loop3A_825 = arith.mulf %parallel_loop3A_824, %get3A_161 : vector<16xf32>
          %parallel_loop3A_826 = arith.index_cast %parallel_loop3A_801 : i32 to index
          %parallel_loop3A_827 = arith.constant 96 : index
          %parallel_loop3A_828 = tpu.vector_load %arg11[%parallel_loop3A_826, %parallel_loop3A_827] {strides = array<i32>} : memref<224x128xf32, #tpu.memory_space<vmem>>, vector<16xf32>,
          %parallel_loop3A_829 = arith.mulf %parallel_loop3A_828, %get3A_164 : vector<16xf32>
          %parallel_loop3A_830 = arith.index_cast %parallel_loop3A_801 : i32 to index
          %parallel_loop3A_831 = arith.constant 112 : index
          %parallel_loop3A_832 = tpu.vector_load %arg11[%parallel_loop3A_830, %parallel_loop3A_831] {strides = array<i32>} : memref<224x128xf32, #tpu.memory_space<vmem>>, vector<16xf32>,
          %parallel_loop3A_833 = arith.mulf %parallel_loop3A_832, %get3A_167 : vector<16xf32>
          %parallel_loop3A_834 = arith.addf %parallel_loop3A_805, %parallel_loop3A_809 : vector<16xf32>
          %parallel_loop3A_835 = arith.addf %parallel_loop3A_813, %parallel_loop3A_817 : vector<16xf32>
          %parallel_loop3A_836 = arith.addf %parallel_loop3A_821, %parallel_loop3A_825 : vector<16xf32>
          %parallel_loop3A_837 = arith.addf %parallel_loop3A_829, %parallel_loop3A_833 : vector<16xf32>
          %parallel_loop3A_838 = arith.addf %parallel_loop3A_834, %parallel_loop3A_835 : vector<16xf32>
          %parallel_loop3A_839 = arith.addf %parallel_loop3A_836, %parallel_loop3A_837 : vector<16xf32>
          %parallel_loop3A_840 = arith.addf %parallel_loop3A_838, %parallel_loop3A_839 : vector<16xf32>
          %parallel_loop3A_841 = arith.constant 12 : i32
          %parallel_loop3A_842 = vector.broadcast %parallel_loop3A_841 : i32 to vector<16xi32>
          %parallel_loop3A_843 = arith.cmpi eq, %iota3A, %parallel_loop3A_842 : vector<16xi32>
          %parallel_loop3A_844 = arith.constant true
          %parallel_loop3A_845 = vector.broadcast %parallel_loop3A_844 : i1 to vector<16xi1>
          %parallel_loop3A_846 = tpu.scan <sum>, %parallel_loop3A_840 masked %parallel_loop3A_845 : vector<16xf32>, vector<16xi1> -> vector<16xf32>
          %parallel_loop3A_847 = vector.extract %parallel_loop3A_846[15] : f32 from vector<16xf32>
          %parallel_loop3A_848 = vector.broadcast %parallel_loop3A_847 : f32 to vector<16xf32>
          %parallel_loop3A_849 = arith.select %parallel_loop3A_843, %parallel_loop3A_848, %parallel_loop3A_797 : vector<16xi1>, vector<16xf32>
          %parallel_loop3A_850 = arith.constant 16 : i32
          %parallel_loop3A_851 = arith.muli %parallel_loop3A_171, %parallel_loop3A_850 : i32
          %parallel_loop3A_852 = arith.constant 13 : i32
          %parallel_loop3A_853 = arith.addi %parallel_loop3A_851, %parallel_loop3A_852 : i32
          %parallel_loop3A_854 = arith.index_cast %parallel_loop3A_853 : i32 to index
          %parallel_loop3A_855 = arith.constant 0 : index
          %parallel_loop3A_856 = tpu.vector_load %arg11[%parallel_loop3A_854, %parallel_loop3A_855] {strides = array<i32>} : memref<224x128xf32, #tpu.memory_space<vmem>>, vector<16xf32>,
          %parallel_loop3A_857 = arith.mulf %parallel_loop3A_856, %get3A_146 : vector<16xf32>
          %parallel_loop3A_858 = arith.index_cast %parallel_loop3A_853 : i32 to index
          %parallel_loop3A_859 = arith.constant 16 : index
          %parallel_loop3A_860 = tpu.vector_load %arg11[%parallel_loop3A_858, %parallel_loop3A_859] {strides = array<i32>} : memref<224x128xf32, #tpu.memory_space<vmem>>, vector<16xf32>,
          %parallel_loop3A_861 = arith.mulf %parallel_loop3A_860, %get3A_149 : vector<16xf32>
          %parallel_loop3A_862 = arith.index_cast %parallel_loop3A_853 : i32 to index
          %parallel_loop3A_863 = arith.constant 32 : index
          %parallel_loop3A_864 = tpu.vector_load %arg11[%parallel_loop3A_862, %parallel_loop3A_863] {strides = array<i32>} : memref<224x128xf32, #tpu.memory_space<vmem>>, vector<16xf32>,
          %parallel_loop3A_865 = arith.mulf %parallel_loop3A_864, %get3A_152 : vector<16xf32>
          %parallel_loop3A_866 = arith.index_cast %parallel_loop3A_853 : i32 to index
          %parallel_loop3A_867 = arith.constant 48 : index
          %parallel_loop3A_868 = tpu.vector_load %arg11[%parallel_loop3A_866, %parallel_loop3A_867] {strides = array<i32>} : memref<224x128xf32, #tpu.memory_space<vmem>>, vector<16xf32>,
          %parallel_loop3A_869 = arith.mulf %parallel_loop3A_868, %get3A_155 : vector<16xf32>
          %parallel_loop3A_870 = arith.index_cast %parallel_loop3A_853 : i32 to index
          %parallel_loop3A_871 = arith.constant 64 : index
          %parallel_loop3A_872 = tpu.vector_load %arg11[%parallel_loop3A_870, %parallel_loop3A_871] {strides = array<i32>} : memref<224x128xf32, #tpu.memory_space<vmem>>, vector<16xf32>,
          %parallel_loop3A_873 = arith.mulf %parallel_loop3A_872, %get3A_158 : vector<16xf32>
          %parallel_loop3A_874 = arith.index_cast %parallel_loop3A_853 : i32 to index
          %parallel_loop3A_875 = arith.constant 80 : index
          %parallel_loop3A_876 = tpu.vector_load %arg11[%parallel_loop3A_874, %parallel_loop3A_875] {strides = array<i32>} : memref<224x128xf32, #tpu.memory_space<vmem>>, vector<16xf32>,
          %parallel_loop3A_877 = arith.mulf %parallel_loop3A_876, %get3A_161 : vector<16xf32>
          %parallel_loop3A_878 = arith.index_cast %parallel_loop3A_853 : i32 to index
          %parallel_loop3A_879 = arith.constant 96 : index
          %parallel_loop3A_880 = tpu.vector_load %arg11[%parallel_loop3A_878, %parallel_loop3A_879] {strides = array<i32>} : memref<224x128xf32, #tpu.memory_space<vmem>>, vector<16xf32>,
          %parallel_loop3A_881 = arith.mulf %parallel_loop3A_880, %get3A_164 : vector<16xf32>
          %parallel_loop3A_882 = arith.index_cast %parallel_loop3A_853 : i32 to index
          %parallel_loop3A_883 = arith.constant 112 : index
          %parallel_loop3A_884 = tpu.vector_load %arg11[%parallel_loop3A_882, %parallel_loop3A_883] {strides = array<i32>} : memref<224x128xf32, #tpu.memory_space<vmem>>, vector<16xf32>,
          %parallel_loop3A_885 = arith.mulf %parallel_loop3A_884, %get3A_167 : vector<16xf32>
          %parallel_loop3A_886 = arith.addf %parallel_loop3A_857, %parallel_loop3A_861 : vector<16xf32>
          %parallel_loop3A_887 = arith.addf %parallel_loop3A_865, %parallel_loop3A_869 : vector<16xf32>
          %parallel_loop3A_888 = arith.addf %parallel_loop3A_873, %parallel_loop3A_877 : vector<16xf32>
          %parallel_loop3A_889 = arith.addf %parallel_loop3A_881, %parallel_loop3A_885 : vector<16xf32>
          %parallel_loop3A_890 = arith.addf %parallel_loop3A_886, %parallel_loop3A_887 : vector<16xf32>
          %parallel_loop3A_891 = arith.addf %parallel_loop3A_888, %parallel_loop3A_889 : vector<16xf32>
          %parallel_loop3A_892 = arith.addf %parallel_loop3A_890, %parallel_loop3A_891 : vector<16xf32>
          %parallel_loop3A_893 = arith.constant 13 : i32
          %parallel_loop3A_894 = vector.broadcast %parallel_loop3A_893 : i32 to vector<16xi32>
          %parallel_loop3A_895 = arith.cmpi eq, %iota3A, %parallel_loop3A_894 : vector<16xi32>
          %parallel_loop3A_896 = arith.constant true
          %parallel_loop3A_897 = vector.broadcast %parallel_loop3A_896 : i1 to vector<16xi1>
          %parallel_loop3A_898 = tpu.scan <sum>, %parallel_loop3A_892 masked %parallel_loop3A_897 : vector<16xf32>, vector<16xi1> -> vector<16xf32>
          %parallel_loop3A_899 = vector.extract %parallel_loop3A_898[15] : f32 from vector<16xf32>
          %parallel_loop3A_900 = vector.broadcast %parallel_loop3A_899 : f32 to vector<16xf32>
          %parallel_loop3A_901 = arith.select %parallel_loop3A_895, %parallel_loop3A_900, %parallel_loop3A_849 : vector<16xi1>, vector<16xf32>
          %parallel_loop3A_902 = arith.constant 16 : i32
          %parallel_loop3A_903 = arith.muli %parallel_loop3A_171, %parallel_loop3A_902 : i32
          %parallel_loop3A_904 = arith.constant 14 : i32
          %parallel_loop3A_905 = arith.addi %parallel_loop3A_903, %parallel_loop3A_904 : i32
          %parallel_loop3A_906 = arith.index_cast %parallel_loop3A_905 : i32 to index
          %parallel_loop3A_907 = arith.constant 0 : index
          %parallel_loop3A_908 = tpu.vector_load %arg11[%parallel_loop3A_906, %parallel_loop3A_907] {strides = array<i32>} : memref<224x128xf32, #tpu.memory_space<vmem>>, vector<16xf32>,
          %parallel_loop3A_909 = arith.mulf %parallel_loop3A_908, %get3A_146 : vector<16xf32>
          %parallel_loop3A_910 = arith.index_cast %parallel_loop3A_905 : i32 to index
          %parallel_loop3A_911 = arith.constant 16 : index
          %parallel_loop3A_912 = tpu.vector_load %arg11[%parallel_loop3A_910, %parallel_loop3A_911] {strides = array<i32>} : memref<224x128xf32, #tpu.memory_space<vmem>>, vector<16xf32>,
          %parallel_loop3A_913 = arith.mulf %parallel_loop3A_912, %get3A_149 : vector<16xf32>
          %parallel_loop3A_914 = arith.index_cast %parallel_loop3A_905 : i32 to index
          %parallel_loop3A_915 = arith.constant 32 : index
          %parallel_loop3A_916 = tpu.vector_load %arg11[%parallel_loop3A_914, %parallel_loop3A_915] {strides = array<i32>} : memref<224x128xf32, #tpu.memory_space<vmem>>, vector<16xf32>,
          %parallel_loop3A_917 = arith.mulf %parallel_loop3A_916, %get3A_152 : vector<16xf32>
          %parallel_loop3A_918 = arith.index_cast %parallel_loop3A_905 : i32 to index
          %parallel_loop3A_919 = arith.constant 48 : index
          %parallel_loop3A_920 = tpu.vector_load %arg11[%parallel_loop3A_918, %parallel_loop3A_919] {strides = array<i32>} : memref<224x128xf32, #tpu.memory_space<vmem>>, vector<16xf32>,
          %parallel_loop3A_921 = arith.mulf %parallel_loop3A_920, %get3A_155 : vector<16xf32>
          %parallel_loop3A_922 = arith.index_cast %parallel_loop3A_905 : i32 to index
          %parallel_loop3A_923 = arith.constant 64 : index
          %parallel_loop3A_924 = tpu.vector_load %arg11[%parallel_loop3A_922, %parallel_loop3A_923] {strides = array<i32>} : memref<224x128xf32, #tpu.memory_space<vmem>>, vector<16xf32>,
          %parallel_loop3A_925 = arith.mulf %parallel_loop3A_924, %get3A_158 : vector<16xf32>
          %parallel_loop3A_926 = arith.index_cast %parallel_loop3A_905 : i32 to index
          %parallel_loop3A_927 = arith.constant 80 : index
          %parallel_loop3A_928 = tpu.vector_load %arg11[%parallel_loop3A_926, %parallel_loop3A_927] {strides = array<i32>} : memref<224x128xf32, #tpu.memory_space<vmem>>, vector<16xf32>,
          %parallel_loop3A_929 = arith.mulf %parallel_loop3A_928, %get3A_161 : vector<16xf32>
          %parallel_loop3A_930 = arith.index_cast %parallel_loop3A_905 : i32 to index
          %parallel_loop3A_931 = arith.constant 96 : index
          %parallel_loop3A_932 = tpu.vector_load %arg11[%parallel_loop3A_930, %parallel_loop3A_931] {strides = array<i32>} : memref<224x128xf32, #tpu.memory_space<vmem>>, vector<16xf32>,
          %parallel_loop3A_933 = arith.mulf %parallel_loop3A_932, %get3A_164 : vector<16xf32>
          %parallel_loop3A_934 = arith.index_cast %parallel_loop3A_905 : i32 to index
          %parallel_loop3A_935 = arith.constant 112 : index
          %parallel_loop3A_936 = tpu.vector_load %arg11[%parallel_loop3A_934, %parallel_loop3A_935] {strides = array<i32>} : memref<224x128xf32, #tpu.memory_space<vmem>>, vector<16xf32>,
          %parallel_loop3A_937 = arith.mulf %parallel_loop3A_936, %get3A_167 : vector<16xf32>
          %parallel_loop3A_938 = arith.addf %parallel_loop3A_909, %parallel_loop3A_913 : vector<16xf32>
          %parallel_loop3A_939 = arith.addf %parallel_loop3A_917, %parallel_loop3A_921 : vector<16xf32>
          %parallel_loop3A_940 = arith.addf %parallel_loop3A_925, %parallel_loop3A_929 : vector<16xf32>
          %parallel_loop3A_941 = arith.addf %parallel_loop3A_933, %parallel_loop3A_937 : vector<16xf32>
          %parallel_loop3A_942 = arith.addf %parallel_loop3A_938, %parallel_loop3A_939 : vector<16xf32>
          %parallel_loop3A_943 = arith.addf %parallel_loop3A_940, %parallel_loop3A_941 : vector<16xf32>
          %parallel_loop3A_944 = arith.addf %parallel_loop3A_942, %parallel_loop3A_943 : vector<16xf32>
          %parallel_loop3A_945 = arith.constant 14 : i32
          %parallel_loop3A_946 = vector.broadcast %parallel_loop3A_945 : i32 to vector<16xi32>
          %parallel_loop3A_947 = arith.cmpi eq, %iota3A, %parallel_loop3A_946 : vector<16xi32>
          %parallel_loop3A_948 = arith.constant true
          %parallel_loop3A_949 = vector.broadcast %parallel_loop3A_948 : i1 to vector<16xi1>
          %parallel_loop3A_950 = tpu.scan <sum>, %parallel_loop3A_944 masked %parallel_loop3A_949 : vector<16xf32>, vector<16xi1> -> vector<16xf32>
          %parallel_loop3A_951 = vector.extract %parallel_loop3A_950[15] : f32 from vector<16xf32>
          %parallel_loop3A_952 = vector.broadcast %parallel_loop3A_951 : f32 to vector<16xf32>
          %parallel_loop3A_953 = arith.select %parallel_loop3A_947, %parallel_loop3A_952, %parallel_loop3A_901 : vector<16xi1>, vector<16xf32>
          %parallel_loop3A_954 = arith.constant 16 : i32
          %parallel_loop3A_955 = arith.muli %parallel_loop3A_171, %parallel_loop3A_954 : i32
          %parallel_loop3A_956 = arith.constant 15 : i32
          %parallel_loop3A_957 = arith.addi %parallel_loop3A_955, %parallel_loop3A_956 : i32
          %parallel_loop3A_958 = arith.index_cast %parallel_loop3A_957 : i32 to index
          %parallel_loop3A_959 = arith.constant 0 : index
          %parallel_loop3A_960 = tpu.vector_load %arg11[%parallel_loop3A_958, %parallel_loop3A_959] {strides = array<i32>} : memref<224x128xf32, #tpu.memory_space<vmem>>, vector<16xf32>,
          %parallel_loop3A_961 = arith.mulf %parallel_loop3A_960, %get3A_146 : vector<16xf32>
          %parallel_loop3A_962 = arith.index_cast %parallel_loop3A_957 : i32 to index
          %parallel_loop3A_963 = arith.constant 16 : index
          %parallel_loop3A_964 = tpu.vector_load %arg11[%parallel_loop3A_962, %parallel_loop3A_963] {strides = array<i32>} : memref<224x128xf32, #tpu.memory_space<vmem>>, vector<16xf32>,
          %parallel_loop3A_965 = arith.mulf %parallel_loop3A_964, %get3A_149 : vector<16xf32>
          %parallel_loop3A_966 = arith.index_cast %parallel_loop3A_957 : i32 to index
          %parallel_loop3A_967 = arith.constant 32 : index
          %parallel_loop3A_968 = tpu.vector_load %arg11[%parallel_loop3A_966, %parallel_loop3A_967] {strides = array<i32>} : memref<224x128xf32, #tpu.memory_space<vmem>>, vector<16xf32>,
          %parallel_loop3A_969 = arith.mulf %parallel_loop3A_968, %get3A_152 : vector<16xf32>
          %parallel_loop3A_970 = arith.index_cast %parallel_loop3A_957 : i32 to index
          %parallel_loop3A_971 = arith.constant 48 : index
          %parallel_loop3A_972 = tpu.vector_load %arg11[%parallel_loop3A_970, %parallel_loop3A_971] {strides = array<i32>} : memref<224x128xf32, #tpu.memory_space<vmem>>, vector<16xf32>,
          %parallel_loop3A_973 = arith.mulf %parallel_loop3A_972, %get3A_155 : vector<16xf32>
          %parallel_loop3A_974 = arith.index_cast %parallel_loop3A_957 : i32 to index
          %parallel_loop3A_975 = arith.constant 64 : index
          %parallel_loop3A_976 = tpu.vector_load %arg11[%parallel_loop3A_974, %parallel_loop3A_975] {strides = array<i32>} : memref<224x128xf32, #tpu.memory_space<vmem>>, vector<16xf32>,
          %parallel_loop3A_977 = arith.mulf %parallel_loop3A_976, %get3A_158 : vector<16xf32>
          %parallel_loop3A_978 = arith.index_cast %parallel_loop3A_957 : i32 to index
          %parallel_loop3A_979 = arith.constant 80 : index
          %parallel_loop3A_980 = tpu.vector_load %arg11[%parallel_loop3A_978, %parallel_loop3A_979] {strides = array<i32>} : memref<224x128xf32, #tpu.memory_space<vmem>>, vector<16xf32>,
          %parallel_loop3A_981 = arith.mulf %parallel_loop3A_980, %get3A_161 : vector<16xf32>
          %parallel_loop3A_982 = arith.index_cast %parallel_loop3A_957 : i32 to index
          %parallel_loop3A_983 = arith.constant 96 : index
          %parallel_loop3A_984 = tpu.vector_load %arg11[%parallel_loop3A_982, %parallel_loop3A_983] {strides = array<i32>} : memref<224x128xf32, #tpu.memory_space<vmem>>, vector<16xf32>,
          %parallel_loop3A_985 = arith.mulf %parallel_loop3A_984, %get3A_164 : vector<16xf32>
          %parallel_loop3A_986 = arith.index_cast %parallel_loop3A_957 : i32 to index
          %parallel_loop3A_987 = arith.constant 112 : index
          %parallel_loop3A_988 = tpu.vector_load %arg11[%parallel_loop3A_986, %parallel_loop3A_987] {strides = array<i32>} : memref<224x128xf32, #tpu.memory_space<vmem>>, vector<16xf32>,
          %parallel_loop3A_989 = arith.mulf %parallel_loop3A_988, %get3A_167 : vector<16xf32>
          %parallel_loop3A_990 = arith.addf %parallel_loop3A_961, %parallel_loop3A_965 : vector<16xf32>
          %parallel_loop3A_991 = arith.addf %parallel_loop3A_969, %parallel_loop3A_973 : vector<16xf32>
          %parallel_loop3A_992 = arith.addf %parallel_loop3A_977, %parallel_loop3A_981 : vector<16xf32>
          %parallel_loop3A_993 = arith.addf %parallel_loop3A_985, %parallel_loop3A_989 : vector<16xf32>
          %parallel_loop3A_994 = arith.addf %parallel_loop3A_990, %parallel_loop3A_991 : vector<16xf32>
          %parallel_loop3A_995 = arith.addf %parallel_loop3A_992, %parallel_loop3A_993 : vector<16xf32>
          %parallel_loop3A_996 = arith.addf %parallel_loop3A_994, %parallel_loop3A_995 : vector<16xf32>
          %parallel_loop3A_997 = arith.constant 15 : i32
          %parallel_loop3A_998 = vector.broadcast %parallel_loop3A_997 : i32 to vector<16xi32>
          %parallel_loop3A_999 = arith.cmpi eq, %iota3A, %parallel_loop3A_998 : vector<16xi32>
          %parallel_loop3A_1000 = arith.constant true
          %parallel_loop3A_1001 = vector.broadcast %parallel_loop3A_1000 : i1 to vector<16xi1>
          %parallel_loop3A_1002 = tpu.scan <sum>, %parallel_loop3A_996 masked %parallel_loop3A_1001 : vector<16xf32>, vector<16xi1> -> vector<16xf32>
          %parallel_loop3A_1003 = vector.extract %parallel_loop3A_1002[15] : f32 from vector<16xf32>
          %parallel_loop3A_1004 = vector.broadcast %parallel_loop3A_1003 : f32 to vector<16xf32>
          %parallel_loop3A_1005 = arith.select %parallel_loop3A_999, %parallel_loop3A_1004, %parallel_loop3A_953 : vector<16xi1>, vector<16xf32>
          %parallel_loop3A_1006 = arith.constant 16 : i32
          %parallel_loop3A_1007 = arith.muli %parallel_loop3A_171, %parallel_loop3A_1006 : i32
          %parallel_loop3A_1008 = arith.index_cast %add3A_143 : i32 to index
          %parallel_loop3A_1009 = arith.index_cast %parallel_loop3A_1007 : i32 to index
          %parallel_loop3A_1010 = tpu.vector_load %arg12[%parallel_loop3A_1008, %parallel_loop3A_1009] {strides = array<i32>} : memref<64x224xf32, #tpu.memory_space<vmem>>, vector<16xf32>,
          tpu.vector_store %arg12[%parallel_loop3A_1008, %parallel_loop3A_1009], %parallel_loop3A_1005 {strides = array<i32>} : memref<64x224xf32, #tpu.memory_space<vmem>>, vector<16xf32>,
        } {sc.loop_unroll_factor = 1 : i64, sc.parallel_access}
      }
      %scan3A_43 = arith.constant 32 : i32
      "tpu.region"() ({
        %run_scoped3A = tpu.sem_alloc : memref<!tpu.dma_semaphore, #tpu.memory_space<semaphore_mem>>
        %dma_start3A_44 = arith.constant 0 : i32
        %dma_start3A_45 = tpu.memref_slice %arg6[%add3A_11, %dma_start3A_44] : memref<16384x224xf32, #tpu.memory_space<hbm>> -> memref<64x224xf32, #tpu.memory_space<hbm>>
        %dma_start3A_46 = arith.constant 0 : i32
        %dma_start3A_47 = tpu.memref_slice %arg6[%add3A_11, %dma_start3A_46] : memref<16384x224xf32, #tpu.memory_space<hbm>> -> memref<64x224xf32, #tpu.memory_space<hbm>>
        tpu.enqueue_dma source(%arg12 : memref<64x224xf32, #tpu.memory_space<vmem>>) target(%dma_start3A_47 : memref<64x224xf32, #tpu.memory_space<hbm>>) target_semaphore(%run_scoped3A : memref<!tpu.dma_semaphore, #tpu.memory_space<semaphore_mem>>)
        %dma_wait3A_48 = arith.constant 0 : i32
        %dma_wait3A_49 = tpu.memref_slice %arg6[%add3A_11, %dma_wait3A_48] : memref<16384x224xf32, #tpu.memory_space<hbm>> -> memref<64x224xf32, #tpu.memory_space<hbm>>
        %dma_wait3A_50 = arith.constant 0 : i32
        %dma_wait3A_51 = tpu.memref_slice %arg6[%add3A_11, %dma_wait3A_50] : memref<16384x224xf32, #tpu.memory_space<hbm>> -> memref<64x224xf32, #tpu.memory_space<hbm>>
        tpu.wait_dma2 semaphore(%run_scoped3A : memref<!tpu.dma_semaphore, #tpu.memory_space<semaphore_mem>>) src(%arg12 : memref<64x224xf32, #tpu.memory_space<vmem>>) dst(%dma_wait3A_51 : memref<64x224xf32, #tpu.memory_space<hbm>>)
        tpu.yield
      }) : () -> ()
    }
    %scan3A_7 = arith.constant 8 : i32
    return
  }
}

module attributes {stable_mosaic.version = 14 : i64} {
  func.func @body(%arg0: i32, %arg1: memref<1024x224xf32, #tpu.memory_space<vmem>>, %arg2: memref<1024xf32, #tpu.memory_space<vmem>>) attributes {dimension_semantics = [#tpu.dimension_semantics<arbitrary>], iteration_bounds = array<i64: 16>, scalar_prefetch = 0 : i64, scratch_operands = 0 : i64, tpu.core_type = #tpu.core_type<tc>, window_params = [{transform_indices = @transform_0, window_bounds = array<i64: 1024, 224>}, {transform_indices = @transform_1, window_bounds = array<i64: 1024>}]} {
    %get3A = arith.constant 0 : index
    %get3A_0 = arith.constant 0 : index
    %get3A_1 = vector.load %arg1[%get3A, %get3A_0] : memref<1024x224xf32, #tpu.memory_space<vmem>>, vector<1024x224xf32>
    %iota3A = tpu.iota {dimensions = array<i32: 1>} : vector<1024x224xi32>
    %lt3A = arith.constant 20 : i32
    %lt3A_2 = vector.broadcast %lt3A : i32 to vector<1024x224xi32>
    %lt3A_3 = arith.cmpi slt, %iota3A, %lt3A_2 : vector<1024x224xi32>
    %neg3A = arith.constant 0.000000e+00 : f32
    %neg3A_4 = vector.broadcast %neg3A : f32 to vector<1024x224xf32>
    %neg3A_5 = arith.subf %neg3A_4, %get3A_1 : vector<1024x224xf32>
    %select_n3A = arith.select %lt3A_3, %get3A_1, %neg3A_5 : vector<1024x224xi1>, vector<1024x224xf32>
    %min3A = arith.constant 0.000000e+00 : f32
    %min3A_6 = vector.broadcast %min3A : f32 to vector<1024x224xf32>
    %min3A_7 = arith.minimumf %select_n3A, %min3A_6 : vector<1024x224xf32>
    %abs3A = math.absf %select_n3A : vector<1024x224xf32>
    %neg3A_8 = arith.constant 0.000000e+00 : f32
    %neg3A_9 = vector.broadcast %neg3A_8 : f32 to vector<1024x224xf32>
    %neg3A_10 = arith.subf %neg3A_9, %abs3A : vector<1024x224xf32>
    %exp3A = math.exp %neg3A_10 : vector<1024x224xf32>
    %log1p3A = math.log1p %exp3A : vector<1024x224xf32>
    %sub3A = arith.subf %min3A_7, %log1p3A : vector<1024x224xf32>
    %lt3A_11 = arith.constant 220 : i32
    %lt3A_12 = vector.broadcast %lt3A_11 : i32 to vector<1024x224xi32>
    %lt3A_13 = arith.cmpi slt, %iota3A, %lt3A_12 : vector<1024x224xi32>
    %jit3A = arith.constant 0.000000e+00 : f32
    %broadcast_in_dim3A = vector.broadcast %jit3A : f32 to vector<1024x224xf32>
    %select_n3A_14 = arith.select %lt3A_13, %sub3A, %broadcast_in_dim3A : vector<1024x224xi1>, vector<1024x224xf32>
    %reduce_sum3A = arith.constant dense<0.000000e+00> : vector<1024xf32>
    %reduce_sum3A_15 = vector.multi_reduction <add>, %select_n3A_14, %reduce_sum3A [1] : vector<1024x224xf32> to vector<1024xf32>
    %neg3A_16 = arith.constant 0.000000e+00 : f32
    %neg3A_17 = vector.broadcast %neg3A_16 : f32 to vector<1024xf32>
    %neg3A_18 = arith.subf %neg3A_17, %reduce_sum3A_15 : vector<1024xf32>
    %swap3A = arith.constant 0 : index
    %swap3A_19 = vector.load %arg2[%swap3A] : memref<1024xf32, #tpu.memory_space<vmem>>, vector<1024xf32>
    tpu.vector_store %arg2[%swap3A], %neg3A_18 {strides = array<i32>} : memref<1024xf32, #tpu.memory_space<vmem>>, vector<1024xf32>,
    return
  }
  func.func @transform_0(%arg0: i32) -> (i32, i32) {
    %c0_i32 = arith.constant 0 : i32
    %c0_i32_0 = arith.constant 0 : i32
    return %arg0, %c0_i32 : i32, i32
  }
  func.func @transform_1(%arg0: i32) -> i32 {
    %c0_i32 = arith.constant 0 : i32
    return %arg0 : i32
  }
}

</mosaic_0001>

<sc_bundles>
// kernel: kernel.4.cloned.1.call-start
scs
__scs_entry_jumppad:
0x0: {  	(pc) =	sbr.rel $0x88, $3  }
0x1: {  	(tag) =	ssettag $0x0;
	lr =	simm.s32 $0x1  }
0x2: {  	[smem:$0x3F9C] =	sst lr;
	_ =	strace $0xD0000000  }
0x3: {  	_ = 	snop  }
0x4: {  	_ = 	snop  }
0x5: {  	_ = 	snop  }
0x6: {  	_ = 	snop  }
0x7: {  	_ = 	snop  }
__scs_overlays_trampoline_lowered:
0x8: {  	[smem:$0x3FAB] =	sst s0  }
0x9: {  	[smem:$0x3FAC] =	sst s1  }
0xa: {  	[smem:$0x3FAD] =	sst s2  }
0xb: {  	[smem:$0x3FAE] =	sst s3  }
0xc: {  	[smem:$0x3FAF] =	sst s4  }
0xd: {  	[smem:$0x3FB0] =	sst s5  }
0xe: {  	[smem:$0x3FB1] =	sst s6  }
0xf: {  	[smem:$0x3FB2] =	sst s7  }
0x10: {  	[smem:$0x3FB3] =	sst s8  }
0x11: {  	[smem:$0x3FB4] =	sst s9;
	s0 =	simm.s32 @!p0 $0x0  }
0x12: {  	s1 =	sld [smem:$0x3F9A];
	s0 =	simm.s32 @p0 $0x1  }
0x13: {  	[smem:$0x3FB5] =	sst s0;
	s0 =	simm.s32 @!p1 $0x0  }
0x14: {  	s2 =	sld [smem:$0x3F99];
	s0 =	simm.s32 @p1 $0x1  }
0x15: {  	[smem:$0x3FB6] =	sst s0;
	s0 =	simm.s32 @!p2 $0x0  }
0x16: {  	s3 =	sld [smem:$0x3FDB];
	s0 =	simm.s32 @p2 $0x1  }
0x17: {  	s4 =	simm.s32 $0x1BF5;
	[smem:$0x3FB8] =	sst s0  }
0x18: {  	s0 =	sld [smem:$0x3F9B];
	_ =	swait.ge [sflag:s4], $0x0  }
0x19: {  	s7 =	sld [smem:$0x3F9C]  }
0x1a: {  	s8 =	sadd.s32 $0xFFFFE003, lr  }
0x1b: {  	s9 =	sadd.s32 $0xFFFFFEF7, lr;
	s5 =	simm.s32 $0xFFFFFFFF;
	p2 =	slt.u32 s8, $0xFFFFF086  }
0x1c: {  	p1 =	slt.u32 s9, $0xF7A;
	s5 =	simm.s32 @!p2 $0x0  }
0x1d: {  	s5 =	simm.s32 @p1 $0x1;
	p0 =	seq.s32 s7, s2  }
0x1e: {  	s7 =	smul.u32 @!p0 $0xF7A, s2;
	p2 =	seq.s32 @!p0 s5, $0x0  }
0x1f: {  	s9 =	smul.u32 $0xF7A, s1;
	s8 =	simm.s32 @!p0 $0x1BF5;
	p2 =	por !p2, p0  }
0x20: {  	[sflag:s8] =	ssyncset.s32 @!p0 $0xFFFFF086;
	s6 =	sadd.s32 @!p0 s3, s7;
	s7 =	simm.s32 @!p0 $0x108  }
0x21: {  	s3 =	sadd.s32 s3, s9;
	s6 =	sadd.s32 @!p0 $0x88, s6;
	s7 =	simm.s32 @p2 $0x1082  }
0x22: {  	[simem:s7], [sflag:s8] =	dma.local @!p0 [hbm:s6], $0xF7A  }
0x23: {  	s9 =	sor.u32 $0xD0000000, s2;
	s6 =	simm.s32 $0x108;
	_ =	swait.ge @!p0 [sflag:s8], $0x0  }
0x24: {  	s3 =	sadd.s32 $0x88, s3;
	s6 =	simm.s32 @!p1 $0x1082;
	[sflag:s4] =	ssyncset.s32 $0xFFFFF086  }
0x25: {  	[simem:s6], [sflag:s4] =	dma.local [hbm:s3], $0xF7A  }
0x26: {  	[smem:$0x3F9C] =	sst s1;
	(tag) =	ssettag s2;
	_ =	strace s9  }
0x27: {  	s1 =	sld [smem:$0x3FAC]  }
0x28: {  	s2 =	sld [smem:$0x3FAD]  }
0x29: {  	s4 =	sld [smem:$0x3FAF]  }
0x2a: {  	p0 =	seq.s32 s5, $0x0;
	s5 =	sld [smem:$0x3FB0]  }
0x2b: {  	s6 =	sld [smem:$0x3FB1]  }
0x2c: {  	s7 =	sld [smem:$0x3FB2]  }
0x2d: {  	s3 =	simm.s32 $0x108;
	s8 =	sld [smem:$0x3FB3]  }
0x2e: {  	s3 =	simm.s32 @!p0 $0x1082;
	s9 =	sld [smem:$0x3FB4]  }
0x2f: {  	lr =	sadd.s32 s0, s3;
	s0 =	sld [smem:$0x3FAB]  }
0x30: {  	s3 =	sld [smem:$0x3FAE]  }
0x31: {  	[smem:$0x3FB7] =	sst s10  }
0x32: {  	s10 =	sld [smem:$0x3FB5];
	_ =	sdelay $0x3  }
0x33: {  	p0 =	seq.s32 s10, $0x1;
	s10 =	sld [smem:$0x3FB7];
	_ =	sdelay $0x3  }
0x34: {  	[smem:$0x3FB7] =	sst s10  }
0x35: {  	s10 =	sld [smem:$0x3FB6];
	_ =	sdelay $0x3  }
0x36: {  	p1 =	seq.s32 s10, $0x1;
	s10 =	sld [smem:$0x3FB7];
	_ =	sdelay $0x3  }
0x37: {  	[smem:$0x3FB7] =	sst s10  }
0x38: {  	s10 =	sld [smem:$0x3FB8]  }
0x39: {  	_ = 	snop;
	(pc) =	sbr.ind lr, $3  }
0x3a: {  	_ = 	snop  }
0x3b: {  	_ = 	snop  }
0x3c: {  	p2 =	seq.s32 s10, $0x1;
	s10 =	sld [smem:$0x3FB7]  }
0x3d: {  	_ =	shalt  }
0x3e: {  	_ =	shalt  }
0x3f: {  	_ =	shalt  }
0x40: {  	_ =	shalt  }
0x41: {  	_ =	shalt  }
0x42: {  	_ =	shalt  }
0x43: {  	_ =	shalt  }
0x44: {  	_ =	shalt  }
0x45: {  	_ =	shalt  }
0x46: {  	_ =	shalt  }
0x47: {  	_ =	shalt  }
0x48: {  	_ =	shalt  }
0x49: {  	_ =	shalt  }
0x4a: {  	_ =	shalt  }
0x4b: {  	_ =	shalt  }
0x4c: {  	_ =	shalt  }
0x4d: {  	_ =	shalt  }
0x4e: {  	_ =	shalt  }
0x4f: {  	_ =	shalt  }
0x50: {  	_ =	shalt  }
0x51: {  	_ =	shalt  }
0x52: {  	_ =	shalt  }
0x53: {  	_ =	shalt  }
0x54: {  	_ =	shalt  }
0x55: {  	_ =	shalt  }
0x56: {  	_ =	shalt  }
0x57: {  	_ =	shalt  }
0x58: {  	_ =	shalt  }
0x59: {  	_ =	shalt  }
0x5a: {  	_ =	shalt  }
0x5b: {  	_ =	shalt  }
0x5c: {  	_ =	shalt  }
0x5d: {  	_ =	shalt  }
0x5e: {  	_ =	shalt  }
0x5f: {  	_ =	shalt  }
0x60: {  	_ =	shalt  }
0x61: {  	_ =	shalt  }
0x62: {  	_ =	shalt  }
0x63: {  	_ =	shalt  }
0x64: {  	_ =	shalt  }
0x65: {  	_ =	shalt  }
0x66: {  	_ =	shalt  }
0x67: {  	_ =	shalt  }
0x68: {  	_ =	shalt  }
0x69: {  	_ =	shalt  }
0x6a: {  	_ =	shalt  }
0x6b: {  	_ =	shalt  }
0x6c: {  	_ =	shalt  }
0x6d: {  	_ =	shalt  }
0x6e: {  	_ =	shalt  }
0x6f: {  	_ =	shalt  }
0x70: {  	_ =	shalt  }
0x71: {  	_ =	shalt  }
0x72: {  	_ =	shalt  }
0x73: {  	_ =	shalt  }
0x74: {  	_ =	shalt  }
0x75: {  	_ =	shalt  }
0x76: {  	_ =	shalt  }
0x77: {  	_ =	shalt  }
0x78: {  	_ =	shalt  }
0x79: {  	_ =	shalt  }
0x7a: {  	_ =	shalt  }
0x7b: {  	_ =	shalt  }
0x7c: {  	_ =	shalt  }
0x7d: {  	_ =	shalt  }
0x7e: {  	_ =	shalt  }
0x7f: {  	_ =	shalt  }
0x80: {  	_ =	shalt  }
0x81: {  	_ =	shalt  }
0x82: {  	_ =	shalt  }
0x83: {  	_ =	shalt  }
0x84: {  	_ =	shalt  }
0x85: {  	_ =	shalt  }
0x86: {  	_ =	shalt  }
0x87: {  	_ =	shalt  }
.Lfunc_end0:
.L_simem_size_0:
called_computation_lowered:
.L_overlay_start_0:
0x88: {  	s2 =	sld [smem:$0x3FD9]  }
0x89: {  	s3 =	sld [smem:$0x3FFE];
	_ =	sdelay $0x1  }
0x8a: {  	s1 =	srdreg.scid  }
0x8b: {  	s0 =	sand.u32 $0x1, s1  }
0x8c: {  	s17 =	sshll.u32 s0, $0xA;
	s2 =	sadd.s32 s3, s2  }
0x8d: {  	s2 =	sadd.s32 s2, s17  }
0x8e: {  	[smem:$0x3FC3] =	sst s2  }
0x8f: {  	_ = 	snop  }
0x90: {  	s2 =	sld [smem:$0x3FC9]  }
0x91: {  	s18 =	sld [smem:$0x3FC6]  }
0x92: {  	s4 =	sld [smem:$0x3FC5];
	(tm) =	ssettm $0x1  }
0x93: {  	s5 =	sld [smem:$0x3FFB];
	_ =	sdelay $0x3  }
0x94: {  	_ =	strace s5  }
0x95: {  	s5 =	sld [smem:$0x3FFC];
	_ =	sdelay $0x3  }
0x96: {  	_ =	strace s5  }
0x97: {  	s5 =	sld [smem:$0x3FFD];
	_ =	sdelay $0x3  }
0x98: {  	_ =	strace s5  }
0x99: {  	_ =	strace $0x8FFFFFFF  }
0x9a: {  	s19 =	sld [smem:$0x3FDB];
	_ =	sdelay $0x1  }
0x9b: {  	s6 =	simm.s32 $_scs_section_size  }
0x9c: {  	s7 =	simm.s32 $_size__tile_overlayer_lowered;
	s8 =	simm.s32 $_tile_overlayer_lowered  }
0x9d: {  	s22 =	simm.s32 $0x1BFF;
	s21 =	sshll.u32 s8, $0x1;
	s5 =	sadd.s32 s6, s19  }
0x9e: {  	s9 =	simm.s32 $0x0;
	s20 =	sshll.u32 s7, $0x1;
	s7 =	sadd.s32 s21, s5  }
0x9f: {  	[timem:s9], [sflag:s22] =	dma.local [hbm:s7], s20  }
0xa0: {  	_ =	swait.ge [sflag:s22], s20  }
0xa1: {  	s6 =	ssub.s32 $0x0, s20;
	[sflag:s22] =	ssyncset.done $0x0  }
0xa2: {  	[sflag:s22] =	ssyncadd.s32 s6;
	_ =	sdelay $0x1  }
0xa3: {  	s23 =	simm.s32 $0x1B8B  }
0xa4: {  	_ =	swait.ge [sflag:s23], $0x1  }
0xa5: {  	[sflag:s23] =	ssyncset.done $0x0  }
0xa6: {  	s25 =	simm.s32 $0x1B8E;
	s24 =	sld [smem:$0x3FFE];
	[sflag:s23] =	ssyncadd.s32 $0xFFFFFFFF  }
0xa7: {  	s26 =	simm.s32 $execute0_lowered;
	[smem:$0x3FD2] =	sst s25  }
0xa8: {  	s7 =	sshll.u32 s26, $0x1;
	_ =	strace $0x80000046;
	[dreg:$0x1] =	wrdreg $0xFFFFFFFF  }
0xa9: {  	s28 =	simm.s32 $_size_execute0_lowered;
	s5 =	sadd.s32 s5, s7;
	[dreg:$0x0] =	wrdreg $0x0  }
0xaa: {  	s7 =	sshll.u32 s28, $0x1;
	[dreg:$0x2] =	wrdreg s5  }
0xab: {  	[dreg:$0x3] =	wrdreg s7  }
0xac: {  	[dreg:$0x4] =	wrdreg $0xC0  }
0xad: {  	_ =	task [dreg:s9], $0x5FFFF  }
0xae: {  	[dreg:$0x1] =	wrdreg $0xFFFFFFFF  }
0xaf: {  	[dreg:$0x0] =	wrdreg $0x60  }
0xb0: {  	[dreg:$0x2] =	wrdreg s24  }
0xb1: {  	[dreg:$0x3] =	wrdreg s2  }
0xb2: {  	[dreg:$0x4] =	wrdreg s18  }
0xb3: {  	[dreg:$0x5] =	wrdreg s4  }
0xb4: {  	[dreg:$0x6] =	wrdreg $0x9  }
0xb5: {  	_ =	task.clear_ibuf [dreg:s9], $0x7FFFF;
	_ =	strace $0x90000046  }
0xb6: {  	s29 =	simm.s32 $0x9;
	_ =	strace $0x80000048  }
0xb7: {  	_ =	swait.ge [sflag:s29], $0x1  }
0xb8: {  	[sflag:s29] =	ssyncadd.s32 $0xFFFFFFFF  }
0xb9: {  	_ =	strace $0x90000048  }
0xba: {  	_ =	sfence  }
0xbb: {  	s30 =	sld [smem:$0x0];
	_ =	sdelay $0x2  }
0xbc: {  	s31 =	sshll.u32 s1, $0xD;
	s1 =	sshrl.u32 s1, $0x2  }
0xbd: {  	s3 =	sand.u32 $0x4000, s31;
	s1 =	sadd.s32 s1, s30  }
0xbe: {  	s0 =	sor.u32 s3, s0;
	s1 =	sshll.u32 s1, $0x11  }
0xbf: {  	s0 =	sor.u32 s1, s0  }
0xc0: {  	s0 =	sadd.s32 $0x8F2B, s0  }
0xc1: {  	[sflag:s0] =	ssyncadd.remote.s32 $0x1  }
0xc2: {  	_ =	sfence.sel $0xFFFF  }
0xc3: {  	[dreg:$0x0] =	wrdreg $0xFFFFFFFF;
	(pc) =	sbr.abs _section_cstart, $3  }
0xc4: {  	[dreg:$0x1] =	wrdreg $0xFFFFFFFF  }
0xc5: {  	_ =	task.clear_ibuf [dreg:s9], $0x2FFFF;
	_ =	strace $0x9FFFFFFF  }
0xc6: {  	(tm) =	ssettm $0x7FFFFFFF  }
0xc7: {  	_ =	shalt  }
tec
execute0_lowered:
.L_overlay_start_1:
0x0: {  	(tag) =	ssettag $0x1  }
0x1: {  	s0 =	rddreg [dreg:$0x0]  }
0x2: {  	s3 =	rddreg [dreg:$0x3];
	s2 =	simm.s32 $0x0;
	s1 =	srdreg.scid  }
0x3: {  	s30 =	stileid.u32;
	s10 =	simm.s32 $0x4;
	s11 =	simm.s32 $0x4000  }
0x4: {  	s12 =	simm.s32 $0x40;
	s13 =	simm.s32 $0x4080;
	s14 =	simm.s32 $0x1  }
0x5: {  	s15 =	simm.s32 $0x70;
	s16 =	simm.s32 $0x6080;
	s17 =	simm.s32 $0x80  }
0x6: {  	s18 =	simm.s32 $0x9880;
	s19 =	simm.s32 $0xD080;
	s20 =	simm.s32 $0x10880  }
0x7: {  	s21 =	simm.s32 $0x2;
	s22 =	simm.s32 $0x3;
	s1 =	sand.u32 $0x1, s1  }
0x8: {  	vm0 =	vmmov $0x1;
	vm1 =	vmmov $0x3;
	vm2 =	vmmov $0x7;
	s23 =	simm.s32 $0x14080;
	s28 =	simm.s32 $0x0;
	s5 =	ssub.s32 $0x2, s1  }
0x9: {  	vm3 =	vmmov $0xf;
	vm4 =	vmmov $0x1f;
	vm5 =	vmmov $0x3f;
	[smem:$0x7FF] =	sst s2;
	s6 =	sadd.s32 $0x600, s0;
	s7 =	sshrl.u32 s5, $0x1  }
0xa: {  	vm6 =	vmmov $0x7f;
	vm7 =	vmmov $0xff;
	vm8 =	vmmov $0x1ff;
	s8 =	sshll.u32 s30, $0xA;
	s1 =	sshll.u32 s1, $0x9;
	s5 =	ssub.s32 s5, s7  }
0xb: {  	vm9 =	vmmov $0x3ff;
	vm10 =	vmmov $0x7ff;
	vm11 =	vmmov $0xfff;
	_ =	strace $0x80000047;
	s8 =	sor.u32 s1, s8;
	s31 =	smax.u32 s5, $0x1  }
0xc: {  	vm12 =	vmmov $0x1fff;
	vm13 =	vmmov $0x3fff;
	vm14 =	vmmov $0x7fff;
	s1 =	simm.s32 $0x0;
	s7 =	sadd.s32 $0x80600, s0;
	[dreg:$0x5] =	wrdreg s31  }
.LBB2_1:
0xd: {  	[dreg:$0x6] =	wrdreg s1;
	s25 =	simm.s32 $0x0  }
.LBB2_2:
0xe: {  	s0 =	sshll.u32 s25, $0x6  }
0xf: {  	s0 =	sadd.s32 s8, s0  }
0x10: {  	s26 =	sshll.u32 s0, $0x5  }
0x11: {  	s1 =	sadd.s32 s6, s26  }
0x12: {  	[tilespmem:s28], [sflag:$0x4] =	stream.linear.gather [hbm4b:s1+s28], $0x4000, $0x38;
	[tilespmem:$0x18080] =	vst v63  }
0x13: {  	_ =	swait.ge [sflag:s10], $0x4000  }
0x14: {  	[sflag:s10] =	ssyncset.done $0x0  }
0x15: {  	[sflag:s10] =	ssyncadd.s32 $0xFFFFC000  }
0x16: {  	s0 =	sshrl.u32 s0, $0x3;
	s30 =	rddreg [dreg:$0x1]  }
0x17: {  	s0 =	sadd.s32 s30, s0  }
0x18: {  	[tilespmem:s11], [sflag:$0x4] =	stream.linear.gather [hbm4b:s0+s28], $0x40, $0x38;
	[tilespmem:$0x18080] =	vst v63  }
0x19: {  	_ =	swait.ge [sflag:s10], $0x40  }
0x1a: {  	[sflag:s10] =	ssyncset.done $0x0  }
0x1b: {  	[sflag:s10] =	ssyncadd.s32 $0xFFFFFFC0  }
0x1c: {  	s31 =	rddreg [dreg:$0x2]  }
0x1d: {  	[tilespmem:s13], [sflag:$0x1] =	stream.indirect.gather [hbm4b:s31+s12], $0x80, s11, s12, $0xb8;
	[tilespmem:$0x18080] =	vst v63  }
0x1e: {  	_ =	swait.ge [sflag:s14], $0x2000  }
0x1f: {  	[sflag:s14] =	ssyncset.done $0x0  }
0x20: {  	[sflag:s14] =	ssyncadd.s32 $0xFFFFE000  }
0x21: {  	[tilespmem:s16], [sflag:$0x2] =	stream.indirect.gather [hbm4b:s3+s15], $0x80, s28, s15, $0xb8;
	[tilespmem:$0x18080] =	vst v63  }
0x22: {  	s29 =	simm.s32 $0x0  }
0x23: {  	[tilespmem:s18], [sflag:$0x2] =	stream.indirect.gather [hbm4b:s3+s15], $0x80, s17, s15, $0xb8;
	[tilespmem:$0x18080] =	vst v63  }
.LBB2_4:
0x24: {  	s30 =	sshllo.u32 s29, $0x1  }
0x25: {  	s0 =	sshll.u32 s30, $0x8  }
0x26: {  	s0 =	sand.u32 $0x3FFFFF00, s0  }
0x27: {  	[tilespmem:s19], [sflag:$0x3] =	stream.indirect.gather [hbm4b:s3+s15], $0x80, s0, s15, $0xb8;
	[tilespmem:$0x18080] =	vst v63  }
0x28: {  	s0 =	sor.u32 $0x80, s0  }
0x29: {  	[tilespmem:s20], [sflag:$0x3] =	stream.indirect.gather [hbm4b:s3+s15], $0x80, s0, s15, $0xb8;
	[tilespmem:$0x18080] =	vst v63  }
0x2a: {  	_ =	swait.ge [sflag:s21], $0x3800  }
0x2b: {  	[sflag:s21] =	ssyncset.done $0x0  }
0x2c: {  	[sflag:s21] =	ssyncadd.s32 $0xFFFFC800  }
0x2d: {  	_ =	swait.ge [sflag:s21], $0x3800  }
0x2e: {  	[sflag:s21] =	ssyncset.done $0x0  }
0x2f: {  	s1 =	simm.s32 $0x6480;
	[sflag:s21] =	ssyncadd.s32 $0xFFFFC800  }
0x30: {  	v2 =	vld [tilespmem:s1+$0x380];
	_ =	sdelay $0x4  }
0x31: {  	[tilespmem:$0x1FE00] =	vst v2  }
0x32: {  	v2 =	vld [tilespmem:s1+$0x390];
	_ =	sdelay $0x4  }
0x33: {  	[tilespmem:$0x1FE10] =	vst v2  }
0x34: {  	v2 =	vld [tilespmem:s1+$0x3A0];
	_ =	sdelay $0x4  }
0x35: {  	[tilespmem:$0x1FE20] =	vst v2  }
0x36: {  	v2 =	vld [tilespmem:s1+$0x3B0];
	_ =	sdelay $0x4  }
0x37: {  	[tilespmem:$0x1FE30] =	vst v2  }
0x38: {  	v8 =	vld [tilespmem:s1+$0x300]  }
0x39: {  	v11 =	vld [tilespmem:s1+$0x310]  }
0x3a: {  	v12 =	vld [tilespmem:s1+$0x320]  }
0x3b: {  	v13 =	vld [tilespmem:s1+$0x330]  }
0x3c: {  	v14 =	vld [tilespmem:s1+$0x340]  }
0x3d: {  	v2 =	vld [tilespmem:s1+$0x2A0]  }
0x3e: {  	v22 =	vld [tilespmem:s1+$0x350]  }
0x3f: {  	v23 =	vld [tilespmem:s1+$0x360]  }
0x40: {  	v24 =	vld [tilespmem:s1+$0x370]  }
0x41: {  	v25 =	vld [tilespmem:s1+$0x280]  }
0x42: {  	v29 =	vld [tilespmem:s1+$0x290];
	[tilespmem:$0x1FD80] =	vst v2  }
0x43: {  	v2 =	vld [tilespmem:s1+$0x2B0];
	_ =	sdelay $0x4  }
0x44: {  	[tilespmem:$0x1FD90] =	vst v2  }
0x45: {  	v2 =	vld [tilespmem:s1+$0x2C0];
	_ =	sdelay $0x4  }
0x46: {  	[tilespmem:$0x1FDD0] =	vst v2  }
0x47: {  	v35 =	vld [tilespmem:s1+$0x200]  }
0x48: {  	v37 =	vld [tilespmem:s1+$0x210]  }
0x49: {  	v38 =	vld [tilespmem:s1+$0x220]  }
0x4a: {  	v39 =	vld [tilespmem:s1+$0x230]  }
0x4b: {  	v40 =	vld [tilespmem:s1+$0x240]  }
0x4c: {  	v41 =	vld [tilespmem:s1+$0x250]  }
0x4d: {  	v46 =	vld [tilespmem:s1+$0x260]  }
0x4e: {  	v48 =	vld [tilespmem:s1+$0x270]  }
0x4f: {  	v49 =	vld [tilespmem:s1+$0x180]  }
0x50: {  	v50 =	vld [tilespmem:s1+$0x190]  }
0x51: {  	v58 =	vld [tilespmem:s1+$0x1A0]  }
0x52: {  	v60 =	vld [tilespmem:s1+$0x1B0]  }
0x53: {  	v61 =	vld [tilespmem:s1+$0x1C0]  }
0x54: {  	v2 =	vld [tilespmem:s1+$0x120]  }
0x55: {  	v3 =	vld [tilespmem:s1+$0x1D0]  }
0x56: {  	v63 =	vld [tilespmem:s1+$0x1E0]  }
0x57: {  	v20 =	vld [tilespmem:s1+$0x1F0]  }
0x58: {  	v15 =	vld [tilespmem:s1+$0x100]  }
0x59: {  	v18 =	vld [tilespmem:s1+$0x110];
	[tilespmem:$0x1FD60] =	vst v2  }
0x5a: {  	v2 =	vld [tilespmem:s1+$0x130];
	_ =	sdelay $0x4  }
0x5b: {  	[tilespmem:$0x1FD70] =	vst v2  }
0x5c: {  	v2 =	vld [tilespmem:s1+$0x140];
	_ =	sdelay $0x4  }
0x5d: {  	[tilespmem:$0x1FDB0] =	vst v2  }
0x5e: {  	v16 =	vld [tilespmem:s1+$0x80]  }
0x5f: {  	v17 =	vld [tilespmem:s1+$0x90]  }
0x60: {  	v21 =	vld [tilespmem:s1+$0xA0]  }
0x61: {  	v19 =	vld [tilespmem:s1+$0xB0]  }
0x62: {  	v28 =	vld [tilespmem:s1+$0xC0]  }
0x63: {  	v30 =	vld [tilespmem:s1+$0xD0]  }
0x64: {  	v31 =	vld [tilespmem:s1+$0xE0]  }
0x65: {  	v32 =	vld [tilespmem:s1+$0xF0]  }
0x66: {  	v26 =	vld [tilespmem:s1+$0x0]  }
0x67: {  	v27 =	vld [tilespmem:s1+$0x10]  }
0x68: {  	v33 =	vld [tilespmem:s1+$0x20]  }
0x69: {  	v34 =	vld [tilespmem:s1+$0x30]  }
0x6a: {  	v2 =	vld [tilespmem:s1+$0x40]  }
0x6b: {  	v9 =	vld [tilespmem:s1+$0xFFFFFFA0]  }
0x6c: {  	v42 =	vld [tilespmem:s1+$0x50]  }
0x6d: {  	v43 =	vld [tilespmem:s1+$0x60]  }
0x6e: {  	v44 =	vld [tilespmem:s1+$0x70]  }
0x6f: {  	v51 =	vld [tilespmem:s1+$0xFFFFFF80]  }
0x70: {  	v52 =	vld [tilespmem:s1+$0xFFFFFF90];
	[tilespmem:$0x1FD30] =	vst v9  }
0x71: {  	v9 =	vld [tilespmem:s1+$0xFFFFFFB0];
	_ =	sdelay $0x4  }
0x72: {  	[tilespmem:$0x1FD40] =	vst v9  }
0x73: {  	v9 =	vld [tilespmem:s1+$0xFFFFFFC0];
	_ =	sdelay $0x4  }
0x74: {  	[tilespmem:$0x1FD50] =	vst v9  }
0x75: {  	v45 =	vld [tilespmem:s1+$0xFFFFFF00]  }
0x76: {  	v47 =	vld [tilespmem:s1+$0xFFFFFF10]  }
0x77: {  	v53 =	vld [tilespmem:s1+$0xFFFFFF20]  }
0x78: {  	v9 =	vld [tilespmem:s1+$0xFFFFFE80]  }
0x79: {  	v54 =	vld [tilespmem:s1+$0xFFFFFF30]  }
0x7a: {  	v56 =	vld [tilespmem:s1+$0xFFFFFF40]  }
0x7b: {  	v55 =	vld [tilespmem:s1+$0xFFFFFF50]  }
0x7c: {  	v57 =	vld [tilespmem:s1+$0xFFFFFF60]  }
0x7d: {  	v59 =	vld [tilespmem:s1+$0xFFFFFF70];
	[tilespmem:$0x1FB80] =	vst v9  }
0x7e: {  	v9 =	vld [tilespmem:s1+$0xFFFFFE90];
	_ =	sdelay $0x4  }
0x7f: {  	[tilespmem:$0x1FB90] =	vst v9  }
0x80: {  	v9 =	vld [tilespmem:s1+$0xFFFFFEA0];
	_ =	sdelay $0x4  }
0x81: {  	[tilespmem:$0x1FBA0] =	vst v9  }
0x82: {  	v9 =	vld [tilespmem:s1+$0xFFFFFEB0];
	_ =	sdelay $0x4  }
0x83: {  	[tilespmem:$0x1FBB0] =	vst v9  }
0x84: {  	v9 =	vld [tilespmem:s1+$0xFFFFFEC0];
	_ =	sdelay $0x4  }
0x85: {  	[tilespmem:$0x1FBC0] =	vst v9  }
0x86: {  	v9 =	vld [tilespmem:s1+$0xFFFFFED0];
	_ =	sdelay $0x4  }
0x87: {  	[tilespmem:$0x1FBD0] =	vst v9  }
0x88: {  	v9 =	vld [tilespmem:s1+$0xFFFFFEE0];
	_ =	sdelay $0x4  }
0x89: {  	[tilespmem:$0x1FBE0] =	vst v9  }
0x8a: {  	v9 =	vld [tilespmem:s1+$0xFFFFFEF0];
	_ =	sdelay $0x4  }
0x8b: {  	[tilespmem:$0x1FBF0] =	vst v9  }
0x8c: {  	v9 =	vld [tilespmem:s1+$0xFFFFFE00];
	_ =	sdelay $0x4  }
0x8d: {  	[tilespmem:$0x1FC00] =	vst v9  }
0x8e: {  	v9 =	vld [tilespmem:s1+$0xFFFFFE10];
	_ =	sdelay $0x4  }
0x8f: {  	[tilespmem:$0x1FC10] =	vst v9  }
0x90: {  	v9 =	vld [tilespmem:s1+$0xFFFFFE20];
	_ =	sdelay $0x4  }
0x91: {  	[tilespmem:$0x1FD00] =	vst v9  }
0x92: {  	v9 =	vld [tilespmem:s1+$0xFFFFFE30];
	_ =	sdelay $0x4  }
0x93: {  	[tilespmem:$0x1FD10] =	vst v9  }
0x94: {  	v9 =	vld [tilespmem:s1+$0xFFFFFE40];
	_ =	sdelay $0x4  }
0x95: {  	[tilespmem:$0x1FD20] =	vst v9  }
0x96: {  	v9 =	vld [tilespmem:s1+$0xFFFFFD80];
	_ =	sdelay $0x4  }
0x97: {  	[tilespmem:$0x1FC20] =	vst v9  }
0x98: {  	v9 =	vld [tilespmem:s1+$0xFFFFFD90];
	_ =	sdelay $0x4  }
0x99: {  	[tilespmem:$0x1FC30] =	vst v9  }
0x9a: {  	v9 =	vld [tilespmem:s1+$0xFFFFFDA0];
	_ =	sdelay $0x4  }
0x9b: {  	[tilespmem:$0x1FC40] =	vst v9  }
0x9c: {  	v9 =	vld [tilespmem:s1+$0xFFFFFDB0];
	_ =	sdelay $0x4  }
0x9d: {  	[tilespmem:$0x1FC50] =	vst v9  }
0x9e: {  	v9 =	vld [tilespmem:s1+$0xFFFFFDC0];
	_ =	sdelay $0x2  }
0x9f: {  	s5 =	sshll.u32 s29, $0x8  }
0xa0: {  	v62 =	vld [tilespmem:s5+$0x4080]  }
0xa1: {  	v0 =	vld [tilespmem:s5+$0x4090];
	[tilespmem:$0x1FC60] =	vst v9  }
0xa2: {  	v9 =	vld [tilespmem:s1+$0xFFFFFDD0];
	_ =	sdelay $0x3  }
0xa3: {  	v8 =	vmul.f32 v8, v62;
	v11 =	vmul.f32 v11, v0  }
0xa4: {  	[tilespmem:$0x1FC70] =	vst v9  }
0xa5: {  	v11 =	vadd.f32 v11, v8;
	v8 =	vld [tilespmem:s1+$0xFFFFFDE0];
	_ =	sdelay $0x2  }
0xa6: {  	v1 =	vld [tilespmem:s5+$0x40A0]  }
0xa7: {  	v36 =	vld [tilespmem:s5+$0x40B0]  }
0xa8: {  	[tilespmem:$0x1FC80] =	vst v8  }
0xa9: {  	v8 =	vld [tilespmem:s1+$0xFFFFFDF0];
	_ =	sdelay $0x2  }
0xaa: {  	v12 =	vmul.f32 v12, v1;
	v13 =	vmul.f32 v13, v36  }
0xab: {  	v7 =	vld [tilespmem:s5+$0x40C0]  }
0xac: {  	v6 =	vld [tilespmem:s5+$0x40D0];
	v12 =	vadd.f32 v13, v12;
	v13 =	vmul.f32 v25, v62;
	v25 =	vmul.f32 v29, v0;
	[tilespmem:$0x1FC90] =	vst v8  }
0xad: {  	v9 =	vmul.f32 v35, v62;
	v35 =	vmul.f32 v37, v0;
	v37 =	vld [tilespmem:s1+$0xFFFFFD00];
	_ =	sdelay $0x1  }
0xae: {  	v13 =	vadd.f32 v25, v13;
	_ =	sdelay $0x1  }
0xaf: {  	v14 =	vmul.f32 v14, v7;
	v22 =	vmul.f32 v22, v6;
	[tilespmem:$0x1FDF0] =	vst v13  }
0xb0: {  	[tilespmem:$0x1FCA0] =	vst v37  }
0xb1: {  	v14 =	vadd.f32 v22, v14;
	v22 =	vld [tilespmem:s1+$0xFFFFFD10];
	_ =	sdelay $0x4  }
0xb2: {  	[tilespmem:$0x1FCB0] =	vst v22  }
0xb3: {  	v22 =	vld [tilespmem:s1+$0xFFFFFD20];
	_ =	sdelay $0x4  }
0xb4: {  	v5 =	vld [tilespmem:s5+$0x40E0];
	[tilespmem:$0x1FCC0] =	vst v22  }
0xb5: {  	v22 =	vld [tilespmem:s1+$0xFFFFFD30]  }
0xb6: {  	v4 =	vld [tilespmem:s5+$0x40F0];
	_ =	sdelay $0x3  }
0xb7: {  	[tilespmem:$0x1FCD0] =	vst v22  }
0xb8: {  	v10 =	vmul.f32 v23, v5;
	v23 =	vmul.f32 v24, v4;
	v22 =	vld [tilespmem:s1+$0xFFFFFD40];
	_ =	sdelay $0x1  }
0xb9: {  	v10 =	vadd.f32 v23, v10;
	v38 =	vmul.f32 v38, v1;
	v25 =	vmul.f32 v39, v36  }
0xba: {  	v23 =	vmul.f32 v40, v7;
	v40 =	vmul.f32 v41, v6;
	v9 =	vadd.f32 v35, v9  }
0xbb: {  	v35 =	vmul.f32 v46, v5;
	v13 =	vadd.f32 v25, v38;
	v25 =	vmul.f32 v48, v4  }
0xbc: {  	v38 =	vmul.f32 v50, v0;
	v50 =	vadd.f32 v40, v23;
	[tilespmem:$0x1FCE0] =	vst v22  }
0xbd: {  	v40 =	vmul.f32 v60, v36;
	v60 =	vadd.f32 v25, v35;
	v25 =	vmul.f32 v3, v6;
	v3 =	vld [tilespmem:s1+$0xFFFFFC00];
	_ =	sdelay $0x2  }
0xbe: {  	v18 =	vmul.f32 v18, v0;
	v23 =	vmul.f32 v58, v1;
	v48 =	vld [tilespmem:s1+$0xFFFFFD50]  }
0xbf: {  	v37 =	vmul.f32 v49, v62;
	v49 =	vmul.f32 v15, v62;
	v58 =	vld [tilespmem:s1+$0xFFFFFD60]  }
0xc0: {  	v10 =	vadd.f32 v10, v14;
	v17 =	vmul.f32 v17, v0;
	v28 =	vmul.f32 v28, v7;
	v39 =	vld [tilespmem:s1+$0xFFFFFD70];
	[tilespmem:$0x1FCF0] =	vst v3  }
0xc1: {  	v35 =	vmul.f32 v61, v7;
	v46 =	vadd.f32 v38, v37;
	v3 =	vadd.f32 v18, v49;
	v38 =	vld [tilespmem:s1+$0xFFFFFC10]  }
0xc2: {  	v61 =	vadd.f32 v40, v23;
	v23 =	vmul.f32 v20, v4;
	v22 =	vmul.f32 v63, v5;
	v37 =	vld [tilespmem:s1+$0xFFFFFC20]  }
0xc3: {  	v30 =	vmul.f32 v30, v6;
	v8 =	vmul.f32 v16, v62;
	v63 =	vadd.f32 v25, v35;
	v29 =	vld [tilespmem:s1+$0xFFFFFC30];
	[tilespmem:$0x1FDE0] =	vst v3  }
0xc4: {  	v35 =	vmul.f32 v19, v36;
	v15 =	vadd.f32 v23, v22;
	v23 =	vmul.f32 v21, v1;
	v40 =	vld [tilespmem:s1+$0xFFFFFC40]  }
0xc5: {  	v31 =	vmul.f32 v31, v5;
	v32 =	vmul.f32 v32, v4;
	v17 =	vadd.f32 v17, v8;
	v20 =	vld [tilespmem:s1+$0xFFFFFC50]  }
0xc6: {  	v8 =	vmul.f32 v26, v62;
	v26 =	vmul.f32 v27, v0;
	v27 =	vadd.f32 v35, v23;
	v35 =	vld [tilespmem:s1+$0xFFFFFC60]  }
0xc7: {  	v14 =	vmul.f32 v51, v62;
	v28 =	vadd.f32 v30, v28;
	v30 =	vmul.f32 v33, v1;
	v41 =	vld [tilespmem:s1+$0xFFFFFC70]  }
0xc8: {  	v16 =	vmul.f32 v2, v7;
	v22 =	vmul.f32 v43, v5;
	v23 =	vld [tilespmem:s1+$0xFFFFFC80]  }
0xc9: {  	v18 =	vadd.f32 v26, v8;
	v26 =	vadd.f32 v32, v31;
	v31 =	vmul.f32 v34, v36;
	v43 =	vld [tilespmem:s1+$0xFFFFFC90]  }
0xca: {  	v19 =	vmul.f32 v42, v6;
	v49 =	vmul.f32 v44, v4;
	v32 =	vld [tilespmem:s1+$0xFFFFFCA0]  }
0xcb: {  	v34 =	vmul.f32 v52, v0;
	v52 =	vmul.f32 v45, v62;
	v30 =	vadd.f32 v31, v30;
	v3 =	vld [tilespmem:s1+$0xFFFFFCB0]  }
0xcc: {  	v31 =	vadd.f32 v19, v16;
	v33 =	vadd.f32 v49, v22;
	v16 =	vmul.f32 v47, v0;
	v22 =	vld [tilespmem:s1+$0xFFFFFCC0]  }
0xcd: {  	v2 =	vadd.f32 v34, v14;
	v45 =	vld [tilespmem:s1+$0xFFFFFCD0]  }
0xce: {  	v42 =	vadd.f32 v16, v52;
	v52 =	vld [tilespmem:s1+$0xFFFFFCE0]  }
0xcf: {  	[tilespmem:$0x1FDA0] =	vst v2;
	v2 =	vld [tilespmem:$0x1FB80];
	_ =	sdelay $0x4  }
0xd0: {  	v11 =	vadd.f32 v12, v11;
	v12 =	vmul.f32 v2, v62;
	v2 =	vld [tilespmem:$0x1FB90];
	_ =	sdelay $0x4  }
0xd1: {  	v9 =	vadd.f32 v13, v9;
	v13 =	vmul.f32 v2, v0;
	v2 =	vld [tilespmem:$0x1FBA0];
	_ =	sdelay $0x4  }
0xd2: {  	v14 =	vmul.f32 v2, v1;
	v2 =	vld [tilespmem:$0x1FBB0]  }
0xd3: {  	v60 =	vadd.f32 v60, v50;
	_ =	sdelay $0x1  }
0xd4: {  	v50 =	vadd.f32 v60, v9;
	v9 =	vmul.f32 v55, v6;
	v8 =	vmul.f32 v56, v7;
	_ =	sdelay $0x1  }
0xd5: {  	v60 =	vadd.f32 v9, v8;
	v8 =	vmul.f32 v2, v36;
	v2 =	vld [tilespmem:$0x1FBC0];
	_ =	sdelay $0x4  }
0xd6: {  	v9 =	vmul.f32 v2, v7;
	v2 =	vld [tilespmem:$0x1FBD0];
	_ =	sdelay $0x2  }
0xd7: {  	v49 =	vadd.f32 v10, v11;
	v10 =	vmul.f32 v57, v5;
	v11 =	vmul.f32 v59, v4;
	_ =	sdelay $0x1  }
0xd8: {  	v21 =	vmul.f32 v54, v36;
	v54 =	vadd.f32 v11, v10;
	v10 =	vmul.f32 v2, v6;
	v2 =	vld [tilespmem:$0x1FBE0];
	_ =	sdelay $0x4  }
0xd9: {  	v17 =	vadd.f32 v27, v17;
	v27 =	vmul.f32 v2, v5;
	v2 =	vld [tilespmem:$0x1FBF0]  }
0xda: {  	v44 =	vld [tilespmem:s1+$0xFFFFFCF0]  }
0xdb: {  	v19 =	vmul.f32 v53, v1;
	v24 =	vld [tilespmem:s1+$0xFFFFFE50]  }
0xdc: {  	v25 =	vld [tilespmem:s1+$0xFFFFFE60]  }
0xdd: {  	v34 =	vadd.f32 v21, v19;
	v21 =	vld [tilespmem:s1+$0xFFFFFE70]  }
0xde: {  	v11 =	vmul.f32 v2, v4;
	v2 =	vld [tilespmem:s1+$0x160]  }
0xdf: {  	v46 =	vadd.f32 v61, v46;
	v15 =	vadd.f32 v15, v63;
	v51 =	vld [tilespmem:s1+$0xFFFFFFD0]  }
0xe0: {  	v53 =	vld [tilespmem:s1+$0xFFFFFFE0]  }
0xe1: {  	v19 =	vadd.f32 v15, v46;
	v46 =	vld [tilespmem:s1+$0xFFFFFFF0]  }
0xe2: {  	v61 =	vld [tilespmem:s1+$0x150]  }
0xe3: {  	[tilespmem:$0x1FDC0] =	vst v2;
	v2 =	vld [tilespmem:$0x1FC00];
	_ =	sdelay $0x2  }
0xe4: {  	v26 =	vadd.f32 v26, v28;
	_ =	sdelay $0x1  }
0xe5: {  	v17 =	vadd.f32 v26, v17;
	v26 =	vmul.f32 v2, v62;
	v2 =	vld [tilespmem:$0x1FC10];
	_ =	sdelay $0x4  }
0xe6: {  	v16 =	vadd.f32 v13, v12;
	v13 =	vmul.f32 v2, v0;
	v2 =	vld [tilespmem:$0x1FC20];
	_ =	sdelay $0x4  }
0xe7: {  	v18 =	vadd.f32 v30, v18;
	v30 =	vmul.f32 v2, v62;
	v2 =	vld [tilespmem:$0x1FC30];
	_ =	sdelay $0x4  }
0xe8: {  	v15 =	vmul.f32 v2, v0;
	v2 =	vld [tilespmem:$0x1FC40];
	_ =	sdelay $0x4  }
0xe9: {  	v31 =	vadd.f32 v33, v31;
	v33 =	vmul.f32 v2, v1;
	v2 =	vld [tilespmem:$0x1FC50];
	_ =	sdelay $0x4  }
0xea: {  	v28 =	vadd.f32 v8, v14;
	v8 =	vmul.f32 v2, v36;
	v2 =	vld [tilespmem:$0x1FC60];
	_ =	sdelay $0x4  }
0xeb: {  	v12 =	vmul.f32 v2, v7;
	v2 =	vld [tilespmem:$0x1FC70];
	_ =	sdelay $0x4  }
0xec: {  	v27 =	vadd.f32 v11, v27;
	v11 =	vmul.f32 v2, v6;
	v2 =	vld [tilespmem:$0x1FC80];
	_ =	sdelay $0x4  }
0xed: {  	v31 =	vadd.f32 v31, v18;
	v18 =	vmul.f32 v2, v5;
	v2 =	vld [tilespmem:$0x1FC90];
	_ =	sdelay $0x4  }
0xee: {  	v14 =	vadd.f32 v10, v9;
	v10 =	vmul.f32 v2, v4;
	v2 =	vld [tilespmem:$0x1FCA0];
	_ =	sdelay $0x4  }
0xef: {  	v9 =	vmul.f32 v2, v62;
	v2 =	vld [tilespmem:$0x1FCB0];
	_ =	sdelay $0x1  }
0xf0: {  	v55 =	vld [tilespmem:s1+$0x170]  }
0xf1: {  	v56 =	vld [tilespmem:s1+$0x2D0]  }
0xf2: {  	s0 =	simm.s32 $0x6C80;
	v57 =	vld [tilespmem:s1+$0x2E0]  }
0xf3: {  	v34 =	vadd.f32 v34, v42;
	v42 =	vmul.f32 v2, v0;
	v2 =	vld [tilespmem:s0+$0x380]  }
0xf4: {  	v59 =	vld [tilespmem:s1+$0x2F0]  }
0xf5: {  	v63 =	vld [tilespmem:s1+$0x3C0]  }
0xf6: {  	v47 =	vld [tilespmem:s1+$0x3D0]  }
0xf7: {  	v30 =	vadd.f32 v15, v30;
	v15 =	vadd.f32 v13, v26;
	v26 =	vld [tilespmem:s1+$0x3E0]  }
0xf8: {  	v13 =	vadd.f32 v8, v33;
	v33 =	vld [tilespmem:s1+$0x3F0];
	[tilespmem:$0x1FE60] =	vst v2  }
0xf9: {  	v2 =	vld [tilespmem:s0+$0x390];
	_ =	sdelay $0x4  }
0xfa: {  	[tilespmem:$0x1FE80] =	vst v2;
	v2 =	vld [tilespmem:$0x1FCC0];
	_ =	sdelay $0x4  }
0xfb: {  	v8 =	vmul.f32 v2, v1;
	v2 =	vld [tilespmem:$0x1FCD0];
	_ =	sdelay $0x4  }
0xfc: {  	v12 =	vadd.f32 v11, v12;
	v11 =	vmul.f32 v2, v36;
	v2 =	vld [tilespmem:s0+$0x3A0];
	_ =	sdelay $0x3  }
0xfd: {  	v54 =	vadd.f32 v54, v60  }
0xfe: {  	(xrf2) =	vadd.scan.msk.f32 $0xffff, v49;
	v16 =	vadd.f32 v28, v16;
	v27 =	vadd.f32 v27, v14;
	[tilespmem:$0x1FEA0] =	vst v2;
	v2 =	vld [tilespmem:$0x1FCE0]  }
0xff: {  	(xrf2) =	vadd.scan.msk.f32 $0xffff, v50;
	v29 =	vmul.f32 v29, v36;
	v54 =	vadd.f32 v54, v34  }
0x100: {  	(xrf2) =	vadd.scan.msk.f32 $0xffff, v19;
	v20 =	vmul.f32 v20, v6;
	v16 =	vadd.f32 v27, v16;
	v27 =	vmul.f32 v37, v1  }
0x101: {  	(xrf2) =	vadd.scan.msk.f32 $0xffff, v17;
	v13 =	vadd.f32 v13, v30;
	v30 =	vmul.f32 v40, v7;
	v10 =	vadd.f32 v10, v18  }
0x102: {  	v32 =	vmul.f32 v32, v1;
	(xrf2) =	vadd.scan.msk.f32 $0xffff, v31;
	v31 =	vmul.f32 v61, v6;
	v27 =	vadd.f32 v29, v27  }
0x103: {  	v20 =	vadd.f32 v20, v30;
	v10 =	vadd.f32 v10, v12;
	v28 =	vmul.f32 v2, v7;
	v2 =	vld [tilespmem:s0+$0x3B0]  }
0x104: {  	(xrf2) =	vadd.scan.msk.f32 $0xffff, v54;
	v61 =	vld [tilespmem:$0x1FDD0];
	v60 =	vadd.f32 v42, v9;
	v9 =	vmul.f32 v58, v5;
	v58 =	vadd.f32 v11, v8  }
0x105: {  	(xrf2) =	vadd.scan.msk.f32 $0xffff, v16;
	v16 =	vld [tilespmem:$0x1FD90];
	v29 =	vadd.f32 v10, v13;
	v10 =	vmul.f32 v35, v5;
	v11 =	vmul.f32 v41, v4  }
0x106: {  	v18 =	vmul.f32 v39, v4;
	v39 =	vld [tilespmem:$0x1FCF0];
	v30 =	vadd.f32 v58, v60;
	v60 =	vmul.f32 v3, v36  }
0x107: {  	v10 =	vadd.f32 v11, v10;
	v11 =	vmul.f32 v59, v4;
	v59 =	vld [tilespmem:$0x1FE00]  }
0x108: {  	v42 =	vmul.f32 v48, v6;
	v35 =	vadd.f32 v60, v32;
	v60 =	vld [tilespmem:$0x1FD20];
	[tilespmem:$0x1FEC0] =	vst v2  }
0x109: {  	v2 =	vld [tilespmem:s0+$0x300]  }
0x10a: {  	v28 =	vadd.f32 v42, v28;
	v42 =	vld [tilespmem:s0+$0x310]  }
0x10b: {  	v34 =	vld [tilespmem:s0+$0x320]  }
0x10c: {  	v37 =	vld [tilespmem:s0+$0x330]  }
0x10d: {  	v48 =	vadd.f32 v18, v9;
	v14 =	vld [tilespmem:s0+$0x340]  }
0x10e: {  	v40 =	vld [tilespmem:s0+$0x350]  }
0x10f: {  	v28 =	vadd.f32 v48, v28;
	v18 =	vld [tilespmem:s0+$0x360]  }
0x110: {  	v38 =	vmul.f32 v38, v0;
	v8 =	vmul.f32 v39, v62;
	v3 =	vld [tilespmem:s0+$0x2A0]  }
0x111: {  	v39 =	vadd.f32 v28, v30;
	v28 =	vmul.f32 v45, v6;
	v45 =	vld [tilespmem:$0x1FD00]  }
0x112: {  	v38 =	vadd.f32 v38, v8;
	v30 =	vmul.f32 v52, v5;
	v52 =	vld [tilespmem:$0x1FD10]  }
0x113: {  	v23 =	vmul.f32 v23, v62;
	v12 =	vld [tilespmem:s0+$0x370]  }
0x114: {  	v58 =	vmul.f32 v43, v0;
	v27 =	vadd.f32 v27, v38;
	v20 =	vadd.f32 v10, v20;
	v41 =	vld [tilespmem:s0+$0x280]  }
0x115: {  	v22 =	vmul.f32 v22, v7;
	(xrf2) =	vadd.scan.msk.f32 $0xffff, v29;
	v43 =	vld [tilespmem:s0+$0x290]  }
0x116: {  	v23 =	vadd.f32 v58, v23;
	v20 =	vadd.f32 v20, v27;
	(xrf2) =	vadd.scan.msk.f32 $0xffff, v39;
	v39 =	vld [tilespmem:$0x1FDC0]  }
0x117: {  	v22 =	vadd.f32 v28, v22;
	[tilespmem:$0x1FEE0] =	vst v3;
	v28 =	vmul.f32 v45, v1;
	v58 =	vmul.f32 v52, v36;
	v52 =	vld [tilespmem:$0x1FD40]  }
0x118: {  	v25 =	vmul.f32 v25, v5;
	v21 =	vmul.f32 v21, v4;
	v3 =	vld [tilespmem:s0+$0x2B0]  }
0x119: {  	v24 =	vmul.f32 v24, v6;
	(xrf2) =	vadd.scan.msk.f32 $0xffff, v20;
	v20 =	vld [tilespmem:$0x1FDA0];
	v38 =	vadd.f32 v58, v28;
	v28 =	vmul.f32 v60, v7  }
0x11a: {  	v21 =	vadd.f32 v21, v25;
	v45 =	vld [tilespmem:$0x1FD30]  }
0x11b: {  	v60 =	vadd.f32 v24, v28;
	v15 =	vadd.f32 v38, v15;
	v38 =	vld [tilespmem:$0x1FD50]  }
0x11c: {  	v58 =	vmul.f32 v52, v36;
	v52 =	vld [tilespmem:$0x1FD60]  }
0x11d: {  	[tilespmem:$0x1FF00] =	vst v3;
	v19 =	vadd.f32 v21, v60;
	v60 =	vld [tilespmem:$0x1FD70]  }
0x11e: {  	v3 =	vld [tilespmem:s0+$0x2C0]  }
0x11f: {  	v48 =	vld [tilespmem:s0+$0x200]  }
0x120: {  	v44 =	vmul.f32 v44, v4;
	v13 =	vld [tilespmem:s0+$0x210]  }
0x121: {  	v32 =	vld [tilespmem:s0+$0x220]  }
0x122: {  	v44 =	vadd.f32 v44, v30;
	v30 =	vld [tilespmem:s0+$0x230]  }
0x123: {  	v50 =	vmul.f32 v45, v1;
	v49 =	vld [tilespmem:s0+$0x240]  }
0x124: {  	v27 =	vld [tilespmem:s0+$0x250]  }
0x125: {  	v23 =	vadd.f32 v35, v23;
	v28 =	vld [tilespmem:s0+$0x260];
	v35 =	vadd.f32 v58, v50  }
0x126: {  	v25 =	vmul.f32 v46, v4;
	v50 =	vld [tilespmem:s0+$0x270]  }
0x127: {  	v22 =	vadd.f32 v44, v22;
	v45 =	vmul.f32 v53, v5;
	v20 =	vadd.f32 v35, v20;
	v35 =	vld [tilespmem:$0x1FDB0]  }
0x128: {  	v24 =	vmul.f32 v51, v6;
	v19 =	vadd.f32 v19, v15;
	v15 =	vld [tilespmem:$0x1FD80];
	v44 =	vmul.f32 v38, v7  }
0x129: {  	v29 =	vmul.f32 v16, v36;
	v17 =	vadd.f32 v22, v23;
	v51 =	vld [tilespmem:s0+$0x180];
	v21 =	vadd.f32 v25, v45  }
0x12a: {  	v45 =	vmul.f32 v55, v4;
	v23 =	vadd.f32 v24, v44;
	v44 =	vmul.f32 v39, v5;
	v39 =	vld [tilespmem:$0x1FDE0]  }
0x12b: {  	v53 =	vld [tilespmem:s0+$0x190];
	v54 =	vmul.f32 v52, v1;
	v24 =	vmul.f32 v60, v36  }
0x12c: {  	(xrf2) =	vadd.scan.msk.f32 $0xffff, v17;
	v17 =	vadd.f32 v21, v23;
	v23 =	vadd.f32 v45, v44;
	v45 =	vld [tilespmem:$0x1FDF0];
	v38 =	vmul.f32 v35, v7  }
0x12d: {  	v9 =	vmul.f32 v56, v6;
	v58 =	vld [tilespmem:s0+$0x1A0];
	v24 =	vadd.f32 v24, v54;
	v25 =	vmul.f32 v15, v1  }
0x12e: {  	v10 =	vmul.f32 v57, v5;
	v16 =	vld [tilespmem:s0+$0x1C0];
	v22 =	vadd.f32 v31, v38;
	v31 =	vmul.f32 v61, v7  }
0x12f: {  	v46 =	vld [tilespmem:s0+$0x1D0];
	v15, _, _ =	vpop (xrf2);
	v61 =	vadd.f32 v29, v25;
	v24 =	vadd.f32 v24, v39  }
0x130: {  	v26 =	vmul.f32 v26, v5;
	v55 =	vld [tilespmem:s0+$0x1F0];
	v38, _, _ =	vpop (xrf2);
	v29 =	vadd.f32 v9, v31;
	v31 =	vadd.f32 v11, v10  }
0x131: {  	v33 =	vmul.f32 v33, v4;
	v22 =	vadd.f32 v23, v22;
	v57 =	vadd.f32 v61, v45;
	v61 =	vld [tilespmem:$0x1FE10];
	v44, _, _ =	vpop (xrf2)  }
0x132: {  	v56 =	vld [tilespmem:s0+$0x110];
	(xrf2) =	vadd.scan.msk.f32 $0xffff, v19;
	v17 =	vadd.f32 v17, v20;
	v25, _, _ =	vpop (xrf2)  }
0x133: {  	v26 =	vadd.f32 v33, v26;
	v33 =	vld [tilespmem:s0+$0x0];
	v22 =	vadd.f32 v22, v24;
	v35, _, _ =	vpop (xrf2)  }
0x134: {  	v52 =	vld [tilespmem:s0+$0x1E0];
	(xrf2) =	vadd.scan.msk.f32 $0xffff, v17;
	v23, _, _ =	vpop (xrf2)  }
0x135: {  	v29 =	vadd.f32 v31, v29;
	(xrf2) =	vadd.scan.msk.f32 $0xffff, v22;
	v22 =	vld [tilespmem:$0x1FE20];
	v31, _, _ =	vpop (xrf2)  }
0x136: {  	v45 =	vmul.f32 v61, v0;
	v61 =	vld [tilespmem:$0x1FE30];
	v24, _, _ =	vpop (xrf2)  }
0x137: {  	v60 =	vld [tilespmem:s0+$0x1B0];
	v17 =	vadd.f32 v29, v57;
	v57, _, _ =	vpop (xrf2)  }
0x138: {  	v54 =	vld [tilespmem:s0+$0x100];
	v29 =	vmul.f32 v59, v62;
	v8, _, _ =	vpop (xrf2)  }
0x139: {  	v21 =	vld [tilespmem:s0+$0x120];
	(xrf2) =	vadd.scan.msk.f32 $0xffff, v17;
	v17 =	vmul.f32 v63, v7;
	v57 =	vbroadcast v57, $0xF;
	v63, _, _ =	vpop (xrf2)  }
0x13a: {  	v19 =	vld [tilespmem:s0+$0x130];
	v8 =	vbroadcast v8, $0xF;
	v9 =	vbroadcast v63, $0xF  }
0x13b: {  	v20 =	vld [tilespmem:s0+$0x140];
	v29 =	vadd.f32 v45, v29;
	v22 =	vmul.f32 v22, v1;
	v61 =	vmul.f32 v61, v36  }
0x13c: {  	v39 =	vld [tilespmem:s0+$0x80];
	v24 =	vbroadcast v24, $0xF;
	v45, _, _ =	vpop (xrf2);
	v8 =	vsel vm0, v8, v9  }
0x13d: {  	v11 =	vld [tilespmem:s0+$0xA0];
	v45 =	vbroadcast v45, $0xF;
	v22 =	vadd.f32 v61, v22;
	v8 =	vsel vm1, v8, v57  }
0x13e: {  	v47 =	vmul.f32 v47, v6;
	v10 =	vld [tilespmem:s0+$0xB0];
	v8 =	vsel vm2, v8, v24;
	v24 =	vbroadcast v31, $0xF  }
0x13f: {  	v59 =	vld [tilespmem:s0+$0x90];
	v22 =	vadd.f32 v22, v29;
	v29, _, _ =	vpop (xrf2);
	v8 =	vsel vm3, v8, v45  }
0x140: {  	v17 =	vadd.f32 v47, v17;
	v47 =	vld [tilespmem:s0+$0xF0];
	v8 =	vsel vm4, v8, v24;
	v24 =	vbroadcast v29, $0xF  }
0x141: {  	v23 =	vbroadcast v23, $0xF;
	v63 =	vld [tilespmem:s0+$0xC0]  }
0x142: {  	v17 =	vadd.f32 v26, v17;
	v61 =	vld [tilespmem:s0+$0xD0]  }
0x143: {  	v14 =	vmul.f32 v14, v7;
	v9 =	vld [tilespmem:s0+$0xE0];
	v8 =	vsel vm5, v8, v23;
	v23 =	vbroadcast v35, $0xF  }
0x144: {  	v57 =	vld [tilespmem:s0+$0x20];
	v17 =	vadd.f32 v17, v22;
	v22 =	vbroadcast v25, $0xF;
	v8 =	vsel vm6, v8, v24;
	v24, _, _ =	vpop (xrf2)  }
0x145: {  	v18 =	vmul.f32 v18, v5;
	v45 =	vld [tilespmem:s0+$0x10];
	v8 =	vsel vm7, v8, v23;
	v23 =	vbroadcast v24, $0xF  }
0x146: {  	v48 =	vmul.f32 v48, v62;
	v25 =	vld [tilespmem:s0+$0x40];
	v8 =	vsel vm8, v8, v22;
	v24 =	vbroadcast v44, $0xF  }
0x147: {  	v31 =	vmul.f32 v37, v36;
	v29 =	vmul.f32 v42, v0;
	v42 =	vld [tilespmem:s0+$0x70];
	v8 =	vsel vm9, v8, v23  }
0x148: {  	v35 =	vld [tilespmem:s0+$0x30];
	v22 =	vbroadcast v38, $0xF;
	v26, _, _ =	vpop (xrf2);
	v8 =	vsel vm10, v8, v24;
	v24 =	vmul.f32 v34, v1  }
0x149: {  	v44 =	vld [tilespmem:s0+$0x50];
	v38 =	vbroadcast v26, $0xF;
	v23 =	vmul.f32 v2, v62  }
0x14a: {  	v26 =	vld [tilespmem:s0+$0x60];
	v24 =	vadd.f32 v31, v24;
	v31 =	vmul.f32 v41, v62;
	v41 =	vmul.f32 v43, v0  }
0x14b: {  	v13 =	vmul.f32 v13, v0;
	v32 =	vmul.f32 v32, v1;
	v34 =	vld [tilespmem:s0+$0xFFFFFF80]  }
0x14c: {  	v37 =	vadd.f32 v29, v23;
	v29 =	vmul.f32 v40, v6;
	v40 =	vld [tilespmem:s0+$0xFFFFFF90];
	v2 =	vadd.f32 v41, v31  }
0x14d: {  	v30 =	vmul.f32 v30, v36;
	v27 =	vmul.f32 v27, v6;
	v23 =	vld [tilespmem:s0+$0xFFFFFFA0]  }
0x14e: {  	v28 =	vmul.f32 v28, v5;
	v43 =	vmul.f32 v12, v4;
	v14 =	vadd.f32 v29, v14;
	v29 =	vld [tilespmem:s0+$0xFFFFFFB0];
	[tilespmem:$0x1FE40] =	vst v2  }
0x14f: {  	v16 =	vmul.f32 v16, v7;
	v12 =	vmul.f32 v50, v4;
	v31 =	vld [tilespmem:s0+$0xFFFFFFC0]  }
0x150: {  	v13 =	vadd.f32 v13, v48;
	v18 =	vadd.f32 v43, v18;
	v41 =	vmul.f32 v49, v7;
	v43 =	vld [tilespmem:s0+$0xFFFFFF00]  }
0x151: {  	v60 =	vmul.f32 v60, v36;
	v28 =	vadd.f32 v12, v28;
	v12 =	vmul.f32 v58, v1;
	v48 =	vld [tilespmem:s0+$0xFFFFFF10]  }
0x152: {  	v30 =	vadd.f32 v30, v32;
	v52 =	vmul.f32 v52, v5;
	v27 =	vadd.f32 v27, v41;
	v49 =	vld [tilespmem:s0+$0xFFFFFF20]  }
0x153: {  	v41 =	vmul.f32 v51, v62;
	v32 =	vadd.f32 v60, v12;
	v12 =	vmul.f32 v55, v4;
	v51 =	vld [tilespmem:s0+$0xFFFFFF30]  }
0x154: {  	v46 =	vmul.f32 v46, v6;
	v50 =	vmul.f32 v53, v0;
	v58 =	vld [tilespmem:s0+$0xFFFFFF40]  }
0x155: {  	v53 =	vmul.f32 v54, v62;
	v55 =	vld [tilespmem:s0+$0xFFFFFF60];
	v52 =	vadd.f32 v12, v52;
	v12 =	vmul.f32 v56, v0  }
0x156: {  	v46 =	vadd.f32 v46, v16;
	v60 =	vmul.f32 v59, v0;
	v59 =	vld [tilespmem:s0+$0xFFFFFF70]  }
0x157: {  	v16 =	vmul.f32 v39, v62;
	v41 =	vadd.f32 v50, v41;
	v50 =	vld [tilespmem:s0+$0xFFFFFF50];
	v2 =	vadd.f32 v12, v53  }
0x158: {  	v56 =	vld [tilespmem:s0+$0xFFFFFE80]  }
0x159: {  	v39 =	vadd.f32 v60, v16;
	v60 =	vld [tilespmem:s0+$0xFFFFFE90];
	[tilespmem:$0x1FE50] =	vst v2  }
0x15a: {  	v11 =	vmul.f32 v11, v1;
	v10 =	vmul.f32 v10, v36;
	v2 =	vld [tilespmem:s0+$0xFFFFFEA0]  }
0x15b: {  	v47 =	vmul.f32 v47, v4;
	v16 =	vmul.f32 v45, v0;
	v45 =	vld [tilespmem:s0+$0xFFFFFEB0]  }
0x15c: {  	v10 =	vadd.f32 v10, v11;
	v9 =	vmul.f32 v9, v5;
	v11 =	vmul.f32 v57, v1;
	v54 =	vld [tilespmem:s0+$0xFFFFFEC0]  }
0x15d: {  	v53 =	vmul.f32 v63, v7;
	v63 =	vmul.f32 v61, v6;
	v57 =	vld [tilespmem:s0+$0xFFFFFED0]  }
0x15e: {  	v61 =	vmul.f32 v25, v7;
	v25 =	vmul.f32 v44, v6;
	v44 =	vld [tilespmem:s0+$0xFFFFFEE0]  }
0x15f: {  	v35 =	vmul.f32 v35, v36;
	v53 =	vadd.f32 v63, v53;
	v63 =	vadd.f32 v24, v37;
	v37 =	vld [tilespmem:s0+$0xFFFFFEF0]  }
0x160: {  	v13 =	vadd.f32 v30, v13;
	v47 =	vadd.f32 v47, v9;
	(xrf2) =	vadd.scan.msk.f32 $0xffff, v17;
	v8 =	vsel vm11, v8, v22;
	v22 =	vld [tilespmem:s0+$0xFFFFFE00]  }
0x161: {  	v14 =	vadd.f32 v18, v14;
	v18 =	vadd.f32 v35, v11;
	v35 =	vld [tilespmem:s0+$0xFFFFFE10]  }
0x162: {  	v8 =	vsel vm12, v8, v38;
	v9 =	vmul.f32 v34, v62;
	v11 =	vmul.f32 v40, v0;
	v38 =	vld [tilespmem:s0+$0xFFFFFE20]  }
0x163: {  	v27 =	vadd.f32 v28, v27;
	v12 =	vmul.f32 v33, v62;
	v59 =	vmul.f32 v59, v4;
	v40 =	vld [tilespmem:s0+$0xFFFFFE30]  }
0x164: {  	v28 =	vld [tilespmem:s0+$0xFFFFFE40];
	v34 =	vadd.f32 v14, v63;
	v14 =	vbroadcast v15, $0xF;
	v15 =	vmul.f32 v55, v5  }
0x165: {  	v25 =	vadd.f32 v25, v61;
	v30 =	vmul.f32 v49, v1;
	v49 =	vadd.f32 v27, v13;
	v27 =	vld [tilespmem:s0+$0xFFFFFDA0]  }
0x166: {  	v61 =	vmul.f32 v43, v62;
	v63 =	vmul.f32 v48, v0;
	v55 =	vadd.f32 v59, v15;
	v59 =	vld [tilespmem:$0x1FE60]  }
0x167: {  	v32 =	vadd.f32 v32, v41;
	v33 =	vadd.f32 v16, v12;
	v16 =	vmul.f32 v51, v36;
	v41 =	vld [tilespmem:s0+$0xFFFFFDB0]  }
0x168: {  	v24 =	vmul.f32 v26, v5;
	v43 =	vadd.f32 v63, v61;
	v63 =	vmul.f32 v60, v0;
	v60 =	vld [tilespmem:$0x1FE80]  }
0x169: {  	v26 =	vmul.f32 v42, v4;
	v17 =	vmul.f32 v56, v62;
	v56 =	vld [tilespmem:s0+$0xFFFFFDD0];
	v42 =	vadd.f32 v16, v30  }
0x16a: {  	v48 =	vld [tilespmem:s0+$0xFFFFFD80];
	v61 =	vadd.f32 v11, v9;
	v9 =	vmul.f32 v58, v7;
	v8 =	vsel vm13, v8, v14;
	v58, _, _ =	vpop (xrf2)  }
0x16b: {  	v30 =	vld [tilespmem:s0+$0xFFFFFD90];
	v16 =	vadd.f32 v52, v46;
	v46 =	vsel vm14, v8, v58;
	v8 =	vmul.f32 v59, v62  }
0x16c: {  	v52 =	vld [tilespmem:s0+$0xFFFFFDC0];
	v11 =	vmul.f32 v50, v6  }
0x16d: {  	v50 =	vadd.f32 v63, v17;
	v63 =	vmul.f32 v2, v1;
	v2 =	vld [tilespmem:$0x1FEA0];
	[tilespmem:$0x1FE70] =	vst v8;
	v8 =	vmul.f32 v60, v0;
	_ =	sdelay $0x1  }
0x16e: {  	[tilespmem:$0x1FE90] =	vst v8  }
0x16f: {  	v58 =	vld [tilespmem:s0+$0xFFFFFDE0]  }
0x170: {  	v8 =	vmul.f32 v45, v36;
	v45 =	vld [tilespmem:s0+$0xFFFFFDF0]  }
0x171: {  	v47 =	vadd.f32 v47, v53;
	v2 =	vmul.f32 v2, v1;
	v53 =	vld [tilespmem:s0+$0xFFFFFD00]  }
0x172: {  	v13 =	vld [tilespmem:s0+$0xFFFFFD10]  }
0x173: {  	[tilespmem:$0x1FEB0] =	vst v2;
	v2 =	vld [tilespmem:$0x1FEC0];
	_ =	sdelay $0x4  }
0x174: {  	v2 =	vmul.f32 v2, v36;
	_ =	sdelay $0x1  }
0x175: {  	[tilespmem:$0x1FED0] =	vst v2;
	v2 =	vld [tilespmem:$0x1FEE0];
	_ =	sdelay $0x4  }
0x176: {  	v2 =	vmul.f32 v2, v1  }
0x177: {  	v59 =	vld [tilespmem:s0+$0xFFFFFD20]  }
0x178: {  	[tilespmem:$0x1FEF0] =	vst v2;
	v2 =	vld [tilespmem:$0x1FF00];
	_ =	sdelay $0x4  }
0x179: {  	v2 =	vmul.f32 v2, v36;
	_ =	sdelay $0x1  }
0x17a: {  	v39 =	vadd.f32 v10, v39;
	[tilespmem:$0x1FF10] =	vst v2;
	v2 =	vmul.f32 v3, v7  }
0x17b: {  	v26 =	vadd.f32 v26, v24;
	v33 =	vadd.f32 v18, v33  }
0x17c: {  	v18 =	vmul.f32 v23, v1;
	v32 =	vadd.f32 v16, v32;
	v16 =	vmul.f32 v19, v36;
	v60 =	vld [tilespmem:s0+$0xFFFFFD30];
	[tilespmem:$0x1FF20] =	vst v2  }
0x17d: {  	v12 =	vmul.f32 v44, v5;
	v44 =	vadd.f32 v8, v63;
	v8 =	vadd.f32 v47, v39;
	v39 =	vld [tilespmem:s0+$0xFFFFFD40]  }
0x17e: {  	v19 =	vmul.f32 v29, v36;
	v22 =	vmul.f32 v22, v62;
	v47 =	vld [tilespmem:s0+$0xFFFFFD50]  }
0x17f: {  	v25 =	vadd.f32 v26, v25;
	v35 =	vmul.f32 v35, v0;
	v17 =	vmul.f32 v20, v7;
	v26 =	vld [tilespmem:s0+$0xFFFFFD60]  }
0x180: {  	v15 =	vmul.f32 v48, v62;
	v30 =	vmul.f32 v30, v0;
	v48 =	vld [tilespmem:s0+$0xFFFFFD70];
	[tilespmem:$0x1FF30] =	vst v16  }
0x181: {  	v51 =	vadd.f32 v11, v9;
	v9 =	vmul.f32 v54, v7;
	v10 =	vmul.f32 v57, v6;
	[tilespmem:$0x1FF40] =	vst v17  }
0x182: {  	v20 =	vmul.f32 v31, v7;
	v2 =	vadd.f32 v30, v15;
	v30 =	vadd.f32 v35, v22;
	v35 =	vld [tilespmem:s0+$0xFFFFFC00];
	[tilespmem:$0x1FF50] =	vst v18  }
0x183: {  	v27 =	vmul.f32 v27, v1;
	v41 =	vmul.f32 v41, v36;
	[tilespmem:$0x1FF60] =	vst v19  }
0x184: {  	v23 =	vld [tilespmem:s0+$0xFFFFFC10];
	[tilespmem:$0x1FF70] =	vst v20  }
0x185: {  	(xrf2) =	vadd.scan.msk.f32 $0xffff, v34;
	v57 =	vadd.f32 v10, v9;
	v9 =	vadd.f32 v41, v27;
	v27 =	vmul.f32 v38, v1;
	v38 =	vld [tilespmem:s0+$0xFFFFFC20]  }
0x186: {  	v37 =	vmul.f32 v37, v4;
	v41 =	vld [tilespmem:s0+$0xFFFFFC30]  }
0x187: {  	v31 =	vmul.f32 v56, v6;
	v56 =	vmul.f32 v45, v4;
	v45 =	vld [tilespmem:s0+$0xFFFFFC40]  }
0x188: {  	s9 =	sshll.u32 s29, $0x9;
	v29 =	vmul.f32 v52, v7;
	v37 =	vadd.f32 v37, v12;
	v12 =	vld [tilespmem:s0+$0xFFFFFC50]  }
0x189: {  	s1 =	sand.u32 $0x3800, s9;
	v25 =	vadd.f32 v25, v33;
	v14 =	vld [tilespmem:s0+$0xFFFFFC60]  }
0x18a: {  	s5 =	sand.u32 $0x300, s5;
	s31 =	sor.u32 $0x14080, s1;
	v28 =	vmul.f32 v28, v7;
	v11 =	vadd.f32 v31, v29;
	v22 =	vmul.f32 v58, v5;
	v17 =	vld [tilespmem:s0+$0xFFFFFC70]  }
0x18b: {  	s24 =	sand.u32 $0x400, s28;
	s5 =	sor.u32 s5, s31;
	(xrf2) =	vadd.scan.msk.f32 $0xffff, v49;
	v29 =	vmul.f32 v40, v36;
	v57 =	vadd.f32 v37, v57;
	v63 =	vmul.f32 v53, v62;
	v20 =	vld [tilespmem:s0+$0xFFFFFC80]  }
0x18c: {  	s9 =	sand.u32 $0x70, s28;
	s1 =	sadd.s32 s24, s5;
	(xrf2) =	vadd.scan.msk.f32 $0xffff, v32;
	v10 =	vmul.f32 v13, v0;
	v3 =	vmul.f32 v21, v1;
	v13 =	vadd.f32 v56, v22;
	v22 =	vld [tilespmem:s0+$0xFFFFFC90]  }
0x18d: {  	s1 =	sadd.s32 s9, s1;
	v21 =	vadd.f32 v42, v43;
	v58 =	vadd.f32 v55, v51;
	v33 =	vmul.f32 v23, v0;
	v23 =	vld [tilespmem:s0+$0xFFFFFCA0];
	[tilespmem:$0x1FF80] =	vst v36  }
0x18e: {  	(xrf2) =	vadd.scan.msk.f32 $0xffff, v8;
	v32 =	vadd.f32 v10, v63;
	v15 =	vmul.f32 v59, v1;
	[tilespmem:s1+$0x0] =	vst v46  }
0x18f: {  	v55, _, _ =	vpop (xrf2);
	(xrf2) =	vadd.scan.msk.f32 $0xffff, v25;
	v19 =	vadd.f32 v58, v21;
	v16 =	vmul.f32 v60, v36;
	v43 =	vld [tilespmem:s0+$0xFFFFFCB0];
	[tilespmem:$0x1FF90] =	vst v7  }
0x190: {  	v21 =	vadd.f32 v44, v50;
	v18 =	vmul.f32 v39, v7;
	v47 =	vmul.f32 v47, v6;
	[tilespmem:$0x1FFA0] =	vst v6  }
0x191: {  	v52 =	vadd.f32 v9, v2;
	v26 =	vmul.f32 v26, v5;
	v48 =	vmul.f32 v48, v4;
	v46 =	vld [tilespmem:s0+$0xFFFFFCC0];
	[tilespmem:$0x1FFB0] =	vst v5  }
0x192: {  	v53 =	vadd.f32 v13, v11;
	v31 =	vmul.f32 v35, v62;
	v34 =	vmul.f32 v38, v1;
	[tilespmem:$0x1FFC0] =	vst v4  }
0x193: {  	v42 =	vadd.f32 v47, v18;
	v35 =	vmul.f32 v41, v36;
	v37 =	vmul.f32 v45, v7;
	v47 =	vld [tilespmem:s0+$0xFFFFFCD0];
	[tilespmem:$0x1FFD0] =	vst v62  }
0x194: {  	v40 =	vadd.f32 v16, v15;
	v39 =	vmul.f32 v12, v6;
	v36 =	vmul.f32 v14, v5;
	[tilespmem:$0x1FFE0] =	vst v0  }
0x195: {  	v63, _, _ =	vpop (xrf2);
	v50 =	vadd.f32 v48, v26;
	v38 =	vmul.f32 v17, v4;
	v41 =	vmul.f32 v20, v62;
	v48 =	vld [tilespmem:s0+$0xFFFFFCE0];
	[tilespmem:$0x1FFF0] =	vst v1  }
0x196: {  	s24 =	simm.s32 $0x0;
	s9 =	simm.s32 $0x10;
	(xrf2) =	vadd.scan.msk.f32 $0xffff, v19;
	v44 =	vmul.f32 v22, v0;
	v45 =	vadd.f32 v57, v21;
	s1 =	simm.s32 $0x20;
	v26, _, _ =	vpop (xrf2);
	v49 =	vmul.f32 v23, v1;
	v51 =	vld [tilespmem:s0+$0xFFFFFCF0]  }
.LBB2_5:
0x197: {  	_ =	sdelay $0x3  }
0x198: {  	v0 =	vadd.f32 v40, v32;
	v8 =	vadd.f32 v50, v42  }
0x199: {  	v6 =	vadd.f32 v53, v52  }
0x19a: {  	v54 =	vld [tilespmem:$0x1FF90];
	(xrf2) =	vadd.scan.msk.f32 $0xffff, v45;
	v0 =	vadd.f32 v8, v0  }
0x19b: {  	v1 =	vld [tilespmem:$0x1FF60];
	v33 =	vadd.f32 v33, v31;
	v31, _, _ =	vpop (xrf2);
	(xrf2) =	vadd.scan.msk.f32 $0xffff, v6  }
0x19c: {  	v32, _, _ =	vpop (xrf2);
	(xrf2) =	vadd.scan.msk.f32 $0xffff, v0;
	v0 =	vld [tilespmem:$0x1FF50]  }
0x19d: {  	v25 =	vld [tilespmem:$0x1FFA0];
	_ =	sdelay $0x1  }
0x19e: {  	v11 =	vld [tilespmem:s0+$0xFFFFFFD0]  }
0x19f: {  	v15 =	vld [tilespmem:$0x1FF80]  }
0x1a0: {  	v21 =	vadd.f32 v1, v0;
	v0 =	vld [tilespmem:$0x1FF70]  }
0x1a1: {  	v60 =	vld [tilespmem:s0+$0xFFFFFE50];
	v62 =	vmul.f32 v46, v54;
	v47 =	vmul.f32 v47, v25  }
0x1a2: {  	v7 =	vld [tilespmem:s0+$0xFFFFFE60]  }
0x1a3: {  	v37 =	vadd.f32 v39, v37;
	v23 =	vld [tilespmem:$0x1FFB0];
	v39 =	vadd.f32 v47, v62;
	v47 =	vmul.f32 v11, v25  }
0x1a4: {  	v19 =	vld [tilespmem:s0+$0x150]  }
0x1a5: {  	v20 =	vadd.f32 v47, v0;
	v0 =	vld [tilespmem:$0x1FF30]  }
0x1a6: {  	v50 =	vld [tilespmem:$0x1FFC0]  }
0x1a7: {  	v34 =	vadd.f32 v35, v34;
	v9 =	vld [tilespmem:s0+$0xFFFFFE70];
	v36 =	vadd.f32 v38, v36  }
0x1a8: {  	v41 =	vadd.f32 v44, v41;
	v27 =	vadd.f32 v29, v27  }
0x1a9: {  	v33 =	vadd.f32 v34, v33;
	v59 =	vmul.f32 v43, v15;
	v10 =	vmul.f32 v48, v23  }
0x1aa: {  	v27 =	vadd.f32 v27, v30;
	v30 =	vmul.f32 v19, v25;
	v19 =	vadd.f32 v0, v3;
	v0 =	vld [tilespmem:$0x1FF40]  }
0x1ab: {  	v14 =	vadd.f32 v36, v37;
	v16 =	vmul.f32 v60, v25;
	v12 =	vmul.f32 v51, v50  }
0x1ac: {  	v18 =	vmul.f32 v7, v23;
	v46 =	vmul.f32 v9, v50;
	v35 =	vadd.f32 v59, v49  }
0x1ad: {  	v28 =	vadd.f32 v16, v28;
	v38 =	vadd.f32 v12, v10  }
0x1ae: {  	v34 =	vadd.f32 v46, v18;
	v35 =	vadd.f32 v35, v41;
	v1 =	vld [tilespmem:$0x1FF10]  }
0x1af: {  	v38 =	vadd.f32 v38, v39;
	v18 =	vadd.f32 v30, v0;
	v0 =	vld [tilespmem:$0x1FEF0]  }
0x1b0: {  	v33 =	vadd.f32 v14, v33;
	v28 =	vadd.f32 v34, v28  }
0x1b1: {  	v53 =	vadd.f32 v38, v35  }
0x1b2: {  	v40, _, _ =	vpop (xrf2);
	(xrf2) =	vadd.scan.msk.f32 $0xffff, v33;
	v27 =	vadd.f32 v28, v27  }
0x1b3: {  	v57, _, _ =	vpop (xrf2);
	(xrf2) =	vadd.scan.msk.f32 $0xffff, v53  }
0x1b4: {  	v62, _, _ =	vpop (xrf2);
	(xrf2) =	vadd.scan.msk.f32 $0xffff, v27;
	v27 =	vadd.f32 v1, v0;
	v0 =	vld [tilespmem:$0x1FE50]  }
0x1b5: {  	v13 =	vld [tilespmem:s0+$0xFFFFFFE0]  }
0x1b6: {  	v17 =	vld [tilespmem:s0+$0xFFFFFFF0]  }
0x1b7: {  	v52 =	vld [tilespmem:s0+$0x2D0]  }
0x1b8: {  	v22 =	vld [tilespmem:s0+$0x2E0]  }
0x1b9: {  	v16 =	vadd.f32 v19, v0;
	v0 =	vld [tilespmem:$0x1FF20]  }
0x1ba: {  	v29 =	vld [tilespmem:s0+$0x160]  }
0x1bb: {  	v49 =	vld [tilespmem:s0+$0x170]  }
0x1bc: {  	v58 =	vld [tilespmem:s0+$0x2F0];
	v24 =	vmul.f32 v52, v25  }
0x1bd: {  	v1 =	vld [tilespmem:$0x1FE90]  }
0x1be: {  	v24 =	vadd.f32 v24, v0;
	v0 =	vld [tilespmem:$0x1FE70]  }
0x1bf: {  	v60 =	vld [tilespmem:s0+$0x3D0]  }
0x1c0: {  	v59 =	vld [tilespmem:s0+$0x3C0];
	v29 =	vmul.f32 v29, v23;
	v28 =	vmul.f32 v49, v50  }
0x1c1: {  	v51 =	vmul.f32 v13, v23;
	v56 =	vmul.f32 v17, v50;
	v11 =	vld [tilespmem:s0+$0x3E0]  }
0x1c2: {  	v28 =	vadd.f32 v28, v29;
	v29 =	vld [tilespmem:s0+$0x3F0]  }
0x1c3: {  	v35 =	vadd.f32 v56, v51;
	s0 =	sadd.s32 $0x800, s0;
	v8 =	vadd.f32 v1, v0;
	v0 =	vld [tilespmem:$0x1FE40]  }
0x1c4: {  	v22 =	vmul.f32 v22, v23;
	v17 =	vld [tilespmem:s0+$0x380]  }
0x1c5: {  	v39 =	vmul.f32 v58, v50;
	v21 =	vadd.f32 v21, v61;
	v14 =	vld [tilespmem:s0+$0x390];
	v20 =	vadd.f32 v35, v20  }
0x1c6: {  	v4 =	vld [tilespmem:s0+$0x3A0]  }
0x1c7: {  	v20 =	vadd.f32 v20, v21;
	v21 =	vadd.f32 v39, v22;
	v1 =	vld [tilespmem:$0x1FED0]  }
0x1c8: {  	v42 =	vmul.f32 v60, v25;
	v18 =	vadd.f32 v28, v18;
	v12 =	vadd.f32 v27, v0;
	v0 =	vld [tilespmem:$0x1FEB0]  }
0x1c9: {  	v41 =	vmul.f32 v59, v54;
	v13 =	vld [tilespmem:s0+$0x3B0];
	v30, _, _ =	vpop (xrf2);
	(xrf2) =	vadd.scan.msk.f32 $0xffff, v20;
	v28 =	vmul.f32 v11, v23  }
0x1ca: {  	v33 =	vld [tilespmem:s0+$0x290];
	v43 =	vadd.f32 v18, v16;
	v2 =	vadd.f32 v21, v24;
	v24 =	vmul.f32 v29, v50  }
0x1cb: {  	v49 =	vbroadcast v57, $0xF;
	v34 =	vld [tilespmem:s0+$0x2A0]  }
0x1cc: {  	v56 =	vbroadcast v32, $0xF;
	v32 =	vld [tilespmem:s0+$0x2B0];
	v9, _, _ =	vpop (xrf2);
	v11 =	vadd.f32 v42, v41;
	(xrf2) =	vadd.scan.msk.f32 $0xffff, v43;
	v44 =	vadd.f32 v24, v28  }
0x1cd: {  	v57 =	vbroadcast v31, $0xF;
	v31 =	vld [tilespmem:s0+$0x200];
	v45, _, _ =	vpop (xrf2);
	v10 =	vadd.f32 v1, v0;
	v0 =	vadd.f32 v2, v12  }
0x1ce: {  	v36 =	vld [tilespmem:s0+$0x210];
	v9 =	vbroadcast v9, $0xF;
	v24 =	vbroadcast v45, $0xF  }
0x1cf: {  	v37 =	vld [tilespmem:s0+$0x220];
	v46 =	vadd.f32 v44, v11;
	v27 =	vbroadcast v30, $0xF;
	v8 =	vadd.f32 v10, v8;
	(xrf2) =	vadd.scan.msk.f32 $0xffff, v0  }
0x1d0: {  	v38 =	vld [tilespmem:s0+$0x230];
	v47 =	vbroadcast v62, $0xF;
	v48, _, _ =	vpop (xrf2);
	v9 =	vsel vm0, v9, v24  }
0x1d1: {  	v35 =	vld [tilespmem:s0+$0x2C0];
	v9 =	vsel vm1, v9, v27;
	v0 =	vbroadcast v48, $0xF;
	v8 =	vadd.f32 v46, v8  }
0x1d2: {  	v22 =	vld [tilespmem:s0+$0x350];
	v9 =	vsel vm2, v9, v47  }
0x1d3: {  	v39 =	vld [tilespmem:s0+$0x240];
	v51, _, _ =	vpop (xrf2);
	v9 =	vsel vm3, v9, v0;
	v0 =	vbroadcast v40, $0xF;
	(xrf2) =	vadd.scan.msk.f32 $0xffff, v8  }
0x1d4: {  	v20 =	vld [tilespmem:s0+$0x330];
	v53 =	vbroadcast v51, $0xF;
	v52 =	vsel vm4, v9, v49  }
0x1d5: {  	v41 =	vld [tilespmem:s0+$0x260];
	v8 =	vsel vm5, v52, v0  }
0x1d6: {  	v42 =	vld [tilespmem:s0+$0x270];
	v58, _, _ =	vpop (xrf2);
	v8 =	vsel vm6, v8, v53  }
0x1d7: {  	v19 =	vld [tilespmem:s0+$0x320];
	v59 =	vbroadcast v58, $0xF;
	v8 =	vsel vm7, v8, v56  }
0x1d8: {  	v60 =	vbroadcast v26, $0xF;
	v16 =	vld [tilespmem:s0+$0x300];
	v8 =	vsel vm8, v8, v57  }
0x1d9: {  	v61 =	vbroadcast v63, $0xF;
	v18 =	vld [tilespmem:s0+$0x310];
	v8 =	vsel vm9, v8, v59;
	v62, _, _ =	vpop (xrf2)  }
0x1da: {  	v21 =	vld [tilespmem:s0+$0x340];
	v8 =	vsel vm10, v8, v60;
	v0 =	vbroadcast v62, $0xF  }
0x1db: {  	s24 =	sadd.s32 $0x80, s24;
	v63 =	vbroadcast v55, $0xF;
	v29 =	vld [tilespmem:s0+$0x370];
	v8 =	vsel vm11, v8, v61  }
0x1dc: {  	s2 =	sand.u32 $0x400, s24;
	v28 =	vld [tilespmem:s0+$0x360];
	v8 =	vsel vm12, v8, v0  }
0x1dd: {  	s4 =	sand.u32 $0x70, s9;
	s2 =	sadd.s32 s2, s5;
	v30 =	vld [tilespmem:s0+$0x280];
	v8 =	vsel vm13, v8, v63;
	v7, _, _ =	vpop (xrf2)  }
0x1de: {  	s2 =	sadd.s32 s4, s2;
	v40 =	vld [tilespmem:s0+$0x250];
	v8 =	vsel vm14, v8, v7  }
0x1df: {  	v0 =	vld [tilespmem:$0x1FFD0];
	[tilespmem:s2+$0x0] =	vst v8  }
0x1e0: {  	v43 =	vld [tilespmem:s0+$0x180]  }
0x1e1: {  	v44 =	vld [tilespmem:s0+$0x190]  }
0x1e2: {  	v12 =	vld [tilespmem:s0+$0x1A0]  }
0x1e3: {  	v46 =	vld [tilespmem:s0+$0x1B0]  }
0x1e4: {  	v47 =	vld [tilespmem:s0+$0x1C0]  }
0x1e5: {  	v48 =	vld [tilespmem:s0+$0x1D0]  }
0x1e6: {  	v49 =	vld [tilespmem:s0+$0x1E0]  }
0x1e7: {  	v3 =	vld [tilespmem:s0+$0x1F0]  }
0x1e8: {  	v51 =	vld [tilespmem:s0+$0x100]  }
0x1e9: {  	v52 =	vld [tilespmem:s0+$0x110]  }
0x1ea: {  	v53 =	vld [tilespmem:s0+$0x120]  }
0x1eb: {  	v5 =	vld [tilespmem:s0+$0x130]  }
0x1ec: {  	v55 =	vld [tilespmem:s0+$0x140]  }
0x1ed: {  	v56 =	vld [tilespmem:s0+$0x80]  }
0x1ee: {  	v57 =	vld [tilespmem:s0+$0x90]  }
0x1ef: {  	v58 =	vld [tilespmem:s0+$0xA0]  }
0x1f0: {  	v59 =	vld [tilespmem:s0+$0xB0]  }
0x1f1: {  	v60 =	vld [tilespmem:s0+$0xC0]  }
0x1f2: {  	v61 =	vld [tilespmem:s0+$0xD0]  }
0x1f3: {  	v62 =	vld [tilespmem:s0+$0xE0]  }
0x1f4: {  	v63 =	vld [tilespmem:s0+$0xF0];
	v1 =	vmul.f32 v17, v0  }
0x1f5: {  	v8 =	vld [tilespmem:s0+$0x0]  }
0x1f6: {  	[tilespmem:$0x1FE70] =	vst v1;
	v1 =	vld [tilespmem:$0x1FFE0]  }
0x1f7: {  	v24 =	vld [tilespmem:s0+$0xFFFFFF80]  }
0x1f8: {  	v11 =	vld [tilespmem:s0+$0xFFFFFFA0]  }
0x1f9: {  	v7 =	vld [tilespmem:s0+$0xFFFFFF30]  }
0x1fa: {  	v27 =	vld [tilespmem:s0+$0xFFFFFE90];
	v6 =	vmul.f32 v43, v0  }
0x1fb: {  	v9 =	vld [tilespmem:s0+$0xFFFFFEA0];
	v2 =	vmul.f32 v14, v1  }
0x1fc: {  	[tilespmem:$0x1FAC0] =	vst v6;
	v6 =	vld [tilespmem:s0+$0xFFFFFF00]  }
0x1fd: {  	v43 =	vmul.f32 v46, v15;
	[tilespmem:$0x1FE90] =	vst v2;
	v2 =	vld [tilespmem:$0x1FFF0]  }
0x1fe: {  	v10 =	vld [tilespmem:s0+$0xFFFFFEB0];
	v49 =	vmul.f32 v49, v23;
	v46 =	vmul.f32 v3, v50  }
0x1ff: {  	v17 =	vld [tilespmem:s0+$0xFFFFFF10]  }
0x200: {  	v46 =	vadd.f32 v46, v49;
	v49 =	vld [tilespmem:s0+$0xFFFFFD00]  }
0x201: {  	v47 =	vmul.f32 v47, v54;
	v14 =	vld [tilespmem:s0+$0xFFFFFFC0]  }
0x202: {  	v26 =	vmul.f32 v6, v0;
	v6 =	vld [tilespmem:s0+$0xFFFFFE00];
	v4 =	vmul.f32 v4, v2  }
0x203: {  	v45 =	vmul.f32 v12, v2;
	v3 =	vmul.f32 v53, v2;
	v53 =	vld [tilespmem:s0+$0xFFFFFF20]  }
0x204: {  	v12 =	vmul.f32 v8, v0;
	v8 =	vld [tilespmem:s0+$0xFFFFFE80];
	[tilespmem:$0x1FEB0] =	vst v4;
	v4 =	vmul.f32 v13, v15  }
0x205: {  	v48 =	vmul.f32 v48, v25;
	v13 =	vld [tilespmem:s0+$0xFFFFFFB0];
	[tilespmem:$0x1FAD0] =	vst v3;
	v3 =	vmul.f32 v5, v15  }
0x206: {  	v51 =	vmul.f32 v51, v0;
	v5 =	vld [tilespmem:s0+$0xFFFFFEC0];
	v43 =	vadd.f32 v43, v45;
	[tilespmem:$0x1FED0] =	vst v4  }
0x207: {  	v45 =	vadd.f32 v48, v47;
	v47 =	vld [tilespmem:s0+$0xFFFFFDF0];
	v4 =	vmul.f32 v16, v0;
	[tilespmem:$0x1FF30] =	vst v3;
	v3 =	vmul.f32 v55, v54  }
0x208: {  	v55 =	vmul.f32 v56, v0;
	v56 =	vmul.f32 v57, v1;
	v57 =	vld [tilespmem:s0+$0xFFFFFF40]  }
0x209: {  	v59 =	vmul.f32 v59, v15;
	v52 =	vmul.f32 v52, v1;
	v16 =	vld [tilespmem:s0+$0xFFFFFF70]  }
0x20a: {  	v58 =	vmul.f32 v58, v2;
	[tilespmem:$0x1FA40] =	vst v4;
	v4 =	vmul.f32 v18, v1;
	v18 =	vld [tilespmem:s0+$0xFFFFFF50]  }
0x20b: {  	[tilespmem:$0x1FF40] =	vst v3;
	v3 =	vmul.f32 v24, v0;
	v24 =	vmul.f32 v7, v15;
	v7 =	vld [tilespmem:s0+$0xFFFFFE10]  }
0x20c: {  	v60 =	vmul.f32 v60, v54;
	v48 =	vadd.f32 v56, v55;
	v55 =	vld [tilespmem:s0+$0xFFFFFD20]  }
0x20d: {  	v56 =	vadd.f32 v52, v51;
	v51 =	vadd.f32 v59, v58;
	v59 =	vld [tilespmem:s0+$0xFFFFFD60];
	v5 =	vmul.f32 v5, v54;
	[tilespmem:$0x1FA50] =	vst v4  }
0x20e: {  	v61 =	vmul.f32 v61, v25;
	v4 =	vmul.f32 v19, v2;
	v19 =	vld [tilespmem:s0+$0xFFFFFF60];
	[tilespmem:$0x1FAE0] =	vst v3  }
0x20f: {  	v3 =	vmul.f32 v11, v2;
	v11 =	vld [tilespmem:s0+$0xFFFFFEF0];
	[tilespmem:$0x1FB20] =	vst v5  }
0x210: {  	v52 =	vadd.f32 v61, v60;
	v61 =	vld [tilespmem:$0x1FAE0];
	[tilespmem:$0x1FA60] =	vst v4;
	v4 =	vmul.f32 v20, v15  }
0x211: {  	v20 =	vld [tilespmem:s0+$0x10];
	[tilespmem:$0x1FF50] =	vst v3;
	v3 =	vmul.f32 v13, v15  }
0x212: {  	v38 =	vmul.f32 v38, v15;
	v13 =	vld [tilespmem:s0+$0xFFFFFED0];
	[tilespmem:$0x1FA70] =	vst v4;
	v4 =	vmul.f32 v21, v54  }
0x213: {  	v39 =	vmul.f32 v39, v54;
	[tilespmem:$0x1FF60] =	vst v3;
	v3 =	vmul.f32 v14, v54;
	v14 =	vld [tilespmem:s0+$0xFFFFFEE0]  }
0x214: {  	v41 =	vmul.f32 v41, v23;
	v21 =	vld [tilespmem:s0+$0x20];
	[tilespmem:$0x1FA80] =	vst v4;
	v4 =	vmul.f32 v22, v25  }
0x215: {  	v62 =	vmul.f32 v62, v23;
	v22 =	vld [tilespmem:s0+$0x30];
	[tilespmem:$0x1FF70] =	vst v3;
	v3 =	vmul.f32 v57, v54  }
0x216: {  	v57 =	vmul.f32 v8, v0;
	v8 =	vmul.f32 v10, v15;
	v10 =	vld [tilespmem:$0x1FA70];
	[tilespmem:$0x1FA90] =	vst v4  }
0x217: {  	v63 =	vmul.f32 v63, v50;
	v4 =	vmul.f32 v28, v23;
	[tilespmem:$0x1FAF0] =	vst v3;
	v3 =	vld [tilespmem:s0+$0xFFFFFE20]  }
0x218: {  	v20 =	vmul.f32 v20, v1;
	[tilespmem:$0x1FB10] =	vst v8;
	v8 =	vld [tilespmem:s0+$0xFFFFFE40];
	v5 =	vmul.f32 v14, v23  }
0x219: {  	v14 =	vmul.f32 v11, v50;
	v11 =	vld [tilespmem:$0x1FA50];
	[tilespmem:$0x1FAB0] =	vst v4;
	v4 =	vmul.f32 v30, v0  }
0x21a: {  	v12 =	vadd.f32 v20, v12;
	v20 =	vadd.f32 v63, v62;
	v62 =	vld [tilespmem:s0+$0xFFFFFD70];
	[tilespmem:$0x1FB30] =	vst v5;
	v5 =	vmul.f32 v6, v0  }
0x21b: {  	v30 =	vmul.f32 v33, v1;
	v33 =	vld [tilespmem:s0+$0x40];
	[tilespmem:$0x1FAA0] =	vst v4;
	v4 =	vmul.f32 v34, v2  }
0x21c: {  	v42 =	vmul.f32 v42, v50;
	[tilespmem:$0x1FB40] =	vst v5;
	v5 =	vld [tilespmem:$0x1FA40];
	v3 =	vmul.f32 v3, v2  }
0x21d: {  	v40 =	vmul.f32 v40, v25;
	v6 =	vld [tilespmem:s0+$0xFFFFFD90];
	[tilespmem:$0x1FEF0] =	vst v4;
	v4 =	vmul.f32 v32, v15  }
0x21e: {  	v31 =	vmul.f32 v31, v0;
	v21 =	vmul.f32 v21, v2;
	v32 =	vld [tilespmem:s0+$0x50];
	[tilespmem:$0x1FB70] =	vst v3  }
0x21f: {  	v22 =	vmul.f32 v22, v15;
	v3 =	vld [tilespmem:$0x1FAA0];
	[tilespmem:$0x1FF10] =	vst v4;
	v4 =	vmul.f32 v35, v54  }
0x220: {  	v34 =	vld [tilespmem:s0+$0x60];
	v35 =	vmul.f32 v36, v1;
	v36 =	vmul.f32 v37, v2  }
0x221: {  	v21 =	vadd.f32 v22, v21;
	v33 =	vmul.f32 v33, v54;
	v37 =	vld [tilespmem:s0+$0x70];
	v11 =	vadd.f32 v11, v5  }
0x222: {  	[tilespmem:$0x1FF20] =	vst v4;
	v4 =	vld [tilespmem:s0+$0xFFFFFF90];
	v5 =	vmul.f32 v7, v1;
	v31 =	vadd.f32 v35, v31;
	v35 =	vadd.f32 v38, v36  }
0x223: {  	v36 =	vld [tilespmem:s0+$0xFFFFFDC0];
	v38 =	vadd.f32 v40, v39;
	v39 =	vadd.f32 v42, v41;
	v32 =	vmul.f32 v32, v25  }
0x224: {  	v17 =	vmul.f32 v17, v1;
	[tilespmem:$0x1FB50] =	vst v5;
	v5 =	vld [tilespmem:$0x1FA60];
	v3 =	vadd.f32 v30, v3;
	v31 =	vadd.f32 v35, v31  }
0x225: {  	v58 =	vadd.f32 v39, v38;
	v22 =	vadd.f32 v32, v33;
	v33 =	vld [tilespmem:s0+$0xFFFFFD50]  }
0x226: {  	v32 =	vmul.f32 v47, v50;
	v47 =	vadd.f32 v17, v26;
	v17 =	vmul.f32 v62, v50;
	v62 =	vld [tilespmem:$0x1FB20]  }
0x227: {  	[tilespmem:$0x1FE40] =	vst v3;
	v3 =	vld [tilespmem:$0x1FAB0]  }
0x228: {  	v26 =	vadd.f32 v58, v31;
	v31 =	vld [tilespmem:s0+$0xFFFFFC00]  }
0x229: {  	v58 =	vld [tilespmem:s0+$0xFFFFFC30];
	v28 =	vmul.f32 v4, v1;
	v4 =	vmul.f32 v9, v2  }
0x22a: {  	v9 =	vld [tilespmem:s0+$0xFFFFFD80]  }
0x22b: {  	[tilespmem:$0x1FB00] =	vst v4;
	v4 =	vld [tilespmem:s0+$0xFFFFFE30]  }
0x22c: {  	v53 =	vmul.f32 v53, v2;
	v7 =	vadd.f32 v10, v5;
	v5 =	vld [tilespmem:$0x1FA80]  }
0x22d: {  	v10 =	vld [tilespmem:$0x1FA90]  }
0x22e: {  	v61 =	vadd.f32 v28, v61;
	v28 =	vadd.f32 v24, v53;
	v53 =	vld [tilespmem:$0x1FAF0]  }
0x22f: {  	v29 =	vmul.f32 v29, v50;
	v24 =	vld [tilespmem:$0x1FB10]  }
0x230: {  	v60 =	vld [tilespmem:$0x1FB00]  }
0x231: {  	v30 =	vadd.f32 v29, v3;
	v3 =	vld [tilespmem:s0+$0xFFFFFDB0]  }
0x232: {  	v40 =	vmul.f32 v9, v0;
	v9 =	vld [tilespmem:s0+$0xFFFFFDD0]  }
0x233: {  	v18 =	vmul.f32 v18, v25;
	v10 =	vadd.f32 v10, v5;
	v5 =	vld [tilespmem:s0+$0xFFFFFDA0]  }
0x234: {  	v29 =	vmul.f32 v4, v15;
	v4 =	vmul.f32 v8, v54;
	v8 =	vld [tilespmem:s0+$0xFFFFFD30]  }
0x235: {  	v18 =	vadd.f32 v18, v53;
	v53 =	vld [tilespmem:s0+$0xFFFFFC90]  }
0x236: {  	v27 =	vmul.f32 v27, v1;
	[tilespmem:$0x1FB60] =	vst v4;
	v4 =	vld [tilespmem:$0x1FAC0]  }
0x237: {  	v44 =	vmul.f32 v44, v1;
	[tilespmem:$0x1FE50] =	vst v56;
	v56 =	vmul.f32 v3, v15;
	v3 =	vld [tilespmem:s0+$0xFFFFFD10];
	v63 =	vadd.f32 v30, v10  }
0x238: {  	v16 =	vmul.f32 v16, v50;
	v30 =	vld [tilespmem:s0+$0xFFFFFD40];
	v10 =	vadd.f32 v27, v57;
	v27 =	vadd.f32 v24, v60  }
0x239: {  	v19 =	vmul.f32 v19, v23;
	v13 =	vmul.f32 v13, v25;
	v20 =	vadd.f32 v20, v52;
	v24 =	vld [tilespmem:$0x1FB50]  }
0x23a: {  	v34 =	vmul.f32 v34, v23;
	v37 =	vmul.f32 v37, v50;
	v60 =	vadd.f32 v27, v10;
	v27 =	vld [tilespmem:$0x1FB70]  }
0x23b: {  	v36 =	vmul.f32 v36, v54;
	v7 =	vadd.f32 v7, v11;
	v42 =	vadd.f32 v44, v4;
	v44 =	vld [tilespmem:s0+$0xFFFFFDE0]  }
0x23c: {  	v12 =	vadd.f32 v21, v12;
	v4 =	vmul.f32 v6, v1;
	v38 =	vmul.f32 v3, v1;
	v3 =	vld [tilespmem:$0x1FAD0]  }
0x23d: {  	v6 =	vadd.f32 v63, v7;
	v7 =	vmul.f32 v49, v0;
	v49 =	vadd.f32 v46, v45;
	v46 =	vld [tilespmem:s0+$0xFFFFFC70]  }
0x23e: {  	v45 =	vmul.f32 v30, v54;
	v30 =	vadd.f32 v51, v48;
	v48 =	vld [tilespmem:$0x1FB40];
	v63 =	vadd.f32 v43, v42  }
0x23f: {  	v34 =	vadd.f32 v37, v34;
	v31 =	vmul.f32 v31, v0;
	v41 =	vmul.f32 v9, v25;
	v51 =	vld [tilespmem:s0+$0xFFFFFC80]  }
0x240: {  	v9 =	vadd.f32 v16, v19;
	v5 =	vmul.f32 v5, v2;
	(xrf2) =	vadd.scan.msk.f32 $0xffff, v6;
	v42 =	vld [tilespmem:s0+$0xFFFFFC10];
	v57 =	vadd.f32 v49, v63  }
0x241: {  	v13 =	vadd.f32 v13, v62;
	v8 =	vmul.f32 v8, v15;
	v6 =	vmul.f32 v55, v2;
	v55 =	vld [tilespmem:s0+$0xFFFFFC20];
	(xrf2) =	vadd.scan.msk.f32 $0xffff, v26  }
0x242: {  	v9 =	vadd.f32 v9, v18;
	v43 =	vadd.f32 v34, v22;
	v26 =	vmul.f32 v33, v25;
	v33 =	vld [tilespmem:$0x1FB30];
	(xrf2) =	vadd.scan.msk.f32 $0xffff, v57  }
0x243: {  	v5 =	vadd.f32 v56, v5;
	v4 =	vadd.f32 v4, v40;
	v49 =	vmul.f32 v59, v23;
	v59 =	vld [tilespmem:s0+$0xFFFFFC40]  }
0x244: {  	v35 =	vmul.f32 v58, v15;
	v56 =	vld [tilespmem:s0+$0xFFFFFCA0];
	v39 =	vadd.f32 v20, v30;
	v12 =	vadd.f32 v43, v12  }
0x245: {  	v63 =	vld [tilespmem:s0+$0xFFFFFC50];
	v40 =	vadd.f32 v8, v6;
	v52 =	vadd.f32 v5, v4;
	v44 =	vmul.f32 v44, v23  }
0x246: {  	v43 =	vld [tilespmem:s0+$0xFFFFFCB0];
	v30 =	vadd.f32 v24, v48;
	v57 =	vadd.f32 v41, v36;
	v41 =	vmul.f32 v51, v0  }
0x247: {  	p0 =	sne.s32 s1, $0xD0;
	v34 =	vmul.f32 v55, v2;
	v11 =	vadd.f32 v14, v33;
	v33 =	vmul.f32 v42, v1;
	v42 =	vld [tilespmem:s0+$0xFFFFFC60]  }
.Ltmp0:
0x248: {  	v48 =	vld [tilespmem:s0+$0xFFFFFCE0];
	v58 =	vadd.f32 v32, v44;
	v37 =	vmul.f32 v59, v54;
	v54 =	vadd.f32 v28, v47;
	(pc) =	sbr.rel @p0 .LBB2_5-.Ltmp0, $4  }
0x249: {  	v51 =	vld [tilespmem:s0+$0xFFFFFCF0];
	v32 =	vadd.f32 v38, v7;
	v38 =	vmul.f32 v46, v50;
	v50 =	vadd.f32 v17, v49  }
0x24a: {  	(xrf2) =	vadd.scan.msk.f32 $0xffff, v39;
	v46 =	vld [tilespmem:s0+$0xFFFFFCC0];
	v44 =	vmul.f32 v53, v1;
	v62 =	vadd.f32 v11, v13;
	v59 =	vadd.f32 v9, v54;
	v55, _, _ =	vpop (xrf2)  }
0x24b: {  	v49 =	vmul.f32 v56, v2;
	v28 =	vld [tilespmem:$0x1FB60];
	v39 =	vmul.f32 v63, v25;
	v53 =	vadd.f32 v58, v57;
	(xrf2) =	vadd.scan.msk.f32 $0xffff, v12;
	v63, _, _ =	vpop (xrf2)  }
0x24c: {  	s9 =	smov.u32 s1;
	s1 =	sadd.s32 $0x10, s1;
	v47 =	vld [tilespmem:s0+$0xFFFFFCD0];
	v36 =	vmul.f32 v42, v23;
	v42 =	vadd.f32 v26, v45;
	(xrf2) =	vadd.scan.msk.f32 $0xffff, v59;
	v45 =	vadd.f32 v62, v60;
	v26, _, _ =	vpop (xrf2)  }
0x24d: {  	v6 =	vld [tilespmem:$0x1FF80]  }
0x24e: {  	v24 =	vld [tilespmem:$0x1FF90]  }
0x24f: {  	v22 =	vld [tilespmem:$0x1FFB0]  }
0x250: {  	v21 =	vld [tilespmem:$0x1FFC0]  }
0x251: {  	v23 =	vld [tilespmem:$0x1FFA0];
	_ =	sdelay $0x2  }
0x252: {  	v6 =	vmul.f32 v43, v6  }
0x253: {  	v17 =	vmul.f32 v48, v22;
	v20 =	vmul.f32 v51, v21  }
0x254: {  	v0 =	vld [tilespmem:$0x1FF50];
	v9 =	vmul.f32 v46, v24;
	v12 =	vmul.f32 v47, v23  }
0x255: {  	v18 =	vadd.f32 v44, v41;
	v57 =	vadd.f32 v20, v17;
	v20 =	vld [tilespmem:$0x1FF60]  }
0x256: {  	v6 =	vadd.f32 v6, v49;
	v9 =	vadd.f32 v12, v9;
	_ =	sdelay $0x1  }
0x257: {  	v19 =	vld [tilespmem:s0+$0xFFFFFFD0];
	v6 =	vadd.f32 v6, v18;
	v9 =	vadd.f32 v57, v9  }
0x258: {  	v7 =	vld [tilespmem:s0+$0xFFFFFE50]  }
0x259: {  	v6 =	vadd.f32 v9, v6;
	v9 =	vadd.f32 v20, v0;
	v0 =	vld [tilespmem:$0x1FF70]  }
0x25a: {  	v11 =	vld [tilespmem:s0+$0xFFFFFE60]  }
0x25b: {  	v15 =	vld [tilespmem:s0+$0xFFFFFE70]  }
0x25c: {  	v54 =	vld [tilespmem:s0+$0xFFFFFFE0];
	v60 =	vmul.f32 v19, v23  }
0x25d: {  	v56 =	vld [tilespmem:s0+$0xFFFFFFF0]  }
0x25e: {  	v4 =	vadd.f32 v33, v31;
	v12 =	vadd.f32 v60, v0;
	v0 =	vld [tilespmem:$0x1FF30]  }
0x25f: {  	v5 =	vadd.f32 v35, v34;
	v8 =	vadd.f32 v39, v37;
	v58 =	vld [tilespmem:s0+$0x150]  }
0x260: {  	v10 =	vadd.f32 v53, v52;
	v59 =	vld [tilespmem:s0+$0x160];
	v16 =	vadd.f32 v38, v36  }
0x261: {  	v13 =	vadd.f32 v40, v32;
	v62 =	vld [tilespmem:s0+$0x170];
	v14 =	vadd.f32 v50, v42  }
0x262: {  	v32 =	vld [tilespmem:s0+$0x2E0];
	v4 =	vadd.f32 v5, v4;
	v5 =	vadd.f32 v16, v8  }
0x263: {  	(xrf2) =	vadd.scan.msk.f32 $0xffff, v45;
	v13 =	vadd.f32 v14, v13;
	v35 =	vadd.f32 v0, v3;
	v3 =	vld [tilespmem:$0x1FF40]  }
0x264: {  	v34 =	vld [tilespmem:s0+$0x3C0];
	(xrf2) =	vadd.scan.msk.f32 $0xffff, v10;
	v4 =	vadd.f32 v5, v4  }
0x265: {  	v41 =	vld [tilespmem:s0+$0x3F0];
	v7 =	vmul.f32 v7, v23;
	v11 =	vmul.f32 v11, v22;
	(xrf2) =	vadd.scan.msk.f32 $0xffff, v13  }
0x266: {  	v1 =	vadd.f32 v29, v27;
	v53 =	vld [tilespmem:$0x1FEB0];
	v5 =	vmul.f32 v15, v21;
	(xrf2) =	vadd.scan.msk.f32 $0xffff, v4;
	v4 =	vmul.f32 v58, v23  }
0x267: {  	v42 =	vld [tilespmem:$0x1FF10];
	v8 =	vmul.f32 v56, v21;
	v2 =	vadd.f32 v7, v28;
	v18 =	vmul.f32 v54, v22  }
0x268: {  	v5 =	vadd.f32 v5, v11;
	v4 =	vadd.f32 v4, v3;
	v3 =	vld [tilespmem:$0x1FEF0]  }
0x269: {  	v19 =	vld [tilespmem:s0+$0x2D0];
	v7 =	vadd.f32 v8, v18  }
0x26a: {  	v1 =	vadd.f32 v1, v30;
	v2 =	vadd.f32 v5, v2;
	v5 =	vld [tilespmem:s0+$0x2F0]  }
0x26b: {  	v36 =	vld [tilespmem:s0+$0x3D0];
	v7 =	vadd.f32 v7, v12;
	v0 =	vadd.f32 v9, v61  }
0x26c: {  	v45 =	vld [tilespmem:$0x1FF20];
	v1 =	vadd.f32 v2, v1  }
0x26d: {  	v33 =	vmul.f32 v59, v22;
	(xrf2) =	vadd.scan.msk.f32 $0xffff, v6;
	v0 =	vadd.f32 v7, v0;
	v7 =	vadd.f32 v42, v3;
	v3 =	vld [tilespmem:$0x1FE50]  }
0x26e: {  	v38 =	vld [tilespmem:s0+$0x3E0];
	v40 =	vmul.f32 v32, v22;
	v2 =	vmul.f32 v62, v21  }
0x26f: {  	v50 =	vld [tilespmem:$0x1FE40];
	v37 =	vmul.f32 v19, v23;
	v5 =	vmul.f32 v5, v21  }
0x270: {  	v47 =	vld [tilespmem:$0x1FE70];
	v39, _, _ =	vpop (xrf2);
	v2 =	vadd.f32 v2, v33;
	(xrf2) =	vadd.scan.msk.f32 $0xffff, v1  }
0x271: {  	v48 =	vld [tilespmem:$0x1FE90];
	v1, _, _ =	vpop (xrf2);
	v5 =	vadd.f32 v5, v40;
	v9 =	vadd.f32 v37, v45  }
0x272: {  	v54 =	vld [tilespmem:$0x1FED0];
	v43, _, _ =	vpop (xrf2);
	v2 =	vadd.f32 v2, v4;
	v3 =	vadd.f32 v35, v3  }
0x273: {  	v44, _, _ =	vpop (xrf2);
	v5 =	vadd.f32 v5, v9;
	(xrf2) =	vadd.scan.msk.f32 $0xffff, v0  }
0x274: {  	v46 =	vmul.f32 v36, v23;
	v0, _, _ =	vpop (xrf2);
	v4 =	vmul.f32 v34, v24;
	v2 =	vadd.f32 v2, v3  }
0x275: {  	v51 =	vmul.f32 v41, v21;
	v49, _, _ =	vpop (xrf2);
	v7 =	vadd.f32 v7, v50  }
0x276: {  	v10 =	vadd.f32 v48, v47;
	v52, _, _ =	vpop (xrf2);
	v4 =	vadd.f32 v46, v4;
	v3 =	vmul.f32 v38, v22;
	(xrf2) =	vadd.scan.msk.f32 $0xffff, v2  }
0x277: {  	v14 =	vadd.f32 v54, v53;
	v2 =	vadd.f32 v5, v7;
	v5, _, _ =	vpop (xrf2)  }
0x278: {  	v56 =	vbroadcast v52, $0xF;
	v3 =	vadd.f32 v51, v3;
	v5 =	vbroadcast v5, $0xF  }
0x279: {  	v58 =	vadd.f32 v14, v10;
	v57 =	vbroadcast v49, $0xF  }
0x27a: {  	v0 =	vbroadcast v0, $0xF;
	v3 =	vadd.f32 v3, v4;
	(xrf2) =	vadd.scan.msk.f32 $0xffff, v2;
	v4, _, _ =	vpop (xrf2);
	v2 =	vsel vm0, v56, v5  }
0x27b: {  	v4 =	vbroadcast v4, $0xF;
	v2 =	vsel vm1, v2, v57  }
0x27c: {  	v3 =	vadd.f32 v3, v58;
	v0 =	vsel vm2, v2, v0;
	v2 =	vbroadcast v44, $0xF  }
0x27d: {  	v5, _, _ =	vpop (xrf2);
	v0 =	vsel vm3, v0, v4;
	v4 =	vbroadcast v43, $0xF  }
0x27e: {  	v0 =	vsel vm4, v0, v2;
	v2 =	vbroadcast v5, $0xF  }
0x27f: {  	v1 =	vbroadcast v1, $0xF;
	(xrf2) =	vadd.scan.msk.f32 $0xffff, v3;
	v0 =	vsel vm5, v0, v4  }
0x280: {  	v0 =	vsel vm6, v0, v2;
	v2 =	vbroadcast v39, $0xF;
	v3, _, _ =	vpop (xrf2)  }
0x281: {  	v0 =	vsel vm7, v0, v1;
	v1 =	vbroadcast v3, $0xF  }
0x282: {  	v0 =	vsel vm8, v0, v2;
	v2 =	vbroadcast v26, $0xF  }
0x283: {  	v0 =	vsel vm9, v0, v1;
	v1 =	vbroadcast v63, $0xF  }
0x284: {  	v0 =	vsel vm10, v0, v2  }
0x285: {  	v3, _, _ =	vpop (xrf2);
	v0 =	vsel vm11, v0, v1;
	v1 =	vbroadcast v55, $0xF  }
0x286: {  	v2 =	vbroadcast v3, $0xF  }
0x287: {  	s1 =	sadd.s32 $0x80, s24  }
0x288: {  	p0 =	seq.s32 s29, $0x1F;
	s0 =	sand.u32 $0x400, s1;
	v0 =	vsel vm12, v0, v2  }
0x289: {  	s2 =	sshll.u32 @!p0 s29, $0x9;
	s1 =	sand.u32 $0x70, s9;
	s0 =	sadd.s32 s0, s5;
	v0 =	vsel vm13, v0, v1;
	v1, _, _ =	vpop (xrf2)  }
0x28a: {  	s0 =	sadd.s32 s1, s0;
	s1 =	sand.u32 @!p0 $0x3FFFFE00, s2;
	v0 =	vsel vm14, v0, v1  }
0x28b: {  	s4 =	simm.s32 @!p0 $0x6080;
	s2 =	simm.s32 @!p0 $0x70;
	[tilespmem:s0+$0x0] =	vst v0;
	s0 =	sadd.s32 @!p0 $0x200, s1  }
0x28c: {  	[tilespmem:s4], [sflag:$0x2] =	stream.indirect.gather @!p0 [hbm4b:s3+s2], $0x80, s0, s2, $0xb8;
	[tilespmem:$0x18080] =	vst v63  }
0x28d: {  	s0 =	sadd.s32 @!p0 $0x280, s1;
	s1 =	simm.s32 @!p0 $0x9880  }
0x28e: {  	[tilespmem:s1], [sflag:$0x2] =	stream.indirect.gather @!p0 [hbm4b:s3+s2], $0x80, s0, s2, $0xb8;
	[tilespmem:$0x18080] =	vst v63  }
0x28f: {  	_ =	swait.ge [sflag:s22], $0x3800  }
0x290: {  	[sflag:s22] =	ssyncset.done $0x0  }
0x291: {  	[sflag:s22] =	ssyncadd.s32 $0xFFFFC800  }
0x292: {  	_ =	swait.ge [sflag:s22], $0x3800  }
0x293: {  	[sflag:s22] =	ssyncset.done $0x0  }
0x294: {  	s4 =	simm.s32 $0xD480;
	[sflag:s22] =	ssyncadd.s32 $0xFFFFC800  }
0x295: {  	v0 =	vld [tilespmem:s4+$0x380];
	_ =	sdelay $0x4  }
0x296: {  	[tilespmem:$0x1F840] =	vst v0  }
0x297: {  	v0 =	vld [tilespmem:s4+$0x390];
	_ =	sdelay $0x4  }
0x298: {  	[tilespmem:$0x1F850] =	vst v0  }
0x299: {  	v0 =	vld [tilespmem:s4+$0x3A0];
	_ =	sdelay $0x4  }
0x29a: {  	[tilespmem:$0x1F860] =	vst v0  }
0x29b: {  	v0 =	vld [tilespmem:s4+$0x3B0];
	_ =	sdelay $0x4  }
0x29c: {  	[tilespmem:$0x1F870] =	vst v0  }
0x29d: {  	v8 =	vld [tilespmem:s4+$0x300]  }
0x29e: {  	v11 =	vld [tilespmem:s4+$0x310]  }
0x29f: {  	v12 =	vld [tilespmem:s4+$0x320]  }
0x2a0: {  	v13 =	vld [tilespmem:s4+$0x330]  }
0x2a1: {  	v14 =	vld [tilespmem:s4+$0x340]  }
0x2a2: {  	v0 =	vld [tilespmem:s4+$0x2A0]  }
0x2a3: {  	v22 =	vld [tilespmem:s4+$0x350]  }
0x2a4: {  	v23 =	vld [tilespmem:s4+$0x360]  }
0x2a5: {  	v24 =	vld [tilespmem:s4+$0x370]  }
0x2a6: {  	v25 =	vld [tilespmem:s4+$0x280]  }
0x2a7: {  	v29 =	vld [tilespmem:s4+$0x290];
	[tilespmem:$0x1F7C0] =	vst v0  }
0x2a8: {  	v0 =	vld [tilespmem:s4+$0x2B0];
	_ =	sdelay $0x4  }
0x2a9: {  	[tilespmem:$0x1F7D0] =	vst v0  }
0x2aa: {  	v0 =	vld [tilespmem:s4+$0x2C0];
	_ =	sdelay $0x4  }
0x2ab: {  	[tilespmem:$0x1F810] =	vst v0  }
0x2ac: {  	v35 =	vld [tilespmem:s4+$0x200]  }
0x2ad: {  	v37 =	vld [tilespmem:s4+$0x210]  }
0x2ae: {  	v38 =	vld [tilespmem:s4+$0x220]  }
0x2af: {  	v39 =	vld [tilespmem:s4+$0x230]  }
0x2b0: {  	v40 =	vld [tilespmem:s4+$0x240]  }
0x2b1: {  	v41 =	vld [tilespmem:s4+$0x250]  }
0x2b2: {  	v46 =	vld [tilespmem:s4+$0x260]  }
0x2b3: {  	v48 =	vld [tilespmem:s4+$0x270]  }
0x2b4: {  	v49 =	vld [tilespmem:s4+$0x180]  }
0x2b5: {  	v50 =	vld [tilespmem:s4+$0x190]  }
0x2b6: {  	v58 =	vld [tilespmem:s4+$0x1A0]  }
0x2b7: {  	v60 =	vld [tilespmem:s4+$0x1B0]  }
0x2b8: {  	v61 =	vld [tilespmem:s4+$0x1C0]  }
0x2b9: {  	v0 =	vld [tilespmem:s4+$0x120]  }
0x2ba: {  	v3 =	vld [tilespmem:s4+$0x1D0]  }
0x2bb: {  	v63 =	vld [tilespmem:s4+$0x1E0]  }
0x2bc: {  	v20 =	vld [tilespmem:s4+$0x1F0]  }
0x2bd: {  	v15 =	vld [tilespmem:s4+$0x100]  }
0x2be: {  	v18 =	vld [tilespmem:s4+$0x110];
	[tilespmem:$0x1F7A0] =	vst v0  }
0x2bf: {  	v0 =	vld [tilespmem:s4+$0x130];
	_ =	sdelay $0x4  }
0x2c0: {  	[tilespmem:$0x1F7B0] =	vst v0  }
0x2c1: {  	v0 =	vld [tilespmem:s4+$0x140];
	_ =	sdelay $0x4  }
0x2c2: {  	[tilespmem:$0x1F7F0] =	vst v0  }
0x2c3: {  	v16 =	vld [tilespmem:s4+$0x80]  }
0x2c4: {  	v17 =	vld [tilespmem:s4+$0x90]  }
0x2c5: {  	v21 =	vld [tilespmem:s4+$0xA0]  }
0x2c6: {  	v19 =	vld [tilespmem:s4+$0xB0]  }
0x2c7: {  	v28 =	vld [tilespmem:s4+$0xC0]  }
0x2c8: {  	v30 =	vld [tilespmem:s4+$0xD0]  }
0x2c9: {  	v31 =	vld [tilespmem:s4+$0xE0]  }
0x2ca: {  	v32 =	vld [tilespmem:s4+$0xF0]  }
0x2cb: {  	v26 =	vld [tilespmem:s4+$0x0]  }
0x2cc: {  	v27 =	vld [tilespmem:s4+$0x10]  }
0x2cd: {  	v33 =	vld [tilespmem:s4+$0x20]  }
0x2ce: {  	v34 =	vld [tilespmem:s4+$0x30]  }
0x2cf: {  	v0 =	vld [tilespmem:s4+$0x40]  }
0x2d0: {  	v59 =	vld [tilespmem:s4+$0xFFFFFFA0]  }
0x2d1: {  	v42 =	vld [tilespmem:s4+$0x50]  }
0x2d2: {  	v43 =	vld [tilespmem:s4+$0x60]  }
0x2d3: {  	v44 =	vld [tilespmem:s4+$0x70]  }
0x2d4: {  	v51 =	vld [tilespmem:s4+$0xFFFFFF80]  }
0x2d5: {  	v52 =	vld [tilespmem:s4+$0xFFFFFF90];
	[tilespmem:$0x1F770] =	vst v59  }
0x2d6: {  	v9 =	vld [tilespmem:s4+$0xFFFFFFB0];
	_ =	sdelay $0x4  }
0x2d7: {  	[tilespmem:$0x1F780] =	vst v9  }
0x2d8: {  	v9 =	vld [tilespmem:s4+$0xFFFFFFC0];
	_ =	sdelay $0x4  }
0x2d9: {  	[tilespmem:$0x1F790] =	vst v9  }
0x2da: {  	v45 =	vld [tilespmem:s4+$0xFFFFFF00]  }
0x2db: {  	v47 =	vld [tilespmem:s4+$0xFFFFFF10]  }
0x2dc: {  	v53 =	vld [tilespmem:s4+$0xFFFFFF20]  }
0x2dd: {  	v9 =	vld [tilespmem:s4+$0xFFFFFE80]  }
0x2de: {  	v54 =	vld [tilespmem:s4+$0xFFFFFF30]  }
0x2df: {  	v56 =	vld [tilespmem:s4+$0xFFFFFF40]  }
0x2e0: {  	v55 =	vld [tilespmem:s4+$0xFFFFFF50]  }
0x2e1: {  	v57 =	vld [tilespmem:s4+$0xFFFFFF60]  }
0x2e2: {  	v59 =	vld [tilespmem:s4+$0xFFFFFF70];
	[tilespmem:$0x1F5D0] =	vst v9  }
0x2e3: {  	v9 =	vld [tilespmem:s4+$0xFFFFFE90];
	_ =	sdelay $0x4  }
0x2e4: {  	[tilespmem:$0x1F5E0] =	vst v9  }
0x2e5: {  	v9 =	vld [tilespmem:s4+$0xFFFFFEA0];
	_ =	sdelay $0x4  }
0x2e6: {  	[tilespmem:$0x1F5F0] =	vst v9  }
0x2e7: {  	v9 =	vld [tilespmem:s4+$0xFFFFFEB0];
	_ =	sdelay $0x4  }
0x2e8: {  	[tilespmem:$0x1F600] =	vst v9  }
0x2e9: {  	v9 =	vld [tilespmem:s4+$0xFFFFFEC0];
	_ =	sdelay $0x4  }
0x2ea: {  	[tilespmem:$0x1F610] =	vst v9  }
0x2eb: {  	v9 =	vld [tilespmem:s4+$0xFFFFFED0];
	_ =	sdelay $0x4  }
0x2ec: {  	[tilespmem:$0x1F620] =	vst v9  }
0x2ed: {  	v9 =	vld [tilespmem:s4+$0xFFFFFEE0];
	_ =	sdelay $0x4  }
0x2ee: {  	[tilespmem:$0x1F630] =	vst v9  }
0x2ef: {  	v9 =	vld [tilespmem:s4+$0xFFFFFEF0];
	_ =	sdelay $0x4  }
0x2f0: {  	[tilespmem:$0x1F640] =	vst v9  }
0x2f1: {  	v9 =	vld [tilespmem:s4+$0xFFFFFE00];
	_ =	sdelay $0x4  }
0x2f2: {  	[tilespmem:$0x1F650] =	vst v9  }
0x2f3: {  	v9 =	vld [tilespmem:s4+$0xFFFFFE10];
	_ =	sdelay $0x4  }
0x2f4: {  	[tilespmem:$0x1F660] =	vst v9  }
0x2f5: {  	v9 =	vld [tilespmem:s4+$0xFFFFFE20];
	_ =	sdelay $0x4  }
0x2f6: {  	[tilespmem:$0x1F740] =	vst v9  }
0x2f7: {  	v9 =	vld [tilespmem:s4+$0xFFFFFE30];
	_ =	sdelay $0x4  }
0x2f8: {  	[tilespmem:$0x1F750] =	vst v9  }
0x2f9: {  	v9 =	vld [tilespmem:s4+$0xFFFFFE40];
	_ =	sdelay $0x4  }
0x2fa: {  	[tilespmem:$0x1F760] =	vst v9  }
0x2fb: {  	v9 =	vld [tilespmem:s4+$0xFFFFFD80];
	_ =	sdelay $0x4  }
0x2fc: {  	[tilespmem:$0x1F670] =	vst v9  }
0x2fd: {  	v9 =	vld [tilespmem:s4+$0xFFFFFD90];
	_ =	sdelay $0x4  }
0x2fe: {  	[tilespmem:$0x1F680] =	vst v9  }
0x2ff: {  	v9 =	vld [tilespmem:s4+$0xFFFFFDA0];
	_ =	sdelay $0x4  }
0x300: {  	[tilespmem:$0x1F690] =	vst v9  }
0x301: {  	v9 =	vld [tilespmem:s4+$0xFFFFFDB0];
	_ =	sdelay $0x4  }
0x302: {  	[tilespmem:$0x1F6A0] =	vst v9  }
0x303: {  	v9 =	vld [tilespmem:s4+$0xFFFFFDC0];
	_ =	sdelay $0x2  }
0x304: {  	s2 =	sshll.u32 s30, $0x7  }
0x305: {  	v62 =	vld [tilespmem:s2+$0x4080]  }
0x306: {  	v1 =	vld [tilespmem:s2+$0x4090];
	[tilespmem:$0x1F6B0] =	vst v9  }
0x307: {  	v9 =	vld [tilespmem:s4+$0xFFFFFDD0];
	_ =	sdelay $0x3  }
0x308: {  	v8 =	vmul.f32 v8, v62;
	v11 =	vmul.f32 v11, v1  }
0x309: {  	[tilespmem:$0x1F6C0] =	vst v9  }
0x30a: {  	v11 =	vadd.f32 v11, v8;
	v8 =	vld [tilespmem:s4+$0xFFFFFDE0];
	_ =	sdelay $0x2  }
0x30b: {  	v2 =	vld [tilespmem:s2+$0x40A0]  }
0x30c: {  	v36 =	vld [tilespmem:s2+$0x40B0]  }
0x30d: {  	[tilespmem:$0x1F6D0] =	vst v8  }
0x30e: {  	v8 =	vld [tilespmem:s4+$0xFFFFFDF0];
	_ =	sdelay $0x2  }
0x30f: {  	v12 =	vmul.f32 v12, v2;
	v13 =	vmul.f32 v13, v36  }
0x310: {  	v7 =	vld [tilespmem:s2+$0x40C0]  }
0x311: {  	v6 =	vld [tilespmem:s2+$0x40D0];
	v12 =	vadd.f32 v13, v12;
	v13 =	vmul.f32 v25, v62;
	[tilespmem:$0x1F6E0] =	vst v8  }
0x312: {  	v25 =	vmul.f32 v29, v1;
	v9 =	vmul.f32 v35, v62;
	v35 =	vld [tilespmem:s4+$0xFFFFFD00];
	_ =	sdelay $0x1  }
0x313: {  	v13 =	vadd.f32 v25, v13;
	_ =	sdelay $0x1  }
0x314: {  	v14 =	vmul.f32 v14, v7;
	v22 =	vmul.f32 v22, v6;
	[tilespmem:$0x1F830] =	vst v13  }
0x315: {  	[tilespmem:$0x1F6F0] =	vst v35  }
0x316: {  	v14 =	vadd.f32 v22, v14;
	v22 =	vld [tilespmem:s4+$0xFFFFFD10];
	_ =	sdelay $0x4  }
0x317: {  	[tilespmem:$0x1F700] =	vst v22  }
0x318: {  	v22 =	vld [tilespmem:s4+$0xFFFFFD20];
	_ =	sdelay $0x4  }
0x319: {  	v4 =	vld [tilespmem:s2+$0x40F0];
	[tilespmem:$0x1F710] =	vst v22  }
0x31a: {  	v22 =	vld [tilespmem:s4+$0xFFFFFD30]  }
0x31b: {  	v5 =	vld [tilespmem:s2+$0x40E0]  }
0x31c: {  	v25 =	vmul.f32 v39, v36  }
0x31d: {  	v8 =	vmul.f32 v37, v1;
	v13 =	vmul.f32 v38, v2  }
0x31e: {  	v37 =	vmul.f32 v40, v7;
	v38 =	vmul.f32 v41, v6  }
0x31f: {  	v41 =	vmul.f32 v49, v62;
	v13 =	vadd.f32 v25, v13;
	v25 =	vmul.f32 v48, v4;
	[tilespmem:$0x1F720] =	vst v22  }
0x320: {  	v11 =	vadd.f32 v12, v11;
	v35 =	vmul.f32 v46, v5;
	v46 =	vmul.f32 v50, v1;
	v22 =	vld [tilespmem:s4+$0xFFFFFD40]  }
0x321: {  	v50 =	vadd.f32 v38, v37;
	v37 =	vmul.f32 v58, v2;
	v38 =	vmul.f32 v60, v36  }
0x322: {  	v9 =	vadd.f32 v8, v9;
	v60 =	vadd.f32 v25, v35  }
0x323: {  	v12 =	vld [tilespmem:$0x1F620];
	v35 =	vmul.f32 v61, v7;
	v46 =	vadd.f32 v46, v41;
	v61 =	vadd.f32 v38, v37  }
0x324: {  	v9 =	vadd.f32 v13, v9;
	v13 =	vld [tilespmem:$0x1F5D0]  }
0x325: {  	v46 =	vadd.f32 v61, v46;
	v61 =	vld [tilespmem:$0x1F600];
	[tilespmem:$0x1F730] =	vst v22  }
0x326: {  	v10 =	vmul.f32 v23, v5;
	v48 =	vld [tilespmem:s4+$0xFFFFFD50]  }
0x327: {  	v23 =	vmul.f32 v24, v4;
	v18 =	vmul.f32 v18, v1;
	v58 =	vld [tilespmem:s4+$0xFFFFFD60]  }
0x328: {  	v49 =	vmul.f32 v15, v62;
	v25 =	vmul.f32 v3, v6;
	v3 =	vld [tilespmem:s4+$0xFFFFFD70]  }
0x329: {  	v10 =	vadd.f32 v23, v10;
	v23 =	vmul.f32 v20, v4;
	v39 =	vld [tilespmem:s4+$0xFFFFFC00]  }
0x32a: {  	v17 =	vmul.f32 v17, v1;
	v28 =	vmul.f32 v28, v7;
	v49 =	vadd.f32 v18, v49;
	v38 =	vld [tilespmem:s4+$0xFFFFFC10]  }
0x32b: {  	v30 =	vmul.f32 v30, v6;
	v8 =	vmul.f32 v16, v62;
	v37 =	vld [tilespmem:s4+$0xFFFFFC20]  }
0x32c: {  	v31 =	vmul.f32 v31, v5;
	v32 =	vmul.f32 v32, v4;
	v29 =	vld [tilespmem:s4+$0xFFFFFC30];
	[tilespmem:$0x1F820] =	vst v49  }
0x32d: {  	v17 =	vadd.f32 v17, v8;
	v8 =	vmul.f32 v26, v62;
	v26 =	vmul.f32 v27, v1;
	v40 =	vld [tilespmem:s4+$0xFFFFFC40]  }
0x32e: {  	v28 =	vadd.f32 v30, v28;
	v30 =	vmul.f32 v33, v2;
	v22 =	vmul.f32 v63, v5;
	v20 =	vld [tilespmem:s4+$0xFFFFFC50]  }
0x32f: {  	v16 =	vmul.f32 v0, v7;
	v18 =	vadd.f32 v26, v8;
	v26 =	vadd.f32 v32, v31;
	v41 =	vld [tilespmem:s4+$0xFFFFFC70]  }
0x330: {  	v31 =	vmul.f32 v34, v36;
	v15 =	vadd.f32 v23, v22;
	v22 =	vmul.f32 v43, v5;
	v43 =	vld [tilespmem:s4+$0xFFFFFC90]  }
0x331: {  	v63 =	vadd.f32 v25, v35;
	v35 =	vmul.f32 v19, v36;
	v19 =	vmul.f32 v42, v6;
	v32 =	vld [tilespmem:s4+$0xFFFFFCA0]  }
0x332: {  	v34 =	vmul.f32 v52, v1;
	v52 =	vmul.f32 v45, v62;
	v30 =	vadd.f32 v31, v30;
	v0 =	vld [tilespmem:s4+$0xFFFFFCB0]  }
0x333: {  	v23 =	vmul.f32 v21, v2;
	v31 =	vadd.f32 v19, v16;
	v16 =	vmul.f32 v47, v1;
	v45 =	vld [tilespmem:s4+$0xFFFFFCD0]  }
0x334: {  	v19 =	vmul.f32 v53, v2;
	v53 =	vmul.f32 v57, v5;
	v57 =	vld [tilespmem:$0x1F660]  }
0x335: {  	v10 =	vadd.f32 v10, v14;
	v27 =	vadd.f32 v35, v23;
	v35 =	vld [tilespmem:s4+$0xFFFFFC60]  }
0x336: {  	v14 =	vmul.f32 v51, v62;
	v49 =	vmul.f32 v44, v4;
	v42 =	vadd.f32 v16, v52;
	v16 =	vld [tilespmem:$0x1F5E0]  }
0x337: {  	v23 =	vld [tilespmem:s4+$0xFFFFFC80]  }
0x338: {  	v21 =	vmul.f32 v54, v36;
	v54 =	vadd.f32 v34, v14;
	v33 =	vadd.f32 v49, v22;
	v22 =	vld [tilespmem:s4+$0xFFFFFCC0]  }
0x339: {  	v52 =	vld [tilespmem:s4+$0xFFFFFCE0]  }
0x33a: {  	v14 =	vmul.f32 v13, v62;
	[tilespmem:$0x1F7E0] =	vst v54;
	v54 =	vmul.f32 v59, v4;
	v59 =	vld [tilespmem:$0x1F5F0]  }
0x33b: {  	v34 =	vadd.f32 v21, v19;
	v15 =	vadd.f32 v15, v63;
	v63 =	vld [tilespmem:$0x1F610];
	v19 =	vmul.f32 v16, v1  }
0x33c: {  	v44 =	vld [tilespmem:s4+$0xFFFFFCF0]  }
0x33d: {  	v16 =	vadd.f32 v19, v14;
	v14 =	vld [tilespmem:$0x1F630]  }
0x33e: {  	v19 =	vadd.f32 v15, v46;
	v15 =	vld [tilespmem:$0x1F640]  }
0x33f: {  	v47 =	vmul.f32 v56, v7;
	v24 =	vld [tilespmem:s4+$0xFFFFFE50]  }
0x340: {  	v13 =	vmul.f32 v12, v6;
	v25 =	vld [tilespmem:s4+$0xFFFFFE60];
	v56 =	vmul.f32 v63, v7  }
0x341: {  	v50 =	vadd.f32 v60, v50;
	v60 =	vmul.f32 v55, v6;
	v21 =	vld [tilespmem:s4+$0xFFFFFE70]  }
0x342: {  	v17 =	vadd.f32 v27, v17;
	v27 =	vmul.f32 v14, v5;
	v14 =	vadd.f32 v13, v56;
	v13 =	vld [tilespmem:$0x1F690]  }
0x343: {  	v60 =	vadd.f32 v60, v47;
	v47 =	vmul.f32 v59, v2;
	v59 =	vmul.f32 v15, v4;
	v15 =	vld [tilespmem:$0x1F6A0]  }
0x344: {  	v51 =	vld [tilespmem:s4+$0xFFFFFFD0]  }
0x345: {  	v55 =	vmul.f32 v61, v36;
	v61 =	vld [tilespmem:s4+$0x150]  }
0x346: {  	v26 =	vadd.f32 v26, v28;
	v63 =	vld [tilespmem:$0x1F680]  }
0x347: {  	v31 =	vadd.f32 v33, v31;
	v28 =	vadd.f32 v55, v47;
	v55 =	vld [tilespmem:s4+$0x160]  }
0x348: {  	v27 =	vadd.f32 v59, v27;
	v59 =	vld [tilespmem:$0x1F670];
	v33 =	vmul.f32 v13, v2;
	v8 =	vmul.f32 v15, v36  }
0x349: {  	v18 =	vadd.f32 v30, v18;
	v54 =	vadd.f32 v54, v53;
	v53 =	vld [tilespmem:s4+$0xFFFFFFE0]  }
0x34a: {  	v13 =	vadd.f32 v8, v33;
	v33 =	vld [tilespmem:$0x1F6B0]  }
0x34b: {  	v31 =	vadd.f32 v31, v18;
	v18 =	vld [tilespmem:$0x1F6D0]  }
0x34c: {  	v56 =	vld [tilespmem:$0x1F650]  }
0x34d: {  	v46 =	vld [tilespmem:s4+$0xFFFFFFF0];
	v12 =	vmul.f32 v63, v1;
	[tilespmem:$0x1F800] =	vst v55;
	v30 =	vmul.f32 v59, v62  }
0x34e: {  	v55 =	vld [tilespmem:s4+$0x170]  }
0x34f: {  	v30 =	vadd.f32 v12, v30;
	v12 =	vmul.f32 v33, v7;
	v33 =	vld [tilespmem:$0x1F6E0]  }
0x350: {  	v47 =	vmul.f32 v57, v1;
	v57 =	vld [tilespmem:s4+$0x2E0]  }
0x351: {  	s0 =	simm.s32 $0xDC80;
	v17 =	vadd.f32 v26, v17;
	v63 =	vld [tilespmem:s4+$0x3C0];
	v26 =	vmul.f32 v56, v62  }
0x352: {  	v54 =	vadd.f32 v54, v60;
	v60 =	vld [tilespmem:s0+$0x380]  }
0x353: {  	v15 =	vadd.f32 v47, v26;
	v47 =	vld [tilespmem:$0x1F6C0]  }
0x354: {  	v49 =	vadd.f32 v10, v11;
	v10 =	vmul.f32 v33, v4;
	v33 =	vld [tilespmem:$0x1F6F0]  }
0x355: {  	v56 =	vld [tilespmem:s4+$0x2D0]  }
0x356: {  	v59 =	vld [tilespmem:s4+$0x2F0]  }
0x357: {  	v26 =	vld [tilespmem:s4+$0x3E0]  }
0x358: {  	v18 =	vmul.f32 v18, v5;
	v11 =	vmul.f32 v47, v6;
	v47 =	vld [tilespmem:s4+$0x3D0]  }
0x359: {  	v50 =	vadd.f32 v50, v9;
	v9 =	vmul.f32 v33, v62;
	v33 =	vld [tilespmem:s4+$0x3F0];
	[tilespmem:$0x1F8A0] =	vst v60  }
0x35a: {  	v10 =	vadd.f32 v10, v18;
	v18 =	vld [tilespmem:s0+$0x390];
	_ =	sdelay $0x1  }
0x35b: {  	v34 =	vadd.f32 v34, v42;
	v42 =	vld [tilespmem:$0x1F700];
	_ =	sdelay $0x2  }
0x35c: {  	v54 =	vadd.f32 v54, v34;
	v34 =	vld [tilespmem:$0x1F710];
	[tilespmem:$0x1F8C0] =	vst v18  }
0x35d: {  	v18 =	vld [tilespmem:s0+$0x3A0]  }
0x35e: {  	v8 =	vmul.f32 v42, v1;
	v42 =	vld [tilespmem:$0x1F720]  }
0x35f: {  	(xrf2) =	vadd.scan.msk.f32 $0xffff, v49;
	v16 =	vadd.f32 v28, v16;
	v27 =	vadd.f32 v27, v14  }
0x360: {  	v29 =	vmul.f32 v29, v36;
	(xrf2) =	vadd.scan.msk.f32 $0xffff, v50  }
0x361: {  	(xrf2) =	vadd.scan.msk.f32 $0xffff, v19;
	v16 =	vadd.f32 v27, v16;
	v27 =	vmul.f32 v37, v2;
	v12 =	vadd.f32 v11, v12  }
0x362: {  	v13 =	vadd.f32 v13, v30;
	v60 =	vadd.f32 v8, v9;
	v8 =	vmul.f32 v34, v2;
	v34 =	vld [tilespmem:$0x1F730];
	[tilespmem:$0x1F8E0] =	vst v18  }
0x363: {  	(xrf2) =	vadd.scan.msk.f32 $0xffff, v17;
	v11 =	vmul.f32 v42, v36;
	v42 =	vmul.f32 v48, v6;
	v10 =	vadd.f32 v10, v12;
	v48 =	vld [tilespmem:s0+$0x3B0]  }
0x364: {  	(xrf2) =	vadd.scan.msk.f32 $0xffff, v31;
	v31 =	vmul.f32 v61, v6  }
0x365: {  	v27 =	vadd.f32 v29, v27;
	v29 =	vadd.f32 v10, v13;
	v10 =	vmul.f32 v35, v5  }
0x366: {  	v61 =	vld [tilespmem:$0x1F810];
	(xrf2) =	vadd.scan.msk.f32 $0xffff, v54;
	v18 =	vmul.f32 v58, v5;
	v58 =	vadd.f32 v11, v8;
	v11 =	vmul.f32 v41, v4  }
0x367: {  	(xrf2) =	vadd.scan.msk.f32 $0xffff, v16;
	v16 =	vld [tilespmem:$0x1F7D0]  }
0x368: {  	v28 =	vmul.f32 v34, v7;
	v10 =	vadd.f32 v11, v10;
	v11 =	vmul.f32 v59, v4;
	v59 =	vld [tilespmem:$0x1F840];
	[tilespmem:$0x1F900] =	vst v48  }
0x369: {  	v9 =	vmul.f32 v3, v4;
	v3 =	vld [tilespmem:s0+$0x300]  }
0x36a: {  	v28 =	vadd.f32 v42, v28;
	v42 =	vld [tilespmem:s0+$0x310]  }
0x36b: {  	v34 =	vld [tilespmem:s0+$0x320]  }
0x36c: {  	v37 =	vld [tilespmem:s0+$0x330]  }
0x36d: {  	v14 =	vld [tilespmem:s0+$0x340]  }
0x36e: {  	v20 =	vmul.f32 v20, v6;
	v30 =	vmul.f32 v40, v7;
	v40 =	vld [tilespmem:s0+$0x350]  }
0x36f: {  	v48 =	vadd.f32 v9, v18;
	v18 =	vld [tilespmem:s0+$0x360]  }
0x370: {  	v20 =	vadd.f32 v20, v30;
	v30 =	vadd.f32 v58, v60;
	v60 =	vmul.f32 v0, v36;
	v0 =	vld [tilespmem:s0+$0x2A0]  }
0x371: {  	v38 =	vmul.f32 v38, v1;
	v8 =	vmul.f32 v39, v62;
	v12 =	vld [tilespmem:s0+$0x370]  }
0x372: {  	v41 =	vld [tilespmem:s0+$0x280];
	v28 =	vadd.f32 v48, v28  }
0x373: {  	v38 =	vadd.f32 v38, v8;
	v58 =	vmul.f32 v43, v1;
	v43 =	vld [tilespmem:s0+$0x290]  }
0x374: {  	v32 =	vmul.f32 v32, v2;
	v39 =	vadd.f32 v28, v30;
	v28 =	vmul.f32 v45, v6;
	v45 =	vld [tilespmem:$0x1F740]  }
0x375: {  	v27 =	vadd.f32 v27, v38;
	v20 =	vadd.f32 v10, v20;
	v30 =	vmul.f32 v52, v5;
	v52 =	vld [tilespmem:$0x1F750];
	[tilespmem:$0x1F920] =	vst v0  }
0x376: {  	v0 =	vld [tilespmem:s0+$0x2B0]  }
0x377: {  	(xrf2) =	vadd.scan.msk.f32 $0xffff, v29;
	v35 =	vadd.f32 v60, v32;
	v60 =	vld [tilespmem:$0x1F760];
	v20 =	vadd.f32 v20, v27  }
0x378: {  	v22 =	vmul.f32 v22, v7;
	(xrf2) =	vadd.scan.msk.f32 $0xffff, v39;
	v39 =	vld [tilespmem:$0x1F800]  }
0x379: {  	v23 =	vmul.f32 v23, v62;
	(xrf2) =	vadd.scan.msk.f32 $0xffff, v20;
	v20 =	vld [tilespmem:$0x1F7E0]  }
0x37a: {  	v22 =	vadd.f32 v28, v22;
	v28 =	vmul.f32 v45, v2;
	v45 =	vld [tilespmem:$0x1F770]  }
0x37b: {  	v23 =	vadd.f32 v58, v23;
	v58 =	vmul.f32 v52, v36;
	v52 =	vld [tilespmem:$0x1F780];
	[tilespmem:$0x1F930] =	vst v0  }
0x37c: {  	v0 =	vld [tilespmem:s0+$0x2C0]  }
0x37d: {  	v48 =	vld [tilespmem:s0+$0x200]  }
0x37e: {  	v44 =	vmul.f32 v44, v4;
	v13 =	vld [tilespmem:s0+$0x210]  }
0x37f: {  	v32 =	vld [tilespmem:s0+$0x220]  }
0x380: {  	v44 =	vadd.f32 v44, v30;
	v30 =	vld [tilespmem:s0+$0x230]  }
0x381: {  	v24 =	vmul.f32 v24, v6;
	v38 =	vadd.f32 v58, v28;
	v28 =	vmul.f32 v60, v7;
	v49 =	vld [tilespmem:s0+$0x240]  }
0x382: {  	v27 =	vld [tilespmem:s0+$0x250]  }
0x383: {  	v25 =	vmul.f32 v25, v5;
	v21 =	vmul.f32 v21, v4;
	v60 =	vadd.f32 v24, v28;
	v28 =	vld [tilespmem:s0+$0x260]  }
0x384: {  	v15 =	vadd.f32 v38, v15;
	v38 =	vld [tilespmem:$0x1F790];
	v50 =	vmul.f32 v45, v2;
	v58 =	vmul.f32 v52, v36  }
0x385: {  	v21 =	vadd.f32 v21, v25;
	v24 =	vmul.f32 v51, v6;
	v51 =	vld [tilespmem:s0+$0x180]  }
0x386: {  	v23 =	vadd.f32 v35, v23;
	v52 =	vld [tilespmem:$0x1F7A0];
	v35 =	vadd.f32 v58, v50  }
0x387: {  	v25 =	vmul.f32 v46, v4;
	v26 =	vmul.f32 v26, v5;
	v19 =	vadd.f32 v21, v60;
	v60 =	vld [tilespmem:$0x1F7B0]  }
0x388: {  	v22 =	vadd.f32 v44, v22;
	v45 =	vmul.f32 v53, v5;
	v20 =	vadd.f32 v35, v20;
	v35 =	vld [tilespmem:$0x1F7F0]  }
0x389: {  	v29 =	vmul.f32 v16, v36;
	v19 =	vadd.f32 v19, v15;
	v15 =	vld [tilespmem:$0x1F7C0];
	v44 =	vmul.f32 v38, v7  }
0x38a: {  	v33 =	vmul.f32 v33, v4;
	v17 =	vadd.f32 v22, v23;
	v16 =	vld [tilespmem:s0+$0x1C0];
	v21 =	vadd.f32 v25, v45  }
0x38b: {  	v45 =	vmul.f32 v55, v4;
	v23 =	vadd.f32 v24, v44;
	v44 =	vmul.f32 v39, v5;
	v39 =	vld [tilespmem:$0x1F820]  }
0x38c: {  	v26 =	vadd.f32 v33, v26;
	v46 =	vld [tilespmem:s0+$0x1D0];
	v54 =	vmul.f32 v52, v2;
	v24 =	vmul.f32 v60, v36  }
0x38d: {  	(xrf2) =	vadd.scan.msk.f32 $0xffff, v17;
	v17 =	vadd.f32 v21, v23;
	v23 =	vadd.f32 v45, v44;
	v45 =	vld [tilespmem:$0x1F830];
	v38 =	vmul.f32 v35, v7  }
0x38e: {  	v9 =	vmul.f32 v56, v6;
	v56 =	vld [tilespmem:s0+$0x110];
	v24 =	vadd.f32 v24, v54;
	v25 =	vmul.f32 v15, v2  }
0x38f: {  	v10 =	vmul.f32 v57, v5;
	v33 =	vld [tilespmem:s0+$0x0];
	v22 =	vadd.f32 v31, v38;
	v31 =	vmul.f32 v61, v7  }
0x390: {  	v53 =	vld [tilespmem:s0+$0x190];
	v15, _, _ =	vpop (xrf2);
	v61 =	vadd.f32 v29, v25;
	v24 =	vadd.f32 v24, v39  }
0x391: {  	v50 =	vld [tilespmem:s0+$0x270];
	v38, _, _ =	vpop (xrf2);
	v29 =	vadd.f32 v9, v31;
	v31 =	vadd.f32 v11, v10  }
0x392: {  	v22 =	vadd.f32 v23, v22;
	v57 =	vadd.f32 v61, v45;
	v61 =	vld [tilespmem:$0x1F850];
	v44, _, _ =	vpop (xrf2)  }
0x393: {  	v58 =	vld [tilespmem:s0+$0x1A0];
	(xrf2) =	vadd.scan.msk.f32 $0xffff, v19;
	v17 =	vadd.f32 v17, v20;
	v25, _, _ =	vpop (xrf2)  }
0x394: {  	v55 =	vld [tilespmem:s0+$0x1F0];
	v22 =	vadd.f32 v22, v24;
	v35, _, _ =	vpop (xrf2)  }
0x395: {  	v52 =	vld [tilespmem:s0+$0x1E0];
	(xrf2) =	vadd.scan.msk.f32 $0xffff, v17;
	v23, _, _ =	vpop (xrf2)  }
0x396: {  	v29 =	vadd.f32 v31, v29;
	(xrf2) =	vadd.scan.msk.f32 $0xffff, v22;
	v22 =	vld [tilespmem:$0x1F860];
	v31, _, _ =	vpop (xrf2)  }
0x397: {  	v45 =	vmul.f32 v61, v1;
	v61 =	vld [tilespmem:$0x1F870];
	v24, _, _ =	vpop (xrf2)  }
0x398: {  	v60 =	vld [tilespmem:s0+$0x1B0];
	v17 =	vadd.f32 v29, v57;
	v57, _, _ =	vpop (xrf2)  }
0x399: {  	v54 =	vld [tilespmem:s0+$0x100];
	v29 =	vmul.f32 v59, v62;
	v8, _, _ =	vpop (xrf2)  }
0x39a: {  	v21 =	vld [tilespmem:s0+$0x120];
	(xrf2) =	vadd.scan.msk.f32 $0xffff, v17;
	v17 =	vmul.f32 v63, v7;
	v57 =	vbroadcast v57, $0xF;
	v63, _, _ =	vpop (xrf2)  }
0x39b: {  	v19 =	vld [tilespmem:s0+$0x130];
	v8 =	vbroadcast v8, $0xF;
	v9 =	vbroadcast v63, $0xF  }
0x39c: {  	v20 =	vld [tilespmem:s0+$0x140];
	v29 =	vadd.f32 v45, v29;
	v22 =	vmul.f32 v22, v2;
	v61 =	vmul.f32 v61, v36  }
0x39d: {  	v39 =	vld [tilespmem:s0+$0x80];
	v24 =	vbroadcast v24, $0xF;
	v45, _, _ =	vpop (xrf2);
	v8 =	vsel vm0, v8, v9  }
0x39e: {  	v11 =	vld [tilespmem:s0+$0xA0];
	v45 =	vbroadcast v45, $0xF;
	v22 =	vadd.f32 v61, v22;
	v8 =	vsel vm1, v8, v57  }
0x39f: {  	v47 =	vmul.f32 v47, v6;
	v10 =	vld [tilespmem:s0+$0xB0];
	v8 =	vsel vm2, v8, v24;
	v24 =	vbroadcast v31, $0xF  }
0x3a0: {  	v59 =	vld [tilespmem:s0+$0x90];
	v22 =	vadd.f32 v22, v29;
	v29, _, _ =	vpop (xrf2);
	v8 =	vsel vm3, v8, v45  }
0x3a1: {  	v17 =	vadd.f32 v47, v17;
	v47 =	vld [tilespmem:s0+$0xF0];
	v8 =	vsel vm4, v8, v24;
	v24 =	vbroadcast v29, $0xF  }
0x3a2: {  	v23 =	vbroadcast v23, $0xF;
	v63 =	vld [tilespmem:s0+$0xC0]  }
0x3a3: {  	v17 =	vadd.f32 v26, v17;
	v61 =	vld [tilespmem:s0+$0xD0]  }
0x3a4: {  	v9 =	vld [tilespmem:s0+$0xE0];
	v8 =	vsel vm5, v8, v23;
	v23 =	vbroadcast v35, $0xF  }
0x3a5: {  	v57 =	vld [tilespmem:s0+$0x20];
	v17 =	vadd.f32 v17, v22;
	v22 =	vbroadcast v25, $0xF;
	v8 =	vsel vm6, v8, v24;
	v24, _, _ =	vpop (xrf2)  }
0x3a6: {  	v45 =	vld [tilespmem:s0+$0x10];
	v8 =	vsel vm7, v8, v23;
	v23 =	vbroadcast v24, $0xF  }
0x3a7: {  	v14 =	vmul.f32 v14, v7;
	v25 =	vld [tilespmem:s0+$0x40];
	v8 =	vsel vm8, v8, v22;
	v24 =	vbroadcast v44, $0xF  }
0x3a8: {  	v31 =	vmul.f32 v37, v36;
	v29 =	vmul.f32 v42, v1;
	v42 =	vld [tilespmem:s0+$0x70];
	v8 =	vsel vm9, v8, v23  }
0x3a9: {  	v35 =	vld [tilespmem:s0+$0x30];
	v22 =	vbroadcast v38, $0xF;
	v26, _, _ =	vpop (xrf2);
	v8 =	vsel vm10, v8, v24;
	v24 =	vmul.f32 v34, v2  }
0x3aa: {  	v44 =	vld [tilespmem:s0+$0x50];
	v38 =	vbroadcast v26, $0xF;
	v23 =	vmul.f32 v3, v62  }
0x3ab: {  	v26 =	vld [tilespmem:s0+$0x60];
	v24 =	vadd.f32 v31, v24;
	v31 =	vmul.f32 v41, v62;
	v41 =	vmul.f32 v43, v1  }
0x3ac: {  	v18 =	vmul.f32 v18, v5;
	v48 =	vmul.f32 v48, v62;
	v34 =	vld [tilespmem:s0+$0xFFFFFF80]  }
0x3ad: {  	v37 =	vadd.f32 v29, v23;
	v29 =	vmul.f32 v40, v6;
	v40 =	vld [tilespmem:s0+$0xFFFFFF90];
	v3 =	vadd.f32 v41, v31  }
0x3ae: {  	v13 =	vmul.f32 v13, v1;
	v32 =	vmul.f32 v32, v2;
	v23 =	vld [tilespmem:s0+$0xFFFFFFA0]  }
0x3af: {  	v30 =	vmul.f32 v30, v36;
	v43 =	vmul.f32 v12, v4;
	v14 =	vadd.f32 v29, v14;
	v29 =	vld [tilespmem:s0+$0xFFFFFFB0];
	[tilespmem:$0x1F880] =	vst v3  }
0x3b0: {  	v27 =	vmul.f32 v27, v6;
	v28 =	vmul.f32 v28, v5;
	v31 =	vld [tilespmem:s0+$0xFFFFFFC0]  }
0x3b1: {  	v16 =	vmul.f32 v16, v7;
	v12 =	vmul.f32 v50, v4;
	v18 =	vadd.f32 v43, v18;
	v43 =	vld [tilespmem:s0+$0xFFFFFF00]  }
0x3b2: {  	v46 =	vmul.f32 v46, v6;
	v13 =	vadd.f32 v13, v48;
	v41 =	vmul.f32 v49, v7;
	v48 =	vld [tilespmem:s0+$0xFFFFFF10]  }
0x3b3: {  	v60 =	vmul.f32 v60, v36;
	v28 =	vadd.f32 v12, v28;
	v12 =	vmul.f32 v58, v2;
	v49 =	vld [tilespmem:s0+$0xFFFFFF20]  }
0x3b4: {  	v30 =	vadd.f32 v30, v32;
	v27 =	vadd.f32 v27, v41;
	v41 =	vmul.f32 v51, v62;
	v51 =	vld [tilespmem:s0+$0xFFFFFF30]  }
0x3b5: {  	v52 =	vmul.f32 v52, v5;
	v32 =	vadd.f32 v60, v12;
	v12 =	vmul.f32 v55, v4;
	v58 =	vld [tilespmem:s0+$0xFFFFFF40]  }
0x3b6: {  	v50 =	vmul.f32 v53, v1;
	v53 =	vmul.f32 v54, v62;
	v55 =	vld [tilespmem:s0+$0xFFFFFF60]  }
0x3b7: {  	v60 =	vmul.f32 v59, v1;
	v59 =	vld [tilespmem:s0+$0xFFFFFF70];
	v52 =	vadd.f32 v12, v52;
	v12 =	vmul.f32 v56, v1  }
0x3b8: {  	v46 =	vadd.f32 v46, v16;
	v16 =	vmul.f32 v39, v62;
	v41 =	vadd.f32 v50, v41;
	v50 =	vld [tilespmem:s0+$0xFFFFFF50]  }
0x3b9: {  	v56 =	vld [tilespmem:s0+$0xFFFFFE80];
	v3 =	vadd.f32 v12, v53  }
0x3ba: {  	v39 =	vadd.f32 v60, v16;
	v60 =	vld [tilespmem:s0+$0xFFFFFE90]  }
0x3bb: {  	v11 =	vmul.f32 v11, v2;
	[tilespmem:$0x1F890] =	vst v3;
	v3 =	vld [tilespmem:$0x1F8A0]  }
0x3bc: {  	v54 =	vmul.f32 v61, v6;
	v53 =	vmul.f32 v63, v7;
	v61 =	vld [tilespmem:s0+$0xFFFFFEA0]  }
0x3bd: {  	v10 =	vmul.f32 v10, v36;
	v16 =	vmul.f32 v45, v1;
	v45 =	vld [tilespmem:s0+$0xFFFFFEB0]  }
0x3be: {  	v47 =	vmul.f32 v47, v4;
	v9 =	vmul.f32 v9, v5;
	v53 =	vadd.f32 v54, v53;
	v54 =	vld [tilespmem:s0+$0xFFFFFEC0]  }
0x3bf: {  	v10 =	vadd.f32 v10, v11;
	v11 =	vmul.f32 v57, v2;
	v57 =	vld [tilespmem:s0+$0xFFFFFED0]  }
0x3c0: {  	v47 =	vadd.f32 v47, v9;
	v9 =	vmul.f32 v25, v7;
	v25 =	vmul.f32 v44, v6;
	v44 =	vld [tilespmem:s0+$0xFFFFFEE0]  }
0x3c1: {  	v35 =	vmul.f32 v35, v36;
	v63 =	vadd.f32 v24, v37;
	v37 =	vld [tilespmem:s0+$0xFFFFFEF0]  }
0x3c2: {  	v8 =	vsel vm11, v8, v22;
	v22 =	vld [tilespmem:s0+$0xFFFFFE00]  }
0x3c3: {  	v14 =	vadd.f32 v18, v14;
	v18 =	vadd.f32 v35, v11;
	v35 =	vld [tilespmem:s0+$0xFFFFFE10]  }
0x3c4: {  	v8 =	vsel vm12, v8, v38;
	v38 =	vld [tilespmem:s0+$0xFFFFFE20]  }
0x3c5: {  	v13 =	vadd.f32 v30, v13;
	v11 =	vmul.f32 v40, v1;
	v40 =	vld [tilespmem:s0+$0xFFFFFE30]  }
0x3c6: {  	v25 =	vadd.f32 v25, v9;
	v9 =	vmul.f32 v34, v62;
	v27 =	vadd.f32 v28, v27;
	v28 =	vld [tilespmem:s0+$0xFFFFFE40]  }
0x3c7: {  	v12 =	vmul.f32 v33, v62;
	v34 =	vadd.f32 v14, v63;
	v63 =	vmul.f32 v48, v1;
	v48 =	vld [tilespmem:s0+$0xFFFFFD80]  }
0x3c8: {  	v30 =	vmul.f32 v49, v2;
	v49 =	vadd.f32 v27, v13;
	v27 =	vld [tilespmem:s0+$0xFFFFFDA0]  }
0x3c9: {  	v32 =	vadd.f32 v32, v41;
	v33 =	vadd.f32 v16, v12;
	v16 =	vmul.f32 v51, v36;
	v41 =	vld [tilespmem:s0+$0xFFFFFDB0]  }
0x3ca: {  	(xrf2) =	vadd.scan.msk.f32 $0xffff, v17;
	v24 =	vmul.f32 v26, v5;
	v17 =	vmul.f32 v56, v62;
	v56 =	vld [tilespmem:s0+$0xFFFFFDD0]  }
0x3cb: {  	v26 =	vmul.f32 v42, v4;
	v42 =	vadd.f32 v16, v30;
	v30 =	vld [tilespmem:s0+$0xFFFFFD90];
	v3 =	vmul.f32 v3, v62  }
0x3cc: {  	v16 =	vadd.f32 v52, v46;
	v52 =	vld [tilespmem:s0+$0xFFFFFDC0]  }
0x3cd: {  	[tilespmem:$0x1F8B0] =	vst v3;
	v3 =	vld [tilespmem:$0x1F8C0];
	_ =	sdelay $0x3  }
0x3ce: {  	v14 =	vmul.f32 v43, v62  }
0x3cf: {  	v3 =	vmul.f32 v3, v1  }
0x3d0: {  	v43 =	vadd.f32 v63, v14  }
0x3d1: {  	v14 =	vbroadcast v15, $0xF;
	v63 =	vadd.f32 v11, v9;
	v9 =	vmul.f32 v58, v7;
	[tilespmem:$0x1F8D0] =	vst v3;
	v3 =	vld [tilespmem:$0x1F8E0]  }
0x3d2: {  	v15 =	vmul.f32 v55, v5;
	v58 =	vmul.f32 v59, v4;
	_ =	sdelay $0x1  }
0x3d3: {  	v59 =	vmul.f32 v60, v1;
	v60, _, _ =	vpop (xrf2);
	v8 =	vsel vm13, v8, v14;
	v55 =	vadd.f32 v58, v15;
	v58 =	vld [tilespmem:s0+$0xFFFFFDE0]  }
0x3d4: {  	v46 =	vsel vm14, v8, v60;
	v8 =	vmul.f32 v45, v36;
	v45 =	vld [tilespmem:s0+$0xFFFFFDF0]  }
0x3d5: {  	v47 =	vadd.f32 v47, v53;
	v53 =	vld [tilespmem:s0+$0xFFFFFD00];
	v3 =	vmul.f32 v3, v2  }
0x3d6: {  	v13 =	vld [tilespmem:s0+$0xFFFFFD10]  }
0x3d7: {  	[tilespmem:$0x1F8F0] =	vst v3;
	v3 =	vld [tilespmem:$0x1F900]  }
0x3d8: {  	v15 =	vld [tilespmem:$0x1F930];
	_ =	sdelay $0x2  }
0x3d9: {  	v61 =	vmul.f32 v61, v2  }
0x3da: {  	v3 =	vmul.f32 v3, v36  }
0x3db: {  	v12 =	vmul.f32 v44, v5;
	v44 =	vadd.f32 v8, v61;
	v8 =	vmul.f32 v15, v36  }
0x3dc: {  	v0 =	vmul.f32 v0, v7;
	[tilespmem:$0x1F910] =	vst v3  }
0x3dd: {  	v11 =	vmul.f32 v50, v6;
	v50 =	vadd.f32 v59, v17;
	v59 =	vld [tilespmem:s0+$0xFFFFFD20];
	[tilespmem:$0x1F940] =	vst v8  }
0x3de: {  	v32 =	vadd.f32 v16, v32;
	v16 =	vld [tilespmem:s0+$0xFFFFFD30];
	[tilespmem:$0x1F950] =	vst v0;
	v0 =	vmul.f32 v21, v2  }
0x3df: {  	v39 =	vadd.f32 v10, v39  }
0x3e0: {  	[tilespmem:$0x1F960] =	vst v0  }
0x3e1: {  	v26 =	vadd.f32 v26, v24;
	v8 =	vadd.f32 v47, v39;
	v39 =	vld [tilespmem:s0+$0xFFFFFD40]  }
0x3e2: {  	v0 =	vmul.f32 v19, v36;
	v47 =	vld [tilespmem:s0+$0xFFFFFD50]  }
0x3e3: {  	v25 =	vadd.f32 v26, v25;
	v26 =	vld [tilespmem:s0+$0xFFFFFD60]  }
0x3e4: {  	v17 =	vmul.f32 v48, v62;
	v48 =	vld [tilespmem:s0+$0xFFFFFD70];
	[tilespmem:$0x1F970] =	vst v0;
	v0 =	vmul.f32 v20, v7  }
0x3e5: {  	v22 =	vmul.f32 v22, v62;
	v35 =	vmul.f32 v35, v1  }
0x3e6: {  	v30 =	vmul.f32 v30, v1;
	[tilespmem:$0x1F980] =	vst v0;
	v0 =	vmul.f32 v23, v2;
	_ =	sdelay $0x1  }
0x3e7: {  	v61 =	vadd.f32 v30, v17;
	v30 =	vadd.f32 v35, v22;
	v22 =	vld [tilespmem:s0+$0xFFFFFC00];
	[tilespmem:$0x1F990] =	vst v0;
	v0 =	vmul.f32 v29, v36  }
0x3e8: {  	v20 =	vmul.f32 v31, v7  }
0x3e9: {  	v27 =	vmul.f32 v27, v2;
	v41 =	vmul.f32 v41, v36;
	v3 =	vld [tilespmem:$0x1F920];
	[tilespmem:$0x1F9A0] =	vst v0  }
0x3ea: {  	v51 =	vadd.f32 v11, v9;
	v35 =	vld [tilespmem:s0+$0xFFFFFC10];
	[tilespmem:$0x1F9B0] =	vst v20  }
0x3eb: {  	(xrf2) =	vadd.scan.msk.f32 $0xffff, v34;
	v9 =	vmul.f32 v54, v7;
	v0 =	vadd.f32 v41, v27;
	v27 =	vmul.f32 v38, v2;
	v38 =	vld [tilespmem:s0+$0xFFFFFC20]  }
0x3ec: {  	v33 =	vadd.f32 v18, v33;
	v10 =	vmul.f32 v57, v6;
	v37 =	vmul.f32 v37, v4;
	v41 =	vld [tilespmem:s0+$0xFFFFFC30]  }
0x3ed: {  	v31 =	vmul.f32 v56, v6;
	v56 =	vmul.f32 v45, v4;
	v45 =	vld [tilespmem:s0+$0xFFFFFC40]  }
0x3ee: {  	v25 =	vadd.f32 v25, v33;
	v37 =	vadd.f32 v37, v12;
	v12 =	vld [tilespmem:s0+$0xFFFFFC50]  }
0x3ef: {  	v57 =	vadd.f32 v10, v9;
	v9 =	vmul.f32 v53, v62;
	v10 =	vmul.f32 v13, v1;
	v14 =	vld [tilespmem:s0+$0xFFFFFC60]  }
0x3f0: {  	s30 =	simm.s32 $0x0;
	s9 =	sand.u32 $0x380, s2;
	v21 =	vadd.f32 v42, v43;
	v23 =	vmul.f32 v58, v5;
	v58 =	vadd.f32 v55, v51;
	v17 =	vld [tilespmem:s0+$0xFFFFFC70]  }
0x3f1: {  	s24 =	sand.u32 $0x400, s30;
	s5 =	sadd.s32 s9, s31;
	(xrf2) =	vadd.scan.msk.f32 $0xffff, v49;
	v50 =	vadd.f32 v44, v50;
	v57 =	vadd.f32 v37, v57;
	v20 =	vld [tilespmem:s0+$0xFFFFFC80]  }
0x3f2: {  	s31 =	sand.u32 $0x70, s30;
	s1 =	sadd.s32 s24, s5;
	(xrf2) =	vadd.scan.msk.f32 $0xffff, v32;
	v28 =	vmul.f32 v28, v7;
	v32 =	vadd.f32 v10, v9;
	v19 =	vadd.f32 v58, v21;
	v21 =	vld [tilespmem:s0+$0xFFFFFC90]  }
0x3f3: {  	s1 =	sadd.s32 s31, s1;
	v3 =	vmul.f32 v3, v2;
	v15 =	vmul.f32 v59, v2;
	v13 =	vadd.f32 v56, v23;
	v23 =	vld [tilespmem:s0+$0xFFFFFCA0];
	[tilespmem:$0x1F9C0] =	vst v36  }
0x3f4: {  	(xrf2) =	vadd.scan.msk.f32 $0xffff, v8;
	v16 =	vmul.f32 v16, v36;
	v29 =	vmul.f32 v52, v7;
	[tilespmem:s1+$0x0] =	vst v46  }
0x3f5: {  	v55, _, _ =	vpop (xrf2);
	(xrf2) =	vadd.scan.msk.f32 $0xffff, v25;
	v18 =	vmul.f32 v39, v7;
	v47 =	vmul.f32 v47, v6;
	v43 =	vld [tilespmem:s0+$0xFFFFFCB0];
	[tilespmem:$0x1F9D0] =	vst v7  }
0x3f6: {  	v26 =	vmul.f32 v26, v5;
	v48 =	vmul.f32 v48, v4;
	v11 =	vadd.f32 v31, v29;
	[tilespmem:$0x1F9E0] =	vst v6  }
0x3f7: {  	v29 =	vmul.f32 v40, v36;
	v40 =	vadd.f32 v16, v15;
	v31 =	vmul.f32 v22, v62;
	v46 =	vld [tilespmem:s0+$0xFFFFFCC0];
	[tilespmem:$0x1F9F0] =	vst v5  }
0x3f8: {  	v42 =	vadd.f32 v47, v18;
	[tilespmem:$0x1FA00] =	vst v4;
	v33 =	vmul.f32 v35, v1;
	v34 =	vmul.f32 v38, v2  }
0x3f9: {  	v49 =	vadd.f32 v48, v26;
	v47 =	vld [tilespmem:s0+$0xFFFFFCD0];
	[tilespmem:$0x1FA10] =	vst v62;
	v35 =	vmul.f32 v41, v36;
	v37 =	vmul.f32 v45, v7  }
0x3fa: {  	v52 =	vadd.f32 v0, v61;
	[tilespmem:$0x1FA20] =	vst v1;
	v39 =	vmul.f32 v12, v6;
	v36 =	vmul.f32 v14, v5  }
0x3fb: {  	v60, _, _ =	vpop (xrf2);
	v53 =	vadd.f32 v13, v11;
	v38 =	vmul.f32 v17, v4;
	v41 =	vmul.f32 v20, v62;
	v48 =	vld [tilespmem:s0+$0xFFFFFCE0];
	[tilespmem:$0x1FA30] =	vst v2  }
0x3fc: {  	s29 =	sadd.s32 $0x1, s29;
	s9 =	simm.s32 $0x10;
	(xrf2) =	vadd.scan.msk.f32 $0xffff, v19;
	v26, _, _ =	vpop (xrf2);
	s1 =	simm.s32 $0x20;
	v44 =	vmul.f32 v21, v1;
	v45 =	vadd.f32 v57, v50;
	v50 =	vmul.f32 v23, v2;
	v51 =	vld [tilespmem:s0+$0xFFFFFCF0]  }
.LBB2_7:
0x3fd: {  	_ =	sdelay $0x3  }
0x3fe: {  	v0 =	vadd.f32 v40, v32;
	v8 =	vadd.f32 v49, v42  }
0x3ff: {  	v6 =	vadd.f32 v53, v52  }
0x400: {  	v54 =	vld [tilespmem:$0x1F9D0];
	(xrf2) =	vadd.scan.msk.f32 $0xffff, v45;
	v0 =	vadd.f32 v8, v0  }
0x401: {  	v1 =	vld [tilespmem:$0x1F9A0];
	v33 =	vadd.f32 v33, v31;
	v31, _, _ =	vpop (xrf2);
	(xrf2) =	vadd.scan.msk.f32 $0xffff, v6  }
0x402: {  	v32, _, _ =	vpop (xrf2);
	(xrf2) =	vadd.scan.msk.f32 $0xffff, v0;
	v0 =	vld [tilespmem:$0x1F990]  }
0x403: {  	v25 =	vld [tilespmem:$0x1F9E0]  }
0x404: {  	v15 =	vld [tilespmem:$0x1F9C0]  }
0x405: {  	v11 =	vld [tilespmem:s0+$0xFFFFFFD0]  }
0x406: {  	v61 =	vld [tilespmem:s0+$0xFFFFFE50]  }
0x407: {  	v21 =	vadd.f32 v1, v0;
	v0 =	vld [tilespmem:$0x1F9B0]  }
0x408: {  	v7 =	vld [tilespmem:s0+$0xFFFFFE60];
	v62 =	vmul.f32 v46, v54;
	v47 =	vmul.f32 v47, v25  }
0x409: {  	v22 =	vld [tilespmem:$0x1F9F0]  }
0x40a: {  	v37 =	vadd.f32 v39, v37;
	v19 =	vld [tilespmem:s0+$0x150];
	v39 =	vadd.f32 v47, v62;
	v47 =	vmul.f32 v11, v25  }
0x40b: {  	v1 =	vld [tilespmem:$0x1F970]  }
0x40c: {  	v20 =	vadd.f32 v47, v0;
	v0 =	vld [tilespmem:$0x1F960]  }
0x40d: {  	v52 =	vld [tilespmem:$0x1FA00]  }
0x40e: {  	v34 =	vadd.f32 v35, v34;
	v9 =	vld [tilespmem:s0+$0xFFFFFE70];
	v36 =	vadd.f32 v38, v36  }
0x40f: {  	v41 =	vadd.f32 v44, v41;
	v27 =	vadd.f32 v29, v27  }
0x410: {  	v33 =	vadd.f32 v34, v33;
	v59 =	vmul.f32 v43, v15;
	v10 =	vmul.f32 v48, v22  }
0x411: {  	v27 =	vadd.f32 v27, v30;
	v30 =	vmul.f32 v19, v25;
	v19 =	vadd.f32 v1, v0;
	v0 =	vld [tilespmem:$0x1F980]  }
0x412: {  	v14 =	vadd.f32 v36, v37;
	v16 =	vmul.f32 v61, v25;
	v12 =	vmul.f32 v51, v52  }
0x413: {  	v18 =	vmul.f32 v7, v22;
	v46 =	vmul.f32 v9, v52;
	v35 =	vadd.f32 v59, v50  }
0x414: {  	v28 =	vadd.f32 v16, v28;
	v38 =	vadd.f32 v12, v10  }
0x415: {  	v34 =	vadd.f32 v46, v18;
	v35 =	vadd.f32 v35, v41  }
0x416: {  	v38 =	vadd.f32 v38, v39;
	v18 =	vadd.f32 v30, v0;
	v0 =	vld [tilespmem:$0x1F940]  }
0x417: {  	v33 =	vadd.f32 v14, v33;
	v28 =	vadd.f32 v34, v28  }
0x418: {  	v53 =	vadd.f32 v38, v35  }
0x419: {  	v40, _, _ =	vpop (xrf2);
	(xrf2) =	vadd.scan.msk.f32 $0xffff, v33;
	v27 =	vadd.f32 v28, v27  }
0x41a: {  	v57, _, _ =	vpop (xrf2);
	(xrf2) =	vadd.scan.msk.f32 $0xffff, v53  }
0x41b: {  	v62, _, _ =	vpop (xrf2);
	(xrf2) =	vadd.scan.msk.f32 $0xffff, v27;
	v27 =	vadd.f32 v0, v3;
	v0 =	vld [tilespmem:$0x1F890]  }
0x41c: {  	v13 =	vld [tilespmem:s0+$0xFFFFFFE0]  }
0x41d: {  	v17 =	vld [tilespmem:s0+$0xFFFFFFF0]  }
0x41e: {  	v51 =	vld [tilespmem:s0+$0x2D0]  }
0x41f: {  	v23 =	vld [tilespmem:s0+$0x2E0]  }
0x420: {  	v16 =	vadd.f32 v19, v0;
	v0 =	vld [tilespmem:$0x1F950]  }
0x421: {  	v49 =	vld [tilespmem:s0+$0x170]  }
0x422: {  	v29 =	vld [tilespmem:s0+$0x160]  }
0x423: {  	v58 =	vld [tilespmem:s0+$0x2F0];
	v24 =	vmul.f32 v51, v25  }
0x424: {  	v1 =	vld [tilespmem:$0x1F8D0]  }
0x425: {  	v24 =	vadd.f32 v24, v0;
	v0 =	vld [tilespmem:$0x1F8B0]  }
0x426: {  	v61 =	vld [tilespmem:s0+$0x3D0]  }
0x427: {  	v59 =	vld [tilespmem:s0+$0x3C0];
	v29 =	vmul.f32 v29, v22;
	v28 =	vmul.f32 v49, v52  }
0x428: {  	v56 =	vmul.f32 v17, v52;
	v50 =	vmul.f32 v13, v22;
	v11 =	vld [tilespmem:s0+$0x3E0]  }
0x429: {  	v28 =	vadd.f32 v28, v29;
	v29 =	vld [tilespmem:s0+$0x3F0]  }
0x42a: {  	v35 =	vadd.f32 v56, v50;
	s0 =	sadd.s32 $0x800, s0;
	v8 =	vadd.f32 v1, v0;
	v0 =	vld [tilespmem:$0x1F880]  }
0x42b: {  	v23 =	vmul.f32 v23, v22;
	v17 =	vld [tilespmem:s0+$0x380]  }
0x42c: {  	v34 =	vmul.f32 v58, v52;
	v21 =	vadd.f32 v21, v63;
	v14 =	vld [tilespmem:s0+$0x390];
	v20 =	vadd.f32 v35, v20  }
0x42d: {  	v4 =	vld [tilespmem:s0+$0x3A0]  }
0x42e: {  	v20 =	vadd.f32 v20, v21;
	v21 =	vadd.f32 v34, v23;
	v1 =	vld [tilespmem:$0x1F910]  }
0x42f: {  	v41 =	vmul.f32 v61, v25;
	v18 =	vadd.f32 v28, v18;
	v12 =	vadd.f32 v27, v0;
	v0 =	vld [tilespmem:$0x1F8F0]  }
0x430: {  	v39 =	vmul.f32 v59, v54;
	v13 =	vld [tilespmem:s0+$0x3B0];
	v30, _, _ =	vpop (xrf2);
	(xrf2) =	vadd.scan.msk.f32 $0xffff, v20;
	v28 =	vmul.f32 v11, v22  }
0x431: {  	v33 =	vld [tilespmem:s0+$0x290];
	v42 =	vadd.f32 v18, v16;
	v2 =	vadd.f32 v21, v24;
	v24 =	vmul.f32 v29, v52  }
0x432: {  	v53 =	vbroadcast v32, $0xF;
	v32 =	vld [tilespmem:s0+$0x2B0]  }
0x433: {  	v56 =	vbroadcast v31, $0xF;
	v31 =	vld [tilespmem:s0+$0x200];
	v9, _, _ =	vpop (xrf2);
	v11 =	vadd.f32 v41, v39;
	(xrf2) =	vadd.scan.msk.f32 $0xffff, v42;
	v43 =	vadd.f32 v24, v28  }
0x434: {  	v36 =	vld [tilespmem:s0+$0x210];
	v44, _, _ =	vpop (xrf2);
	v10 =	vadd.f32 v1, v0;
	v0 =	vadd.f32 v2, v12  }
0x435: {  	v37 =	vld [tilespmem:s0+$0x220];
	v9 =	vbroadcast v9, $0xF;
	v24 =	vbroadcast v44, $0xF  }
0x436: {  	v38 =	vld [tilespmem:s0+$0x230];
	v45 =	vadd.f32 v43, v11;
	v27 =	vbroadcast v30, $0xF;
	v8 =	vadd.f32 v10, v8;
	(xrf2) =	vadd.scan.msk.f32 $0xffff, v0  }
0x437: {  	v46 =	vbroadcast v62, $0xF;
	v35 =	vld [tilespmem:s0+$0x2C0];
	v47, _, _ =	vpop (xrf2);
	v9 =	vsel vm0, v9, v24  }
0x438: {  	v23 =	vld [tilespmem:s0+$0x350];
	v9 =	vsel vm1, v9, v27;
	v0 =	vbroadcast v47, $0xF;
	v8 =	vadd.f32 v45, v8  }
0x439: {  	v48 =	vbroadcast v57, $0xF;
	v34 =	vld [tilespmem:s0+$0x2A0];
	v9 =	vsel vm2, v9, v46  }
0x43a: {  	v20 =	vld [tilespmem:s0+$0x330];
	v49, _, _ =	vpop (xrf2);
	v9 =	vsel vm3, v9, v0;
	v0 =	vbroadcast v40, $0xF;
	(xrf2) =	vadd.scan.msk.f32 $0xffff, v8  }
0x43b: {  	v39 =	vld [tilespmem:s0+$0x240];
	v51 =	vbroadcast v49, $0xF;
	v50 =	vsel vm4, v9, v48  }
0x43c: {  	v41 =	vld [tilespmem:s0+$0x260];
	v8 =	vsel vm5, v50, v0  }
0x43d: {  	v19 =	vld [tilespmem:s0+$0x320];
	v57, _, _ =	vpop (xrf2);
	v8 =	vsel vm6, v8, v51  }
0x43e: {  	v16 =	vld [tilespmem:s0+$0x300];
	v58 =	vbroadcast v57, $0xF;
	v8 =	vsel vm7, v8, v53  }
0x43f: {  	v59 =	vbroadcast v26, $0xF;
	v18 =	vld [tilespmem:s0+$0x310];
	v8 =	vsel vm8, v8, v56  }
0x440: {  	v61 =	vbroadcast v60, $0xF;
	v42 =	vld [tilespmem:s0+$0x270];
	v8 =	vsel vm9, v8, v58;
	v62, _, _ =	vpop (xrf2)  }
0x441: {  	v21 =	vld [tilespmem:s0+$0x340];
	v8 =	vsel vm10, v8, v59;
	v0 =	vbroadcast v62, $0xF  }
0x442: {  	s30 =	sadd.s32 $0x80, s30;
	v63 =	vbroadcast v55, $0xF;
	v29 =	vld [tilespmem:s0+$0x370];
	v8 =	vsel vm11, v8, v61  }
0x443: {  	s2 =	sand.u32 $0x400, s30;
	v28 =	vld [tilespmem:s0+$0x360];
	v8 =	vsel vm12, v8, v0  }
0x444: {  	s4 =	sand.u32 $0x70, s9;
	s2 =	sadd.s32 s2, s5;
	v30 =	vld [tilespmem:s0+$0x280];
	v8 =	vsel vm13, v8, v63;
	v7, _, _ =	vpop (xrf2)  }
0x445: {  	s2 =	sadd.s32 s4, s2;
	v40 =	vld [tilespmem:s0+$0x250];
	v8 =	vsel vm14, v8, v7  }
0x446: {  	v0 =	vld [tilespmem:$0x1FA10];
	[tilespmem:s2+$0x0] =	vst v8  }
0x447: {  	v43 =	vld [tilespmem:s0+$0x180]  }
0x448: {  	v44 =	vld [tilespmem:s0+$0x190]  }
0x449: {  	v12 =	vld [tilespmem:s0+$0x1A0]  }
0x44a: {  	v46 =	vld [tilespmem:s0+$0x1B0]  }
0x44b: {  	v47 =	vld [tilespmem:s0+$0x1C0]  }
0x44c: {  	v48 =	vld [tilespmem:s0+$0x1D0]  }
0x44d: {  	v49 =	vld [tilespmem:s0+$0x1E0]  }
0x44e: {  	v50 =	vld [tilespmem:s0+$0x1F0]  }
0x44f: {  	v51 =	vld [tilespmem:s0+$0x100]  }
0x450: {  	v3 =	vld [tilespmem:s0+$0x110]  }
0x451: {  	v53 =	vld [tilespmem:s0+$0x120]  }
0x452: {  	v5 =	vld [tilespmem:s0+$0x130]  }
0x453: {  	v55 =	vld [tilespmem:s0+$0x140]  }
0x454: {  	v56 =	vld [tilespmem:s0+$0x80]  }
0x455: {  	v57 =	vld [tilespmem:s0+$0x90]  }
0x456: {  	v58 =	vld [tilespmem:s0+$0xA0]  }
0x457: {  	v59 =	vld [tilespmem:s0+$0xB0]  }
0x458: {  	v60 =	vld [tilespmem:s0+$0xC0]  }
0x459: {  	v61 =	vld [tilespmem:s0+$0xD0];
	v1 =	vmul.f32 v17, v0  }
0x45a: {  	v62 =	vld [tilespmem:s0+$0xE0]  }
0x45b: {  	[tilespmem:$0x1F8B0] =	vst v1;
	v1 =	vld [tilespmem:$0x1FA20]  }
0x45c: {  	v63 =	vld [tilespmem:s0+$0xF0]  }
0x45d: {  	v8 =	vld [tilespmem:s0+$0x0]  }
0x45e: {  	v24 =	vld [tilespmem:s0+$0xFFFFFF80]  }
0x45f: {  	v11 =	vld [tilespmem:s0+$0xFFFFFFA0]  }
0x460: {  	v7 =	vld [tilespmem:s0+$0xFFFFFF30];
	v2 =	vmul.f32 v14, v1  }
0x461: {  	v27 =	vld [tilespmem:s0+$0xFFFFFE90];
	v6 =	vmul.f32 v47, v54  }
0x462: {  	[tilespmem:$0x1F8D0] =	vst v2;
	v2 =	vld [tilespmem:$0x1FA30]  }
0x463: {  	[tilespmem:$0x1F510] =	vst v6;
	v6 =	vld [tilespmem:s0+$0xFFFFFF00]  }
0x464: {  	v9 =	vld [tilespmem:s0+$0xFFFFFEA0]  }
0x465: {  	v10 =	vld [tilespmem:s0+$0xFFFFFEB0]  }
0x466: {  	v17 =	vld [tilespmem:s0+$0xFFFFFF10];
	v47 =	vmul.f32 v49, v22  }
0x467: {  	v14 =	vld [tilespmem:s0+$0xFFFFFFC0];
	v49 =	vmul.f32 v3, v1;
	v4 =	vmul.f32 v4, v2  }
0x468: {  	v26 =	vmul.f32 v6, v0;
	v6 =	vld [tilespmem:s0+$0xFFFFFE00];
	v3 =	vmul.f32 v53, v2  }
0x469: {  	v53 =	vld [tilespmem:s0+$0xFFFFFF20];
	[tilespmem:$0x1F8F0] =	vst v4;
	v4 =	vmul.f32 v13, v15  }
0x46a: {  	v45 =	vmul.f32 v12, v2;
	[tilespmem:$0x1F960] =	vst v3;
	v3 =	vmul.f32 v5, v15;
	v5 =	vld [tilespmem:s0+$0xFFFFFEC0]  }
0x46b: {  	v12 =	vmul.f32 v8, v0;
	v8 =	vld [tilespmem:s0+$0xFFFFFE80];
	[tilespmem:$0x1F910] =	vst v4;
	v4 =	vmul.f32 v16, v0  }
0x46c: {  	v13 =	vld [tilespmem:s0+$0xFFFFFFB0];
	[tilespmem:$0x1F970] =	vst v3;
	v3 =	vmul.f32 v55, v54;
	v55 =	vmul.f32 v56, v0  }
0x46d: {  	v56 =	vmul.f32 v57, v1;
	v57 =	vld [tilespmem:s0+$0xFFFFFF40];
	[tilespmem:$0x1F490] =	vst v4;
	v4 =	vmul.f32 v18, v1  }
0x46e: {  	v16 =	vld [tilespmem:s0+$0xFFFFFF70];
	[tilespmem:$0x1F980] =	vst v3;
	v3 =	vmul.f32 v24, v0  }
0x46f: {  	v18 =	vld [tilespmem:s0+$0xFFFFFF50];
	v5 =	vmul.f32 v5, v54;
	[tilespmem:$0x1F4A0] =	vst v4  }
0x470: {  	v24 =	vmul.f32 v7, v15;
	v7 =	vld [tilespmem:s0+$0xFFFFFE10];
	v4 =	vmul.f32 v19, v2;
	[tilespmem:$0x1F530] =	vst v3  }
0x471: {  	v19 =	vld [tilespmem:s0+$0xFFFFFF60];
	v3 =	vmul.f32 v11, v2;
	[tilespmem:$0x1F570] =	vst v5  }
0x472: {  	v11 =	vld [tilespmem:s0+$0xFFFFFEF0];
	[tilespmem:$0x1F4B0] =	vst v4;
	v4 =	vmul.f32 v20, v15  }
0x473: {  	v20 =	vld [tilespmem:s0+$0x10];
	[tilespmem:$0x1F990] =	vst v3;
	v3 =	vmul.f32 v13, v15  }
0x474: {  	v13 =	vld [tilespmem:s0+$0xFFFFFED0];
	[tilespmem:$0x1F4C0] =	vst v4;
	v4 =	vmul.f32 v21, v54  }
0x475: {  	v38 =	vmul.f32 v38, v15;
	[tilespmem:$0x1F9A0] =	vst v3;
	v3 =	vmul.f32 v14, v54;
	v14 =	vld [tilespmem:s0+$0xFFFFFEE0]  }
0x476: {  	v39 =	vmul.f32 v39, v54;
	v21 =	vld [tilespmem:s0+$0x20];
	[tilespmem:$0x1F4D0] =	vst v4;
	v4 =	vmul.f32 v23, v25  }
0x477: {  	v41 =	vmul.f32 v41, v22;
	v23 =	vld [tilespmem:s0+$0x30];
	[tilespmem:$0x1F9B0] =	vst v3;
	v3 =	vmul.f32 v57, v54  }
0x478: {  	v57 =	vmul.f32 v8, v0;
	v8 =	vmul.f32 v10, v15;
	v10 =	vld [tilespmem:$0x1F4C0];
	[tilespmem:$0x1F4E0] =	vst v4  }
0x479: {  	v42 =	vmul.f32 v42, v52;
	v4 =	vmul.f32 v28, v22;
	[tilespmem:$0x1F540] =	vst v3;
	v3 =	vld [tilespmem:s0+$0xFFFFFE20]  }
0x47a: {  	v40 =	vmul.f32 v40, v25;
	[tilespmem:$0x1F560] =	vst v8;
	v8 =	vld [tilespmem:s0+$0xFFFFFE40];
	v5 =	vmul.f32 v14, v22  }
0x47b: {  	v14 =	vmul.f32 v11, v52;
	v11 =	vld [tilespmem:$0x1F4A0];
	[tilespmem:$0x1F500] =	vst v4;
	v4 =	vmul.f32 v30, v0  }
0x47c: {  	v30 =	vmul.f32 v33, v1;
	v33 =	vld [tilespmem:s0+$0x40];
	[tilespmem:$0x1F580] =	vst v5;
	v5 =	vmul.f32 v6, v0  }
0x47d: {  	v31 =	vmul.f32 v31, v0;
	v6 =	vld [tilespmem:s0+$0xFFFFFD90];
	[tilespmem:$0x1F4F0] =	vst v4;
	v4 =	vmul.f32 v34, v2  }
0x47e: {  	v43 =	vmul.f32 v43, v0;
	[tilespmem:$0x1F590] =	vst v5;
	v5 =	vld [tilespmem:$0x1F490];
	v3 =	vmul.f32 v3, v2  }
0x47f: {  	v46 =	vmul.f32 v46, v15;
	v34 =	vld [tilespmem:s0+$0x60];
	[tilespmem:$0x1F520] =	vst v4;
	v4 =	vmul.f32 v32, v15  }
0x480: {  	v62 =	vmul.f32 v62, v22;
	v63 =	vmul.f32 v63, v52;
	v32 =	vld [tilespmem:s0+$0x50];
	[tilespmem:$0x1F5C0] =	vst v3  }
0x481: {  	v3 =	vld [tilespmem:$0x1F4F0];
	[tilespmem:$0x1F940] =	vst v4;
	v4 =	vmul.f32 v35, v54;
	v35 =	vmul.f32 v36, v1  }
0x482: {  	v44 =	vmul.f32 v44, v1;
	v36 =	vmul.f32 v37, v2;
	v37 =	vld [tilespmem:s0+$0x70]  }
0x483: {  	v20 =	vmul.f32 v20, v1;
	[tilespmem:$0x1F950] =	vst v4;
	v4 =	vld [tilespmem:s0+$0xFFFFFF90];
	v11 =	vadd.f32 v11, v5;
	v31 =	vadd.f32 v35, v31  }
0x484: {  	v21 =	vmul.f32 v21, v2;
	v35 =	vadd.f32 v38, v36;
	v36 =	vld [tilespmem:s0+$0xFFFFFDC0];
	v38 =	vadd.f32 v40, v39  }
0x485: {  	v5 =	vmul.f32 v7, v1;
	v39 =	vadd.f32 v42, v41;
	v42 =	vadd.f32 v44, v43;
	v44 =	vld [tilespmem:s0+$0xFFFFFDE0]  }
0x486: {  	v12 =	vadd.f32 v20, v12;
	v23 =	vmul.f32 v23, v15;
	v43 =	vadd.f32 v46, v45;
	v46 =	vld [tilespmem:$0x1F510]  }
0x487: {  	v20 =	vadd.f32 v63, v62;
	v33 =	vmul.f32 v33, v54;
	v32 =	vmul.f32 v32, v25;
	[tilespmem:$0x1F5A0] =	vst v5;
	v5 =	vld [tilespmem:$0x1F4B0]  }
0x488: {  	v3 =	vadd.f32 v30, v3;
	v62 =	vadd.f32 v43, v42;
	v42 =	vld [tilespmem:s0+$0xFFFFFC10]  }
0x489: {  	v48 =	vmul.f32 v48, v25;
	v21 =	vadd.f32 v23, v21;
	v23 =	vadd.f32 v32, v33;
	v33 =	vld [tilespmem:s0+$0xFFFFFD50]  }
0x48a: {  	v51 =	vmul.f32 v51, v0;
	v50 =	vmul.f32 v50, v52;
	[tilespmem:$0x1F880] =	vst v3;
	v3 =	vld [tilespmem:$0x1F500]  }
0x48b: {  	v28 =	vmul.f32 v4, v1;
	v4 =	vmul.f32 v9, v2;
	v9 =	vld [tilespmem:s0+$0xFFFFFD80]  }
0x48c: {  	v59 =	vmul.f32 v59, v15;
	v45 =	vadd.f32 v48, v46;
	v46 =	vadd.f32 v50, v47;
	v47 =	vld [tilespmem:s0+$0xFFFFFDF0]  }
0x48d: {  	v58 =	vmul.f32 v58, v2;
	v48 =	vadd.f32 v56, v55;
	v56 =	vadd.f32 v49, v51;
	v49 =	vld [tilespmem:s0+$0xFFFFFD00]  }
0x48e: {  	v55 =	vld [tilespmem:s0+$0xFFFFFD20]  }
0x48f: {  	v51 =	vadd.f32 v59, v58;
	v59 =	vld [tilespmem:s0+$0xFFFFFD60]  }
0x490: {  	v60 =	vmul.f32 v60, v54;
	v61 =	vmul.f32 v61, v25;
	[tilespmem:$0x1F550] =	vst v4;
	v4 =	vld [tilespmem:s0+$0xFFFFFE30]  }
0x491: {  	v34 =	vmul.f32 v34, v22;
	v37 =	vmul.f32 v37, v52;
	v7 =	vadd.f32 v10, v5;
	v5 =	vld [tilespmem:$0x1F4D0]  }
0x492: {  	v10 =	vld [tilespmem:$0x1F4E0]  }
0x493: {  	v29 =	vmul.f32 v29, v52;
	v34 =	vadd.f32 v37, v34;
	[tilespmem:$0x1F890] =	vst v56;
	v56 =	vadd.f32 v61, v60;
	v60 =	vld [tilespmem:$0x1F530]  }
0x494: {  	v12 =	vadd.f32 v21, v12;
	v61 =	vld [tilespmem:s0+$0xFFFFFD70]  }
0x495: {  	v43 =	vadd.f32 v34, v23;
	v30 =	vadd.f32 v29, v3;
	v3 =	vld [tilespmem:s0+$0xFFFFFDB0]  }
0x496: {  	v31 =	vadd.f32 v35, v31;
	v20 =	vadd.f32 v20, v56;
	v56 =	vld [tilespmem:s0+$0xFFFFFCA0]  }
0x497: {  	v17 =	vmul.f32 v17, v1;
	v58 =	vadd.f32 v39, v38;
	v12 =	vadd.f32 v43, v12;
	v43 =	vld [tilespmem:s0+$0xFFFFFCB0]  }
0x498: {  	v40 =	vmul.f32 v9, v0;
	v9 =	vld [tilespmem:s0+$0xFFFFFDD0]  }
0x499: {  	v32 =	vmul.f32 v47, v52;
	v47 =	vadd.f32 v17, v26;
	v26 =	vadd.f32 v58, v31;
	v31 =	vld [tilespmem:s0+$0xFFFFFC00]  }
0x49a: {  	v58 =	vld [tilespmem:s0+$0xFFFFFC30]  }
0x49b: {  	v10 =	vadd.f32 v10, v5;
	v5 =	vld [tilespmem:s0+$0xFFFFFDA0]  }
0x49c: {  	v29 =	vmul.f32 v4, v15;
	v4 =	vmul.f32 v8, v54;
	v8 =	vld [tilespmem:s0+$0xFFFFFD30]  }
0x49d: {  	v7 =	vadd.f32 v7, v11;
	v17 =	vmul.f32 v61, v52;
	v61 =	vld [tilespmem:$0x1F570];
	v63 =	vadd.f32 v30, v10  }
0x49e: {  	v53 =	vmul.f32 v53, v2;
	v50 =	vmul.f32 v3, v15;
	v3 =	vld [tilespmem:s0+$0xFFFFFD10]  }
0x49f: {  	[tilespmem:$0x1F5B0] =	vst v4;
	v4 =	vmul.f32 v6, v1;
	v30 =	vld [tilespmem:s0+$0xFFFFFD40];
	v6 =	vadd.f32 v63, v7  }
0x4a0: {  	v63 =	vadd.f32 v28, v60;
	v28 =	vadd.f32 v24, v53;
	v53 =	vld [tilespmem:$0x1F540]  }
0x4a1: {  	v27 =	vmul.f32 v27, v1;
	v16 =	vmul.f32 v16, v52;
	v60 =	vld [tilespmem:$0x1F550]  }
0x4a2: {  	v19 =	vmul.f32 v19, v22;
	v13 =	vmul.f32 v13, v25;
	v24 =	vld [tilespmem:$0x1F560]  }
0x4a3: {  	v36 =	vmul.f32 v36, v54;
	v7 =	vmul.f32 v49, v0;
	v49 =	vadd.f32 v46, v45;
	v46 =	vld [tilespmem:s0+$0xFFFFFC70]  }
0x4a4: {  	v44 =	vmul.f32 v44, v22;
	(xrf2) =	vadd.scan.msk.f32 $0xffff, v6;
	v6 =	vmul.f32 v55, v2;
	v55 =	vld [tilespmem:s0+$0xFFFFFC20]  }
0x4a5: {  	v10 =	vadd.f32 v27, v57;
	v57 =	vadd.f32 v49, v62;
	v49 =	vmul.f32 v59, v22;
	v59 =	vld [tilespmem:s0+$0xFFFFFC40]  }
0x4a6: {  	v41 =	vmul.f32 v9, v25;
	v9 =	vadd.f32 v16, v19;
	v35 =	vmul.f32 v58, v15;
	v62 =	vld [tilespmem:s0+$0xFFFFFC50]  }
0x4a7: {  	v58 =	vadd.f32 v32, v44;
	v5 =	vmul.f32 v5, v2;
	v38 =	vmul.f32 v3, v1;
	v3 =	vld [tilespmem:$0x1F520]  }
0x4a8: {  	v4 =	vadd.f32 v4, v40;
	v8 =	vmul.f32 v8, v15;
	(xrf2) =	vadd.scan.msk.f32 $0xffff, v26;
	v26 =	vmul.f32 v33, v25;
	v33 =	vld [tilespmem:$0x1F580]  }
0x4a9: {  	v13 =	vadd.f32 v13, v61;
	v45 =	vmul.f32 v30, v54;
	v30 =	vadd.f32 v51, v48;
	v48 =	vld [tilespmem:$0x1F590];
	(xrf2) =	vadd.scan.msk.f32 $0xffff, v57  }
0x4aa: {  	v18 =	vmul.f32 v18, v25;
	v51 =	vld [tilespmem:s0+$0xFFFFFC80];
	v5 =	vadd.f32 v50, v5;
	v57 =	vadd.f32 v41, v36  }
0x4ab: {  	v31 =	vmul.f32 v31, v0;
	v40 =	vadd.f32 v8, v6;
	v27 =	vadd.f32 v24, v60;
	v24 =	vld [tilespmem:$0x1F5A0]  }
0x4ac: {  	v50 =	vmul.f32 v56, v2;
	v49 =	vadd.f32 v17, v49;
	v18 =	vadd.f32 v18, v53;
	v53 =	vld [tilespmem:s0+$0xFFFFFC90]  }
0x4ad: {  	v39 =	vadd.f32 v20, v30;
	v32 =	vadd.f32 v38, v7;
	v38 =	vmul.f32 v46, v52;
	v46 =	vld [tilespmem:s0+$0xFFFFFCC0]  }
0x4ae: {  	p0 =	seq.s32 s1, $0xD0;
	v52 =	vadd.f32 v5, v4;
	v11 =	vadd.f32 v14, v33;
	v33 =	vmul.f32 v42, v1;
	v42 =	vld [tilespmem:s0+$0xFFFFFC60]  }
.Ltmp1:
0x4af: {  	v37 =	vmul.f32 v59, v54;
	v54 =	vadd.f32 v28, v47;
	v28 =	vld [tilespmem:$0x1F5B0];
	v9 =	vadd.f32 v9, v18;
	(pc) =	sbr.rel @!p0 .LBB2_7-.Ltmp1, $4  }
0x4b0: {  	v34 =	vmul.f32 v55, v2;
	(xrf2) =	vadd.scan.msk.f32 $0xffff, v39;
	v39 =	vmul.f32 v62, v25;
	v61 =	vadd.f32 v27, v10;
	v27 =	vld [tilespmem:$0x1F5C0]  }
0x4b1: {  	v47 =	vld [tilespmem:s0+$0xFFFFFCD0];
	v41 =	vmul.f32 v51, v0;
	v59 =	vadd.f32 v9, v54;
	v62 =	vadd.f32 v11, v13;
	v55, _, _ =	vpop (xrf2)  }
0x4b2: {  	v51 =	vld [tilespmem:s0+$0xFFFFFCF0];
	v30 =	vadd.f32 v24, v48;
	v44 =	vmul.f32 v53, v1;
	v53 =	vadd.f32 v58, v57;
	(xrf2) =	vadd.scan.msk.f32 $0xffff, v12;
	v60, _, _ =	vpop (xrf2)  }
0x4b3: {  	s9 =	smov.u32 s1;
	s1 =	sadd.s32 $0x10, s1;
	v48 =	vld [tilespmem:s0+$0xFFFFFCE0];
	v36 =	vmul.f32 v42, v22;
	v42 =	vadd.f32 v26, v45;
	(xrf2) =	vadd.scan.msk.f32 $0xffff, v59;
	v45 =	vadd.f32 v62, v61;
	v26, _, _ =	vpop (xrf2)  }
0x4b4: {  	v6 =	vld [tilespmem:$0x1F9C0]  }
0x4b5: {  	v7 =	vld [tilespmem:s0+$0xFFFFFE50]  }
0x4b6: {  	v24 =	vld [tilespmem:$0x1F9D0]  }
0x4b7: {  	v11 =	vld [tilespmem:s0+$0xFFFFFE60]  }
0x4b8: {  	v23 =	vld [tilespmem:$0x1F9E0]  }
0x4b9: {  	v15 =	vld [tilespmem:s0+$0xFFFFFE70]  }
0x4ba: {  	v22 =	vld [tilespmem:$0x1F9F0]  }
0x4bb: {  	v19 =	vld [tilespmem:s0+$0xFFFFFFD0]  }
0x4bc: {  	v21 =	vld [tilespmem:$0x1FA00]  }
0x4bd: {  	v5 =	vadd.f32 v35, v34;
	v35 =	vld [tilespmem:s0+$0xFFFFFFE0]  }
0x4be: {  	v8 =	vadd.f32 v39, v37;
	v37 =	vld [tilespmem:s0+$0xFFFFFFF0]  }
0x4bf: {  	v39 =	vld [tilespmem:s0+$0x150]  }
0x4c0: {  	v18 =	vadd.f32 v44, v41;
	v41 =	vld [tilespmem:s0+$0x160]  }
0x4c1: {  	v0 =	vld [tilespmem:$0x1F990]  }
0x4c2: {  	v10 =	vadd.f32 v53, v52;
	v52 =	vld [tilespmem:s0+$0x3C0]  }
0x4c3: {  	v54 =	vld [tilespmem:$0x1F960]  }
0x4c4: {  	v56 =	vld [tilespmem:$0x1F970]  }
0x4c5: {  	v4 =	vadd.f32 v33, v31;
	v57 =	vld [tilespmem:s0+$0x3D0]  }
0x4c6: {  	v13 =	vadd.f32 v40, v32;
	v61 =	vld [tilespmem:s0+$0x3E0];
	v14 =	vadd.f32 v49, v42;
	v6 =	vmul.f32 v43, v6  }
0x4c7: {  	v25 =	vld [tilespmem:$0x1F940];
	v16 =	vadd.f32 v38, v36;
	v9 =	vmul.f32 v46, v24;
	v12 =	vmul.f32 v47, v23  }
0x4c8: {  	v31 =	vld [tilespmem:$0x1F950];
	v1 =	vadd.f32 v29, v27;
	v17 =	vmul.f32 v48, v22;
	v20 =	vmul.f32 v51, v21  }
0x4c9: {  	v4 =	vadd.f32 v5, v4;
	v46 =	vld [tilespmem:$0x1F9A0];
	v6 =	vadd.f32 v6, v50  }
0x4ca: {  	(xrf2) =	vadd.scan.msk.f32 $0xffff, v45;
	v45 =	vld [tilespmem:s0+$0x2D0];
	v9 =	vadd.f32 v12, v9;
	v38 =	vadd.f32 v20, v17  }
0x4cb: {  	v49 =	vld [tilespmem:s0+$0x2F0];
	v13 =	vadd.f32 v14, v13;
	v36 =	vadd.f32 v16, v8  }
0x4cc: {  	v7 =	vmul.f32 v7, v23;
	v43 =	vld [tilespmem:s0+$0x170];
	v6 =	vadd.f32 v6, v18;
	v9 =	vadd.f32 v38, v9  }
0x4cd: {  	v11 =	vmul.f32 v11, v22;
	v4 =	vadd.f32 v36, v4;
	v40 =	vmul.f32 v15, v21;
	v50 =	vld [tilespmem:$0x1F9B0]  }
0x4ce: {  	v47 =	vld [tilespmem:s0+$0x2E0];
	v6 =	vadd.f32 v9, v6;
	v9 =	vadd.f32 v46, v0  }
0x4cf: {  	(xrf2) =	vadd.scan.msk.f32 $0xffff, v10;
	v42 =	vmul.f32 v19, v23;
	v19 =	vld [tilespmem:s0+$0x3F0];
	v2 =	vadd.f32 v7, v28;
	v5 =	vadd.f32 v40, v11  }
0x4d0: {  	v44 =	vmul.f32 v35, v22;
	(xrf2) =	vadd.scan.msk.f32 $0xffff, v13;
	v8 =	vmul.f32 v37, v21;
	v58 =	vadd.f32 v9, v63;
	v63 =	vld [tilespmem:$0x1F980]  }
0x4d1: {  	v1 =	vadd.f32 v1, v30;
	v51 =	vmul.f32 v41, v22;
	v35 =	vld [tilespmem:$0x1F8B0];
	(xrf2) =	vadd.scan.msk.f32 $0xffff, v4;
	v2 =	vadd.f32 v5, v2  }
0x4d2: {  	v7 =	vadd.f32 v8, v44;
	v28 =	vld [tilespmem:$0x1F890];
	v53 =	vmul.f32 v43, v21;
	v12 =	vadd.f32 v42, v50;
	(xrf2) =	vadd.scan.msk.f32 $0xffff, v6  }
0x4d3: {  	v48 =	vmul.f32 v39, v23;
	v36 =	vld [tilespmem:$0x1F8D0];
	v1 =	vadd.f32 v2, v1  }
0x4d4: {  	v41 =	vld [tilespmem:$0x1F8F0];
	v59 =	vmul.f32 v45, v23;
	v2 =	vadd.f32 v53, v51;
	v7 =	vadd.f32 v7, v12  }
0x4d5: {  	v62, _, _ =	vpop (xrf2);
	v5 =	vmul.f32 v49, v21;
	v38 =	vld [tilespmem:$0x1F880];
	v6 =	vadd.f32 v56, v54;
	(xrf2) =	vadd.scan.msk.f32 $0xffff, v1;
	v4 =	vadd.f32 v48, v63  }
0x4d6: {  	v20, _, _ =	vpop (xrf2);
	v18 =	vmul.f32 v47, v22;
	v42 =	vld [tilespmem:$0x1F910];
	v0 =	vadd.f32 v7, v58;
	v7 =	vadd.f32 v25, v3  }
0x4d7: {  	v29 =	vmul.f32 v52, v24;
	v27, _, _ =	vpop (xrf2);
	v3 =	vadd.f32 v6, v28;
	v2 =	vadd.f32 v2, v4  }
0x4d8: {  	v32 =	vmul.f32 v57, v23;
	v30, _, _ =	vpop (xrf2);
	v5 =	vadd.f32 v5, v18;
	v9 =	vadd.f32 v59, v31;
	(xrf2) =	vadd.scan.msk.f32 $0xffff, v0  }
0x4d9: {  	v34 =	vmul.f32 v61, v22;
	v10 =	vadd.f32 v36, v35;
	v33, _, _ =	vpop (xrf2);
	v2 =	vadd.f32 v2, v3  }
0x4da: {  	v39 =	vmul.f32 v19, v21;
	v37, _, _ =	vpop (xrf2);
	v5 =	vadd.f32 v5, v9;
	v7 =	vadd.f32 v7, v38  }
0x4db: {  	v40, _, _ =	vpop (xrf2);
	v14 =	vadd.f32 v42, v41;
	v4 =	vadd.f32 v32, v29;
	(xrf2) =	vadd.scan.msk.f32 $0xffff, v2  }
0x4dc: {  	v43 =	vadd.f32 v5, v7;
	v3 =	vadd.f32 v39, v34;
	v44, _, _ =	vpop (xrf2)  }
0x4dd: {  	v45 =	vbroadcast v40, $0xF;
	v5 =	vbroadcast v44, $0xF  }
0x4de: {  	v46 =	vbroadcast v37, $0xF;
	v47 =	vadd.f32 v14, v10;
	v3 =	vadd.f32 v3, v4;
	(xrf2) =	vadd.scan.msk.f32 $0xffff, v43  }
0x4df: {  	v0 =	vbroadcast v33, $0xF;
	v49, _, _ =	vpop (xrf2);
	v48 =	vsel vm0, v45, v5  }
0x4e0: {  	v4 =	vbroadcast v49, $0xF;
	v3 =	vadd.f32 v3, v47;
	v2 =	vsel vm1, v48, v46  }
0x4e1: {  	v50 =	vbroadcast v30, $0xF;
	v0 =	vsel vm2, v2, v0  }
0x4e2: {  	v51 =	vbroadcast v27, $0xF;
	v52, _, _ =	vpop (xrf2);
	(xrf2) =	vadd.scan.msk.f32 $0xffff, v3;
	v0 =	vsel vm3, v0, v4  }
0x4e3: {  	v53 =	vbroadcast v52, $0xF;
	v0 =	vsel vm4, v0, v50  }
0x4e4: {  	v1 =	vbroadcast v20, $0xF;
	v0 =	vsel vm5, v0, v51  }
0x4e5: {  	v54 =	vbroadcast v62, $0xF;
	v0 =	vsel vm6, v0, v53;
	v56, _, _ =	vpop (xrf2)  }
0x4e6: {  	v0 =	vsel vm7, v0, v1;
	v57 =	vbroadcast v56, $0xF  }
0x4e7: {  	v58 =	vbroadcast v26, $0xF;
	v0 =	vsel vm8, v0, v54  }
0x4e8: {  	v59 =	vbroadcast v60, $0xF;
	v60, _, _ =	vpop (xrf2);
	v0 =	vsel vm9, v0, v57  }
0x4e9: {  	v61 =	vbroadcast v60, $0xF;
	v0 =	vsel vm10, v0, v58  }
0x4ea: {  	s31 =	sadd.s32 $0x80, s30;
	v62 =	vbroadcast v55, $0xF;
	v0 =	vsel vm11, v0, v59  }
0x4eb: {  	s0 =	sand.u32 $0x400, s31;
	v0 =	vsel vm12, v0, v61  }
0x4ec: {  	s1 =	sand.u32 $0x70, s9;
	s0 =	sadd.s32 s0, s5;
	v63, _, _ =	vpop (xrf2);
	v0 =	vsel vm13, v0, v62  }
0x4ed: {  	s0 =	sadd.s32 s1, s0;
	v0 =	vsel vm14, v0, v63  }
0x4ee: {  	[tilespmem:s0+$0x0] =	vst v0  }
0x4ef: {  	p0 =	seq.s32 s29, $0x20  }
.Ltmp2:
0x4f0: {  	_ = 	snop;
	(pc) =	sbr.rel @!p0 .LBB2_4-.Ltmp2, $1  }
0x4f1: {  	_ =	sdelay $0x3  }
0x4f2: {  	s25 =	sadd.s32 $0x1, s25  }
0x4f3: {  	p0 =	sne.s32 s25, $0x8  }
.Ltmp3:
0x4f4: {  	s0 =	sadd.s32 s7, s26;
	s1 =	simm.s32 $0x0;
	(pc) =	sbr.rel @p0 .LBB2_2-.Ltmp3, $4  }
0x4f5: {  	[hbm4b:s0+s1] =	stream.linear.scatter [tilespmem:s23], [sflag:$0x4], $0x4000, $0x38;
	[tilespmem:$0x18080] =	vst v63  }
0x4f6: {  	_ =	swait.ge [sflag:s10], $0x4000  }
0x4f7: {  	[sflag:s10] =	ssyncset.done $0x0  }
0x4f8: {  	[sflag:s10] =	ssyncadd.s32 $0xFFFFC000  }
0x4f9: {  	s1 =	rddreg [dreg:$0x6]  }
0x4fa: {  	s0 =	rddreg [dreg:$0x5];
	s1 =	sadd.s32 $0x1, s1  }
0x4fb: {  	p0 =	sne.s32 s1, s0  }
.Ltmp4:
0x4fc: {  	_ = 	snop;
	(pc) =	sbr.rel @p0 .LBB2_1-.Ltmp4, $1  }
0x4fd: {  	_ =	sdelay $0x3  }
0x4fe: {  	_ =	sfence.sel $0x180000  }
0x4ff: {  	[bflag:$0x0] =	sbarrier.arrive $0xFFFF  }
0x500: {  	_ =	strace $0x90000047  }
0x501: {  	s0 =	stileid.u32;
	[bflag:$0x2] =	sbarrier.arrive $0xFFFF  }
0x502: {  	p0 =	sne.s32 s0, $0x0;
	s0 =	rddreg [dreg:$0x4]  }
0x503: {  	s0 =	sadd.s32 @!p0 $0x100000, s0  }
0x504: {  	[sflag:s0] =	ssyncadd.tile.s32 @!p0 $0x1;
	_ =	shalt  }
.Lfunc_end2:
_tile_overlayer_lowered:
.L_overlay_start_2:
0x505: {  	(tag) =	ssettag $0x2  }
0x506: {  	s0 =	rddreg [dreg:$0x0];
	s2 =	stileid.u32  }
0x507: {  	s1 =	rddreg [dreg:$0x1];
	p0 =	sne.s32 s2, $0x0  }
0x508: {  	s3 =	rddreg [dreg:$0x2];
	[bflag:$0x3] =	sbarrier.arrive $0xFFFF;
	s2 =	simm.s32 @!p0 $0x1C04  }
0x509: {  	[timem:s3], [sflag:s2] =	dma.local @!p0 [hbm:s0], s1  }
0x50a: {  	s0 =	simm.s32 @!p0 $0x4  }
0x50b: {  	_ =	swait.ge @!p0 [sflag:s0], s1  }
0x50c: {  	s1 =	ssub.s32 @!p0 $0x0, s1;
	[sflag:s0] =	ssyncset.done @!p0 $0x0  }
0x50d: {  	[sflag:s0] =	ssyncadd.s32 @!p0 s1  }
0x50e: {  	[bflag:$0x3] =	sbarrier.arrive $0xFFFF  }
0x50f: {  	_ =	shalt  }

</sc_bundles>
